<compile_context>
chip_gen: v7x
topology: tpu7x:2x2x1
jax: 0.10.2.dev20260603
libtpu: 0.0.44.dev20260713+nightly
codegen_flags: <defaults>
</compile_context>

<pallas_src>
import functools

import jax
import jax.numpy as jnp
from jax import lax
from jax.experimental import pallas as pl
from jax.experimental.pallas import tpu as pltpu
from jax.experimental.pallas import tpu_sc as plsc

N = 10000
E = 320000
D_IN = 128
HID = 128
LAT = 64
OUT = 32

NC = 2
NS = 16
NW = NC * NS
CHUNK = 128
NCHUNKS = E // CHUNK
CPT = NCHUNKS // NW
REM = NCHUNKS - CPT * NW
NPAD = 10112
RPT = NPAD // NS

_mesh = plsc.VectorSubcoreMesh(
    core_axis_name="c", subcore_axis_name="s", num_cores=NC, num_subcores=NS)


def _fill(buf, rows, width, value):
    def row(r, _):
        for k in range(width // 16):
            buf[r, pl.ds(k * 16, 16)] = jnp.full((16,), value, jnp.float32)
        return 0
    lax.fori_loop(0, rows, row, 0, unroll=False)


def _zero_acc_slice(zbuf, acc, s):
    for t in range(4):
        pltpu.sync_copy(zbuf, acc.at[pl.ds(s * RPT + t * 128, 128)])
    pltpu.sync_copy(zbuf.at[pl.ds(0, RPT - 512)],
                    acc.at[pl.ds(s * RPT + 512, RPT - 512)])


TROWS = N // NS


@functools.partial(
    pl.kernel,
    mesh=_mesh,
    compiler_params=pltpu.CompilerParams(use_tc_tiling_on_sc=False),
    out_type=jax.ShapeDtypeStruct((NC, NPAD, LAT), jnp.float32),
    scratch_types=[
        pltpu.VMEM((CPT + 1, CHUNK), jnp.int32),
        pltpu.VMEM((CPT + 1, CHUNK), jnp.int32),
        pltpu.VMEM((CHUNK, LAT), jnp.float32),
        pltpu.VMEM((CHUNK, LAT), jnp.float32),
        pltpu.VMEM_SHARED((N, LAT), jnp.float32),
        pltpu.VMEM_SHARED((NPAD, LAT), jnp.float32),
        pltpu.SemaphoreType.DMA,
        pltpu.SemaphoreType.DMA,
    ],
)
def _prop(ei_hbm, u_hbm, out_hbm, sidx, didx, rows_a, rows_b,
          table, acc, sem_a, sem_b):
    c = lax.axis_index("c")
    s = lax.axis_index("s")
    wid = s * NC + c
    base = wid * CPT + jnp.minimum(wid, REM)
    has_extra = wid < REM

    _fill(rows_a, CHUNK, LAT, 0.0)
    _zero_acc_slice(rows_a, acc, s)
    pltpu.sync_copy(u_hbm.at[pl.ds(s * TROWS, TROWS)],
                    table.at[pl.ds(s * TROWS, TROWS)])
    pltpu.sync_copy(ei_hbm.at[0, pl.ds(base, CPT)], sidx.at[pl.ds(0, CPT)])
    pltpu.sync_copy(ei_hbm.at[1, pl.ds(base, CPT)], didx.at[pl.ds(0, CPT)])

    @pl.when(has_extra)
    def _():
        pltpu.sync_copy(ei_hbm.at[0, pl.ds(base + CPT, 1)],
                        sidx.at[pl.ds(CPT, 1)])
        pltpu.sync_copy(ei_hbm.at[1, pl.ds(base + CPT, 1)],
                        didx.at[pl.ds(CPT, 1)])

    plsc.subcore_barrier()

    pltpu.async_copy(table.at[sidx.at[0]], rows_a, sem_a)

    def body(i, _):
        j0 = 2 * i
        pltpu.async_copy(table.at[sidx.at[j0 + 1]], rows_b, sem_b)
        pltpu.make_async_copy(table.at[sidx.at[j0]], rows_a, sem_a).wait()
        pltpu.sync_copy(rows_a, acc.at[didx.at[j0]], add=True)

        @pl.when(i < CPT // 2 - 1)
        def _():
            pltpu.async_copy(table.at[sidx.at[j0 + 2]], rows_a, sem_a)

        pltpu.make_async_copy(table.at[sidx.at[j0 + 1]], rows_b, sem_b).wait()
        pltpu.sync_copy(rows_b, acc.at[didx.at[j0 + 1]], add=True)
        return 0

    lax.fori_loop(0, CPT // 2, body, 0, unroll=False)

    @pl.when(has_extra)
    def _():
        pltpu.async_copy(table.at[sidx.at[CPT]], rows_a, sem_a)
        pltpu.make_async_copy(table.at[sidx.at[CPT]], rows_a, sem_a).wait()
        pltpu.sync_copy(rows_a, acc.at[didx.at[CPT]], add=True)

    plsc.subcore_barrier()

    pltpu.sync_copy(acc.at[pl.ds(s * RPT, RPT)],
                    out_hbm.at[c, pl.ds(s * RPT, RPT)])


DEG_W = 16


@functools.partial(
    pl.kernel,
    mesh=_mesh,
    compiler_params=pltpu.CompilerParams(use_tc_tiling_on_sc=False),
    out_type=jax.ShapeDtypeStruct((NC, NPAD, DEG_W), jnp.float32),
    scratch_types=[
        pltpu.VMEM((CPT + 1, CHUNK), jnp.int32),
        pltpu.VMEM((CHUNK, DEG_W), jnp.float32),
        pltpu.VMEM_SHARED((NPAD, DEG_W), jnp.float32),
        pltpu.SemaphoreType.DMA,
    ],
)
def _deg_kernel(ei_hbm, out_hbm, didx, ones_v, acc, sem):
    c = lax.axis_index("c")
    s = lax.axis_index("s")
    wid = s * NC + c
    base = wid * CPT + jnp.minimum(wid, REM)
    cnt = CPT + jnp.where(wid < REM, 1, 0)

    _fill(ones_v, CHUNK, DEG_W, 0.0)
    _zero_acc_slice(ones_v, acc, s)
    _fill(ones_v, CHUNK, DEG_W, 1.0)
    pltpu.sync_copy(ei_hbm.at[1, pl.ds(base, CPT)], didx.at[pl.ds(0, CPT)])

    @pl.when(wid < REM)
    def _():
        pltpu.sync_copy(ei_hbm.at[1, pl.ds(base + CPT, 1)],
                        didx.at[pl.ds(CPT, 1)])

    plsc.subcore_barrier()

    W8 = 8
    for j in range(W8):
        pltpu.async_copy(ones_v, acc.at[didx.at[j]], sem, add=True)

    def body(j, _):
        pltpu.make_async_copy(ones_v, acc.at[didx.at[0]], sem).wait()

        @pl.when(j + W8 < cnt)
        def _():
            pltpu.async_copy(ones_v, acc.at[didx.at[j + W8]], sem, add=True)
        return 0

    lax.fori_loop(0, cnt, body, 0, unroll=False)
    plsc.subcore_barrier()

    pltpu.sync_copy(acc.at[pl.ds(s * RPT, RPT)],
                    out_hbm.at[c, pl.ds(s * RPT, RPT)])


BR = 2000



def _dis_block(dp0, dp1):
    deg = dp0[0, :, 0:1] + dp1[0, :, 0:1] + 1.0
    return lax.rsqrt(deg)


def _p3_spec(w, part):
    return pl.BlockSpec((1, BR, w), lambda i, p=part: (p, i, 0))


def _tc1_body(x_ref, d0_ref, d1_ref, w1_ref, u1a_ref, u1b_ref):
    dis = _dis_block(d0_ref, d1_ref)
    u1 = dis * jnp.dot(x_ref[...], w1_ref[...],
                       preferred_element_type=jnp.float32)
    u1a_ref[...] = u1[:, :LAT]
    u1b_ref[...] = u1[:, LAT:]


def _tc2_body(aa0_ref, aa1_ref, ab0_ref, ab1_ref, u1a_ref, u1b_ref,
              d0_ref, d1_ref, b1_ref, w2_ref, u2_ref):
    dis = _dis_block(d0_ref, d1_ref)
    pa = dis * (aa0_ref[0] + aa1_ref[0] + u1a_ref[...])
    pb = dis * (ab0_ref[0] + ab1_ref[0] + u1b_ref[...])
    h1 = jnp.maximum(jnp.concatenate([pa, pb], axis=1) + b1_ref[...], 0.0)
    u2_ref[...] = dis * jnp.dot(h1, w2_ref[...],
                                preferred_element_type=jnp.float32)


def _tc3_body(a0_ref, a1_ref, u2_ref, d0_ref, d1_ref, b2_ref, u3_ref):
    dis = _dis_block(d0_ref, d1_ref)
    h2 = dis * (a0_ref[0] + a1_ref[0] + u2_ref[...]) + b2_ref[...]
    u3_ref[...] = dis * h2


def _tc4_body(a0_ref, a1_ref, u3_ref, d0_ref, d1_ref, wmu_ref, bmu_ref,
              wls_ref, bls_ref, eps_ref, z_ref, mu_ref, ls_ref):
    dis = _dis_block(d0_ref, d1_ref)
    q = dis * (a0_ref[0] + a1_ref[0] + u3_ref[...])
    mu = jnp.dot(q, wmu_ref[...], preferred_element_type=jnp.float32) + bmu_ref[...]
    ls = jnp.dot(q, wls_ref[...], preferred_element_type=jnp.float32) + bls_ref[...]
    mu_ref[...] = mu
    ls_ref[...] = ls
    z_ref[...] = mu + jnp.exp(ls) * eps_ref[...]


def _row_spec(w):
    return pl.BlockSpec((BR, w), lambda i: (i, 0))


def _full_spec(shape):
    return pl.BlockSpec(shape, lambda i: tuple(0 for _ in shape))


def kernel(x, edge_index, W1, b1, W2, b2, Wmu, bmu, Wls, bls):
    ei = edge_index.astype(jnp.int32).reshape(2, NCHUNKS, CHUNK)

    degp = _deg_kernel(ei)

    b1r = b1.reshape(1, HID)
    b2r = b2.reshape(1, LAT)
    bmur = bmu.reshape(1, OUT)
    blsr = bls.reshape(1, OUT)

    grid = (N // BR,)
    dspec0 = _p3_spec(DEG_W, 0)
    dspec1 = _p3_spec(DEG_W, 1)

    u1a, u1b = pl.pallas_call(
        _tc1_body,
        grid=grid,
        in_specs=[_row_spec(D_IN), dspec0, dspec1,
                  _full_spec((D_IN, HID))],
        out_specs=[_row_spec(LAT), _row_spec(LAT)],
        out_shape=[jax.ShapeDtypeStruct((N, LAT), jnp.float32)] * 2,
    )(x, degp, degp, W1)

    u1a, eps_key = lax.optimization_barrier(
        (u1a, jax.random.key_data(jax.random.key(42))))
    eps = jax.random.normal(jax.random.wrap_key_data(eps_key), (N, OUT),
                            dtype=jnp.float32)

    a1ap = _prop(ei, u1a)
    a1bp = _prop(ei, u1b)

    u2 = pl.pallas_call(
        _tc2_body,
        grid=grid,
        in_specs=[_p3_spec(LAT, 0), _p3_spec(LAT, 1),
                  _p3_spec(LAT, 0), _p3_spec(LAT, 1),
                  _row_spec(LAT), _row_spec(LAT),
                  dspec0, dspec1,
                  _full_spec((1, HID)), _full_spec((HID, LAT))],
        out_specs=_row_spec(LAT),
        out_shape=jax.ShapeDtypeStruct((N, LAT), jnp.float32),
    )(a1ap, a1ap, a1bp, a1bp, u1a, u1b, degp, degp, b1r, W2)

    a2p = _prop(ei, u2)

    u3 = pl.pallas_call(
        _tc3_body,
        grid=grid,
        in_specs=[_p3_spec(LAT, 0), _p3_spec(LAT, 1), _row_spec(LAT),
                  dspec0, dspec1, _full_spec((1, LAT))],
        out_specs=_row_spec(LAT),
        out_shape=jax.ShapeDtypeStruct((N, LAT), jnp.float32),
    )(a2p, a2p, u2, degp, degp, b2r)

    a3p = _prop(ei, u3)

    z, mu, log_std = pl.pallas_call(
        _tc4_body,
        grid=grid,
        in_specs=[_p3_spec(LAT, 0), _p3_spec(LAT, 1), _row_spec(LAT),
                  dspec0, dspec1,
                  _full_spec((LAT, OUT)), _full_spec((1, OUT)),
                  _full_spec((LAT, OUT)), _full_spec((1, OUT)),
                  _row_spec(OUT)],
        out_specs=[_row_spec(OUT), _row_spec(OUT), _row_spec(OUT)],
        out_shape=[jax.ShapeDtypeStruct((N, OUT), jnp.float32)] * 3,
    )(a3p, a3p, u3, degp, degp, Wmu, bmur, Wls, blsr, eps)

    return (z, mu, log_std)

# --- scband reference (transcript-rebuilt; emitter-appended) ---
"""Pipeline reference for scband-gvae-77807627535080 (READ-ONLY COPY).

The authoritative reference and input builder live on the scoring server;
editing this copy changes nothing except your own understanding.
"""

import jax, jax.numpy as jnp
import numpy as np

N = 10000
E = 320000
D_IN = 128
HID = 128
LAT = 64
OUT = 32


def setup_inputs(seed: int = 0) -> dict:
    key = jax.random.key(seed)
    ks = jax.random.split(key, 12)
    x = jax.random.normal(ks[0], (N, D_IN), dtype=jnp.float32)
    edge_index = jax.random.randint(ks[1], (2, E), 0, N)
    W1 = jax.random.normal(ks[2], (D_IN, HID), dtype=jnp.float32) * (1.0 / np.sqrt(D_IN))
    b1 = jnp.zeros((HID,), dtype=jnp.float32)
    W2 = jax.random.normal(ks[3], (HID, LAT), dtype=jnp.float32) * (1.0 / np.sqrt(HID))
    b2 = jnp.zeros((LAT,), dtype=jnp.float32)
    Wmu = jax.random.normal(ks[4], (LAT, OUT), dtype=jnp.float32) * (1.0 / np.sqrt(LAT))
    bmu = jnp.zeros((OUT,), dtype=jnp.float32)
    Wls = jax.random.normal(ks[5], (LAT, OUT), dtype=jnp.float32) * (1.0 / np.sqrt(LAT))
    bls = jnp.zeros((OUT,), dtype=jnp.float32)
    return {"x": x, "edge_index": edge_index, "W1": W1, "b1": b1, "W2": W2, "b2": b2,
            "Wmu": Wmu, "bmu": bmu, "Wls": Wls, "bls": bls}


def _gcn_conv(x, src, dst, norm, W, b, n):
    h = x @ W
    msg = h[src] * norm[:, None]
    out = jax.ops.segment_sum(msg, dst, num_segments=n)
    return out + b


def reference(x, edge_index, W1, b1, W2, b2, Wmu, bmu, Wls, bls):
    n = x.shape[0]
    loops = jnp.arange(n, dtype=edge_index.dtype)
    src = jnp.concatenate([edge_index[0], loops])
    dst = jnp.concatenate([edge_index[1], loops])
    deg = jax.ops.segment_sum(jnp.ones_like(dst, dtype=jnp.float32), dst, num_segments=n)
    deg_inv_sqrt = jnp.where(deg > 0, 1.0 / jnp.sqrt(deg), 0.0)
    norm = deg_inv_sqrt[src] * deg_inv_sqrt[dst]
    h = jax.nn.relu(_gcn_conv(x, src, dst, norm, W1, b1, n))
    h = _gcn_conv(h, src, dst, norm, W2, b2, n)
    mu = _gcn_conv(h, src, dst, norm, Wmu, bmu, n)
    log_std = _gcn_conv(h, src, dst, norm, Wls, bls, n)
    std = jnp.exp(log_std)
    eps = jax.random.normal(jax.random.key(42), std.shape, dtype=std.dtype)
    z = mu + eps * std
    return (z, mu, log_std)

if __name__ == "__main__":
    import jax
    _d = setup_inputs()
    print(jax.jit(kernel)(*tuple(_d.values())))

</pallas_src>

<mosaic_0001>
#map = affine_map<(d0, d1) -> (0, 0, 0)>
module attributes {stable_mosaic.version = 14 : i64} {
  func.func @_deg_kernel(%arg0: i32, %arg1: i32, %arg2: memref<2x2500x128xi32, #tpu.memory_space<hbm>>, %arg3: memref<2x10112x16xf32, #tpu.memory_space<hbm>>, %arg4: memref<79x128xi32, #tpu.memory_space<vmem>>, %arg5: memref<128x16xf32, #tpu.memory_space<vmem>>, %arg6: memref<10112x16xf32, #tpu.memory_space<vmem_shared>>, %arg7: memref<!tpu.dma_semaphore, #tpu.memory_space<semaphore_mem>>) attributes {dimension_semantics = [#tpu.dimension_semantics<core_parallel>, #tpu.dimension_semantics<subcore_parallel>], iteration_bounds = array<i64: 2, 16>, scalar_prefetch = 0 : i64, scratch_operands = 4 : i64, tpu.core_type = #tpu.core_type<sc_vector_subcore>, window_params = [{transform_indices = #map}, {transform_indices = #map}]} {
    %mul3A = arith.constant 2 : i32
    %mul3A_0 = arith.muli %arg1, %mul3A : i32
    %add3A = arith.addi %mul3A_0, %arg0 : i32
    %mul3A_1 = arith.constant 78 : i32
    %mul3A_2 = arith.muli %add3A, %mul3A_1 : i32
    %min3A = arith.constant 4 : i32
    %min3A_3 = arith.minsi %add3A, %min3A : i32
    %add3A_4 = arith.addi %mul3A_2, %min3A_3 : i32
    %lt3A = arith.constant 4 : i32
    %lt3A_5 = arith.cmpi slt, %add3A, %lt3A : i32
    %jit3A = arith.constant 1 : i32
    %jit3A_6 = arith.constant 0 : i32
    %select_n3A = arith.select %lt3A_5, %jit3A, %jit3A_6 : i32
    %add3A_7 = arith.constant 78 : i32
    %add3A_8 = arith.addi %add3A_7, %select_n3A : i32
    %scan3A = arith.constant 0 : i32
    %scan3A_9 = arith.constant 0 : i32
    %scan3A_10 = arith.constant 128 : i32
    %scan3A_11 = arith.addi %scan3A_9, %scan3A_10 : i32
    %scan3A_12 = arith.constant 1 : i32
    %scan3A_13 = scf.for %scan3A_116 = %scan3A_9 to %scan3A_11 step %scan3A_12 iter_args(%scan3A_117 = %scan3A) -> (i32)  : i32 {
      %broadcast_in_dim3A = arith.constant 0.000000e+00 : f32
      %broadcast_in_dim3A_118 = vector.broadcast %broadcast_in_dim3A : f32 to vector<16xf32>
      %swap3A = arith.index_cast %scan3A_116 : i32 to index
      %swap3A_119 = arith.constant 0 : index
      %swap3A_120 = tpu.vector_load %arg5[%swap3A, %swap3A_119] {strides = array<i32>} : memref<128x16xf32, #tpu.memory_space<vmem>>, vector<1x16xf32>,
      %swap3A_121 = vector.shape_cast %swap3A_120 : vector<1x16xf32> to vector<16xf32>
      %swap3A_122 = vector.shape_cast %broadcast_in_dim3A_118 : vector<16xf32> to vector<1x16xf32>
      tpu.vector_store %arg5[%swap3A, %swap3A_119], %swap3A_122 {strides = array<i32>} : memref<128x16xf32, #tpu.memory_space<vmem>>, vector<1x16xf32>,
      %scan3A_123 = arith.constant 0 : i32
      scf.yield %scan3A_123 : i32
    }
    %scan3A_14 = arith.constant 128 : i32
    %mul3A_15 = arith.constant 632 : i32
    %mul3A_16 = arith.muli %arg1, %mul3A_15 : i32
    %add3A_17 = arith.constant 0 : i32
    %add3A_18 = arith.addi %mul3A_16, %add3A_17 : i32
    "tpu.region"() ({
      %run_scoped3A_116 = tpu.sem_alloc : memref<!tpu.dma_semaphore, #tpu.memory_space<semaphore_mem>>
      %dma_start3A_117 = arith.constant 0 : i32
      %dma_start3A_118 = tpu.memref_slice %arg6[%add3A_18, %dma_start3A_117] : memref<10112x16xf32, #tpu.memory_space<vmem_shared>> -> memref<128x16xf32, #tpu.memory_space<vmem_shared>>
      %dma_start3A_119 = arith.constant 0 : i32
      %dma_start3A_120 = tpu.memref_slice %arg6[%add3A_18, %dma_start3A_119] : memref<10112x16xf32, #tpu.memory_space<vmem_shared>> -> memref<128x16xf32, #tpu.memory_space<vmem_shared>>
      tpu.enqueue_dma source(%arg5 : memref<128x16xf32, #tpu.memory_space<vmem>>) target(%dma_start3A_120 : memref<128x16xf32, #tpu.memory_space<vmem_shared>>) target_semaphore(%run_scoped3A_116 : memref<!tpu.dma_semaphore, #tpu.memory_space<semaphore_mem>>)
      %dma_wait3A = arith.constant 0 : i32
      %dma_wait3A_121 = tpu.memref_slice %arg6[%add3A_18, %dma_wait3A] : memref<10112x16xf32, #tpu.memory_space<vmem_shared>> -> memref<128x16xf32, #tpu.memory_space<vmem_shared>>
      %dma_wait3A_122 = arith.constant 0 : i32
      %dma_wait3A_123 = tpu.memref_slice %arg6[%add3A_18, %dma_wait3A_122] : memref<10112x16xf32, #tpu.memory_space<vmem_shared>> -> memref<128x16xf32, #tpu.memory_space<vmem_shared>>
      tpu.wait_dma2 semaphore(%run_scoped3A_116 : memref<!tpu.dma_semaphore, #tpu.memory_space<semaphore_mem>>) src(%arg5 : memref<128x16xf32, #tpu.memory_space<vmem>>) dst(%dma_wait3A_123 : memref<128x16xf32, #tpu.memory_space<vmem_shared>>)
      tpu.yield
    }) : () -> ()
    %mul3A_19 = arith.constant 632 : i32
    %mul3A_20 = arith.muli %arg1, %mul3A_19 : i32
    %add3A_21 = arith.constant 128 : i32
    %add3A_22 = arith.addi %mul3A_20, %add3A_21 : i32
    "tpu.region"() ({
      %run_scoped3A_116 = tpu.sem_alloc : memref<!tpu.dma_semaphore, #tpu.memory_space<semaphore_mem>>
      %dma_start3A_117 = arith.constant 0 : i32
      %dma_start3A_118 = tpu.memref_slice %arg6[%add3A_22, %dma_start3A_117] : memref<10112x16xf32, #tpu.memory_space<vmem_shared>> -> memref<128x16xf32, #tpu.memory_space<vmem_shared>>
      %dma_start3A_119 = arith.constant 0 : i32
      %dma_start3A_120 = tpu.memref_slice %arg6[%add3A_22, %dma_start3A_119] : memref<10112x16xf32, #tpu.memory_space<vmem_shared>> -> memref<128x16xf32, #tpu.memory_space<vmem_shared>>
      tpu.enqueue_dma source(%arg5 : memref<128x16xf32, #tpu.memory_space<vmem>>) target(%dma_start3A_120 : memref<128x16xf32, #tpu.memory_space<vmem_shared>>) target_semaphore(%run_scoped3A_116 : memref<!tpu.dma_semaphore, #tpu.memory_space<semaphore_mem>>)
      %dma_wait3A = arith.constant 0 : i32
      %dma_wait3A_121 = tpu.memref_slice %arg6[%add3A_22, %dma_wait3A] : memref<10112x16xf32, #tpu.memory_space<vmem_shared>> -> memref<128x16xf32, #tpu.memory_space<vmem_shared>>
      %dma_wait3A_122 = arith.constant 0 : i32
      %dma_wait3A_123 = tpu.memref_slice %arg6[%add3A_22, %dma_wait3A_122] : memref<10112x16xf32, #tpu.memory_space<vmem_shared>> -> memref<128x16xf32, #tpu.memory_space<vmem_shared>>
      tpu.wait_dma2 semaphore(%run_scoped3A_116 : memref<!tpu.dma_semaphore, #tpu.memory_space<semaphore_mem>>) src(%arg5 : memref<128x16xf32, #tpu.memory_space<vmem>>) dst(%dma_wait3A_123 : memref<128x16xf32, #tpu.memory_space<vmem_shared>>)
      tpu.yield
    }) : () -> ()
    %mul3A_23 = arith.constant 632 : i32
    %mul3A_24 = arith.muli %arg1, %mul3A_23 : i32
    %add3A_25 = arith.constant 256 : i32
    %add3A_26 = arith.addi %mul3A_24, %add3A_25 : i32
    "tpu.region"() ({
      %run_scoped3A_116 = tpu.sem_alloc : memref<!tpu.dma_semaphore, #tpu.memory_space<semaphore_mem>>
      %dma_start3A_117 = arith.constant 0 : i32
      %dma_start3A_118 = tpu.memref_slice %arg6[%add3A_26, %dma_start3A_117] : memref<10112x16xf32, #tpu.memory_space<vmem_shared>> -> memref<128x16xf32, #tpu.memory_space<vmem_shared>>
      %dma_start3A_119 = arith.constant 0 : i32
      %dma_start3A_120 = tpu.memref_slice %arg6[%add3A_26, %dma_start3A_119] : memref<10112x16xf32, #tpu.memory_space<vmem_shared>> -> memref<128x16xf32, #tpu.memory_space<vmem_shared>>
      tpu.enqueue_dma source(%arg5 : memref<128x16xf32, #tpu.memory_space<vmem>>) target(%dma_start3A_120 : memref<128x16xf32, #tpu.memory_space<vmem_shared>>) target_semaphore(%run_scoped3A_116 : memref<!tpu.dma_semaphore, #tpu.memory_space<semaphore_mem>>)
      %dma_wait3A = arith.constant 0 : i32
      %dma_wait3A_121 = tpu.memref_slice %arg6[%add3A_26, %dma_wait3A] : memref<10112x16xf32, #tpu.memory_space<vmem_shared>> -> memref<128x16xf32, #tpu.memory_space<vmem_shared>>
      %dma_wait3A_122 = arith.constant 0 : i32
      %dma_wait3A_123 = tpu.memref_slice %arg6[%add3A_26, %dma_wait3A_122] : memref<10112x16xf32, #tpu.memory_space<vmem_shared>> -> memref<128x16xf32, #tpu.memory_space<vmem_shared>>
      tpu.wait_dma2 semaphore(%run_scoped3A_116 : memref<!tpu.dma_semaphore, #tpu.memory_space<semaphore_mem>>) src(%arg5 : memref<128x16xf32, #tpu.memory_space<vmem>>) dst(%dma_wait3A_123 : memref<128x16xf32, #tpu.memory_space<vmem_shared>>)
      tpu.yield
    }) : () -> ()
    %mul3A_27 = arith.constant 632 : i32
    %mul3A_28 = arith.muli %arg1, %mul3A_27 : i32
    %add3A_29 = arith.constant 384 : i32
    %add3A_30 = arith.addi %mul3A_28, %add3A_29 : i32
    "tpu.region"() ({
      %run_scoped3A_116 = tpu.sem_alloc : memref<!tpu.dma_semaphore, #tpu.memory_space<semaphore_mem>>
      %dma_start3A_117 = arith.constant 0 : i32
      %dma_start3A_118 = tpu.memref_slice %arg6[%add3A_30, %dma_start3A_117] : memref<10112x16xf32, #tpu.memory_space<vmem_shared>> -> memref<128x16xf32, #tpu.memory_space<vmem_shared>>
      %dma_start3A_119 = arith.constant 0 : i32
      %dma_start3A_120 = tpu.memref_slice %arg6[%add3A_30, %dma_start3A_119] : memref<10112x16xf32, #tpu.memory_space<vmem_shared>> -> memref<128x16xf32, #tpu.memory_space<vmem_shared>>
      tpu.enqueue_dma source(%arg5 : memref<128x16xf32, #tpu.memory_space<vmem>>) target(%dma_start3A_120 : memref<128x16xf32, #tpu.memory_space<vmem_shared>>) target_semaphore(%run_scoped3A_116 : memref<!tpu.dma_semaphore, #tpu.memory_space<semaphore_mem>>)
      %dma_wait3A = arith.constant 0 : i32
      %dma_wait3A_121 = tpu.memref_slice %arg6[%add3A_30, %dma_wait3A] : memref<10112x16xf32, #tpu.memory_space<vmem_shared>> -> memref<128x16xf32, #tpu.memory_space<vmem_shared>>
      %dma_wait3A_122 = arith.constant 0 : i32
      %dma_wait3A_123 = tpu.memref_slice %arg6[%add3A_30, %dma_wait3A_122] : memref<10112x16xf32, #tpu.memory_space<vmem_shared>> -> memref<128x16xf32, #tpu.memory_space<vmem_shared>>
      tpu.wait_dma2 semaphore(%run_scoped3A_116 : memref<!tpu.dma_semaphore, #tpu.memory_space<semaphore_mem>>) src(%arg5 : memref<128x16xf32, #tpu.memory_space<vmem>>) dst(%dma_wait3A_123 : memref<128x16xf32, #tpu.memory_space<vmem_shared>>)
      tpu.yield
    }) : () -> ()
    %mul3A_31 = arith.constant 632 : i32
    %mul3A_32 = arith.muli %arg1, %mul3A_31 : i32
    %add3A_33 = arith.constant 512 : i32
    %add3A_34 = arith.addi %mul3A_32, %add3A_33 : i32
    "tpu.region"() ({
      %run_scoped3A_116 = tpu.sem_alloc : memref<!tpu.dma_semaphore, #tpu.memory_space<semaphore_mem>>
      %dma_start3A_117 = arith.constant 0 : i32
      %dma_start3A_118 = arith.constant 0 : i32
      %dma_start3A_119 = tpu.memref_slice %arg5[%dma_start3A_117, %dma_start3A_118] : memref<128x16xf32, #tpu.memory_space<vmem>> -> memref<120x16xf32, #tpu.memory_space<vmem>>
      %dma_start3A_120 = arith.constant 0 : i32
      %dma_start3A_121 = tpu.memref_slice %arg6[%add3A_34, %dma_start3A_120] : memref<10112x16xf32, #tpu.memory_space<vmem_shared>> -> memref<120x16xf32, #tpu.memory_space<vmem_shared>>
      %dma_start3A_122 = arith.constant 0 : i32
      %dma_start3A_123 = tpu.memref_slice %arg6[%add3A_34, %dma_start3A_122] : memref<10112x16xf32, #tpu.memory_space<vmem_shared>> -> memref<120x16xf32, #tpu.memory_space<vmem_shared>>
      %dma_start3A_124 = arith.constant 0 : i32
      %dma_start3A_125 = arith.constant 0 : i32
      %dma_start3A_126 = tpu.memref_slice %arg5[%dma_start3A_124, %dma_start3A_125] : memref<128x16xf32, #tpu.memory_space<vmem>> -> memref<120x16xf32, #tpu.memory_space<vmem>>
      tpu.enqueue_dma source(%dma_start3A_126 : memref<120x16xf32, #tpu.memory_space<vmem>>) target(%dma_start3A_123 : memref<120x16xf32, #tpu.memory_space<vmem_shared>>) target_semaphore(%run_scoped3A_116 : memref<!tpu.dma_semaphore, #tpu.memory_space<semaphore_mem>>)
      %dma_wait3A = arith.constant 0 : i32
      %dma_wait3A_127 = arith.constant 0 : i32
      %dma_wait3A_128 = tpu.memref_slice %arg5[%dma_wait3A, %dma_wait3A_127] : memref<128x16xf32, #tpu.memory_space<vmem>> -> memref<120x16xf32, #tpu.memory_space<vmem>>
      %dma_wait3A_129 = arith.constant 0 : i32
      %dma_wait3A_130 = tpu.memref_slice %arg6[%add3A_34, %dma_wait3A_129] : memref<10112x16xf32, #tpu.memory_space<vmem_shared>> -> memref<120x16xf32, #tpu.memory_space<vmem_shared>>
      %dma_wait3A_131 = arith.constant 0 : i32
      %dma_wait3A_132 = tpu.memref_slice %arg6[%add3A_34, %dma_wait3A_131] : memref<10112x16xf32, #tpu.memory_space<vmem_shared>> -> memref<120x16xf32, #tpu.memory_space<vmem_shared>>
      %dma_wait3A_133 = arith.constant 0 : i32
      %dma_wait3A_134 = arith.constant 0 : i32
      %dma_wait3A_135 = tpu.memref_slice %arg5[%dma_wait3A_133, %dma_wait3A_134] : memref<128x16xf32, #tpu.memory_space<vmem>> -> memref<120x16xf32, #tpu.memory_space<vmem>>
      tpu.wait_dma2 semaphore(%run_scoped3A_116 : memref<!tpu.dma_semaphore, #tpu.memory_space<semaphore_mem>>) src(%dma_wait3A_135 : memref<120x16xf32, #tpu.memory_space<vmem>>) dst(%dma_wait3A_132 : memref<120x16xf32, #tpu.memory_space<vmem_shared>>)
      tpu.yield
    }) : () -> ()
    %scan3A_35 = arith.constant 0 : i32
    %scan3A_36 = arith.constant 0 : i32
    %scan3A_37 = arith.constant 128 : i32
    %scan3A_38 = arith.addi %scan3A_36, %scan3A_37 : i32
    %scan3A_39 = arith.constant 1 : i32
    %scan3A_40 = scf.for %scan3A_116 = %scan3A_36 to %scan3A_38 step %scan3A_39 iter_args(%scan3A_117 = %scan3A_35) -> (i32)  : i32 {
      %broadcast_in_dim3A = arith.constant 1.000000e+00 : f32
      %broadcast_in_dim3A_118 = vector.broadcast %broadcast_in_dim3A : f32 to vector<16xf32>
      %swap3A = arith.index_cast %scan3A_116 : i32 to index
      %swap3A_119 = arith.constant 0 : index
      %swap3A_120 = tpu.vector_load %arg5[%swap3A, %swap3A_119] {strides = array<i32>} : memref<128x16xf32, #tpu.memory_space<vmem>>, vector<1x16xf32>,
      %swap3A_121 = vector.shape_cast %swap3A_120 : vector<1x16xf32> to vector<16xf32>
      %swap3A_122 = vector.shape_cast %broadcast_in_dim3A_118 : vector<16xf32> to vector<1x16xf32>
      tpu.vector_store %arg5[%swap3A, %swap3A_119], %swap3A_122 {strides = array<i32>} : memref<128x16xf32, #tpu.memory_space<vmem>>, vector<1x16xf32>,
      %scan3A_123 = arith.constant 0 : i32
      scf.yield %scan3A_123 : i32
    }
    %scan3A_41 = arith.constant 128 : i32
    %run_scoped3A = arith.constant 1 : i32
    "tpu.region"() ({
      %run_scoped3A_116 = tpu.sem_alloc : memref<!tpu.dma_semaphore, #tpu.memory_space<semaphore_mem>>
      %dma_start3A_117 = arith.constant 0 : i32
      %dma_start3A_118 = arith.constant 0 : i32
      %dma_start3A_119 = tpu.memref_slice %arg4[%dma_start3A_117, %dma_start3A_118] : memref<79x128xi32, #tpu.memory_space<vmem>> -> memref<78x128xi32, #tpu.memory_space<vmem>>
      %dma_start3A_120 = arith.constant 0 : i32
      %dma_start3A_121 = tpu.memref_slice %arg2[%run_scoped3A, %add3A_4, %dma_start3A_120] : memref<2x2500x128xi32, #tpu.memory_space<hbm>> -> memref<1x78x128xi32, #tpu.memory_space<hbm>>
      %dma_start3A_122 = tpu.memref_squeeze %dma_start3A_121 : memref<1x78x128xi32, #tpu.memory_space<hbm>> -> memref<78x128xi32, #tpu.memory_space<hbm>>
      %dma_start3A_123 = arith.constant 0 : i32
      %dma_start3A_124 = arith.constant 0 : i32
      %dma_start3A_125 = tpu.memref_slice %arg4[%dma_start3A_123, %dma_start3A_124] : memref<79x128xi32, #tpu.memory_space<vmem>> -> memref<78x128xi32, #tpu.memory_space<vmem>>
      %dma_start3A_126 = arith.constant 0 : i32
      %dma_start3A_127 = tpu.memref_slice %arg2[%run_scoped3A, %add3A_4, %dma_start3A_126] : memref<2x2500x128xi32, #tpu.memory_space<hbm>> -> memref<1x78x128xi32, #tpu.memory_space<hbm>>
      %dma_start3A_128 = tpu.memref_squeeze %dma_start3A_127 : memref<1x78x128xi32, #tpu.memory_space<hbm>> -> memref<78x128xi32, #tpu.memory_space<hbm>>
      tpu.enqueue_dma source(%dma_start3A_128 : memref<78x128xi32, #tpu.memory_space<hbm>>) target(%dma_start3A_125 : memref<78x128xi32, #tpu.memory_space<vmem>>) target_semaphore(%run_scoped3A_116 : memref<!tpu.dma_semaphore, #tpu.memory_space<semaphore_mem>>)
      %dma_wait3A = arith.constant 0 : i32
      %dma_wait3A_129 = arith.constant 0 : i32
      %dma_wait3A_130 = tpu.memref_slice %arg4[%dma_wait3A, %dma_wait3A_129] : memref<79x128xi32, #tpu.memory_space<vmem>> -> memref<78x128xi32, #tpu.memory_space<vmem>>
      %dma_wait3A_131 = arith.constant 0 : i32
      %dma_wait3A_132 = tpu.memref_slice %arg2[%run_scoped3A, %add3A_4, %dma_wait3A_131] : memref<2x2500x128xi32, #tpu.memory_space<hbm>> -> memref<1x78x128xi32, #tpu.memory_space<hbm>>
      %dma_wait3A_133 = tpu.memref_squeeze %dma_wait3A_132 : memref<1x78x128xi32, #tpu.memory_space<hbm>> -> memref<78x128xi32, #tpu.memory_space<hbm>>
      %dma_wait3A_134 = arith.constant 0 : i32
      %dma_wait3A_135 = arith.constant 0 : i32
      %dma_wait3A_136 = tpu.memref_slice %arg4[%dma_wait3A_134, %dma_wait3A_135] : memref<79x128xi32, #tpu.memory_space<vmem>> -> memref<78x128xi32, #tpu.memory_space<vmem>>
      %dma_wait3A_137 = arith.constant 0 : i32
      %dma_wait3A_138 = tpu.memref_slice %arg2[%run_scoped3A, %add3A_4, %dma_wait3A_137] : memref<2x2500x128xi32, #tpu.memory_space<hbm>> -> memref<1x78x128xi32, #tpu.memory_space<hbm>>
      %dma_wait3A_139 = tpu.memref_squeeze %dma_wait3A_138 : memref<1x78x128xi32, #tpu.memory_space<hbm>> -> memref<78x128xi32, #tpu.memory_space<hbm>>
      tpu.wait_dma2 semaphore(%run_scoped3A_116 : memref<!tpu.dma_semaphore, #tpu.memory_space<semaphore_mem>>) src(%dma_wait3A_139 : memref<78x128xi32, #tpu.memory_space<hbm>>) dst(%dma_wait3A_136 : memref<78x128xi32, #tpu.memory_space<vmem>>)
      tpu.yield
    }) : () -> ()
    %lt3A_42 = arith.constant 4 : i32
    %lt3A_43 = arith.cmpi slt, %add3A, %lt3A_42 : i32
    %convert_element_type3A = arith.extui %lt3A_43 : i1 to i32
    %cond3A = arith.constant 0 : i32
    %cond3A_44 = arith.cmpi ne, %convert_element_type3A, %cond3A : i32
    scf.if %cond3A_44 {
      %add3A_116 = arith.constant 78 : i32
      %add3A_117 = arith.addi %add3A_4, %add3A_116 : i32
      %run_scoped3A_118 = arith.constant 1 : i32
      "tpu.region"() ({
        %run_scoped3A_119 = tpu.sem_alloc : memref<!tpu.dma_semaphore, #tpu.memory_space<semaphore_mem>>
        %dma_start3A_120 = arith.constant 78 : i32
        %dma_start3A_121 = arith.constant 0 : i32
        %dma_start3A_122 = tpu.memref_slice %arg4[%dma_start3A_120, %dma_start3A_121] : memref<79x128xi32, #tpu.memory_space<vmem>> -> memref<1x128xi32, #tpu.memory_space<vmem>>
        %dma_start3A_123 = arith.constant 0 : i32
        %dma_start3A_124 = tpu.memref_slice %arg2[%run_scoped3A_118, %add3A_117, %dma_start3A_123] : memref<2x2500x128xi32, #tpu.memory_space<hbm>> -> memref<1x1x128xi32, #tpu.memory_space<hbm>>
        %dma_start3A_125 = tpu.memref_squeeze %dma_start3A_124 : memref<1x1x128xi32, #tpu.memory_space<hbm>> -> memref<1x128xi32, #tpu.memory_space<hbm>>
        %dma_start3A_126 = arith.constant 78 : i32
        %dma_start3A_127 = arith.constant 0 : i32
        %dma_start3A_128 = tpu.memref_slice %arg4[%dma_start3A_126, %dma_start3A_127] : memref<79x128xi32, #tpu.memory_space<vmem>> -> memref<1x128xi32, #tpu.memory_space<vmem>>
        %dma_start3A_129 = arith.constant 0 : i32
        %dma_start3A_130 = tpu.memref_slice %arg2[%run_scoped3A_118, %add3A_117, %dma_start3A_129] : memref<2x2500x128xi32, #tpu.memory_space<hbm>> -> memref<1x1x128xi32, #tpu.memory_space<hbm>>
        %dma_start3A_131 = tpu.memref_squeeze %dma_start3A_130 : memref<1x1x128xi32, #tpu.memory_space<hbm>> -> memref<1x128xi32, #tpu.memory_space<hbm>>
        tpu.enqueue_dma source(%dma_start3A_131 : memref<1x128xi32, #tpu.memory_space<hbm>>) target(%dma_start3A_128 : memref<1x128xi32, #tpu.memory_space<vmem>>) target_semaphore(%run_scoped3A_119 : memref<!tpu.dma_semaphore, #tpu.memory_space<semaphore_mem>>)
        %dma_wait3A = arith.constant 78 : i32
        %dma_wait3A_132 = arith.constant 0 : i32
        %dma_wait3A_133 = tpu.memref_slice %arg4[%dma_wait3A, %dma_wait3A_132] : memref<79x128xi32, #tpu.memory_space<vmem>> -> memref<1x128xi32, #tpu.memory_space<vmem>>
        %dma_wait3A_134 = arith.constant 0 : i32
        %dma_wait3A_135 = tpu.memref_slice %arg2[%run_scoped3A_118, %add3A_117, %dma_wait3A_134] : memref<2x2500x128xi32, #tpu.memory_space<hbm>> -> memref<1x1x128xi32, #tpu.memory_space<hbm>>
        %dma_wait3A_136 = tpu.memref_squeeze %dma_wait3A_135 : memref<1x1x128xi32, #tpu.memory_space<hbm>> -> memref<1x128xi32, #tpu.memory_space<hbm>>
        %dma_wait3A_137 = arith.constant 78 : i32
        %dma_wait3A_138 = arith.constant 0 : i32
        %dma_wait3A_139 = tpu.memref_slice %arg4[%dma_wait3A_137, %dma_wait3A_138] : memref<79x128xi32, #tpu.memory_space<vmem>> -> memref<1x128xi32, #tpu.memory_space<vmem>>
        %dma_wait3A_140 = arith.constant 0 : i32
        %dma_wait3A_141 = tpu.memref_slice %arg2[%run_scoped3A_118, %add3A_117, %dma_wait3A_140] : memref<2x2500x128xi32, #tpu.memory_space<hbm>> -> memref<1x1x128xi32, #tpu.memory_space<hbm>>
        %dma_wait3A_142 = tpu.memref_squeeze %dma_wait3A_141 : memref<1x1x128xi32, #tpu.memory_space<hbm>> -> memref<1x128xi32, #tpu.memory_space<hbm>>
        tpu.wait_dma2 semaphore(%run_scoped3A_119 : memref<!tpu.dma_semaphore, #tpu.memory_space<semaphore_mem>>) src(%dma_wait3A_142 : memref<1x128xi32, #tpu.memory_space<hbm>>) dst(%dma_wait3A_139 : memref<1x128xi32, #tpu.memory_space<vmem>>)
        tpu.yield
      }) : () -> ()
    } else {
    }
    %barrier3A = arith.constant 0 : index
    tpu.barrier barrier_id(%barrier3A)
    %dma_start3A = arith.constant 0 : i32
    %dma_start3A_45 = arith.constant 0 : i32
    %dma_start3A_46 = tpu.memref_slice %arg4[%dma_start3A, %dma_start3A_45] : memref<79x128xi32, #tpu.memory_space<vmem>> -> memref<1x128xi32, #tpu.memory_space<vmem>>
    %dma_start3A_47 = tpu.memref_squeeze %dma_start3A_46 : memref<1x128xi32, #tpu.memory_space<vmem>> -> memref<128xi32, #tpu.memory_space<vmem>>
    %dma_start3A_48 = arith.constant 0 : i32
    %dma_start3A_49 = arith.constant 0 : i32
    %dma_start3A_50 = tpu.memref_slice %arg6[%dma_start3A_48, %dma_start3A_49] : memref<10112x16xf32, #tpu.memory_space<vmem_shared>> -> memref<10112x16xf32, #tpu.memory_space<vmem_shared>>
    tpu.enqueue_indirect_dma source(%arg5 : memref<128x16xf32, #tpu.memory_space<vmem>>) target(%dma_start3A_50 : memref<10112x16xf32, #tpu.memory_space<vmem_shared>>) offsets(%dma_start3A_47 : memref<128xi32, #tpu.memory_space<vmem>>) semaphore(%arg7 : memref<!tpu.dma_semaphore, #tpu.memory_space<semaphore_mem>>) {add = true}
    %dma_start3A_51 = arith.constant 1 : i32
    %dma_start3A_52 = arith.constant 0 : i32
    %dma_start3A_53 = tpu.memref_slice %arg4[%dma_start3A_51, %dma_start3A_52] : memref<79x128xi32, #tpu.memory_space<vmem>> -> memref<1x128xi32, #tpu.memory_space<vmem>>
    %dma_start3A_54 = tpu.memref_squeeze %dma_start3A_53 : memref<1x128xi32, #tpu.memory_space<vmem>> -> memref<128xi32, #tpu.memory_space<vmem>>
    %dma_start3A_55 = arith.constant 0 : i32
    %dma_start3A_56 = arith.constant 0 : i32
    %dma_start3A_57 = tpu.memref_slice %arg6[%dma_start3A_55, %dma_start3A_56] : memref<10112x16xf32, #tpu.memory_space<vmem_shared>> -> memref<10112x16xf32, #tpu.memory_space<vmem_shared>>
    tpu.enqueue_indirect_dma source(%arg5 : memref<128x16xf32, #tpu.memory_space<vmem>>) target(%dma_start3A_57 : memref<10112x16xf32, #tpu.memory_space<vmem_shared>>) offsets(%dma_start3A_54 : memref<128xi32, #tpu.memory_space<vmem>>) semaphore(%arg7 : memref<!tpu.dma_semaphore, #tpu.memory_space<semaphore_mem>>) {add = true}
    %dma_start3A_58 = arith.constant 2 : i32
    %dma_start3A_59 = arith.constant 0 : i32
    %dma_start3A_60 = tpu.memref_slice %arg4[%dma_start3A_58, %dma_start3A_59] : memref<79x128xi32, #tpu.memory_space<vmem>> -> memref<1x128xi32, #tpu.memory_space<vmem>>
    %dma_start3A_61 = tpu.memref_squeeze %dma_start3A_60 : memref<1x128xi32, #tpu.memory_space<vmem>> -> memref<128xi32, #tpu.memory_space<vmem>>
    %dma_start3A_62 = arith.constant 0 : i32
    %dma_start3A_63 = arith.constant 0 : i32
    %dma_start3A_64 = tpu.memref_slice %arg6[%dma_start3A_62, %dma_start3A_63] : memref<10112x16xf32, #tpu.memory_space<vmem_shared>> -> memref<10112x16xf32, #tpu.memory_space<vmem_shared>>
    tpu.enqueue_indirect_dma source(%arg5 : memref<128x16xf32, #tpu.memory_space<vmem>>) target(%dma_start3A_64 : memref<10112x16xf32, #tpu.memory_space<vmem_shared>>) offsets(%dma_start3A_61 : memref<128xi32, #tpu.memory_space<vmem>>) semaphore(%arg7 : memref<!tpu.dma_semaphore, #tpu.memory_space<semaphore_mem>>) {add = true}
    %dma_start3A_65 = arith.constant 3 : i32
    %dma_start3A_66 = arith.constant 0 : i32
    %dma_start3A_67 = tpu.memref_slice %arg4[%dma_start3A_65, %dma_start3A_66] : memref<79x128xi32, #tpu.memory_space<vmem>> -> memref<1x128xi32, #tpu.memory_space<vmem>>
    %dma_start3A_68 = tpu.memref_squeeze %dma_start3A_67 : memref<1x128xi32, #tpu.memory_space<vmem>> -> memref<128xi32, #tpu.memory_space<vmem>>
    %dma_start3A_69 = arith.constant 0 : i32
    %dma_start3A_70 = arith.constant 0 : i32
    %dma_start3A_71 = tpu.memref_slice %arg6[%dma_start3A_69, %dma_start3A_70] : memref<10112x16xf32, #tpu.memory_space<vmem_shared>> -> memref<10112x16xf32, #tpu.memory_space<vmem_shared>>
    tpu.enqueue_indirect_dma source(%arg5 : memref<128x16xf32, #tpu.memory_space<vmem>>) target(%dma_start3A_71 : memref<10112x16xf32, #tpu.memory_space<vmem_shared>>) offsets(%dma_start3A_68 : memref<128xi32, #tpu.memory_space<vmem>>) semaphore(%arg7 : memref<!tpu.dma_semaphore, #tpu.memory_space<semaphore_mem>>) {add = true}
    %dma_start3A_72 = arith.constant 4 : i32
    %dma_start3A_73 = arith.constant 0 : i32
    %dma_start3A_74 = tpu.memref_slice %arg4[%dma_start3A_72, %dma_start3A_73] : memref<79x128xi32, #tpu.memory_space<vmem>> -> memref<1x128xi32, #tpu.memory_space<vmem>>
    %dma_start3A_75 = tpu.memref_squeeze %dma_start3A_74 : memref<1x128xi32, #tpu.memory_space<vmem>> -> memref<128xi32, #tpu.memory_space<vmem>>
    %dma_start3A_76 = arith.constant 0 : i32
    %dma_start3A_77 = arith.constant 0 : i32
    %dma_start3A_78 = tpu.memref_slice %arg6[%dma_start3A_76, %dma_start3A_77] : memref<10112x16xf32, #tpu.memory_space<vmem_shared>> -> memref<10112x16xf32, #tpu.memory_space<vmem_shared>>
    tpu.enqueue_indirect_dma source(%arg5 : memref<128x16xf32, #tpu.memory_space<vmem>>) target(%dma_start3A_78 : memref<10112x16xf32, #tpu.memory_space<vmem_shared>>) offsets(%dma_start3A_75 : memref<128xi32, #tpu.memory_space<vmem>>) semaphore(%arg7 : memref<!tpu.dma_semaphore, #tpu.memory_space<semaphore_mem>>) {add = true}
    %dma_start3A_79 = arith.constant 5 : i32
    %dma_start3A_80 = arith.constant 0 : i32
    %dma_start3A_81 = tpu.memref_slice %arg4[%dma_start3A_79, %dma_start3A_80] : memref<79x128xi32, #tpu.memory_space<vmem>> -> memref<1x128xi32, #tpu.memory_space<vmem>>
    %dma_start3A_82 = tpu.memref_squeeze %dma_start3A_81 : memref<1x128xi32, #tpu.memory_space<vmem>> -> memref<128xi32, #tpu.memory_space<vmem>>
    %dma_start3A_83 = arith.constant 0 : i32
    %dma_start3A_84 = arith.constant 0 : i32
    %dma_start3A_85 = tpu.memref_slice %arg6[%dma_start3A_83, %dma_start3A_84] : memref<10112x16xf32, #tpu.memory_space<vmem_shared>> -> memref<10112x16xf32, #tpu.memory_space<vmem_shared>>
    tpu.enqueue_indirect_dma source(%arg5 : memref<128x16xf32, #tpu.memory_space<vmem>>) target(%dma_start3A_85 : memref<10112x16xf32, #tpu.memory_space<vmem_shared>>) offsets(%dma_start3A_82 : memref<128xi32, #tpu.memory_space<vmem>>) semaphore(%arg7 : memref<!tpu.dma_semaphore, #tpu.memory_space<semaphore_mem>>) {add = true}
    %dma_start3A_86 = arith.constant 6 : i32
    %dma_start3A_87 = arith.constant 0 : i32
    %dma_start3A_88 = tpu.memref_slice %arg4[%dma_start3A_86, %dma_start3A_87] : memref<79x128xi32, #tpu.memory_space<vmem>> -> memref<1x128xi32, #tpu.memory_space<vmem>>
    %dma_start3A_89 = tpu.memref_squeeze %dma_start3A_88 : memref<1x128xi32, #tpu.memory_space<vmem>> -> memref<128xi32, #tpu.memory_space<vmem>>
    %dma_start3A_90 = arith.constant 0 : i32
    %dma_start3A_91 = arith.constant 0 : i32
    %dma_start3A_92 = tpu.memref_slice %arg6[%dma_start3A_90, %dma_start3A_91] : memref<10112x16xf32, #tpu.memory_space<vmem_shared>> -> memref<10112x16xf32, #tpu.memory_space<vmem_shared>>
    tpu.enqueue_indirect_dma source(%arg5 : memref<128x16xf32, #tpu.memory_space<vmem>>) target(%dma_start3A_92 : memref<10112x16xf32, #tpu.memory_space<vmem_shared>>) offsets(%dma_start3A_89 : memref<128xi32, #tpu.memory_space<vmem>>) semaphore(%arg7 : memref<!tpu.dma_semaphore, #tpu.memory_space<semaphore_mem>>) {add = true}
    %dma_start3A_93 = arith.constant 7 : i32
    %dma_start3A_94 = arith.constant 0 : i32
    %dma_start3A_95 = tpu.memref_slice %arg4[%dma_start3A_93, %dma_start3A_94] : memref<79x128xi32, #tpu.memory_space<vmem>> -> memref<1x128xi32, #tpu.memory_space<vmem>>
    %dma_start3A_96 = tpu.memref_squeeze %dma_start3A_95 : memref<1x128xi32, #tpu.memory_space<vmem>> -> memref<128xi32, #tpu.memory_space<vmem>>
    %dma_start3A_97 = arith.constant 0 : i32
    %dma_start3A_98 = arith.constant 0 : i32
    %dma_start3A_99 = tpu.memref_slice %arg6[%dma_start3A_97, %dma_start3A_98] : memref<10112x16xf32, #tpu.memory_space<vmem_shared>> -> memref<10112x16xf32, #tpu.memory_space<vmem_shared>>
    tpu.enqueue_indirect_dma source(%arg5 : memref<128x16xf32, #tpu.memory_space<vmem>>) target(%dma_start3A_99 : memref<10112x16xf32, #tpu.memory_space<vmem_shared>>) offsets(%dma_start3A_96 : memref<128xi32, #tpu.memory_space<vmem>>) semaphore(%arg7 : memref<!tpu.dma_semaphore, #tpu.memory_space<semaphore_mem>>) {add = true}
    %while3A = arith.constant 0 : i32
    %while3A_100 = arith.constant 0 : i32
    %while3A_101 = arith.subi %add3A_8, %while3A : i32
    %while3A_102 = arith.addi %while3A, %while3A_101 : i32
    %while3A_103 = arith.constant 1 : i32
    %while3A_104 = arith.divsi %while3A_101, %while3A_103 : i32
    %while3A_105 = arith.muli %while3A_104, %while3A_103 : i32
    %while3A_106 = arith.addi %while3A, %while3A_105 : i32
    %while3A_107 = arith.constant 1 : i32
    %while3A_108 = scf.for %while3A_116 = %while3A to %while3A_106 step %while3A_107 iter_args(%while3A_117 = %while3A_100) -> (i32)  : i32 {
      %dma_wait3A = arith.constant 0 : i32
      %dma_wait3A_118 = arith.constant 0 : i32
      %dma_wait3A_119 = tpu.memref_slice %arg4[%dma_wait3A, %dma_wait3A_118] : memref<79x128xi32, #tpu.memory_space<vmem>> -> memref<1x128xi32, #tpu.memory_space<vmem>>
      %dma_wait3A_120 = tpu.memref_squeeze %dma_wait3A_119 : memref<1x128xi32, #tpu.memory_space<vmem>> -> memref<128xi32, #tpu.memory_space<vmem>>
      %dma_wait3A_121 = arith.constant 0 : i32
      %dma_wait3A_122 = arith.constant 0 : i32
      %dma_wait3A_123 = tpu.memref_slice %arg6[%dma_wait3A_121, %dma_wait3A_122] : memref<10112x16xf32, #tpu.memory_space<vmem_shared>> -> memref<10112x16xf32, #tpu.memory_space<vmem_shared>>
      tpu.wait_indirect_dma semaphore(%arg7 : memref<!tpu.dma_semaphore, #tpu.memory_space<semaphore_mem>>) src(%arg5 : memref<128x16xf32, #tpu.memory_space<vmem>>) dst(%dma_wait3A_123 : memref<10112x16xf32, #tpu.memory_space<vmem_shared>>)
      %add3A_124 = arith.constant 8 : i32
      %add3A_125 = arith.addi %while3A_116, %add3A_124 : i32
      %lt3A_126 = arith.cmpi slt, %add3A_125, %add3A_8 : i32
      %convert_element_type3A_127 = arith.extui %lt3A_126 : i1 to i32
      %cond3A_128 = arith.constant 0 : i32
      %cond3A_129 = arith.cmpi ne, %convert_element_type3A_127, %cond3A_128 : i32
      scf.if %cond3A_129 {
        %add3A_131 = arith.constant 8 : i32
        %add3A_132 = arith.addi %while3A_116, %add3A_131 : i32
        %dma_start3A_133 = arith.constant 0 : i32
        %dma_start3A_134 = tpu.memref_slice %arg4[%add3A_132, %dma_start3A_133] : memref<79x128xi32, #tpu.memory_space<vmem>> -> memref<1x128xi32, #tpu.memory_space<vmem>>
        %dma_start3A_135 = tpu.memref_squeeze %dma_start3A_134 : memref<1x128xi32, #tpu.memory_space<vmem>> -> memref<128xi32, #tpu.memory_space<vmem>>
        %dma_start3A_136 = arith.constant 0 : i32
        %dma_start3A_137 = arith.constant 0 : i32
        %dma_start3A_138 = tpu.memref_slice %arg6[%dma_start3A_136, %dma_start3A_137] : memref<10112x16xf32, #tpu.memory_space<vmem_shared>> -> memref<10112x16xf32, #tpu.memory_space<vmem_shared>>
        tpu.enqueue_indirect_dma source(%arg5 : memref<128x16xf32, #tpu.memory_space<vmem>>) target(%dma_start3A_138 : memref<10112x16xf32, #tpu.memory_space<vmem_shared>>) offsets(%dma_start3A_135 : memref<128xi32, #tpu.memory_space<vmem>>) semaphore(%arg7 : memref<!tpu.dma_semaphore, #tpu.memory_space<semaphore_mem>>) {add = true}
      } else {
      }
      %while3A_130 = arith.constant 0 : i32
      scf.yield %while3A_130 : i32
    }
    %while3A_109 = arith.constant 1 : i32
    %while3A_110 = scf.for %while3A_116 = %while3A_106 to %while3A_102 step %while3A_109 iter_args(%while3A_117 = %while3A_108) -> (i32)  : i32 {
      %dma_wait3A = arith.constant 0 : i32
      %dma_wait3A_118 = arith.constant 0 : i32
      %dma_wait3A_119 = tpu.memref_slice %arg4[%dma_wait3A, %dma_wait3A_118] : memref<79x128xi32, #tpu.memory_space<vmem>> -> memref<1x128xi32, #tpu.memory_space<vmem>>
      %dma_wait3A_120 = tpu.memref_squeeze %dma_wait3A_119 : memref<1x128xi32, #tpu.memory_space<vmem>> -> memref<128xi32, #tpu.memory_space<vmem>>
      %dma_wait3A_121 = arith.constant 0 : i32
      %dma_wait3A_122 = arith.constant 0 : i32
      %dma_wait3A_123 = tpu.memref_slice %arg6[%dma_wait3A_121, %dma_wait3A_122] : memref<10112x16xf32, #tpu.memory_space<vmem_shared>> -> memref<10112x16xf32, #tpu.memory_space<vmem_shared>>
      tpu.wait_indirect_dma semaphore(%arg7 : memref<!tpu.dma_semaphore, #tpu.memory_space<semaphore_mem>>) src(%arg5 : memref<128x16xf32, #tpu.memory_space<vmem>>) dst(%dma_wait3A_123 : memref<10112x16xf32, #tpu.memory_space<vmem_shared>>)
      %add3A_124 = arith.constant 8 : i32
      %add3A_125 = arith.addi %while3A_116, %add3A_124 : i32
      %lt3A_126 = arith.cmpi slt, %add3A_125, %add3A_8 : i32
      %convert_element_type3A_127 = arith.extui %lt3A_126 : i1 to i32
      %cond3A_128 = arith.constant 0 : i32
      %cond3A_129 = arith.cmpi ne, %convert_element_type3A_127, %cond3A_128 : i32
      scf.if %cond3A_129 {
        %add3A_131 = arith.constant 8 : i32
        %add3A_132 = arith.addi %while3A_116, %add3A_131 : i32
        %dma_start3A_133 = arith.constant 0 : i32
        %dma_start3A_134 = tpu.memref_slice %arg4[%add3A_132, %dma_start3A_133] : memref<79x128xi32, #tpu.memory_space<vmem>> -> memref<1x128xi32, #tpu.memory_space<vmem>>
        %dma_start3A_135 = tpu.memref_squeeze %dma_start3A_134 : memref<1x128xi32, #tpu.memory_space<vmem>> -> memref<128xi32, #tpu.memory_space<vmem>>
        %dma_start3A_136 = arith.constant 0 : i32
        %dma_start3A_137 = arith.constant 0 : i32
        %dma_start3A_138 = tpu.memref_slice %arg6[%dma_start3A_136, %dma_start3A_137] : memref<10112x16xf32, #tpu.memory_space<vmem_shared>> -> memref<10112x16xf32, #tpu.memory_space<vmem_shared>>
        tpu.enqueue_indirect_dma source(%arg5 : memref<128x16xf32, #tpu.memory_space<vmem>>) target(%dma_start3A_138 : memref<10112x16xf32, #tpu.memory_space<vmem_shared>>) offsets(%dma_start3A_135 : memref<128xi32, #tpu.memory_space<vmem>>) semaphore(%arg7 : memref<!tpu.dma_semaphore, #tpu.memory_space<semaphore_mem>>) {add = true}
      } else {
      }
      %while3A_130 = arith.constant 0 : i32
      scf.yield %while3A_130 : i32
    }
    %barrier3A_111 = arith.constant 0 : index
    tpu.barrier barrier_id(%barrier3A_111)
    %mul3A_112 = arith.constant 632 : i32
    %mul3A_113 = arith.muli %arg1, %mul3A_112 : i32
    %mul3A_114 = arith.constant 632 : i32
    %mul3A_115 = arith.muli %arg1, %mul3A_114 : i32
    "tpu.region"() ({
      %run_scoped3A_116 = tpu.sem_alloc : memref<!tpu.dma_semaphore, #tpu.memory_space<semaphore_mem>>
      %dma_start3A_117 = arith.constant 0 : i32
      %dma_start3A_118 = tpu.memref_slice %arg3[%arg0, %mul3A_115, %dma_start3A_117] : memref<2x10112x16xf32, #tpu.memory_space<hbm>> -> memref<1x632x16xf32, #tpu.memory_space<hbm>>
      %dma_start3A_119 = tpu.memref_squeeze %dma_start3A_118 : memref<1x632x16xf32, #tpu.memory_space<hbm>> -> memref<632x16xf32, #tpu.memory_space<hbm>>
      %dma_start3A_120 = arith.constant 0 : i32
      %dma_start3A_121 = tpu.memref_slice %arg6[%mul3A_113, %dma_start3A_120] : memref<10112x16xf32, #tpu.memory_space<vmem_shared>> -> memref<632x16xf32, #tpu.memory_space<vmem_shared>>
      tpu.enqueue_dma source(%dma_start3A_121 : memref<632x16xf32, #tpu.memory_space<vmem_shared>>) target(%dma_start3A_119 : memref<632x16xf32, #tpu.memory_space<hbm>>) target_semaphore(%run_scoped3A_116 : memref<!tpu.dma_semaphore, #tpu.memory_space<semaphore_mem>>)
      %dma_wait3A = arith.constant 0 : i32
      %dma_wait3A_122 = tpu.memref_slice %arg3[%arg0, %mul3A_115, %dma_wait3A] : memref<2x10112x16xf32, #tpu.memory_space<hbm>> -> memref<1x632x16xf32, #tpu.memory_space<hbm>>
      %dma_wait3A_123 = tpu.memref_squeeze %dma_wait3A_122 : memref<1x632x16xf32, #tpu.memory_space<hbm>> -> memref<632x16xf32, #tpu.memory_space<hbm>>
      %dma_wait3A_124 = arith.constant 0 : i32
      %dma_wait3A_125 = tpu.memref_slice %arg6[%mul3A_113, %dma_wait3A_124] : memref<10112x16xf32, #tpu.memory_space<vmem_shared>> -> memref<632x16xf32, #tpu.memory_space<vmem_shared>>
      tpu.wait_dma2 semaphore(%run_scoped3A_116 : memref<!tpu.dma_semaphore, #tpu.memory_space<semaphore_mem>>) src(%dma_wait3A_125 : memref<632x16xf32, #tpu.memory_space<vmem_shared>>) dst(%dma_wait3A_123 : memref<632x16xf32, #tpu.memory_space<hbm>>)
      tpu.yield
    }) : () -> ()
    return
  }
}

#map = affine_map<(d0, d1) -> (0, 0, 0)>
#map1 = affine_map<(d0, d1) -> (0, 0)>
module attributes {stable_mosaic.version = 14 : i64} {
  func.func @_prop(%arg0: i32, %arg1: i32, %arg2: memref<2x2500x128xi32, #tpu.memory_space<hbm>>, %arg3: memref<10000x64xf32, #tpu.memory_space<hbm>>, %arg4: memref<2x10112x64xf32, #tpu.memory_space<hbm>>, %arg5: memref<79x128xi32, #tpu.memory_space<vmem>>, %arg6: memref<79x128xi32, #tpu.memory_space<vmem>>, %arg7: memref<128x64xf32, #tpu.memory_space<vmem>>, %arg8: memref<128x64xf32, #tpu.memory_space<vmem>>, %arg9: memref<10000x64xf32, #tpu.memory_space<vmem_shared>>, %arg10: memref<10112x64xf32, #tpu.memory_space<vmem_shared>>, %arg11: memref<!tpu.dma_semaphore, #tpu.memory_space<semaphore_mem>>, %arg12: memref<!tpu.dma_semaphore, #tpu.memory_space<semaphore_mem>>) attributes {dimension_semantics = [#tpu.dimension_semantics<core_parallel>, #tpu.dimension_semantics<subcore_parallel>], iteration_bounds = array<i64: 2, 16>, scalar_prefetch = 0 : i64, scratch_operands = 8 : i64, tpu.core_type = #tpu.core_type<sc_vector_subcore>, window_params = [{transform_indices = #map}, {transform_indices = #map1}, {transform_indices = #map}]} {
    %mul3A = arith.constant 2 : i32
    %mul3A_0 = arith.muli %arg1, %mul3A : i32
    %add3A = arith.addi %mul3A_0, %arg0 : i32
    %mul3A_1 = arith.constant 78 : i32
    %mul3A_2 = arith.muli %add3A, %mul3A_1 : i32
    %min3A = arith.constant 4 : i32
    %min3A_3 = arith.minsi %add3A, %min3A : i32
    %add3A_4 = arith.addi %mul3A_2, %min3A_3 : i32
    %lt3A = arith.constant 4 : i32
    %lt3A_5 = arith.cmpi slt, %add3A, %lt3A : i32
    %scan3A = arith.constant 0 : i32
    %scan3A_6 = arith.constant 0 : i32
    %scan3A_7 = arith.constant 128 : i32
    %scan3A_8 = arith.addi %scan3A_6, %scan3A_7 : i32
    %scan3A_9 = arith.constant 1 : i32
    %scan3A_10 = scf.for %scan3A_59 = %scan3A_6 to %scan3A_8 step %scan3A_9 iter_args(%scan3A_60 = %scan3A) -> (i32)  : i32 {
      %broadcast_in_dim3A = arith.constant 0.000000e+00 : f32
      %broadcast_in_dim3A_61 = vector.broadcast %broadcast_in_dim3A : f32 to vector<16xf32>
      %swap3A = arith.index_cast %scan3A_59 : i32 to index
      %swap3A_62 = arith.constant 0 : index
      %swap3A_63 = tpu.vector_load %arg7[%swap3A, %swap3A_62] {strides = array<i32>} : memref<128x64xf32, #tpu.memory_space<vmem>>, vector<1x16xf32>,
      %swap3A_64 = vector.shape_cast %swap3A_63 : vector<1x16xf32> to vector<16xf32>
      %swap3A_65 = vector.shape_cast %broadcast_in_dim3A_61 : vector<16xf32> to vector<1x16xf32>
      tpu.vector_store %arg7[%swap3A, %swap3A_62], %swap3A_65 {strides = array<i32>} : memref<128x64xf32, #tpu.memory_space<vmem>>, vector<1x16xf32>,
      %broadcast_in_dim3A_66 = arith.constant 0.000000e+00 : f32
      %broadcast_in_dim3A_67 = vector.broadcast %broadcast_in_dim3A_66 : f32 to vector<16xf32>
      %swap3A_68 = arith.index_cast %scan3A_59 : i32 to index
      %swap3A_69 = arith.constant 16 : index
      %swap3A_70 = tpu.vector_load %arg7[%swap3A_68, %swap3A_69] {strides = array<i32>} : memref<128x64xf32, #tpu.memory_space<vmem>>, vector<1x16xf32>,
      %swap3A_71 = vector.shape_cast %swap3A_70 : vector<1x16xf32> to vector<16xf32>
      %swap3A_72 = vector.shape_cast %broadcast_in_dim3A_67 : vector<16xf32> to vector<1x16xf32>
      tpu.vector_store %arg7[%swap3A_68, %swap3A_69], %swap3A_72 {strides = array<i32>} : memref<128x64xf32, #tpu.memory_space<vmem>>, vector<1x16xf32>,
      %broadcast_in_dim3A_73 = arith.constant 0.000000e+00 : f32
      %broadcast_in_dim3A_74 = vector.broadcast %broadcast_in_dim3A_73 : f32 to vector<16xf32>
      %swap3A_75 = arith.index_cast %scan3A_59 : i32 to index
      %swap3A_76 = arith.constant 32 : index
      %swap3A_77 = tpu.vector_load %arg7[%swap3A_75, %swap3A_76] {strides = array<i32>} : memref<128x64xf32, #tpu.memory_space<vmem>>, vector<1x16xf32>,
      %swap3A_78 = vector.shape_cast %swap3A_77 : vector<1x16xf32> to vector<16xf32>
      %swap3A_79 = vector.shape_cast %broadcast_in_dim3A_74 : vector<16xf32> to vector<1x16xf32>
      tpu.vector_store %arg7[%swap3A_75, %swap3A_76], %swap3A_79 {strides = array<i32>} : memref<128x64xf32, #tpu.memory_space<vmem>>, vector<1x16xf32>,
      %broadcast_in_dim3A_80 = arith.constant 0.000000e+00 : f32
      %broadcast_in_dim3A_81 = vector.broadcast %broadcast_in_dim3A_80 : f32 to vector<16xf32>
      %swap3A_82 = arith.index_cast %scan3A_59 : i32 to index
      %swap3A_83 = arith.constant 48 : index
      %swap3A_84 = tpu.vector_load %arg7[%swap3A_82, %swap3A_83] {strides = array<i32>} : memref<128x64xf32, #tpu.memory_space<vmem>>, vector<1x16xf32>,
      %swap3A_85 = vector.shape_cast %swap3A_84 : vector<1x16xf32> to vector<16xf32>
      %swap3A_86 = vector.shape_cast %broadcast_in_dim3A_81 : vector<16xf32> to vector<1x16xf32>
      tpu.vector_store %arg7[%swap3A_82, %swap3A_83], %swap3A_86 {strides = array<i32>} : memref<128x64xf32, #tpu.memory_space<vmem>>, vector<1x16xf32>,
      %scan3A_87 = arith.constant 0 : i32
      scf.yield %scan3A_87 : i32
    }
    %scan3A_11 = arith.constant 128 : i32
    %mul3A_12 = arith.constant 632 : i32
    %mul3A_13 = arith.muli %arg1, %mul3A_12 : i32
    %add3A_14 = arith.constant 0 : i32
    %add3A_15 = arith.addi %mul3A_13, %add3A_14 : i32
    "tpu.region"() ({
      %run_scoped3A_59 = tpu.sem_alloc : memref<!tpu.dma_semaphore, #tpu.memory_space<semaphore_mem>>
      %dma_start3A_60 = arith.constant 0 : i32
      %dma_start3A_61 = tpu.memref_slice %arg10[%add3A_15, %dma_start3A_60] : memref<10112x64xf32, #tpu.memory_space<vmem_shared>> -> memref<128x64xf32, #tpu.memory_space<vmem_shared>>
      %dma_start3A_62 = arith.constant 0 : i32
      %dma_start3A_63 = tpu.memref_slice %arg10[%add3A_15, %dma_start3A_62] : memref<10112x64xf32, #tpu.memory_space<vmem_shared>> -> memref<128x64xf32, #tpu.memory_space<vmem_shared>>
      tpu.enqueue_dma source(%arg7 : memref<128x64xf32, #tpu.memory_space<vmem>>) target(%dma_start3A_63 : memref<128x64xf32, #tpu.memory_space<vmem_shared>>) target_semaphore(%run_scoped3A_59 : memref<!tpu.dma_semaphore, #tpu.memory_space<semaphore_mem>>)
      %dma_wait3A = arith.constant 0 : i32
      %dma_wait3A_64 = tpu.memref_slice %arg10[%add3A_15, %dma_wait3A] : memref<10112x64xf32, #tpu.memory_space<vmem_shared>> -> memref<128x64xf32, #tpu.memory_space<vmem_shared>>
      %dma_wait3A_65 = arith.constant 0 : i32
      %dma_wait3A_66 = tpu.memref_slice %arg10[%add3A_15, %dma_wait3A_65] : memref<10112x64xf32, #tpu.memory_space<vmem_shared>> -> memref<128x64xf32, #tpu.memory_space<vmem_shared>>
      tpu.wait_dma2 semaphore(%run_scoped3A_59 : memref<!tpu.dma_semaphore, #tpu.memory_space<semaphore_mem>>) src(%arg7 : memref<128x64xf32, #tpu.memory_space<vmem>>) dst(%dma_wait3A_66 : memref<128x64xf32, #tpu.memory_space<vmem_shared>>)
      tpu.yield
    }) : () -> ()
    %mul3A_16 = arith.constant 632 : i32
    %mul3A_17 = arith.muli %arg1, %mul3A_16 : i32
    %add3A_18 = arith.constant 128 : i32
    %add3A_19 = arith.addi %mul3A_17, %add3A_18 : i32
    "tpu.region"() ({
      %run_scoped3A_59 = tpu.sem_alloc : memref<!tpu.dma_semaphore, #tpu.memory_space<semaphore_mem>>
      %dma_start3A_60 = arith.constant 0 : i32
      %dma_start3A_61 = tpu.memref_slice %arg10[%add3A_19, %dma_start3A_60] : memref<10112x64xf32, #tpu.memory_space<vmem_shared>> -> memref<128x64xf32, #tpu.memory_space<vmem_shared>>
      %dma_start3A_62 = arith.constant 0 : i32
      %dma_start3A_63 = tpu.memref_slice %arg10[%add3A_19, %dma_start3A_62] : memref<10112x64xf32, #tpu.memory_space<vmem_shared>> -> memref<128x64xf32, #tpu.memory_space<vmem_shared>>
      tpu.enqueue_dma source(%arg7 : memref<128x64xf32, #tpu.memory_space<vmem>>) target(%dma_start3A_63 : memref<128x64xf32, #tpu.memory_space<vmem_shared>>) target_semaphore(%run_scoped3A_59 : memref<!tpu.dma_semaphore, #tpu.memory_space<semaphore_mem>>)
      %dma_wait3A = arith.constant 0 : i32
      %dma_wait3A_64 = tpu.memref_slice %arg10[%add3A_19, %dma_wait3A] : memref<10112x64xf32, #tpu.memory_space<vmem_shared>> -> memref<128x64xf32, #tpu.memory_space<vmem_shared>>
      %dma_wait3A_65 = arith.constant 0 : i32
      %dma_wait3A_66 = tpu.memref_slice %arg10[%add3A_19, %dma_wait3A_65] : memref<10112x64xf32, #tpu.memory_space<vmem_shared>> -> memref<128x64xf32, #tpu.memory_space<vmem_shared>>
      tpu.wait_dma2 semaphore(%run_scoped3A_59 : memref<!tpu.dma_semaphore, #tpu.memory_space<semaphore_mem>>) src(%arg7 : memref<128x64xf32, #tpu.memory_space<vmem>>) dst(%dma_wait3A_66 : memref<128x64xf32, #tpu.memory_space<vmem_shared>>)
      tpu.yield
    }) : () -> ()
    %mul3A_20 = arith.constant 632 : i32
    %mul3A_21 = arith.muli %arg1, %mul3A_20 : i32
    %add3A_22 = arith.constant 256 : i32
    %add3A_23 = arith.addi %mul3A_21, %add3A_22 : i32
    "tpu.region"() ({
      %run_scoped3A_59 = tpu.sem_alloc : memref<!tpu.dma_semaphore, #tpu.memory_space<semaphore_mem>>
      %dma_start3A_60 = arith.constant 0 : i32
      %dma_start3A_61 = tpu.memref_slice %arg10[%add3A_23, %dma_start3A_60] : memref<10112x64xf32, #tpu.memory_space<vmem_shared>> -> memref<128x64xf32, #tpu.memory_space<vmem_shared>>
      %dma_start3A_62 = arith.constant 0 : i32
      %dma_start3A_63 = tpu.memref_slice %arg10[%add3A_23, %dma_start3A_62] : memref<10112x64xf32, #tpu.memory_space<vmem_shared>> -> memref<128x64xf32, #tpu.memory_space<vmem_shared>>
      tpu.enqueue_dma source(%arg7 : memref<128x64xf32, #tpu.memory_space<vmem>>) target(%dma_start3A_63 : memref<128x64xf32, #tpu.memory_space<vmem_shared>>) target_semaphore(%run_scoped3A_59 : memref<!tpu.dma_semaphore, #tpu.memory_space<semaphore_mem>>)
      %dma_wait3A = arith.constant 0 : i32
      %dma_wait3A_64 = tpu.memref_slice %arg10[%add3A_23, %dma_wait3A] : memref<10112x64xf32, #tpu.memory_space<vmem_shared>> -> memref<128x64xf32, #tpu.memory_space<vmem_shared>>
      %dma_wait3A_65 = arith.constant 0 : i32
      %dma_wait3A_66 = tpu.memref_slice %arg10[%add3A_23, %dma_wait3A_65] : memref<10112x64xf32, #tpu.memory_space<vmem_shared>> -> memref<128x64xf32, #tpu.memory_space<vmem_shared>>
      tpu.wait_dma2 semaphore(%run_scoped3A_59 : memref<!tpu.dma_semaphore, #tpu.memory_space<semaphore_mem>>) src(%arg7 : memref<128x64xf32, #tpu.memory_space<vmem>>) dst(%dma_wait3A_66 : memref<128x64xf32, #tpu.memory_space<vmem_shared>>)
      tpu.yield
    }) : () -> ()
    %mul3A_24 = arith.constant 632 : i32
    %mul3A_25 = arith.muli %arg1, %mul3A_24 : i32
    %add3A_26 = arith.constant 384 : i32
    %add3A_27 = arith.addi %mul3A_25, %add3A_26 : i32
    "tpu.region"() ({
      %run_scoped3A_59 = tpu.sem_alloc : memref<!tpu.dma_semaphore, #tpu.memory_space<semaphore_mem>>
      %dma_start3A_60 = arith.constant 0 : i32
      %dma_start3A_61 = tpu.memref_slice %arg10[%add3A_27, %dma_start3A_60] : memref<10112x64xf32, #tpu.memory_space<vmem_shared>> -> memref<128x64xf32, #tpu.memory_space<vmem_shared>>
      %dma_start3A_62 = arith.constant 0 : i32
      %dma_start3A_63 = tpu.memref_slice %arg10[%add3A_27, %dma_start3A_62] : memref<10112x64xf32, #tpu.memory_space<vmem_shared>> -> memref<128x64xf32, #tpu.memory_space<vmem_shared>>
      tpu.enqueue_dma source(%arg7 : memref<128x64xf32, #tpu.memory_space<vmem>>) target(%dma_start3A_63 : memref<128x64xf32, #tpu.memory_space<vmem_shared>>) target_semaphore(%run_scoped3A_59 : memref<!tpu.dma_semaphore, #tpu.memory_space<semaphore_mem>>)
      %dma_wait3A = arith.constant 0 : i32
      %dma_wait3A_64 = tpu.memref_slice %arg10[%add3A_27, %dma_wait3A] : memref<10112x64xf32, #tpu.memory_space<vmem_shared>> -> memref<128x64xf32, #tpu.memory_space<vmem_shared>>
      %dma_wait3A_65 = arith.constant 0 : i32
      %dma_wait3A_66 = tpu.memref_slice %arg10[%add3A_27, %dma_wait3A_65] : memref<10112x64xf32, #tpu.memory_space<vmem_shared>> -> memref<128x64xf32, #tpu.memory_space<vmem_shared>>
      tpu.wait_dma2 semaphore(%run_scoped3A_59 : memref<!tpu.dma_semaphore, #tpu.memory_space<semaphore_mem>>) src(%arg7 : memref<128x64xf32, #tpu.memory_space<vmem>>) dst(%dma_wait3A_66 : memref<128x64xf32, #tpu.memory_space<vmem_shared>>)
      tpu.yield
    }) : () -> ()
    %mul3A_28 = arith.constant 632 : i32
    %mul3A_29 = arith.muli %arg1, %mul3A_28 : i32
    %add3A_30 = arith.constant 512 : i32
    %add3A_31 = arith.addi %mul3A_29, %add3A_30 : i32
    "tpu.region"() ({
      %run_scoped3A_59 = tpu.sem_alloc : memref<!tpu.dma_semaphore, #tpu.memory_space<semaphore_mem>>
      %dma_start3A_60 = arith.constant 0 : i32
      %dma_start3A_61 = arith.constant 0 : i32
      %dma_start3A_62 = tpu.memref_slice %arg7[%dma_start3A_60, %dma_start3A_61] : memref<128x64xf32, #tpu.memory_space<vmem>> -> memref<120x64xf32, #tpu.memory_space<vmem>>
      %dma_start3A_63 = arith.constant 0 : i32
      %dma_start3A_64 = tpu.memref_slice %arg10[%add3A_31, %dma_start3A_63] : memref<10112x64xf32, #tpu.memory_space<vmem_shared>> -> memref<120x64xf32, #tpu.memory_space<vmem_shared>>
      %dma_start3A_65 = arith.constant 0 : i32
      %dma_start3A_66 = tpu.memref_slice %arg10[%add3A_31, %dma_start3A_65] : memref<10112x64xf32, #tpu.memory_space<vmem_shared>> -> memref<120x64xf32, #tpu.memory_space<vmem_shared>>
      %dma_start3A_67 = arith.constant 0 : i32
      %dma_start3A_68 = arith.constant 0 : i32
      %dma_start3A_69 = tpu.memref_slice %arg7[%dma_start3A_67, %dma_start3A_68] : memref<128x64xf32, #tpu.memory_space<vmem>> -> memref<120x64xf32, #tpu.memory_space<vmem>>
      tpu.enqueue_dma source(%dma_start3A_69 : memref<120x64xf32, #tpu.memory_space<vmem>>) target(%dma_start3A_66 : memref<120x64xf32, #tpu.memory_space<vmem_shared>>) target_semaphore(%run_scoped3A_59 : memref<!tpu.dma_semaphore, #tpu.memory_space<semaphore_mem>>)
      %dma_wait3A = arith.constant 0 : i32
      %dma_wait3A_70 = arith.constant 0 : i32
      %dma_wait3A_71 = tpu.memref_slice %arg7[%dma_wait3A, %dma_wait3A_70] : memref<128x64xf32, #tpu.memory_space<vmem>> -> memref<120x64xf32, #tpu.memory_space<vmem>>
      %dma_wait3A_72 = arith.constant 0 : i32
      %dma_wait3A_73 = tpu.memref_slice %arg10[%add3A_31, %dma_wait3A_72] : memref<10112x64xf32, #tpu.memory_space<vmem_shared>> -> memref<120x64xf32, #tpu.memory_space<vmem_shared>>
      %dma_wait3A_74 = arith.constant 0 : i32
      %dma_wait3A_75 = tpu.memref_slice %arg10[%add3A_31, %dma_wait3A_74] : memref<10112x64xf32, #tpu.memory_space<vmem_shared>> -> memref<120x64xf32, #tpu.memory_space<vmem_shared>>
      %dma_wait3A_76 = arith.constant 0 : i32
      %dma_wait3A_77 = arith.constant 0 : i32
      %dma_wait3A_78 = tpu.memref_slice %arg7[%dma_wait3A_76, %dma_wait3A_77] : memref<128x64xf32, #tpu.memory_space<vmem>> -> memref<120x64xf32, #tpu.memory_space<vmem>>
      tpu.wait_dma2 semaphore(%run_scoped3A_59 : memref<!tpu.dma_semaphore, #tpu.memory_space<semaphore_mem>>) src(%dma_wait3A_78 : memref<120x64xf32, #tpu.memory_space<vmem>>) dst(%dma_wait3A_75 : memref<120x64xf32, #tpu.memory_space<vmem_shared>>)
      tpu.yield
    }) : () -> ()
    %mul3A_32 = arith.constant 625 : i32
    %mul3A_33 = arith.muli %arg1, %mul3A_32 : i32
    %mul3A_34 = arith.constant 625 : i32
    %mul3A_35 = arith.muli %arg1, %mul3A_34 : i32
    "tpu.region"() ({
      %run_scoped3A_59 = tpu.sem_alloc : memref<!tpu.dma_semaphore, #tpu.memory_space<semaphore_mem>>
      %dma_start3A_60 = arith.constant 0 : i32
      %dma_start3A_61 = tpu.memref_slice %arg9[%mul3A_35, %dma_start3A_60] : memref<10000x64xf32, #tpu.memory_space<vmem_shared>> -> memref<625x64xf32, #tpu.memory_space<vmem_shared>>
      %dma_start3A_62 = arith.constant 0 : i32
      %dma_start3A_63 = tpu.memref_slice %arg3[%mul3A_33, %dma_start3A_62] : memref<10000x64xf32, #tpu.memory_space<hbm>> -> memref<625x64xf32, #tpu.memory_space<hbm>>
      tpu.enqueue_dma source(%dma_start3A_63 : memref<625x64xf32, #tpu.memory_space<hbm>>) target(%dma_start3A_61 : memref<625x64xf32, #tpu.memory_space<vmem_shared>>) target_semaphore(%run_scoped3A_59 : memref<!tpu.dma_semaphore, #tpu.memory_space<semaphore_mem>>)
      %dma_wait3A = arith.constant 0 : i32
      %dma_wait3A_64 = tpu.memref_slice %arg9[%mul3A_35, %dma_wait3A] : memref<10000x64xf32, #tpu.memory_space<vmem_shared>> -> memref<625x64xf32, #tpu.memory_space<vmem_shared>>
      %dma_wait3A_65 = arith.constant 0 : i32
      %dma_wait3A_66 = tpu.memref_slice %arg3[%mul3A_33, %dma_wait3A_65] : memref<10000x64xf32, #tpu.memory_space<hbm>> -> memref<625x64xf32, #tpu.memory_space<hbm>>
      tpu.wait_dma2 semaphore(%run_scoped3A_59 : memref<!tpu.dma_semaphore, #tpu.memory_space<semaphore_mem>>) src(%dma_wait3A_66 : memref<625x64xf32, #tpu.memory_space<hbm>>) dst(%dma_wait3A_64 : memref<625x64xf32, #tpu.memory_space<vmem_shared>>)
      tpu.yield
    }) : () -> ()
    %run_scoped3A = arith.constant 0 : i32
    "tpu.region"() ({
      %run_scoped3A_59 = tpu.sem_alloc : memref<!tpu.dma_semaphore, #tpu.memory_space<semaphore_mem>>
      %dma_start3A_60 = arith.constant 0 : i32
      %dma_start3A_61 = arith.constant 0 : i32
      %dma_start3A_62 = tpu.memref_slice %arg5[%dma_start3A_60, %dma_start3A_61] : memref<79x128xi32, #tpu.memory_space<vmem>> -> memref<78x128xi32, #tpu.memory_space<vmem>>
      %dma_start3A_63 = arith.constant 0 : i32
      %dma_start3A_64 = tpu.memref_slice %arg2[%run_scoped3A, %add3A_4, %dma_start3A_63] : memref<2x2500x128xi32, #tpu.memory_space<hbm>> -> memref<1x78x128xi32, #tpu.memory_space<hbm>>
      %dma_start3A_65 = tpu.memref_squeeze %dma_start3A_64 : memref<1x78x128xi32, #tpu.memory_space<hbm>> -> memref<78x128xi32, #tpu.memory_space<hbm>>
      %dma_start3A_66 = arith.constant 0 : i32
      %dma_start3A_67 = arith.constant 0 : i32
      %dma_start3A_68 = tpu.memref_slice %arg5[%dma_start3A_66, %dma_start3A_67] : memref<79x128xi32, #tpu.memory_space<vmem>> -> memref<78x128xi32, #tpu.memory_space<vmem>>
      %dma_start3A_69 = arith.constant 0 : i32
      %dma_start3A_70 = tpu.memref_slice %arg2[%run_scoped3A, %add3A_4, %dma_start3A_69] : memref<2x2500x128xi32, #tpu.memory_space<hbm>> -> memref<1x78x128xi32, #tpu.memory_space<hbm>>
      %dma_start3A_71 = tpu.memref_squeeze %dma_start3A_70 : memref<1x78x128xi32, #tpu.memory_space<hbm>> -> memref<78x128xi32, #tpu.memory_space<hbm>>
      tpu.enqueue_dma source(%dma_start3A_71 : memref<78x128xi32, #tpu.memory_space<hbm>>) target(%dma_start3A_68 : memref<78x128xi32, #tpu.memory_space<vmem>>) target_semaphore(%run_scoped3A_59 : memref<!tpu.dma_semaphore, #tpu.memory_space<semaphore_mem>>)
      %dma_wait3A = arith.constant 0 : i32
      %dma_wait3A_72 = arith.constant 0 : i32
      %dma_wait3A_73 = tpu.memref_slice %arg5[%dma_wait3A, %dma_wait3A_72] : memref<79x128xi32, #tpu.memory_space<vmem>> -> memref<78x128xi32, #tpu.memory_space<vmem>>
      %dma_wait3A_74 = arith.constant 0 : i32
      %dma_wait3A_75 = tpu.memref_slice %arg2[%run_scoped3A, %add3A_4, %dma_wait3A_74] : memref<2x2500x128xi32, #tpu.memory_space<hbm>> -> memref<1x78x128xi32, #tpu.memory_space<hbm>>
      %dma_wait3A_76 = tpu.memref_squeeze %dma_wait3A_75 : memref<1x78x128xi32, #tpu.memory_space<hbm>> -> memref<78x128xi32, #tpu.memory_space<hbm>>
      %dma_wait3A_77 = arith.constant 0 : i32
      %dma_wait3A_78 = arith.constant 0 : i32
      %dma_wait3A_79 = tpu.memref_slice %arg5[%dma_wait3A_77, %dma_wait3A_78] : memref<79x128xi32, #tpu.memory_space<vmem>> -> memref<78x128xi32, #tpu.memory_space<vmem>>
      %dma_wait3A_80 = arith.constant 0 : i32
      %dma_wait3A_81 = tpu.memref_slice %arg2[%run_scoped3A, %add3A_4, %dma_wait3A_80] : memref<2x2500x128xi32, #tpu.memory_space<hbm>> -> memref<1x78x128xi32, #tpu.memory_space<hbm>>
      %dma_wait3A_82 = tpu.memref_squeeze %dma_wait3A_81 : memref<1x78x128xi32, #tpu.memory_space<hbm>> -> memref<78x128xi32, #tpu.memory_space<hbm>>
      tpu.wait_dma2 semaphore(%run_scoped3A_59 : memref<!tpu.dma_semaphore, #tpu.memory_space<semaphore_mem>>) src(%dma_wait3A_82 : memref<78x128xi32, #tpu.memory_space<hbm>>) dst(%dma_wait3A_79 : memref<78x128xi32, #tpu.memory_space<vmem>>)
      tpu.yield
    }) : () -> ()
    %run_scoped3A_36 = arith.constant 1 : i32
    "tpu.region"() ({
      %run_scoped3A_59 = tpu.sem_alloc : memref<!tpu.dma_semaphore, #tpu.memory_space<semaphore_mem>>
      %dma_start3A_60 = arith.constant 0 : i32
      %dma_start3A_61 = arith.constant 0 : i32
      %dma_start3A_62 = tpu.memref_slice %arg6[%dma_start3A_60, %dma_start3A_61] : memref<79x128xi32, #tpu.memory_space<vmem>> -> memref<78x128xi32, #tpu.memory_space<vmem>>
      %dma_start3A_63 = arith.constant 0 : i32
      %dma_start3A_64 = tpu.memref_slice %arg2[%run_scoped3A_36, %add3A_4, %dma_start3A_63] : memref<2x2500x128xi32, #tpu.memory_space<hbm>> -> memref<1x78x128xi32, #tpu.memory_space<hbm>>
      %dma_start3A_65 = tpu.memref_squeeze %dma_start3A_64 : memref<1x78x128xi32, #tpu.memory_space<hbm>> -> memref<78x128xi32, #tpu.memory_space<hbm>>
      %dma_start3A_66 = arith.constant 0 : i32
      %dma_start3A_67 = arith.constant 0 : i32
      %dma_start3A_68 = tpu.memref_slice %arg6[%dma_start3A_66, %dma_start3A_67] : memref<79x128xi32, #tpu.memory_space<vmem>> -> memref<78x128xi32, #tpu.memory_space<vmem>>
      %dma_start3A_69 = arith.constant 0 : i32
      %dma_start3A_70 = tpu.memref_slice %arg2[%run_scoped3A_36, %add3A_4, %dma_start3A_69] : memref<2x2500x128xi32, #tpu.memory_space<hbm>> -> memref<1x78x128xi32, #tpu.memory_space<hbm>>
      %dma_start3A_71 = tpu.memref_squeeze %dma_start3A_70 : memref<1x78x128xi32, #tpu.memory_space<hbm>> -> memref<78x128xi32, #tpu.memory_space<hbm>>
      tpu.enqueue_dma source(%dma_start3A_71 : memref<78x128xi32, #tpu.memory_space<hbm>>) target(%dma_start3A_68 : memref<78x128xi32, #tpu.memory_space<vmem>>) target_semaphore(%run_scoped3A_59 : memref<!tpu.dma_semaphore, #tpu.memory_space<semaphore_mem>>)
      %dma_wait3A = arith.constant 0 : i32
      %dma_wait3A_72 = arith.constant 0 : i32
      %dma_wait3A_73 = tpu.memref_slice %arg6[%dma_wait3A, %dma_wait3A_72] : memref<79x128xi32, #tpu.memory_space<vmem>> -> memref<78x128xi32, #tpu.memory_space<vmem>>
      %dma_wait3A_74 = arith.constant 0 : i32
      %dma_wait3A_75 = tpu.memref_slice %arg2[%run_scoped3A_36, %add3A_4, %dma_wait3A_74] : memref<2x2500x128xi32, #tpu.memory_space<hbm>> -> memref<1x78x128xi32, #tpu.memory_space<hbm>>
      %dma_wait3A_76 = tpu.memref_squeeze %dma_wait3A_75 : memref<1x78x128xi32, #tpu.memory_space<hbm>> -> memref<78x128xi32, #tpu.memory_space<hbm>>
      %dma_wait3A_77 = arith.constant 0 : i32
      %dma_wait3A_78 = arith.constant 0 : i32
      %dma_wait3A_79 = tpu.memref_slice %arg6[%dma_wait3A_77, %dma_wait3A_78] : memref<79x128xi32, #tpu.memory_space<vmem>> -> memref<78x128xi32, #tpu.memory_space<vmem>>
      %dma_wait3A_80 = arith.constant 0 : i32
      %dma_wait3A_81 = tpu.memref_slice %arg2[%run_scoped3A_36, %add3A_4, %dma_wait3A_80] : memref<2x2500x128xi32, #tpu.memory_space<hbm>> -> memref<1x78x128xi32, #tpu.memory_space<hbm>>
      %dma_wait3A_82 = tpu.memref_squeeze %dma_wait3A_81 : memref<1x78x128xi32, #tpu.memory_space<hbm>> -> memref<78x128xi32, #tpu.memory_space<hbm>>
      tpu.wait_dma2 semaphore(%run_scoped3A_59 : memref<!tpu.dma_semaphore, #tpu.memory_space<semaphore_mem>>) src(%dma_wait3A_82 : memref<78x128xi32, #tpu.memory_space<hbm>>) dst(%dma_wait3A_79 : memref<78x128xi32, #tpu.memory_space<vmem>>)
      tpu.yield
    }) : () -> ()
    %convert_element_type3A = arith.extui %lt3A_5 : i1 to i32
    %cond3A = arith.constant 0 : i32
    %cond3A_37 = arith.cmpi ne, %convert_element_type3A, %cond3A : i32
    scf.if %cond3A_37 {
      %add3A_59 = arith.constant 78 : i32
      %add3A_60 = arith.addi %add3A_4, %add3A_59 : i32
      %run_scoped3A_61 = arith.constant 0 : i32
      "tpu.region"() ({
        %run_scoped3A_65 = tpu.sem_alloc : memref<!tpu.dma_semaphore, #tpu.memory_space<semaphore_mem>>
        %dma_start3A_66 = arith.constant 78 : i32
        %dma_start3A_67 = arith.constant 0 : i32
        %dma_start3A_68 = tpu.memref_slice %arg5[%dma_start3A_66, %dma_start3A_67] : memref<79x128xi32, #tpu.memory_space<vmem>> -> memref<1x128xi32, #tpu.memory_space<vmem>>
        %dma_start3A_69 = arith.constant 0 : i32
        %dma_start3A_70 = tpu.memref_slice %arg2[%run_scoped3A_61, %add3A_60, %dma_start3A_69] : memref<2x2500x128xi32, #tpu.memory_space<hbm>> -> memref<1x1x128xi32, #tpu.memory_space<hbm>>
        %dma_start3A_71 = tpu.memref_squeeze %dma_start3A_70 : memref<1x1x128xi32, #tpu.memory_space<hbm>> -> memref<1x128xi32, #tpu.memory_space<hbm>>
        %dma_start3A_72 = arith.constant 78 : i32
        %dma_start3A_73 = arith.constant 0 : i32
        %dma_start3A_74 = tpu.memref_slice %arg5[%dma_start3A_72, %dma_start3A_73] : memref<79x128xi32, #tpu.memory_space<vmem>> -> memref<1x128xi32, #tpu.memory_space<vmem>>
        %dma_start3A_75 = arith.constant 0 : i32
        %dma_start3A_76 = tpu.memref_slice %arg2[%run_scoped3A_61, %add3A_60, %dma_start3A_75] : memref<2x2500x128xi32, #tpu.memory_space<hbm>> -> memref<1x1x128xi32, #tpu.memory_space<hbm>>
        %dma_start3A_77 = tpu.memref_squeeze %dma_start3A_76 : memref<1x1x128xi32, #tpu.memory_space<hbm>> -> memref<1x128xi32, #tpu.memory_space<hbm>>
        tpu.enqueue_dma source(%dma_start3A_77 : memref<1x128xi32, #tpu.memory_space<hbm>>) target(%dma_start3A_74 : memref<1x128xi32, #tpu.memory_space<vmem>>) target_semaphore(%run_scoped3A_65 : memref<!tpu.dma_semaphore, #tpu.memory_space<semaphore_mem>>)
        %dma_wait3A = arith.constant 78 : i32
        %dma_wait3A_78 = arith.constant 0 : i32
        %dma_wait3A_79 = tpu.memref_slice %arg5[%dma_wait3A, %dma_wait3A_78] : memref<79x128xi32, #tpu.memory_space<vmem>> -> memref<1x128xi32, #tpu.memory_space<vmem>>
        %dma_wait3A_80 = arith.constant 0 : i32
        %dma_wait3A_81 = tpu.memref_slice %arg2[%run_scoped3A_61, %add3A_60, %dma_wait3A_80] : memref<2x2500x128xi32, #tpu.memory_space<hbm>> -> memref<1x1x128xi32, #tpu.memory_space<hbm>>
        %dma_wait3A_82 = tpu.memref_squeeze %dma_wait3A_81 : memref<1x1x128xi32, #tpu.memory_space<hbm>> -> memref<1x128xi32, #tpu.memory_space<hbm>>
        %dma_wait3A_83 = arith.constant 78 : i32
        %dma_wait3A_84 = arith.constant 0 : i32
        %dma_wait3A_85 = tpu.memref_slice %arg5[%dma_wait3A_83, %dma_wait3A_84] : memref<79x128xi32, #tpu.memory_space<vmem>> -> memref<1x128xi32, #tpu.memory_space<vmem>>
        %dma_wait3A_86 = arith.constant 0 : i32
        %dma_wait3A_87 = tpu.memref_slice %arg2[%run_scoped3A_61, %add3A_60, %dma_wait3A_86] : memref<2x2500x128xi32, #tpu.memory_space<hbm>> -> memref<1x1x128xi32, #tpu.memory_space<hbm>>
        %dma_wait3A_88 = tpu.memref_squeeze %dma_wait3A_87 : memref<1x1x128xi32, #tpu.memory_space<hbm>> -> memref<1x128xi32, #tpu.memory_space<hbm>>
        tpu.wait_dma2 semaphore(%run_scoped3A_65 : memref<!tpu.dma_semaphore, #tpu.memory_space<semaphore_mem>>) src(%dma_wait3A_88 : memref<1x128xi32, #tpu.memory_space<hbm>>) dst(%dma_wait3A_85 : memref<1x128xi32, #tpu.memory_space<vmem>>)
        tpu.yield
      }) : () -> ()
      %add3A_62 = arith.constant 78 : i32
      %add3A_63 = arith.addi %add3A_4, %add3A_62 : i32
      %run_scoped3A_64 = arith.constant 1 : i32
      "tpu.region"() ({
        %run_scoped3A_65 = tpu.sem_alloc : memref<!tpu.dma_semaphore, #tpu.memory_space<semaphore_mem>>
        %dma_start3A_66 = arith.constant 78 : i32
        %dma_start3A_67 = arith.constant 0 : i32
        %dma_start3A_68 = tpu.memref_slice %arg6[%dma_start3A_66, %dma_start3A_67] : memref<79x128xi32, #tpu.memory_space<vmem>> -> memref<1x128xi32, #tpu.memory_space<vmem>>
        %dma_start3A_69 = arith.constant 0 : i32
        %dma_start3A_70 = tpu.memref_slice %arg2[%run_scoped3A_64, %add3A_63, %dma_start3A_69] : memref<2x2500x128xi32, #tpu.memory_space<hbm>> -> memref<1x1x128xi32, #tpu.memory_space<hbm>>
        %dma_start3A_71 = tpu.memref_squeeze %dma_start3A_70 : memref<1x1x128xi32, #tpu.memory_space<hbm>> -> memref<1x128xi32, #tpu.memory_space<hbm>>
        %dma_start3A_72 = arith.constant 78 : i32
        %dma_start3A_73 = arith.constant 0 : i32
        %dma_start3A_74 = tpu.memref_slice %arg6[%dma_start3A_72, %dma_start3A_73] : memref<79x128xi32, #tpu.memory_space<vmem>> -> memref<1x128xi32, #tpu.memory_space<vmem>>
        %dma_start3A_75 = arith.constant 0 : i32
        %dma_start3A_76 = tpu.memref_slice %arg2[%run_scoped3A_64, %add3A_63, %dma_start3A_75] : memref<2x2500x128xi32, #tpu.memory_space<hbm>> -> memref<1x1x128xi32, #tpu.memory_space<hbm>>
        %dma_start3A_77 = tpu.memref_squeeze %dma_start3A_76 : memref<1x1x128xi32, #tpu.memory_space<hbm>> -> memref<1x128xi32, #tpu.memory_space<hbm>>
        tpu.enqueue_dma source(%dma_start3A_77 : memref<1x128xi32, #tpu.memory_space<hbm>>) target(%dma_start3A_74 : memref<1x128xi32, #tpu.memory_space<vmem>>) target_semaphore(%run_scoped3A_65 : memref<!tpu.dma_semaphore, #tpu.memory_space<semaphore_mem>>)
        %dma_wait3A = arith.constant 78 : i32
        %dma_wait3A_78 = arith.constant 0 : i32
        %dma_wait3A_79 = tpu.memref_slice %arg6[%dma_wait3A, %dma_wait3A_78] : memref<79x128xi32, #tpu.memory_space<vmem>> -> memref<1x128xi32, #tpu.memory_space<vmem>>
        %dma_wait3A_80 = arith.constant 0 : i32
        %dma_wait3A_81 = tpu.memref_slice %arg2[%run_scoped3A_64, %add3A_63, %dma_wait3A_80] : memref<2x2500x128xi32, #tpu.memory_space<hbm>> -> memref<1x1x128xi32, #tpu.memory_space<hbm>>
        %dma_wait3A_82 = tpu.memref_squeeze %dma_wait3A_81 : memref<1x1x128xi32, #tpu.memory_space<hbm>> -> memref<1x128xi32, #tpu.memory_space<hbm>>
        %dma_wait3A_83 = arith.constant 78 : i32
        %dma_wait3A_84 = arith.constant 0 : i32
        %dma_wait3A_85 = tpu.memref_slice %arg6[%dma_wait3A_83, %dma_wait3A_84] : memref<79x128xi32, #tpu.memory_space<vmem>> -> memref<1x128xi32, #tpu.memory_space<vmem>>
        %dma_wait3A_86 = arith.constant 0 : i32
        %dma_wait3A_87 = tpu.memref_slice %arg2[%run_scoped3A_64, %add3A_63, %dma_wait3A_86] : memref<2x2500x128xi32, #tpu.memory_space<hbm>> -> memref<1x1x128xi32, #tpu.memory_space<hbm>>
        %dma_wait3A_88 = tpu.memref_squeeze %dma_wait3A_87 : memref<1x1x128xi32, #tpu.memory_space<hbm>> -> memref<1x128xi32, #tpu.memory_space<hbm>>
        tpu.wait_dma2 semaphore(%run_scoped3A_65 : memref<!tpu.dma_semaphore, #tpu.memory_space<semaphore_mem>>) src(%dma_wait3A_88 : memref<1x128xi32, #tpu.memory_space<hbm>>) dst(%dma_wait3A_85 : memref<1x128xi32, #tpu.memory_space<vmem>>)
        tpu.yield
      }) : () -> ()
    } else {
    }
    %barrier3A = arith.constant 0 : index
    tpu.barrier barrier_id(%barrier3A)
    %dma_start3A = arith.constant 0 : i32
    %dma_start3A_38 = arith.constant 0 : i32
    %dma_start3A_39 = tpu.memref_slice %arg5[%dma_start3A, %dma_start3A_38] : memref<79x128xi32, #tpu.memory_space<vmem>> -> memref<1x128xi32, #tpu.memory_space<vmem>>
    %dma_start3A_40 = tpu.memref_squeeze %dma_start3A_39 : memref<1x128xi32, #tpu.memory_space<vmem>> -> memref<128xi32, #tpu.memory_space<vmem>>
    %dma_start3A_41 = arith.constant 0 : i32
    %dma_start3A_42 = arith.constant 0 : i32
    %dma_start3A_43 = tpu.memref_slice %arg9[%dma_start3A_41, %dma_start3A_42] : memref<10000x64xf32, #tpu.memory_space<vmem_shared>> -> memref<10000x64xf32, #tpu.memory_space<vmem_shared>>
    tpu.enqueue_indirect_dma source(%dma_start3A_43 : memref<10000x64xf32, #tpu.memory_space<vmem_shared>>) target(%arg7 : memref<128x64xf32, #tpu.memory_space<vmem>>) offsets(%dma_start3A_40 : memref<128xi32, #tpu.memory_space<vmem>>) semaphore(%arg11 : memref<!tpu.dma_semaphore, #tpu.memory_space<semaphore_mem>>)
    %scan3A_44 = arith.constant 0 : i32
    %scan3A_45 = arith.constant 0 : i32
    %scan3A_46 = arith.constant 39 : i32
    %scan3A_47 = arith.addi %scan3A_45, %scan3A_46 : i32
    %scan3A_48 = arith.constant 1 : i32
    %scan3A_49 = scf.for %scan3A_59 = %scan3A_45 to %scan3A_47 step %scan3A_48 iter_args(%scan3A_60 = %scan3A_44) -> (i32)  : i32 {
      %mul3A_61 = arith.constant 2 : i32
      %mul3A_62 = arith.muli %mul3A_61, %scan3A_59 : i32
      %add3A_63 = arith.constant 1 : i32
      %add3A_64 = arith.addi %mul3A_62, %add3A_63 : i32
      %dma_start3A_65 = arith.constant 0 : i32
      %dma_start3A_66 = tpu.memref_slice %arg5[%add3A_64, %dma_start3A_65] : memref<79x128xi32, #tpu.memory_space<vmem>> -> memref<1x128xi32, #tpu.memory_space<vmem>>
      %dma_start3A_67 = tpu.memref_squeeze %dma_start3A_66 : memref<1x128xi32, #tpu.memory_space<vmem>> -> memref<128xi32, #tpu.memory_space<vmem>>
      %dma_start3A_68 = arith.constant 0 : i32
      %dma_start3A_69 = arith.constant 0 : i32
      %dma_start3A_70 = tpu.memref_slice %arg9[%dma_start3A_68, %dma_start3A_69] : memref<10000x64xf32, #tpu.memory_space<vmem_shared>> -> memref<10000x64xf32, #tpu.memory_space<vmem_shared>>
      tpu.enqueue_indirect_dma source(%dma_start3A_70 : memref<10000x64xf32, #tpu.memory_space<vmem_shared>>) target(%arg8 : memref<128x64xf32, #tpu.memory_space<vmem>>) offsets(%dma_start3A_67 : memref<128xi32, #tpu.memory_space<vmem>>) semaphore(%arg12 : memref<!tpu.dma_semaphore, #tpu.memory_space<semaphore_mem>>)
      %dma_wait3A = arith.constant 0 : i32
      %dma_wait3A_71 = tpu.memref_slice %arg5[%mul3A_62, %dma_wait3A] : memref<79x128xi32, #tpu.memory_space<vmem>> -> memref<1x128xi32, #tpu.memory_space<vmem>>
      %dma_wait3A_72 = tpu.memref_squeeze %dma_wait3A_71 : memref<1x128xi32, #tpu.memory_space<vmem>> -> memref<128xi32, #tpu.memory_space<vmem>>
      %dma_wait3A_73 = arith.constant 0 : i32
      %dma_wait3A_74 = arith.constant 0 : i32
      %dma_wait3A_75 = tpu.memref_slice %arg9[%dma_wait3A_73, %dma_wait3A_74] : memref<10000x64xf32, #tpu.memory_space<vmem_shared>> -> memref<10000x64xf32, #tpu.memory_space<vmem_shared>>
      tpu.wait_indirect_dma semaphore(%arg11 : memref<!tpu.dma_semaphore, #tpu.memory_space<semaphore_mem>>) src(%dma_wait3A_75 : memref<10000x64xf32, #tpu.memory_space<vmem_shared>>) dst(%arg7 : memref<128x64xf32, #tpu.memory_space<vmem>>)
      "tpu.region"() ({
        %run_scoped3A_92 = tpu.sem_alloc : memref<!tpu.dma_semaphore, #tpu.memory_space<semaphore_mem>>
        %dma_start3A_93 = arith.constant 0 : i32
        %dma_start3A_94 = tpu.memref_slice %arg6[%mul3A_62, %dma_start3A_93] : memref<79x128xi32, #tpu.memory_space<vmem>> -> memref<1x128xi32, #tpu.memory_space<vmem>>
        %dma_start3A_95 = tpu.memref_squeeze %dma_start3A_94 : memref<1x128xi32, #tpu.memory_space<vmem>> -> memref<128xi32, #tpu.memory_space<vmem>>
        %dma_start3A_96 = arith.constant 0 : i32
        %dma_start3A_97 = arith.constant 0 : i32
        %dma_start3A_98 = tpu.memref_slice %arg10[%dma_start3A_96, %dma_start3A_97] : memref<10112x64xf32, #tpu.memory_space<vmem_shared>> -> memref<10112x64xf32, #tpu.memory_space<vmem_shared>>
        tpu.enqueue_indirect_dma source(%arg7 : memref<128x64xf32, #tpu.memory_space<vmem>>) target(%dma_start3A_98 : memref<10112x64xf32, #tpu.memory_space<vmem_shared>>) offsets(%dma_start3A_95 : memref<128xi32, #tpu.memory_space<vmem>>) semaphore(%run_scoped3A_92 : memref<!tpu.dma_semaphore, #tpu.memory_space<semaphore_mem>>) {add = true}
        %dma_wait3A_99 = arith.constant 0 : i32
        %dma_wait3A_100 = tpu.memref_slice %arg6[%mul3A_62, %dma_wait3A_99] : memref<79x128xi32, #tpu.memory_space<vmem>> -> memref<1x128xi32, #tpu.memory_space<vmem>>
        %dma_wait3A_101 = tpu.memref_squeeze %dma_wait3A_100 : memref<1x128xi32, #tpu.memory_space<vmem>> -> memref<128xi32, #tpu.memory_space<vmem>>
        %dma_wait3A_102 = arith.constant 0 : i32
        %dma_wait3A_103 = arith.constant 0 : i32
        %dma_wait3A_104 = tpu.memref_slice %arg10[%dma_wait3A_102, %dma_wait3A_103] : memref<10112x64xf32, #tpu.memory_space<vmem_shared>> -> memref<10112x64xf32, #tpu.memory_space<vmem_shared>>
        tpu.wait_indirect_dma semaphore(%run_scoped3A_92 : memref<!tpu.dma_semaphore, #tpu.memory_space<semaphore_mem>>) src(%arg7 : memref<128x64xf32, #tpu.memory_space<vmem>>) dst(%dma_wait3A_104 : memref<10112x64xf32, #tpu.memory_space<vmem_shared>>)
        tpu.yield
      }) : () -> ()
      %lt3A_76 = arith.constant 38 : i32
      %lt3A_77 = arith.cmpi slt, %scan3A_59, %lt3A_76 : i32
      %convert_element_type3A_78 = arith.extui %lt3A_77 : i1 to i32
      %cond3A_79 = arith.constant 0 : i32
      %cond3A_80 = arith.cmpi ne, %convert_element_type3A_78, %cond3A_79 : i32
      scf.if %cond3A_80 {
        %add3A_92 = arith.constant 2 : i32
        %add3A_93 = arith.addi %mul3A_62, %add3A_92 : i32
        %dma_start3A_94 = arith.constant 0 : i32
        %dma_start3A_95 = tpu.memref_slice %arg5[%add3A_93, %dma_start3A_94] : memref<79x128xi32, #tpu.memory_space<vmem>> -> memref<1x128xi32, #tpu.memory_space<vmem>>
        %dma_start3A_96 = tpu.memref_squeeze %dma_start3A_95 : memref<1x128xi32, #tpu.memory_space<vmem>> -> memref<128xi32, #tpu.memory_space<vmem>>
        %dma_start3A_97 = arith.constant 0 : i32
        %dma_start3A_98 = arith.constant 0 : i32
        %dma_start3A_99 = tpu.memref_slice %arg9[%dma_start3A_97, %dma_start3A_98] : memref<10000x64xf32, #tpu.memory_space<vmem_shared>> -> memref<10000x64xf32, #tpu.memory_space<vmem_shared>>
        tpu.enqueue_indirect_dma source(%dma_start3A_99 : memref<10000x64xf32, #tpu.memory_space<vmem_shared>>) target(%arg7 : memref<128x64xf32, #tpu.memory_space<vmem>>) offsets(%dma_start3A_96 : memref<128xi32, #tpu.memory_space<vmem>>) semaphore(%arg11 : memref<!tpu.dma_semaphore, #tpu.memory_space<semaphore_mem>>)
      } else {
      }
      %add3A_81 = arith.constant 1 : i32
      %add3A_82 = arith.addi %mul3A_62, %add3A_81 : i32
      %dma_wait3A_83 = arith.constant 0 : i32
      %dma_wait3A_84 = tpu.memref_slice %arg5[%add3A_82, %dma_wait3A_83] : memref<79x128xi32, #tpu.memory_space<vmem>> -> memref<1x128xi32, #tpu.memory_space<vmem>>
      %dma_wait3A_85 = tpu.memref_squeeze %dma_wait3A_84 : memref<1x128xi32, #tpu.memory_space<vmem>> -> memref<128xi32, #tpu.memory_space<vmem>>
      %dma_wait3A_86 = arith.constant 0 : i32
      %dma_wait3A_87 = arith.constant 0 : i32
      %dma_wait3A_88 = tpu.memref_slice %arg9[%dma_wait3A_86, %dma_wait3A_87] : memref<10000x64xf32, #tpu.memory_space<vmem_shared>> -> memref<10000x64xf32, #tpu.memory_space<vmem_shared>>
      tpu.wait_indirect_dma semaphore(%arg12 : memref<!tpu.dma_semaphore, #tpu.memory_space<semaphore_mem>>) src(%dma_wait3A_88 : memref<10000x64xf32, #tpu.memory_space<vmem_shared>>) dst(%arg8 : memref<128x64xf32, #tpu.memory_space<vmem>>)
      %add3A_89 = arith.constant 1 : i32
      %add3A_90 = arith.addi %mul3A_62, %add3A_89 : i32
      "tpu.region"() ({
        %run_scoped3A_92 = tpu.sem_alloc : memref<!tpu.dma_semaphore, #tpu.memory_space<semaphore_mem>>
        %dma_start3A_93 = arith.constant 0 : i32
        %dma_start3A_94 = tpu.memref_slice %arg6[%add3A_90, %dma_start3A_93] : memref<79x128xi32, #tpu.memory_space<vmem>> -> memref<1x128xi32, #tpu.memory_space<vmem>>
        %dma_start3A_95 = tpu.memref_squeeze %dma_start3A_94 : memref<1x128xi32, #tpu.memory_space<vmem>> -> memref<128xi32, #tpu.memory_space<vmem>>
        %dma_start3A_96 = arith.constant 0 : i32
        %dma_start3A_97 = arith.constant 0 : i32
        %dma_start3A_98 = tpu.memref_slice %arg10[%dma_start3A_96, %dma_start3A_97] : memref<10112x64xf32, #tpu.memory_space<vmem_shared>> -> memref<10112x64xf32, #tpu.memory_space<vmem_shared>>
        tpu.enqueue_indirect_dma source(%arg8 : memref<128x64xf32, #tpu.memory_space<vmem>>) target(%dma_start3A_98 : memref<10112x64xf32, #tpu.memory_space<vmem_shared>>) offsets(%dma_start3A_95 : memref<128xi32, #tpu.memory_space<vmem>>) semaphore(%run_scoped3A_92 : memref<!tpu.dma_semaphore, #tpu.memory_space<semaphore_mem>>) {add = true}
        %dma_wait3A_99 = arith.constant 0 : i32
        %dma_wait3A_100 = tpu.memref_slice %arg6[%add3A_90, %dma_wait3A_99] : memref<79x128xi32, #tpu.memory_space<vmem>> -> memref<1x128xi32, #tpu.memory_space<vmem>>
        %dma_wait3A_101 = tpu.memref_squeeze %dma_wait3A_100 : memref<1x128xi32, #tpu.memory_space<vmem>> -> memref<128xi32, #tpu.memory_space<vmem>>
        %dma_wait3A_102 = arith.constant 0 : i32
        %dma_wait3A_103 = arith.constant 0 : i32
        %dma_wait3A_104 = tpu.memref_slice %arg10[%dma_wait3A_102, %dma_wait3A_103] : memref<10112x64xf32, #tpu.memory_space<vmem_shared>> -> memref<10112x64xf32, #tpu.memory_space<vmem_shared>>
        tpu.wait_indirect_dma semaphore(%run_scoped3A_92 : memref<!tpu.dma_semaphore, #tpu.memory_space<semaphore_mem>>) src(%arg8 : memref<128x64xf32, #tpu.memory_space<vmem>>) dst(%dma_wait3A_104 : memref<10112x64xf32, #tpu.memory_space<vmem_shared>>)
        tpu.yield
      }) : () -> ()
      %scan3A_91 = arith.constant 0 : i32
      scf.yield %scan3A_91 : i32
    }
    %scan3A_50 = arith.constant 39 : i32
    %convert_element_type3A_51 = arith.extui %lt3A_5 : i1 to i32
    %cond3A_52 = arith.constant 0 : i32
    %cond3A_53 = arith.cmpi ne, %convert_element_type3A_51, %cond3A_52 : i32
    scf.if %cond3A_53 {
      %dma_start3A_59 = arith.constant 78 : i32
      %dma_start3A_60 = arith.constant 0 : i32
      %dma_start3A_61 = tpu.memref_slice %arg5[%dma_start3A_59, %dma_start3A_60] : memref<79x128xi32, #tpu.memory_space<vmem>> -> memref<1x128xi32, #tpu.memory_space<vmem>>
      %dma_start3A_62 = tpu.memref_squeeze %dma_start3A_61 : memref<1x128xi32, #tpu.memory_space<vmem>> -> memref<128xi32, #tpu.memory_space<vmem>>
      %dma_start3A_63 = arith.constant 0 : i32
      %dma_start3A_64 = arith.constant 0 : i32
      %dma_start3A_65 = tpu.memref_slice %arg9[%dma_start3A_63, %dma_start3A_64] : memref<10000x64xf32, #tpu.memory_space<vmem_shared>> -> memref<10000x64xf32, #tpu.memory_space<vmem_shared>>
      tpu.enqueue_indirect_dma source(%dma_start3A_65 : memref<10000x64xf32, #tpu.memory_space<vmem_shared>>) target(%arg7 : memref<128x64xf32, #tpu.memory_space<vmem>>) offsets(%dma_start3A_62 : memref<128xi32, #tpu.memory_space<vmem>>) semaphore(%arg11 : memref<!tpu.dma_semaphore, #tpu.memory_space<semaphore_mem>>)
      %dma_wait3A = arith.constant 78 : i32
      %dma_wait3A_66 = arith.constant 0 : i32
      %dma_wait3A_67 = tpu.memref_slice %arg5[%dma_wait3A, %dma_wait3A_66] : memref<79x128xi32, #tpu.memory_space<vmem>> -> memref<1x128xi32, #tpu.memory_space<vmem>>
      %dma_wait3A_68 = tpu.memref_squeeze %dma_wait3A_67 : memref<1x128xi32, #tpu.memory_space<vmem>> -> memref<128xi32, #tpu.memory_space<vmem>>
      %dma_wait3A_69 = arith.constant 0 : i32
      %dma_wait3A_70 = arith.constant 0 : i32
      %dma_wait3A_71 = tpu.memref_slice %arg9[%dma_wait3A_69, %dma_wait3A_70] : memref<10000x64xf32, #tpu.memory_space<vmem_shared>> -> memref<10000x64xf32, #tpu.memory_space<vmem_shared>>
      tpu.wait_indirect_dma semaphore(%arg11 : memref<!tpu.dma_semaphore, #tpu.memory_space<semaphore_mem>>) src(%dma_wait3A_71 : memref<10000x64xf32, #tpu.memory_space<vmem_shared>>) dst(%arg7 : memref<128x64xf32, #tpu.memory_space<vmem>>)
      %run_scoped3A_72 = arith.constant 78 : i32
      "tpu.region"() ({
        %run_scoped3A_73 = tpu.sem_alloc : memref<!tpu.dma_semaphore, #tpu.memory_space<semaphore_mem>>
        %dma_start3A_74 = arith.constant 0 : i32
        %dma_start3A_75 = tpu.memref_slice %arg6[%run_scoped3A_72, %dma_start3A_74] : memref<79x128xi32, #tpu.memory_space<vmem>> -> memref<1x128xi32, #tpu.memory_space<vmem>>
        %dma_start3A_76 = tpu.memref_squeeze %dma_start3A_75 : memref<1x128xi32, #tpu.memory_space<vmem>> -> memref<128xi32, #tpu.memory_space<vmem>>
        %dma_start3A_77 = arith.constant 0 : i32
        %dma_start3A_78 = arith.constant 0 : i32
        %dma_start3A_79 = tpu.memref_slice %arg10[%dma_start3A_77, %dma_start3A_78] : memref<10112x64xf32, #tpu.memory_space<vmem_shared>> -> memref<10112x64xf32, #tpu.memory_space<vmem_shared>>
        tpu.enqueue_indirect_dma source(%arg7 : memref<128x64xf32, #tpu.memory_space<vmem>>) target(%dma_start3A_79 : memref<10112x64xf32, #tpu.memory_space<vmem_shared>>) offsets(%dma_start3A_76 : memref<128xi32, #tpu.memory_space<vmem>>) semaphore(%run_scoped3A_73 : memref<!tpu.dma_semaphore, #tpu.memory_space<semaphore_mem>>) {add = true}
        %dma_wait3A_80 = arith.constant 0 : i32
        %dma_wait3A_81 = tpu.memref_slice %arg6[%run_scoped3A_72, %dma_wait3A_80] : memref<79x128xi32, #tpu.memory_space<vmem>> -> memref<1x128xi32, #tpu.memory_space<vmem>>
        %dma_wait3A_82 = tpu.memref_squeeze %dma_wait3A_81 : memref<1x128xi32, #tpu.memory_space<vmem>> -> memref<128xi32, #tpu.memory_space<vmem>>
        %dma_wait3A_83 = arith.constant 0 : i32
        %dma_wait3A_84 = arith.constant 0 : i32
        %dma_wait3A_85 = tpu.memref_slice %arg10[%dma_wait3A_83, %dma_wait3A_84] : memref<10112x64xf32, #tpu.memory_space<vmem_shared>> -> memref<10112x64xf32, #tpu.memory_space<vmem_shared>>
        tpu.wait_indirect_dma semaphore(%run_scoped3A_73 : memref<!tpu.dma_semaphore, #tpu.memory_space<semaphore_mem>>) src(%arg7 : memref<128x64xf32, #tpu.memory_space<vmem>>) dst(%dma_wait3A_85 : memref<10112x64xf32, #tpu.memory_space<vmem_shared>>)
        tpu.yield
      }) : () -> ()
    } else {
    }
    %barrier3A_54 = arith.constant 0 : index
    tpu.barrier barrier_id(%barrier3A_54)
    %mul3A_55 = arith.constant 632 : i32
    %mul3A_56 = arith.muli %arg1, %mul3A_55 : i32
    %mul3A_57 = arith.constant 632 : i32
    %mul3A_58 = arith.muli %arg1, %mul3A_57 : i32
    "tpu.region"() ({
      %run_scoped3A_59 = tpu.sem_alloc : memref<!tpu.dma_semaphore, #tpu.memory_space<semaphore_mem>>
      %dma_start3A_60 = arith.constant 0 : i32
      %dma_start3A_61 = tpu.memref_slice %arg4[%arg0, %mul3A_58, %dma_start3A_60] : memref<2x10112x64xf32, #tpu.memory_space<hbm>> -> memref<1x632x64xf32, #tpu.memory_space<hbm>>
      %dma_start3A_62 = tpu.memref_squeeze %dma_start3A_61 : memref<1x632x64xf32, #tpu.memory_space<hbm>> -> memref<632x64xf32, #tpu.memory_space<hbm>>
      %dma_start3A_63 = arith.constant 0 : i32
      %dma_start3A_64 = tpu.memref_slice %arg10[%mul3A_56, %dma_start3A_63] : memref<10112x64xf32, #tpu.memory_space<vmem_shared>> -> memref<632x64xf32, #tpu.memory_space<vmem_shared>>
      tpu.enqueue_dma source(%dma_start3A_64 : memref<632x64xf32, #tpu.memory_space<vmem_shared>>) target(%dma_start3A_62 : memref<632x64xf32, #tpu.memory_space<hbm>>) target_semaphore(%run_scoped3A_59 : memref<!tpu.dma_semaphore, #tpu.memory_space<semaphore_mem>>)
      %dma_wait3A = arith.constant 0 : i32
      %dma_wait3A_65 = tpu.memref_slice %arg4[%arg0, %mul3A_58, %dma_wait3A] : memref<2x10112x64xf32, #tpu.memory_space<hbm>> -> memref<1x632x64xf32, #tpu.memory_space<hbm>>
      %dma_wait3A_66 = tpu.memref_squeeze %dma_wait3A_65 : memref<1x632x64xf32, #tpu.memory_space<hbm>> -> memref<632x64xf32, #tpu.memory_space<hbm>>
      %dma_wait3A_67 = arith.constant 0 : i32
      %dma_wait3A_68 = tpu.memref_slice %arg10[%mul3A_56, %dma_wait3A_67] : memref<10112x64xf32, #tpu.memory_space<vmem_shared>> -> memref<632x64xf32, #tpu.memory_space<vmem_shared>>
      tpu.wait_dma2 semaphore(%run_scoped3A_59 : memref<!tpu.dma_semaphore, #tpu.memory_space<semaphore_mem>>) src(%dma_wait3A_68 : memref<632x64xf32, #tpu.memory_space<vmem_shared>>) dst(%dma_wait3A_66 : memref<632x64xf32, #tpu.memory_space<hbm>>)
      tpu.yield
    }) : () -> ()
    return
  }
}

#map = affine_map<(d0, d1) -> (0, 0, 0)>
#map1 = affine_map<(d0, d1) -> (0, 0)>
module attributes {stable_mosaic.version = 14 : i64} {
  func.func @_prop(%arg0: i32, %arg1: i32, %arg2: memref<2x2500x128xi32, #tpu.memory_space<hbm>>, %arg3: memref<10000x64xf32, #tpu.memory_space<hbm>>, %arg4: memref<2x10112x64xf32, #tpu.memory_space<hbm>>, %arg5: memref<79x128xi32, #tpu.memory_space<vmem>>, %arg6: memref<79x128xi32, #tpu.memory_space<vmem>>, %arg7: memref<128x64xf32, #tpu.memory_space<vmem>>, %arg8: memref<128x64xf32, #tpu.memory_space<vmem>>, %arg9: memref<10000x64xf32, #tpu.memory_space<vmem_shared>>, %arg10: memref<10112x64xf32, #tpu.memory_space<vmem_shared>>, %arg11: memref<!tpu.dma_semaphore, #tpu.memory_space<semaphore_mem>>, %arg12: memref<!tpu.dma_semaphore, #tpu.memory_space<semaphore_mem>>) attributes {dimension_semantics = [#tpu.dimension_semantics<core_parallel>, #tpu.dimension_semantics<subcore_parallel>], iteration_bounds = array<i64: 2, 16>, scalar_prefetch = 0 : i64, scratch_operands = 8 : i64, tpu.core_type = #tpu.core_type<sc_vector_subcore>, window_params = [{transform_indices = #map}, {transform_indices = #map1}, {transform_indices = #map}]} {
    %mul3A = arith.constant 2 : i32
    %mul3A_0 = arith.muli %arg1, %mul3A : i32
    %add3A = arith.addi %mul3A_0, %arg0 : i32
    %mul3A_1 = arith.constant 78 : i32
    %mul3A_2 = arith.muli %add3A, %mul3A_1 : i32
    %min3A = arith.constant 4 : i32
    %min3A_3 = arith.minsi %add3A, %min3A : i32
    %add3A_4 = arith.addi %mul3A_2, %min3A_3 : i32
    %lt3A = arith.constant 4 : i32
    %lt3A_5 = arith.cmpi slt, %add3A, %lt3A : i32
    %scan3A = arith.constant 0 : i32
    %scan3A_6 = arith.constant 0 : i32
    %scan3A_7 = arith.constant 128 : i32
    %scan3A_8 = arith.addi %scan3A_6, %scan3A_7 : i32
    %scan3A_9 = arith.constant 1 : i32
    %scan3A_10 = scf.for %scan3A_59 = %scan3A_6 to %scan3A_8 step %scan3A_9 iter_args(%scan3A_60 = %scan3A) -> (i32)  : i32 {
      %broadcast_in_dim3A = arith.constant 0.000000e+00 : f32
      %broadcast_in_dim3A_61 = vector.broadcast %broadcast_in_dim3A : f32 to vector<16xf32>
      %swap3A = arith.index_cast %scan3A_59 : i32 to index
      %swap3A_62 = arith.constant 0 : index
      %swap3A_63 = tpu.vector_load %arg7[%swap3A, %swap3A_62] {strides = array<i32>} : memref<128x64xf32, #tpu.memory_space<vmem>>, vector<1x16xf32>,
      %swap3A_64 = vector.shape_cast %swap3A_63 : vector<1x16xf32> to vector<16xf32>
      %swap3A_65 = vector.shape_cast %broadcast_in_dim3A_61 : vector<16xf32> to vector<1x16xf32>
      tpu.vector_store %arg7[%swap3A, %swap3A_62], %swap3A_65 {strides = array<i32>} : memref<128x64xf32, #tpu.memory_space<vmem>>, vector<1x16xf32>,
      %broadcast_in_dim3A_66 = arith.constant 0.000000e+00 : f32
      %broadcast_in_dim3A_67 = vector.broadcast %broadcast_in_dim3A_66 : f32 to vector<16xf32>
      %swap3A_68 = arith.index_cast %scan3A_59 : i32 to index
      %swap3A_69 = arith.constant 16 : index
      %swap3A_70 = tpu.vector_load %arg7[%swap3A_68, %swap3A_69] {strides = array<i32>} : memref<128x64xf32, #tpu.memory_space<vmem>>, vector<1x16xf32>,
      %swap3A_71 = vector.shape_cast %swap3A_70 : vector<1x16xf32> to vector<16xf32>
      %swap3A_72 = vector.shape_cast %broadcast_in_dim3A_67 : vector<16xf32> to vector<1x16xf32>
      tpu.vector_store %arg7[%swap3A_68, %swap3A_69], %swap3A_72 {strides = array<i32>} : memref<128x64xf32, #tpu.memory_space<vmem>>, vector<1x16xf32>,
      %broadcast_in_dim3A_73 = arith.constant 0.000000e+00 : f32
      %broadcast_in_dim3A_74 = vector.broadcast %broadcast_in_dim3A_73 : f32 to vector<16xf32>
      %swap3A_75 = arith.index_cast %scan3A_59 : i32 to index
      %swap3A_76 = arith.constant 32 : index
      %swap3A_77 = tpu.vector_load %arg7[%swap3A_75, %swap3A_76] {strides = array<i32>} : memref<128x64xf32, #tpu.memory_space<vmem>>, vector<1x16xf32>,
      %swap3A_78 = vector.shape_cast %swap3A_77 : vector<1x16xf32> to vector<16xf32>
      %swap3A_79 = vector.shape_cast %broadcast_in_dim3A_74 : vector<16xf32> to vector<1x16xf32>
      tpu.vector_store %arg7[%swap3A_75, %swap3A_76], %swap3A_79 {strides = array<i32>} : memref<128x64xf32, #tpu.memory_space<vmem>>, vector<1x16xf32>,
      %broadcast_in_dim3A_80 = arith.constant 0.000000e+00 : f32
      %broadcast_in_dim3A_81 = vector.broadcast %broadcast_in_dim3A_80 : f32 to vector<16xf32>
      %swap3A_82 = arith.index_cast %scan3A_59 : i32 to index
      %swap3A_83 = arith.constant 48 : index
      %swap3A_84 = tpu.vector_load %arg7[%swap3A_82, %swap3A_83] {strides = array<i32>} : memref<128x64xf32, #tpu.memory_space<vmem>>, vector<1x16xf32>,
      %swap3A_85 = vector.shape_cast %swap3A_84 : vector<1x16xf32> to vector<16xf32>
      %swap3A_86 = vector.shape_cast %broadcast_in_dim3A_81 : vector<16xf32> to vector<1x16xf32>
      tpu.vector_store %arg7[%swap3A_82, %swap3A_83], %swap3A_86 {strides = array<i32>} : memref<128x64xf32, #tpu.memory_space<vmem>>, vector<1x16xf32>,
      %scan3A_87 = arith.constant 0 : i32
      scf.yield %scan3A_87 : i32
    }
    %scan3A_11 = arith.constant 128 : i32
    %mul3A_12 = arith.constant 632 : i32
    %mul3A_13 = arith.muli %arg1, %mul3A_12 : i32
    %add3A_14 = arith.constant 0 : i32
    %add3A_15 = arith.addi %mul3A_13, %add3A_14 : i32
    "tpu.region"() ({
      %run_scoped3A_59 = tpu.sem_alloc : memref<!tpu.dma_semaphore, #tpu.memory_space<semaphore_mem>>
      %dma_start3A_60 = arith.constant 0 : i32
      %dma_start3A_61 = tpu.memref_slice %arg10[%add3A_15, %dma_start3A_60] : memref<10112x64xf32, #tpu.memory_space<vmem_shared>> -> memref<128x64xf32, #tpu.memory_space<vmem_shared>>
      %dma_start3A_62 = arith.constant 0 : i32
      %dma_start3A_63 = tpu.memref_slice %arg10[%add3A_15, %dma_start3A_62] : memref<10112x64xf32, #tpu.memory_space<vmem_shared>> -> memref<128x64xf32, #tpu.memory_space<vmem_shared>>
      tpu.enqueue_dma source(%arg7 : memref<128x64xf32, #tpu.memory_space<vmem>>) target(%dma_start3A_63 : memref<128x64xf32, #tpu.memory_space<vmem_shared>>) target_semaphore(%run_scoped3A_59 : memref<!tpu.dma_semaphore, #tpu.memory_space<semaphore_mem>>)
      %dma_wait3A = arith.constant 0 : i32
      %dma_wait3A_64 = tpu.memref_slice %arg10[%add3A_15, %dma_wait3A] : memref<10112x64xf32, #tpu.memory_space<vmem_shared>> -> memref<128x64xf32, #tpu.memory_space<vmem_shared>>
      %dma_wait3A_65 = arith.constant 0 : i32
      %dma_wait3A_66 = tpu.memref_slice %arg10[%add3A_15, %dma_wait3A_65] : memref<10112x64xf32, #tpu.memory_space<vmem_shared>> -> memref<128x64xf32, #tpu.memory_space<vmem_shared>>
      tpu.wait_dma2 semaphore(%run_scoped3A_59 : memref<!tpu.dma_semaphore, #tpu.memory_space<semaphore_mem>>) src(%arg7 : memref<128x64xf32, #tpu.memory_space<vmem>>) dst(%dma_wait3A_66 : memref<128x64xf32, #tpu.memory_space<vmem_shared>>)
      tpu.yield
    }) : () -> ()
    %mul3A_16 = arith.constant 632 : i32
    %mul3A_17 = arith.muli %arg1, %mul3A_16 : i32
    %add3A_18 = arith.constant 128 : i32
    %add3A_19 = arith.addi %mul3A_17, %add3A_18 : i32
    "tpu.region"() ({
      %run_scoped3A_59 = tpu.sem_alloc : memref<!tpu.dma_semaphore, #tpu.memory_space<semaphore_mem>>
      %dma_start3A_60 = arith.constant 0 : i32
      %dma_start3A_61 = tpu.memref_slice %arg10[%add3A_19, %dma_start3A_60] : memref<10112x64xf32, #tpu.memory_space<vmem_shared>> -> memref<128x64xf32, #tpu.memory_space<vmem_shared>>
      %dma_start3A_62 = arith.constant 0 : i32
      %dma_start3A_63 = tpu.memref_slice %arg10[%add3A_19, %dma_start3A_62] : memref<10112x64xf32, #tpu.memory_space<vmem_shared>> -> memref<128x64xf32, #tpu.memory_space<vmem_shared>>
      tpu.enqueue_dma source(%arg7 : memref<128x64xf32, #tpu.memory_space<vmem>>) target(%dma_start3A_63 : memref<128x64xf32, #tpu.memory_space<vmem_shared>>) target_semaphore(%run_scoped3A_59 : memref<!tpu.dma_semaphore, #tpu.memory_space<semaphore_mem>>)
      %dma_wait3A = arith.constant 0 : i32
      %dma_wait3A_64 = tpu.memref_slice %arg10[%add3A_19, %dma_wait3A] : memref<10112x64xf32, #tpu.memory_space<vmem_shared>> -> memref<128x64xf32, #tpu.memory_space<vmem_shared>>
      %dma_wait3A_65 = arith.constant 0 : i32
      %dma_wait3A_66 = tpu.memref_slice %arg10[%add3A_19, %dma_wait3A_65] : memref<10112x64xf32, #tpu.memory_space<vmem_shared>> -> memref<128x64xf32, #tpu.memory_space<vmem_shared>>
      tpu.wait_dma2 semaphore(%run_scoped3A_59 : memref<!tpu.dma_semaphore, #tpu.memory_space<semaphore_mem>>) src(%arg7 : memref<128x64xf32, #tpu.memory_space<vmem>>) dst(%dma_wait3A_66 : memref<128x64xf32, #tpu.memory_space<vmem_shared>>)
      tpu.yield
    }) : () -> ()
    %mul3A_20 = arith.constant 632 : i32
    %mul3A_21 = arith.muli %arg1, %mul3A_20 : i32
    %add3A_22 = arith.constant 256 : i32
    %add3A_23 = arith.addi %mul3A_21, %add3A_22 : i32
    "tpu.region"() ({
      %run_scoped3A_59 = tpu.sem_alloc : memref<!tpu.dma_semaphore, #tpu.memory_space<semaphore_mem>>
      %dma_start3A_60 = arith.constant 0 : i32
      %dma_start3A_61 = tpu.memref_slice %arg10[%add3A_23, %dma_start3A_60] : memref<10112x64xf32, #tpu.memory_space<vmem_shared>> -> memref<128x64xf32, #tpu.memory_space<vmem_shared>>
      %dma_start3A_62 = arith.constant 0 : i32
      %dma_start3A_63 = tpu.memref_slice %arg10[%add3A_23, %dma_start3A_62] : memref<10112x64xf32, #tpu.memory_space<vmem_shared>> -> memref<128x64xf32, #tpu.memory_space<vmem_shared>>
      tpu.enqueue_dma source(%arg7 : memref<128x64xf32, #tpu.memory_space<vmem>>) target(%dma_start3A_63 : memref<128x64xf32, #tpu.memory_space<vmem_shared>>) target_semaphore(%run_scoped3A_59 : memref<!tpu.dma_semaphore, #tpu.memory_space<semaphore_mem>>)
      %dma_wait3A = arith.constant 0 : i32
      %dma_wait3A_64 = tpu.memref_slice %arg10[%add3A_23, %dma_wait3A] : memref<10112x64xf32, #tpu.memory_space<vmem_shared>> -> memref<128x64xf32, #tpu.memory_space<vmem_shared>>
      %dma_wait3A_65 = arith.constant 0 : i32
      %dma_wait3A_66 = tpu.memref_slice %arg10[%add3A_23, %dma_wait3A_65] : memref<10112x64xf32, #tpu.memory_space<vmem_shared>> -> memref<128x64xf32, #tpu.memory_space<vmem_shared>>
      tpu.wait_dma2 semaphore(%run_scoped3A_59 : memref<!tpu.dma_semaphore, #tpu.memory_space<semaphore_mem>>) src(%arg7 : memref<128x64xf32, #tpu.memory_space<vmem>>) dst(%dma_wait3A_66 : memref<128x64xf32, #tpu.memory_space<vmem_shared>>)
      tpu.yield
    }) : () -> ()
    %mul3A_24 = arith.constant 632 : i32
    %mul3A_25 = arith.muli %arg1, %mul3A_24 : i32
    %add3A_26 = arith.constant 384 : i32
    %add3A_27 = arith.addi %mul3A_25, %add3A_26 : i32
    "tpu.region"() ({
      %run_scoped3A_59 = tpu.sem_alloc : memref<!tpu.dma_semaphore, #tpu.memory_space<semaphore_mem>>
      %dma_start3A_60 = arith.constant 0 : i32
      %dma_start3A_61 = tpu.memref_slice %arg10[%add3A_27, %dma_start3A_60] : memref<10112x64xf32, #tpu.memory_space<vmem_shared>> -> memref<128x64xf32, #tpu.memory_space<vmem_shared>>
      %dma_start3A_62 = arith.constant 0 : i32
      %dma_start3A_63 = tpu.memref_slice %arg10[%add3A_27, %dma_start3A_62] : memref<10112x64xf32, #tpu.memory_space<vmem_shared>> -> memref<128x64xf32, #tpu.memory_space<vmem_shared>>
      tpu.enqueue_dma source(%arg7 : memref<128x64xf32, #tpu.memory_space<vmem>>) target(%dma_start3A_63 : memref<128x64xf32, #tpu.memory_space<vmem_shared>>) target_semaphore(%run_scoped3A_59 : memref<!tpu.dma_semaphore, #tpu.memory_space<semaphore_mem>>)
      %dma_wait3A = arith.constant 0 : i32
      %dma_wait3A_64 = tpu.memref_slice %arg10[%add3A_27, %dma_wait3A] : memref<10112x64xf32, #tpu.memory_space<vmem_shared>> -> memref<128x64xf32, #tpu.memory_space<vmem_shared>>
      %dma_wait3A_65 = arith.constant 0 : i32
      %dma_wait3A_66 = tpu.memref_slice %arg10[%add3A_27, %dma_wait3A_65] : memref<10112x64xf32, #tpu.memory_space<vmem_shared>> -> memref<128x64xf32, #tpu.memory_space<vmem_shared>>
      tpu.wait_dma2 semaphore(%run_scoped3A_59 : memref<!tpu.dma_semaphore, #tpu.memory_space<semaphore_mem>>) src(%arg7 : memref<128x64xf32, #tpu.memory_space<vmem>>) dst(%dma_wait3A_66 : memref<128x64xf32, #tpu.memory_space<vmem_shared>>)
      tpu.yield
    }) : () -> ()
    %mul3A_28 = arith.constant 632 : i32
    %mul3A_29 = arith.muli %arg1, %mul3A_28 : i32
    %add3A_30 = arith.constant 512 : i32
    %add3A_31 = arith.addi %mul3A_29, %add3A_30 : i32
    "tpu.region"() ({
      %run_scoped3A_59 = tpu.sem_alloc : memref<!tpu.dma_semaphore, #tpu.memory_space<semaphore_mem>>
      %dma_start3A_60 = arith.constant 0 : i32
      %dma_start3A_61 = arith.constant 0 : i32
      %dma_start3A_62 = tpu.memref_slice %arg7[%dma_start3A_60, %dma_start3A_61] : memref<128x64xf32, #tpu.memory_space<vmem>> -> memref<120x64xf32, #tpu.memory_space<vmem>>
      %dma_start3A_63 = arith.constant 0 : i32
      %dma_start3A_64 = tpu.memref_slice %arg10[%add3A_31, %dma_start3A_63] : memref<10112x64xf32, #tpu.memory_space<vmem_shared>> -> memref<120x64xf32, #tpu.memory_space<vmem_shared>>
      %dma_start3A_65 = arith.constant 0 : i32
      %dma_start3A_66 = tpu.memref_slice %arg10[%add3A_31, %dma_start3A_65] : memref<10112x64xf32, #tpu.memory_space<vmem_shared>> -> memref<120x64xf32, #tpu.memory_space<vmem_shared>>
      %dma_start3A_67 = arith.constant 0 : i32
      %dma_start3A_68 = arith.constant 0 : i32
      %dma_start3A_69 = tpu.memref_slice %arg7[%dma_start3A_67, %dma_start3A_68] : memref<128x64xf32, #tpu.memory_space<vmem>> -> memref<120x64xf32, #tpu.memory_space<vmem>>
      tpu.enqueue_dma source(%dma_start3A_69 : memref<120x64xf32, #tpu.memory_space<vmem>>) target(%dma_start3A_66 : memref<120x64xf32, #tpu.memory_space<vmem_shared>>) target_semaphore(%run_scoped3A_59 : memref<!tpu.dma_semaphore, #tpu.memory_space<semaphore_mem>>)
      %dma_wait3A = arith.constant 0 : i32
      %dma_wait3A_70 = arith.constant 0 : i32
      %dma_wait3A_71 = tpu.memref_slice %arg7[%dma_wait3A, %dma_wait3A_70] : memref<128x64xf32, #tpu.memory_space<vmem>> -> memref<120x64xf32, #tpu.memory_space<vmem>>
      %dma_wait3A_72 = arith.constant 0 : i32
      %dma_wait3A_73 = tpu.memref_slice %arg10[%add3A_31, %dma_wait3A_72] : memref<10112x64xf32, #tpu.memory_space<vmem_shared>> -> memref<120x64xf32, #tpu.memory_space<vmem_shared>>
      %dma_wait3A_74 = arith.constant 0 : i32
      %dma_wait3A_75 = tpu.memref_slice %arg10[%add3A_31, %dma_wait3A_74] : memref<10112x64xf32, #tpu.memory_space<vmem_shared>> -> memref<120x64xf32, #tpu.memory_space<vmem_shared>>
      %dma_wait3A_76 = arith.constant 0 : i32
      %dma_wait3A_77 = arith.constant 0 : i32
      %dma_wait3A_78 = tpu.memref_slice %arg7[%dma_wait3A_76, %dma_wait3A_77] : memref<128x64xf32, #tpu.memory_space<vmem>> -> memref<120x64xf32, #tpu.memory_space<vmem>>
      tpu.wait_dma2 semaphore(%run_scoped3A_59 : memref<!tpu.dma_semaphore, #tpu.memory_space<semaphore_mem>>) src(%dma_wait3A_78 : memref<120x64xf32, #tpu.memory_space<vmem>>) dst(%dma_wait3A_75 : memref<120x64xf32, #tpu.memory_space<vmem_shared>>)
      tpu.yield
    }) : () -> ()
    %mul3A_32 = arith.constant 625 : i32
    %mul3A_33 = arith.muli %arg1, %mul3A_32 : i32
    %mul3A_34 = arith.constant 625 : i32
    %mul3A_35 = arith.muli %arg1, %mul3A_34 : i32
    "tpu.region"() ({
      %run_scoped3A_59 = tpu.sem_alloc : memref<!tpu.dma_semaphore, #tpu.memory_space<semaphore_mem>>
      %dma_start3A_60 = arith.constant 0 : i32
      %dma_start3A_61 = tpu.memref_slice %arg9[%mul3A_35, %dma_start3A_60] : memref<10000x64xf32, #tpu.memory_space<vmem_shared>> -> memref<625x64xf32, #tpu.memory_space<vmem_shared>>
      %dma_start3A_62 = arith.constant 0 : i32
      %dma_start3A_63 = tpu.memref_slice %arg3[%mul3A_33, %dma_start3A_62] : memref<10000x64xf32, #tpu.memory_space<hbm>> -> memref<625x64xf32, #tpu.memory_space<hbm>>
      tpu.enqueue_dma source(%dma_start3A_63 : memref<625x64xf32, #tpu.memory_space<hbm>>) target(%dma_start3A_61 : memref<625x64xf32, #tpu.memory_space<vmem_shared>>) target_semaphore(%run_scoped3A_59 : memref<!tpu.dma_semaphore, #tpu.memory_space<semaphore_mem>>)
      %dma_wait3A = arith.constant 0 : i32
      %dma_wait3A_64 = tpu.memref_slice %arg9[%mul3A_35, %dma_wait3A] : memref<10000x64xf32, #tpu.memory_space<vmem_shared>> -> memref<625x64xf32, #tpu.memory_space<vmem_shared>>
      %dma_wait3A_65 = arith.constant 0 : i32
      %dma_wait3A_66 = tpu.memref_slice %arg3[%mul3A_33, %dma_wait3A_65] : memref<10000x64xf32, #tpu.memory_space<hbm>> -> memref<625x64xf32, #tpu.memory_space<hbm>>
      tpu.wait_dma2 semaphore(%run_scoped3A_59 : memref<!tpu.dma_semaphore, #tpu.memory_space<semaphore_mem>>) src(%dma_wait3A_66 : memref<625x64xf32, #tpu.memory_space<hbm>>) dst(%dma_wait3A_64 : memref<625x64xf32, #tpu.memory_space<vmem_shared>>)
      tpu.yield
    }) : () -> ()
    %run_scoped3A = arith.constant 0 : i32
    "tpu.region"() ({
      %run_scoped3A_59 = tpu.sem_alloc : memref<!tpu.dma_semaphore, #tpu.memory_space<semaphore_mem>>
      %dma_start3A_60 = arith.constant 0 : i32
      %dma_start3A_61 = arith.constant 0 : i32
      %dma_start3A_62 = tpu.memref_slice %arg5[%dma_start3A_60, %dma_start3A_61] : memref<79x128xi32, #tpu.memory_space<vmem>> -> memref<78x128xi32, #tpu.memory_space<vmem>>
      %dma_start3A_63 = arith.constant 0 : i32
      %dma_start3A_64 = tpu.memref_slice %arg2[%run_scoped3A, %add3A_4, %dma_start3A_63] : memref<2x2500x128xi32, #tpu.memory_space<hbm>> -> memref<1x78x128xi32, #tpu.memory_space<hbm>>
      %dma_start3A_65 = tpu.memref_squeeze %dma_start3A_64 : memref<1x78x128xi32, #tpu.memory_space<hbm>> -> memref<78x128xi32, #tpu.memory_space<hbm>>
      %dma_start3A_66 = arith.constant 0 : i32
      %dma_start3A_67 = arith.constant 0 : i32
      %dma_start3A_68 = tpu.memref_slice %arg5[%dma_start3A_66, %dma_start3A_67] : memref<79x128xi32, #tpu.memory_space<vmem>> -> memref<78x128xi32, #tpu.memory_space<vmem>>
      %dma_start3A_69 = arith.constant 0 : i32
      %dma_start3A_70 = tpu.memref_slice %arg2[%run_scoped3A, %add3A_4, %dma_start3A_69] : memref<2x2500x128xi32, #tpu.memory_space<hbm>> -> memref<1x78x128xi32, #tpu.memory_space<hbm>>
      %dma_start3A_71 = tpu.memref_squeeze %dma_start3A_70 : memref<1x78x128xi32, #tpu.memory_space<hbm>> -> memref<78x128xi32, #tpu.memory_space<hbm>>
      tpu.enqueue_dma source(%dma_start3A_71 : memref<78x128xi32, #tpu.memory_space<hbm>>) target(%dma_start3A_68 : memref<78x128xi32, #tpu.memory_space<vmem>>) target_semaphore(%run_scoped3A_59 : memref<!tpu.dma_semaphore, #tpu.memory_space<semaphore_mem>>)
      %dma_wait3A = arith.constant 0 : i32
      %dma_wait3A_72 = arith.constant 0 : i32
      %dma_wait3A_73 = tpu.memref_slice %arg5[%dma_wait3A, %dma_wait3A_72] : memref<79x128xi32, #tpu.memory_space<vmem>> -> memref<78x128xi32, #tpu.memory_space<vmem>>
      %dma_wait3A_74 = arith.constant 0 : i32
      %dma_wait3A_75 = tpu.memref_slice %arg2[%run_scoped3A, %add3A_4, %dma_wait3A_74] : memref<2x2500x128xi32, #tpu.memory_space<hbm>> -> memref<1x78x128xi32, #tpu.memory_space<hbm>>
      %dma_wait3A_76 = tpu.memref_squeeze %dma_wait3A_75 : memref<1x78x128xi32, #tpu.memory_space<hbm>> -> memref<78x128xi32, #tpu.memory_space<hbm>>
      %dma_wait3A_77 = arith.constant 0 : i32
      %dma_wait3A_78 = arith.constant 0 : i32
      %dma_wait3A_79 = tpu.memref_slice %arg5[%dma_wait3A_77, %dma_wait3A_78] : memref<79x128xi32, #tpu.memory_space<vmem>> -> memref<78x128xi32, #tpu.memory_space<vmem>>
      %dma_wait3A_80 = arith.constant 0 : i32
      %dma_wait3A_81 = tpu.memref_slice %arg2[%run_scoped3A, %add3A_4, %dma_wait3A_80] : memref<2x2500x128xi32, #tpu.memory_space<hbm>> -> memref<1x78x128xi32, #tpu.memory_space<hbm>>
      %dma_wait3A_82 = tpu.memref_squeeze %dma_wait3A_81 : memref<1x78x128xi32, #tpu.memory_space<hbm>> -> memref<78x128xi32, #tpu.memory_space<hbm>>
      tpu.wait_dma2 semaphore(%run_scoped3A_59 : memref<!tpu.dma_semaphore, #tpu.memory_space<semaphore_mem>>) src(%dma_wait3A_82 : memref<78x128xi32, #tpu.memory_space<hbm>>) dst(%dma_wait3A_79 : memref<78x128xi32, #tpu.memory_space<vmem>>)
      tpu.yield
    }) : () -> ()
    %run_scoped3A_36 = arith.constant 1 : i32
    "tpu.region"() ({
      %run_scoped3A_59 = tpu.sem_alloc : memref<!tpu.dma_semaphore, #tpu.memory_space<semaphore_mem>>
      %dma_start3A_60 = arith.constant 0 : i32
      %dma_start3A_61 = arith.constant 0 : i32
      %dma_start3A_62 = tpu.memref_slice %arg6[%dma_start3A_60, %dma_start3A_61] : memref<79x128xi32, #tpu.memory_space<vmem>> -> memref<78x128xi32, #tpu.memory_space<vmem>>
      %dma_start3A_63 = arith.constant 0 : i32
      %dma_start3A_64 = tpu.memref_slice %arg2[%run_scoped3A_36, %add3A_4, %dma_start3A_63] : memref<2x2500x128xi32, #tpu.memory_space<hbm>> -> memref<1x78x128xi32, #tpu.memory_space<hbm>>
      %dma_start3A_65 = tpu.memref_squeeze %dma_start3A_64 : memref<1x78x128xi32, #tpu.memory_space<hbm>> -> memref<78x128xi32, #tpu.memory_space<hbm>>
      %dma_start3A_66 = arith.constant 0 : i32
      %dma_start3A_67 = arith.constant 0 : i32
      %dma_start3A_68 = tpu.memref_slice %arg6[%dma_start3A_66, %dma_start3A_67] : memref<79x128xi32, #tpu.memory_space<vmem>> -> memref<78x128xi32, #tpu.memory_space<vmem>>
      %dma_start3A_69 = arith.constant 0 : i32
      %dma_start3A_70 = tpu.memref_slice %arg2[%run_scoped3A_36, %add3A_4, %dma_start3A_69] : memref<2x2500x128xi32, #tpu.memory_space<hbm>> -> memref<1x78x128xi32, #tpu.memory_space<hbm>>
      %dma_start3A_71 = tpu.memref_squeeze %dma_start3A_70 : memref<1x78x128xi32, #tpu.memory_space<hbm>> -> memref<78x128xi32, #tpu.memory_space<hbm>>
      tpu.enqueue_dma source(%dma_start3A_71 : memref<78x128xi32, #tpu.memory_space<hbm>>) target(%dma_start3A_68 : memref<78x128xi32, #tpu.memory_space<vmem>>) target_semaphore(%run_scoped3A_59 : memref<!tpu.dma_semaphore, #tpu.memory_space<semaphore_mem>>)
      %dma_wait3A = arith.constant 0 : i32
      %dma_wait3A_72 = arith.constant 0 : i32
      %dma_wait3A_73 = tpu.memref_slice %arg6[%dma_wait3A, %dma_wait3A_72] : memref<79x128xi32, #tpu.memory_space<vmem>> -> memref<78x128xi32, #tpu.memory_space<vmem>>
      %dma_wait3A_74 = arith.constant 0 : i32
      %dma_wait3A_75 = tpu.memref_slice %arg2[%run_scoped3A_36, %add3A_4, %dma_wait3A_74] : memref<2x2500x128xi32, #tpu.memory_space<hbm>> -> memref<1x78x128xi32, #tpu.memory_space<hbm>>
      %dma_wait3A_76 = tpu.memref_squeeze %dma_wait3A_75 : memref<1x78x128xi32, #tpu.memory_space<hbm>> -> memref<78x128xi32, #tpu.memory_space<hbm>>
      %dma_wait3A_77 = arith.constant 0 : i32
      %dma_wait3A_78 = arith.constant 0 : i32
      %dma_wait3A_79 = tpu.memref_slice %arg6[%dma_wait3A_77, %dma_wait3A_78] : memref<79x128xi32, #tpu.memory_space<vmem>> -> memref<78x128xi32, #tpu.memory_space<vmem>>
      %dma_wait3A_80 = arith.constant 0 : i32
      %dma_wait3A_81 = tpu.memref_slice %arg2[%run_scoped3A_36, %add3A_4, %dma_wait3A_80] : memref<2x2500x128xi32, #tpu.memory_space<hbm>> -> memref<1x78x128xi32, #tpu.memory_space<hbm>>
      %dma_wait3A_82 = tpu.memref_squeeze %dma_wait3A_81 : memref<1x78x128xi32, #tpu.memory_space<hbm>> -> memref<78x128xi32, #tpu.memory_space<hbm>>
      tpu.wait_dma2 semaphore(%run_scoped3A_59 : memref<!tpu.dma_semaphore, #tpu.memory_space<semaphore_mem>>) src(%dma_wait3A_82 : memref<78x128xi32, #tpu.memory_space<hbm>>) dst(%dma_wait3A_79 : memref<78x128xi32, #tpu.memory_space<vmem>>)
      tpu.yield
    }) : () -> ()
    %convert_element_type3A = arith.extui %lt3A_5 : i1 to i32
    %cond3A = arith.constant 0 : i32
    %cond3A_37 = arith.cmpi ne, %convert_element_type3A, %cond3A : i32
    scf.if %cond3A_37 {
      %add3A_59 = arith.constant 78 : i32
      %add3A_60 = arith.addi %add3A_4, %add3A_59 : i32
      %run_scoped3A_61 = arith.constant 0 : i32
      "tpu.region"() ({
        %run_scoped3A_65 = tpu.sem_alloc : memref<!tpu.dma_semaphore, #tpu.memory_space<semaphore_mem>>
        %dma_start3A_66 = arith.constant 78 : i32
        %dma_start3A_67 = arith.constant 0 : i32
        %dma_start3A_68 = tpu.memref_slice %arg5[%dma_start3A_66, %dma_start3A_67] : memref<79x128xi32, #tpu.memory_space<vmem>> -> memref<1x128xi32, #tpu.memory_space<vmem>>
        %dma_start3A_69 = arith.constant 0 : i32
        %dma_start3A_70 = tpu.memref_slice %arg2[%run_scoped3A_61, %add3A_60, %dma_start3A_69] : memref<2x2500x128xi32, #tpu.memory_space<hbm>> -> memref<1x1x128xi32, #tpu.memory_space<hbm>>
        %dma_start3A_71 = tpu.memref_squeeze %dma_start3A_70 : memref<1x1x128xi32, #tpu.memory_space<hbm>> -> memref<1x128xi32, #tpu.memory_space<hbm>>
        %dma_start3A_72 = arith.constant 78 : i32
        %dma_start3A_73 = arith.constant 0 : i32
        %dma_start3A_74 = tpu.memref_slice %arg5[%dma_start3A_72, %dma_start3A_73] : memref<79x128xi32, #tpu.memory_space<vmem>> -> memref<1x128xi32, #tpu.memory_space<vmem>>
        %dma_start3A_75 = arith.constant 0 : i32
        %dma_start3A_76 = tpu.memref_slice %arg2[%run_scoped3A_61, %add3A_60, %dma_start3A_75] : memref<2x2500x128xi32, #tpu.memory_space<hbm>> -> memref<1x1x128xi32, #tpu.memory_space<hbm>>
        %dma_start3A_77 = tpu.memref_squeeze %dma_start3A_76 : memref<1x1x128xi32, #tpu.memory_space<hbm>> -> memref<1x128xi32, #tpu.memory_space<hbm>>
        tpu.enqueue_dma source(%dma_start3A_77 : memref<1x128xi32, #tpu.memory_space<hbm>>) target(%dma_start3A_74 : memref<1x128xi32, #tpu.memory_space<vmem>>) target_semaphore(%run_scoped3A_65 : memref<!tpu.dma_semaphore, #tpu.memory_space<semaphore_mem>>)
        %dma_wait3A = arith.constant 78 : i32
        %dma_wait3A_78 = arith.constant 0 : i32
        %dma_wait3A_79 = tpu.memref_slice %arg5[%dma_wait3A, %dma_wait3A_78] : memref<79x128xi32, #tpu.memory_space<vmem>> -> memref<1x128xi32, #tpu.memory_space<vmem>>
        %dma_wait3A_80 = arith.constant 0 : i32
        %dma_wait3A_81 = tpu.memref_slice %arg2[%run_scoped3A_61, %add3A_60, %dma_wait3A_80] : memref<2x2500x128xi32, #tpu.memory_space<hbm>> -> memref<1x1x128xi32, #tpu.memory_space<hbm>>
        %dma_wait3A_82 = tpu.memref_squeeze %dma_wait3A_81 : memref<1x1x128xi32, #tpu.memory_space<hbm>> -> memref<1x128xi32, #tpu.memory_space<hbm>>
        %dma_wait3A_83 = arith.constant 78 : i32
        %dma_wait3A_84 = arith.constant 0 : i32
        %dma_wait3A_85 = tpu.memref_slice %arg5[%dma_wait3A_83, %dma_wait3A_84] : memref<79x128xi32, #tpu.memory_space<vmem>> -> memref<1x128xi32, #tpu.memory_space<vmem>>
        %dma_wait3A_86 = arith.constant 0 : i32
        %dma_wait3A_87 = tpu.memref_slice %arg2[%run_scoped3A_61, %add3A_60, %dma_wait3A_86] : memref<2x2500x128xi32, #tpu.memory_space<hbm>> -> memref<1x1x128xi32, #tpu.memory_space<hbm>>
        %dma_wait3A_88 = tpu.memref_squeeze %dma_wait3A_87 : memref<1x1x128xi32, #tpu.memory_space<hbm>> -> memref<1x128xi32, #tpu.memory_space<hbm>>
        tpu.wait_dma2 semaphore(%run_scoped3A_65 : memref<!tpu.dma_semaphore, #tpu.memory_space<semaphore_mem>>) src(%dma_wait3A_88 : memref<1x128xi32, #tpu.memory_space<hbm>>) dst(%dma_wait3A_85 : memref<1x128xi32, #tpu.memory_space<vmem>>)
        tpu.yield
      }) : () -> ()
      %add3A_62 = arith.constant 78 : i32
      %add3A_63 = arith.addi %add3A_4, %add3A_62 : i32
      %run_scoped3A_64 = arith.constant 1 : i32
      "tpu.region"() ({
        %run_scoped3A_65 = tpu.sem_alloc : memref<!tpu.dma_semaphore, #tpu.memory_space<semaphore_mem>>
        %dma_start3A_66 = arith.constant 78 : i32
        %dma_start3A_67 = arith.constant 0 : i32
        %dma_start3A_68 = tpu.memref_slice %arg6[%dma_start3A_66, %dma_start3A_67] : memref<79x128xi32, #tpu.memory_space<vmem>> -> memref<1x128xi32, #tpu.memory_space<vmem>>
        %dma_start3A_69 = arith.constant 0 : i32
        %dma_start3A_70 = tpu.memref_slice %arg2[%run_scoped3A_64, %add3A_63, %dma_start3A_69] : memref<2x2500x128xi32, #tpu.memory_space<hbm>> -> memref<1x1x128xi32, #tpu.memory_space<hbm>>
        %dma_start3A_71 = tpu.memref_squeeze %dma_start3A_70 : memref<1x1x128xi32, #tpu.memory_space<hbm>> -> memref<1x128xi32, #tpu.memory_space<hbm>>
        %dma_start3A_72 = arith.constant 78 : i32
        %dma_start3A_73 = arith.constant 0 : i32
        %dma_start3A_74 = tpu.memref_slice %arg6[%dma_start3A_72, %dma_start3A_73] : memref<79x128xi32, #tpu.memory_space<vmem>> -> memref<1x128xi32, #tpu.memory_space<vmem>>
        %dma_start3A_75 = arith.constant 0 : i32
        %dma_start3A_76 = tpu.memref_slice %arg2[%run_scoped3A_64, %add3A_63, %dma_start3A_75] : memref<2x2500x128xi32, #tpu.memory_space<hbm>> -> memref<1x1x128xi32, #tpu.memory_space<hbm>>
        %dma_start3A_77 = tpu.memref_squeeze %dma_start3A_76 : memref<1x1x128xi32, #tpu.memory_space<hbm>> -> memref<1x128xi32, #tpu.memory_space<hbm>>
        tpu.enqueue_dma source(%dma_start3A_77 : memref<1x128xi32, #tpu.memory_space<hbm>>) target(%dma_start3A_74 : memref<1x128xi32, #tpu.memory_space<vmem>>) target_semaphore(%run_scoped3A_65 : memref<!tpu.dma_semaphore, #tpu.memory_space<semaphore_mem>>)
        %dma_wait3A = arith.constant 78 : i32
        %dma_wait3A_78 = arith.constant 0 : i32
        %dma_wait3A_79 = tpu.memref_slice %arg6[%dma_wait3A, %dma_wait3A_78] : memref<79x128xi32, #tpu.memory_space<vmem>> -> memref<1x128xi32, #tpu.memory_space<vmem>>
        %dma_wait3A_80 = arith.constant 0 : i32
        %dma_wait3A_81 = tpu.memref_slice %arg2[%run_scoped3A_64, %add3A_63, %dma_wait3A_80] : memref<2x2500x128xi32, #tpu.memory_space<hbm>> -> memref<1x1x128xi32, #tpu.memory_space<hbm>>
        %dma_wait3A_82 = tpu.memref_squeeze %dma_wait3A_81 : memref<1x1x128xi32, #tpu.memory_space<hbm>> -> memref<1x128xi32, #tpu.memory_space<hbm>>
        %dma_wait3A_83 = arith.constant 78 : i32
        %dma_wait3A_84 = arith.constant 0 : i32
        %dma_wait3A_85 = tpu.memref_slice %arg6[%dma_wait3A_83, %dma_wait3A_84] : memref<79x128xi32, #tpu.memory_space<vmem>> -> memref<1x128xi32, #tpu.memory_space<vmem>>
        %dma_wait3A_86 = arith.constant 0 : i32
        %dma_wait3A_87 = tpu.memref_slice %arg2[%run_scoped3A_64, %add3A_63, %dma_wait3A_86] : memref<2x2500x128xi32, #tpu.memory_space<hbm>> -> memref<1x1x128xi32, #tpu.memory_space<hbm>>
        %dma_wait3A_88 = tpu.memref_squeeze %dma_wait3A_87 : memref<1x1x128xi32, #tpu.memory_space<hbm>> -> memref<1x128xi32, #tpu.memory_space<hbm>>
        tpu.wait_dma2 semaphore(%run_scoped3A_65 : memref<!tpu.dma_semaphore, #tpu.memory_space<semaphore_mem>>) src(%dma_wait3A_88 : memref<1x128xi32, #tpu.memory_space<hbm>>) dst(%dma_wait3A_85 : memref<1x128xi32, #tpu.memory_space<vmem>>)
        tpu.yield
      }) : () -> ()
    } else {
    }
    %barrier3A = arith.constant 0 : index
    tpu.barrier barrier_id(%barrier3A)
    %dma_start3A = arith.constant 0 : i32
    %dma_start3A_38 = arith.constant 0 : i32
    %dma_start3A_39 = tpu.memref_slice %arg5[%dma_start3A, %dma_start3A_38] : memref<79x128xi32, #tpu.memory_space<vmem>> -> memref<1x128xi32, #tpu.memory_space<vmem>>
    %dma_start3A_40 = tpu.memref_squeeze %dma_start3A_39 : memref<1x128xi32, #tpu.memory_space<vmem>> -> memref<128xi32, #tpu.memory_space<vmem>>
    %dma_start3A_41 = arith.constant 0 : i32
    %dma_start3A_42 = arith.constant 0 : i32
    %dma_start3A_43 = tpu.memref_slice %arg9[%dma_start3A_41, %dma_start3A_42] : memref<10000x64xf32, #tpu.memory_space<vmem_shared>> -> memref<10000x64xf32, #tpu.memory_space<vmem_shared>>
    tpu.enqueue_indirect_dma source(%dma_start3A_43 : memref<10000x64xf32, #tpu.memory_space<vmem_shared>>) target(%arg7 : memref<128x64xf32, #tpu.memory_space<vmem>>) offsets(%dma_start3A_40 : memref<128xi32, #tpu.memory_space<vmem>>) semaphore(%arg11 : memref<!tpu.dma_semaphore, #tpu.memory_space<semaphore_mem>>)
    %scan3A_44 = arith.constant 0 : i32
    %scan3A_45 = arith.constant 0 : i32
    %scan3A_46 = arith.constant 39 : i32
    %scan3A_47 = arith.addi %scan3A_45, %scan3A_46 : i32
    %scan3A_48 = arith.constant 1 : i32
    %scan3A_49 = scf.for %scan3A_59 = %scan3A_45 to %scan3A_47 step %scan3A_48 iter_args(%scan3A_60 = %scan3A_44) -> (i32)  : i32 {
      %mul3A_61 = arith.constant 2 : i32
      %mul3A_62 = arith.muli %mul3A_61, %scan3A_59 : i32
      %add3A_63 = arith.constant 1 : i32
      %add3A_64 = arith.addi %mul3A_62, %add3A_63 : i32
      %dma_start3A_65 = arith.constant 0 : i32
      %dma_start3A_66 = tpu.memref_slice %arg5[%add3A_64, %dma_start3A_65] : memref<79x128xi32, #tpu.memory_space<vmem>> -> memref<1x128xi32, #tpu.memory_space<vmem>>
      %dma_start3A_67 = tpu.memref_squeeze %dma_start3A_66 : memref<1x128xi32, #tpu.memory_space<vmem>> -> memref<128xi32, #tpu.memory_space<vmem>>
      %dma_start3A_68 = arith.constant 0 : i32
      %dma_start3A_69 = arith.constant 0 : i32
      %dma_start3A_70 = tpu.memref_slice %arg9[%dma_start3A_68, %dma_start3A_69] : memref<10000x64xf32, #tpu.memory_space<vmem_shared>> -> memref<10000x64xf32, #tpu.memory_space<vmem_shared>>
      tpu.enqueue_indirect_dma source(%dma_start3A_70 : memref<10000x64xf32, #tpu.memory_space<vmem_shared>>) target(%arg8 : memref<128x64xf32, #tpu.memory_space<vmem>>) offsets(%dma_start3A_67 : memref<128xi32, #tpu.memory_space<vmem>>) semaphore(%arg12 : memref<!tpu.dma_semaphore, #tpu.memory_space<semaphore_mem>>)
      %dma_wait3A = arith.constant 0 : i32
      %dma_wait3A_71 = tpu.memref_slice %arg5[%mul3A_62, %dma_wait3A] : memref<79x128xi32, #tpu.memory_space<vmem>> -> memref<1x128xi32, #tpu.memory_space<vmem>>
      %dma_wait3A_72 = tpu.memref_squeeze %dma_wait3A_71 : memref<1x128xi32, #tpu.memory_space<vmem>> -> memref<128xi32, #tpu.memory_space<vmem>>
      %dma_wait3A_73 = arith.constant 0 : i32
      %dma_wait3A_74 = arith.constant 0 : i32
      %dma_wait3A_75 = tpu.memref_slice %arg9[%dma_wait3A_73, %dma_wait3A_74] : memref<10000x64xf32, #tpu.memory_space<vmem_shared>> -> memref<10000x64xf32, #tpu.memory_space<vmem_shared>>
      tpu.wait_indirect_dma semaphore(%arg11 : memref<!tpu.dma_semaphore, #tpu.memory_space<semaphore_mem>>) src(%dma_wait3A_75 : memref<10000x64xf32, #tpu.memory_space<vmem_shared>>) dst(%arg7 : memref<128x64xf32, #tpu.memory_space<vmem>>)
      "tpu.region"() ({
        %run_scoped3A_92 = tpu.sem_alloc : memref<!tpu.dma_semaphore, #tpu.memory_space<semaphore_mem>>
        %dma_start3A_93 = arith.constant 0 : i32
        %dma_start3A_94 = tpu.memref_slice %arg6[%mul3A_62, %dma_start3A_93] : memref<79x128xi32, #tpu.memory_space<vmem>> -> memref<1x128xi32, #tpu.memory_space<vmem>>
        %dma_start3A_95 = tpu.memref_squeeze %dma_start3A_94 : memref<1x128xi32, #tpu.memory_space<vmem>> -> memref<128xi32, #tpu.memory_space<vmem>>
        %dma_start3A_96 = arith.constant 0 : i32
        %dma_start3A_97 = arith.constant 0 : i32
        %dma_start3A_98 = tpu.memref_slice %arg10[%dma_start3A_96, %dma_start3A_97] : memref<10112x64xf32, #tpu.memory_space<vmem_shared>> -> memref<10112x64xf32, #tpu.memory_space<vmem_shared>>
        tpu.enqueue_indirect_dma source(%arg7 : memref<128x64xf32, #tpu.memory_space<vmem>>) target(%dma_start3A_98 : memref<10112x64xf32, #tpu.memory_space<vmem_shared>>) offsets(%dma_start3A_95 : memref<128xi32, #tpu.memory_space<vmem>>) semaphore(%run_scoped3A_92 : memref<!tpu.dma_semaphore, #tpu.memory_space<semaphore_mem>>) {add = true}
        %dma_wait3A_99 = arith.constant 0 : i32
        %dma_wait3A_100 = tpu.memref_slice %arg6[%mul3A_62, %dma_wait3A_99] : memref<79x128xi32, #tpu.memory_space<vmem>> -> memref<1x128xi32, #tpu.memory_space<vmem>>
        %dma_wait3A_101 = tpu.memref_squeeze %dma_wait3A_100 : memref<1x128xi32, #tpu.memory_space<vmem>> -> memref<128xi32, #tpu.memory_space<vmem>>
        %dma_wait3A_102 = arith.constant 0 : i32
        %dma_wait3A_103 = arith.constant 0 : i32
        %dma_wait3A_104 = tpu.memref_slice %arg10[%dma_wait3A_102, %dma_wait3A_103] : memref<10112x64xf32, #tpu.memory_space<vmem_shared>> -> memref<10112x64xf32, #tpu.memory_space<vmem_shared>>
        tpu.wait_indirect_dma semaphore(%run_scoped3A_92 : memref<!tpu.dma_semaphore, #tpu.memory_space<semaphore_mem>>) src(%arg7 : memref<128x64xf32, #tpu.memory_space<vmem>>) dst(%dma_wait3A_104 : memref<10112x64xf32, #tpu.memory_space<vmem_shared>>)
        tpu.yield
      }) : () -> ()
      %lt3A_76 = arith.constant 38 : i32
      %lt3A_77 = arith.cmpi slt, %scan3A_59, %lt3A_76 : i32
      %convert_element_type3A_78 = arith.extui %lt3A_77 : i1 to i32
      %cond3A_79 = arith.constant 0 : i32
      %cond3A_80 = arith.cmpi ne, %convert_element_type3A_78, %cond3A_79 : i32
      scf.if %cond3A_80 {
        %add3A_92 = arith.constant 2 : i32
        %add3A_93 = arith.addi %mul3A_62, %add3A_92 : i32
        %dma_start3A_94 = arith.constant 0 : i32
        %dma_start3A_95 = tpu.memref_slice %arg5[%add3A_93, %dma_start3A_94] : memref<79x128xi32, #tpu.memory_space<vmem>> -> memref<1x128xi32, #tpu.memory_space<vmem>>
        %dma_start3A_96 = tpu.memref_squeeze %dma_start3A_95 : memref<1x128xi32, #tpu.memory_space<vmem>> -> memref<128xi32, #tpu.memory_space<vmem>>
        %dma_start3A_97 = arith.constant 0 : i32
        %dma_start3A_98 = arith.constant 0 : i32
        %dma_start3A_99 = tpu.memref_slice %arg9[%dma_start3A_97, %dma_start3A_98] : memref<10000x64xf32, #tpu.memory_space<vmem_shared>> -> memref<10000x64xf32, #tpu.memory_space<vmem_shared>>
        tpu.enqueue_indirect_dma source(%dma_start3A_99 : memref<10000x64xf32, #tpu.memory_space<vmem_shared>>) target(%arg7 : memref<128x64xf32, #tpu.memory_space<vmem>>) offsets(%dma_start3A_96 : memref<128xi32, #tpu.memory_space<vmem>>) semaphore(%arg11 : memref<!tpu.dma_semaphore, #tpu.memory_space<semaphore_mem>>)
      } else {
      }
      %add3A_81 = arith.constant 1 : i32
      %add3A_82 = arith.addi %mul3A_62, %add3A_81 : i32
      %dma_wait3A_83 = arith.constant 0 : i32
      %dma_wait3A_84 = tpu.memref_slice %arg5[%add3A_82, %dma_wait3A_83] : memref<79x128xi32, #tpu.memory_space<vmem>> -> memref<1x128xi32, #tpu.memory_space<vmem>>
      %dma_wait3A_85 = tpu.memref_squeeze %dma_wait3A_84 : memref<1x128xi32, #tpu.memory_space<vmem>> -> memref<128xi32, #tpu.memory_space<vmem>>
      %dma_wait3A_86 = arith.constant 0 : i32
      %dma_wait3A_87 = arith.constant 0 : i32
      %dma_wait3A_88 = tpu.memref_slice %arg9[%dma_wait3A_86, %dma_wait3A_87] : memref<10000x64xf32, #tpu.memory_space<vmem_shared>> -> memref<10000x64xf32, #tpu.memory_space<vmem_shared>>
      tpu.wait_indirect_dma semaphore(%arg12 : memref<!tpu.dma_semaphore, #tpu.memory_space<semaphore_mem>>) src(%dma_wait3A_88 : memref<10000x64xf32, #tpu.memory_space<vmem_shared>>) dst(%arg8 : memref<128x64xf32, #tpu.memory_space<vmem>>)
      %add3A_89 = arith.constant 1 : i32
      %add3A_90 = arith.addi %mul3A_62, %add3A_89 : i32
      "tpu.region"() ({
        %run_scoped3A_92 = tpu.sem_alloc : memref<!tpu.dma_semaphore, #tpu.memory_space<semaphore_mem>>
        %dma_start3A_93 = arith.constant 0 : i32
        %dma_start3A_94 = tpu.memref_slice %arg6[%add3A_90, %dma_start3A_93] : memref<79x128xi32, #tpu.memory_space<vmem>> -> memref<1x128xi32, #tpu.memory_space<vmem>>
        %dma_start3A_95 = tpu.memref_squeeze %dma_start3A_94 : memref<1x128xi32, #tpu.memory_space<vmem>> -> memref<128xi32, #tpu.memory_space<vmem>>
        %dma_start3A_96 = arith.constant 0 : i32
        %dma_start3A_97 = arith.constant 0 : i32
        %dma_start3A_98 = tpu.memref_slice %arg10[%dma_start3A_96, %dma_start3A_97] : memref<10112x64xf32, #tpu.memory_space<vmem_shared>> -> memref<10112x64xf32, #tpu.memory_space<vmem_shared>>
        tpu.enqueue_indirect_dma source(%arg8 : memref<128x64xf32, #tpu.memory_space<vmem>>) target(%dma_start3A_98 : memref<10112x64xf32, #tpu.memory_space<vmem_shared>>) offsets(%dma_start3A_95 : memref<128xi32, #tpu.memory_space<vmem>>) semaphore(%run_scoped3A_92 : memref<!tpu.dma_semaphore, #tpu.memory_space<semaphore_mem>>) {add = true}
        %dma_wait3A_99 = arith.constant 0 : i32
        %dma_wait3A_100 = tpu.memref_slice %arg6[%add3A_90, %dma_wait3A_99] : memref<79x128xi32, #tpu.memory_space<vmem>> -> memref<1x128xi32, #tpu.memory_space<vmem>>
        %dma_wait3A_101 = tpu.memref_squeeze %dma_wait3A_100 : memref<1x128xi32, #tpu.memory_space<vmem>> -> memref<128xi32, #tpu.memory_space<vmem>>
        %dma_wait3A_102 = arith.constant 0 : i32
        %dma_wait3A_103 = arith.constant 0 : i32
        %dma_wait3A_104 = tpu.memref_slice %arg10[%dma_wait3A_102, %dma_wait3A_103] : memref<10112x64xf32, #tpu.memory_space<vmem_shared>> -> memref<10112x64xf32, #tpu.memory_space<vmem_shared>>
        tpu.wait_indirect_dma semaphore(%run_scoped3A_92 : memref<!tpu.dma_semaphore, #tpu.memory_space<semaphore_mem>>) src(%arg8 : memref<128x64xf32, #tpu.memory_space<vmem>>) dst(%dma_wait3A_104 : memref<10112x64xf32, #tpu.memory_space<vmem_shared>>)
        tpu.yield
      }) : () -> ()
      %scan3A_91 = arith.constant 0 : i32
      scf.yield %scan3A_91 : i32
    }
    %scan3A_50 = arith.constant 39 : i32
    %convert_element_type3A_51 = arith.extui %lt3A_5 : i1 to i32
    %cond3A_52 = arith.constant 0 : i32
    %cond3A_53 = arith.cmpi ne, %convert_element_type3A_51, %cond3A_52 : i32
    scf.if %cond3A_53 {
      %dma_start3A_59 = arith.constant 78 : i32
      %dma_start3A_60 = arith.constant 0 : i32
      %dma_start3A_61 = tpu.memref_slice %arg5[%dma_start3A_59, %dma_start3A_60] : memref<79x128xi32, #tpu.memory_space<vmem>> -> memref<1x128xi32, #tpu.memory_space<vmem>>
      %dma_start3A_62 = tpu.memref_squeeze %dma_start3A_61 : memref<1x128xi32, #tpu.memory_space<vmem>> -> memref<128xi32, #tpu.memory_space<vmem>>
      %dma_start3A_63 = arith.constant 0 : i32
      %dma_start3A_64 = arith.constant 0 : i32
      %dma_start3A_65 = tpu.memref_slice %arg9[%dma_start3A_63, %dma_start3A_64] : memref<10000x64xf32, #tpu.memory_space<vmem_shared>> -> memref<10000x64xf32, #tpu.memory_space<vmem_shared>>
      tpu.enqueue_indirect_dma source(%dma_start3A_65 : memref<10000x64xf32, #tpu.memory_space<vmem_shared>>) target(%arg7 : memref<128x64xf32, #tpu.memory_space<vmem>>) offsets(%dma_start3A_62 : memref<128xi32, #tpu.memory_space<vmem>>) semaphore(%arg11 : memref<!tpu.dma_semaphore, #tpu.memory_space<semaphore_mem>>)
      %dma_wait3A = arith.constant 78 : i32
      %dma_wait3A_66 = arith.constant 0 : i32
      %dma_wait3A_67 = tpu.memref_slice %arg5[%dma_wait3A, %dma_wait3A_66] : memref<79x128xi32, #tpu.memory_space<vmem>> -> memref<1x128xi32, #tpu.memory_space<vmem>>
      %dma_wait3A_68 = tpu.memref_squeeze %dma_wait3A_67 : memref<1x128xi32, #tpu.memory_space<vmem>> -> memref<128xi32, #tpu.memory_space<vmem>>
      %dma_wait3A_69 = arith.constant 0 : i32
      %dma_wait3A_70 = arith.constant 0 : i32
      %dma_wait3A_71 = tpu.memref_slice %arg9[%dma_wait3A_69, %dma_wait3A_70] : memref<10000x64xf32, #tpu.memory_space<vmem_shared>> -> memref<10000x64xf32, #tpu.memory_space<vmem_shared>>
      tpu.wait_indirect_dma semaphore(%arg11 : memref<!tpu.dma_semaphore, #tpu.memory_space<semaphore_mem>>) src(%dma_wait3A_71 : memref<10000x64xf32, #tpu.memory_space<vmem_shared>>) dst(%arg7 : memref<128x64xf32, #tpu.memory_space<vmem>>)
      %run_scoped3A_72 = arith.constant 78 : i32
      "tpu.region"() ({
        %run_scoped3A_73 = tpu.sem_alloc : memref<!tpu.dma_semaphore, #tpu.memory_space<semaphore_mem>>
        %dma_start3A_74 = arith.constant 0 : i32
        %dma_start3A_75 = tpu.memref_slice %arg6[%run_scoped3A_72, %dma_start3A_74] : memref<79x128xi32, #tpu.memory_space<vmem>> -> memref<1x128xi32, #tpu.memory_space<vmem>>
        %dma_start3A_76 = tpu.memref_squeeze %dma_start3A_75 : memref<1x128xi32, #tpu.memory_space<vmem>> -> memref<128xi32, #tpu.memory_space<vmem>>
        %dma_start3A_77 = arith.constant 0 : i32
        %dma_start3A_78 = arith.constant 0 : i32
        %dma_start3A_79 = tpu.memref_slice %arg10[%dma_start3A_77, %dma_start3A_78] : memref<10112x64xf32, #tpu.memory_space<vmem_shared>> -> memref<10112x64xf32, #tpu.memory_space<vmem_shared>>
        tpu.enqueue_indirect_dma source(%arg7 : memref<128x64xf32, #tpu.memory_space<vmem>>) target(%dma_start3A_79 : memref<10112x64xf32, #tpu.memory_space<vmem_shared>>) offsets(%dma_start3A_76 : memref<128xi32, #tpu.memory_space<vmem>>) semaphore(%run_scoped3A_73 : memref<!tpu.dma_semaphore, #tpu.memory_space<semaphore_mem>>) {add = true}
        %dma_wait3A_80 = arith.constant 0 : i32
        %dma_wait3A_81 = tpu.memref_slice %arg6[%run_scoped3A_72, %dma_wait3A_80] : memref<79x128xi32, #tpu.memory_space<vmem>> -> memref<1x128xi32, #tpu.memory_space<vmem>>
        %dma_wait3A_82 = tpu.memref_squeeze %dma_wait3A_81 : memref<1x128xi32, #tpu.memory_space<vmem>> -> memref<128xi32, #tpu.memory_space<vmem>>
        %dma_wait3A_83 = arith.constant 0 : i32
        %dma_wait3A_84 = arith.constant 0 : i32
        %dma_wait3A_85 = tpu.memref_slice %arg10[%dma_wait3A_83, %dma_wait3A_84] : memref<10112x64xf32, #tpu.memory_space<vmem_shared>> -> memref<10112x64xf32, #tpu.memory_space<vmem_shared>>
        tpu.wait_indirect_dma semaphore(%run_scoped3A_73 : memref<!tpu.dma_semaphore, #tpu.memory_space<semaphore_mem>>) src(%arg7 : memref<128x64xf32, #tpu.memory_space<vmem>>) dst(%dma_wait3A_85 : memref<10112x64xf32, #tpu.memory_space<vmem_shared>>)
        tpu.yield
      }) : () -> ()
    } else {
    }
    %barrier3A_54 = arith.constant 0 : index
    tpu.barrier barrier_id(%barrier3A_54)
    %mul3A_55 = arith.constant 632 : i32
    %mul3A_56 = arith.muli %arg1, %mul3A_55 : i32
    %mul3A_57 = arith.constant 632 : i32
    %mul3A_58 = arith.muli %arg1, %mul3A_57 : i32
    "tpu.region"() ({
      %run_scoped3A_59 = tpu.sem_alloc : memref<!tpu.dma_semaphore, #tpu.memory_space<semaphore_mem>>
      %dma_start3A_60 = arith.constant 0 : i32
      %dma_start3A_61 = tpu.memref_slice %arg4[%arg0, %mul3A_58, %dma_start3A_60] : memref<2x10112x64xf32, #tpu.memory_space<hbm>> -> memref<1x632x64xf32, #tpu.memory_space<hbm>>
      %dma_start3A_62 = tpu.memref_squeeze %dma_start3A_61 : memref<1x632x64xf32, #tpu.memory_space<hbm>> -> memref<632x64xf32, #tpu.memory_space<hbm>>
      %dma_start3A_63 = arith.constant 0 : i32
      %dma_start3A_64 = tpu.memref_slice %arg10[%mul3A_56, %dma_start3A_63] : memref<10112x64xf32, #tpu.memory_space<vmem_shared>> -> memref<632x64xf32, #tpu.memory_space<vmem_shared>>
      tpu.enqueue_dma source(%dma_start3A_64 : memref<632x64xf32, #tpu.memory_space<vmem_shared>>) target(%dma_start3A_62 : memref<632x64xf32, #tpu.memory_space<hbm>>) target_semaphore(%run_scoped3A_59 : memref<!tpu.dma_semaphore, #tpu.memory_space<semaphore_mem>>)
      %dma_wait3A = arith.constant 0 : i32
      %dma_wait3A_65 = tpu.memref_slice %arg4[%arg0, %mul3A_58, %dma_wait3A] : memref<2x10112x64xf32, #tpu.memory_space<hbm>> -> memref<1x632x64xf32, #tpu.memory_space<hbm>>
      %dma_wait3A_66 = tpu.memref_squeeze %dma_wait3A_65 : memref<1x632x64xf32, #tpu.memory_space<hbm>> -> memref<632x64xf32, #tpu.memory_space<hbm>>
      %dma_wait3A_67 = arith.constant 0 : i32
      %dma_wait3A_68 = tpu.memref_slice %arg10[%mul3A_56, %dma_wait3A_67] : memref<10112x64xf32, #tpu.memory_space<vmem_shared>> -> memref<632x64xf32, #tpu.memory_space<vmem_shared>>
      tpu.wait_dma2 semaphore(%run_scoped3A_59 : memref<!tpu.dma_semaphore, #tpu.memory_space<semaphore_mem>>) src(%dma_wait3A_68 : memref<632x64xf32, #tpu.memory_space<vmem_shared>>) dst(%dma_wait3A_66 : memref<632x64xf32, #tpu.memory_space<hbm>>)
      tpu.yield
    }) : () -> ()
    return
  }
}

#map = affine_map<(d0, d1) -> (0, 0, 0)>
#map1 = affine_map<(d0, d1) -> (0, 0)>
module attributes {stable_mosaic.version = 14 : i64} {
  func.func @_prop(%arg0: i32, %arg1: i32, %arg2: memref<2x2500x128xi32, #tpu.memory_space<hbm>>, %arg3: memref<10000x64xf32, #tpu.memory_space<hbm>>, %arg4: memref<2x10112x64xf32, #tpu.memory_space<hbm>>, %arg5: memref<79x128xi32, #tpu.memory_space<vmem>>, %arg6: memref<79x128xi32, #tpu.memory_space<vmem>>, %arg7: memref<128x64xf32, #tpu.memory_space<vmem>>, %arg8: memref<128x64xf32, #tpu.memory_space<vmem>>, %arg9: memref<10000x64xf32, #tpu.memory_space<vmem_shared>>, %arg10: memref<10112x64xf32, #tpu.memory_space<vmem_shared>>, %arg11: memref<!tpu.dma_semaphore, #tpu.memory_space<semaphore_mem>>, %arg12: memref<!tpu.dma_semaphore, #tpu.memory_space<semaphore_mem>>) attributes {dimension_semantics = [#tpu.dimension_semantics<core_parallel>, #tpu.dimension_semantics<subcore_parallel>], iteration_bounds = array<i64: 2, 16>, scalar_prefetch = 0 : i64, scratch_operands = 8 : i64, tpu.core_type = #tpu.core_type<sc_vector_subcore>, window_params = [{transform_indices = #map}, {transform_indices = #map1}, {transform_indices = #map}]} {
    %mul3A = arith.constant 2 : i32
    %mul3A_0 = arith.muli %arg1, %mul3A : i32
    %add3A = arith.addi %mul3A_0, %arg0 : i32
    %mul3A_1 = arith.constant 78 : i32
    %mul3A_2 = arith.muli %add3A, %mul3A_1 : i32
    %min3A = arith.constant 4 : i32
    %min3A_3 = arith.minsi %add3A, %min3A : i32
    %add3A_4 = arith.addi %mul3A_2, %min3A_3 : i32
    %lt3A = arith.constant 4 : i32
    %lt3A_5 = arith.cmpi slt, %add3A, %lt3A : i32
    %scan3A = arith.constant 0 : i32
    %scan3A_6 = arith.constant 0 : i32
    %scan3A_7 = arith.constant 128 : i32
    %scan3A_8 = arith.addi %scan3A_6, %scan3A_7 : i32
    %scan3A_9 = arith.constant 1 : i32
    %scan3A_10 = scf.for %scan3A_59 = %scan3A_6 to %scan3A_8 step %scan3A_9 iter_args(%scan3A_60 = %scan3A) -> (i32)  : i32 {
      %broadcast_in_dim3A = arith.constant 0.000000e+00 : f32
      %broadcast_in_dim3A_61 = vector.broadcast %broadcast_in_dim3A : f32 to vector<16xf32>
      %swap3A = arith.index_cast %scan3A_59 : i32 to index
      %swap3A_62 = arith.constant 0 : index
      %swap3A_63 = tpu.vector_load %arg7[%swap3A, %swap3A_62] {strides = array<i32>} : memref<128x64xf32, #tpu.memory_space<vmem>>, vector<1x16xf32>,
      %swap3A_64 = vector.shape_cast %swap3A_63 : vector<1x16xf32> to vector<16xf32>
      %swap3A_65 = vector.shape_cast %broadcast_in_dim3A_61 : vector<16xf32> to vector<1x16xf32>
      tpu.vector_store %arg7[%swap3A, %swap3A_62], %swap3A_65 {strides = array<i32>} : memref<128x64xf32, #tpu.memory_space<vmem>>, vector<1x16xf32>,
      %broadcast_in_dim3A_66 = arith.constant 0.000000e+00 : f32
      %broadcast_in_dim3A_67 = vector.broadcast %broadcast_in_dim3A_66 : f32 to vector<16xf32>
      %swap3A_68 = arith.index_cast %scan3A_59 : i32 to index
      %swap3A_69 = arith.constant 16 : index
      %swap3A_70 = tpu.vector_load %arg7[%swap3A_68, %swap3A_69] {strides = array<i32>} : memref<128x64xf32, #tpu.memory_space<vmem>>, vector<1x16xf32>,
      %swap3A_71 = vector.shape_cast %swap3A_70 : vector<1x16xf32> to vector<16xf32>
      %swap3A_72 = vector.shape_cast %broadcast_in_dim3A_67 : vector<16xf32> to vector<1x16xf32>
      tpu.vector_store %arg7[%swap3A_68, %swap3A_69], %swap3A_72 {strides = array<i32>} : memref<128x64xf32, #tpu.memory_space<vmem>>, vector<1x16xf32>,
      %broadcast_in_dim3A_73 = arith.constant 0.000000e+00 : f32
      %broadcast_in_dim3A_74 = vector.broadcast %broadcast_in_dim3A_73 : f32 to vector<16xf32>
      %swap3A_75 = arith.index_cast %scan3A_59 : i32 to index
      %swap3A_76 = arith.constant 32 : index
      %swap3A_77 = tpu.vector_load %arg7[%swap3A_75, %swap3A_76] {strides = array<i32>} : memref<128x64xf32, #tpu.memory_space<vmem>>, vector<1x16xf32>,
      %swap3A_78 = vector.shape_cast %swap3A_77 : vector<1x16xf32> to vector<16xf32>
      %swap3A_79 = vector.shape_cast %broadcast_in_dim3A_74 : vector<16xf32> to vector<1x16xf32>
      tpu.vector_store %arg7[%swap3A_75, %swap3A_76], %swap3A_79 {strides = array<i32>} : memref<128x64xf32, #tpu.memory_space<vmem>>, vector<1x16xf32>,
      %broadcast_in_dim3A_80 = arith.constant 0.000000e+00 : f32
      %broadcast_in_dim3A_81 = vector.broadcast %broadcast_in_dim3A_80 : f32 to vector<16xf32>
      %swap3A_82 = arith.index_cast %scan3A_59 : i32 to index
      %swap3A_83 = arith.constant 48 : index
      %swap3A_84 = tpu.vector_load %arg7[%swap3A_82, %swap3A_83] {strides = array<i32>} : memref<128x64xf32, #tpu.memory_space<vmem>>, vector<1x16xf32>,
      %swap3A_85 = vector.shape_cast %swap3A_84 : vector<1x16xf32> to vector<16xf32>
      %swap3A_86 = vector.shape_cast %broadcast_in_dim3A_81 : vector<16xf32> to vector<1x16xf32>
      tpu.vector_store %arg7[%swap3A_82, %swap3A_83], %swap3A_86 {strides = array<i32>} : memref<128x64xf32, #tpu.memory_space<vmem>>, vector<1x16xf32>,
      %scan3A_87 = arith.constant 0 : i32
      scf.yield %scan3A_87 : i32
    }
    %scan3A_11 = arith.constant 128 : i32
    %mul3A_12 = arith.constant 632 : i32
    %mul3A_13 = arith.muli %arg1, %mul3A_12 : i32
    %add3A_14 = arith.constant 0 : i32
    %add3A_15 = arith.addi %mul3A_13, %add3A_14 : i32
    "tpu.region"() ({
      %run_scoped3A_59 = tpu.sem_alloc : memref<!tpu.dma_semaphore, #tpu.memory_space<semaphore_mem>>
      %dma_start3A_60 = arith.constant 0 : i32
      %dma_start3A_61 = tpu.memref_slice %arg10[%add3A_15, %dma_start3A_60] : memref<10112x64xf32, #tpu.memory_space<vmem_shared>> -> memref<128x64xf32, #tpu.memory_space<vmem_shared>>
      %dma_start3A_62 = arith.constant 0 : i32
      %dma_start3A_63 = tpu.memref_slice %arg10[%add3A_15, %dma_start3A_62] : memref<10112x64xf32, #tpu.memory_space<vmem_shared>> -> memref<128x64xf32, #tpu.memory_space<vmem_shared>>
      tpu.enqueue_dma source(%arg7 : memref<128x64xf32, #tpu.memory_space<vmem>>) target(%dma_start3A_63 : memref<128x64xf32, #tpu.memory_space<vmem_shared>>) target_semaphore(%run_scoped3A_59 : memref<!tpu.dma_semaphore, #tpu.memory_space<semaphore_mem>>)
      %dma_wait3A = arith.constant 0 : i32
      %dma_wait3A_64 = tpu.memref_slice %arg10[%add3A_15, %dma_wait3A] : memref<10112x64xf32, #tpu.memory_space<vmem_shared>> -> memref<128x64xf32, #tpu.memory_space<vmem_shared>>
      %dma_wait3A_65 = arith.constant 0 : i32
      %dma_wait3A_66 = tpu.memref_slice %arg10[%add3A_15, %dma_wait3A_65] : memref<10112x64xf32, #tpu.memory_space<vmem_shared>> -> memref<128x64xf32, #tpu.memory_space<vmem_shared>>
      tpu.wait_dma2 semaphore(%run_scoped3A_59 : memref<!tpu.dma_semaphore, #tpu.memory_space<semaphore_mem>>) src(%arg7 : memref<128x64xf32, #tpu.memory_space<vmem>>) dst(%dma_wait3A_66 : memref<128x64xf32, #tpu.memory_space<vmem_shared>>)
      tpu.yield
    }) : () -> ()
    %mul3A_16 = arith.constant 632 : i32
    %mul3A_17 = arith.muli %arg1, %mul3A_16 : i32
    %add3A_18 = arith.constant 128 : i32
    %add3A_19 = arith.addi %mul3A_17, %add3A_18 : i32
    "tpu.region"() ({
      %run_scoped3A_59 = tpu.sem_alloc : memref<!tpu.dma_semaphore, #tpu.memory_space<semaphore_mem>>
      %dma_start3A_60 = arith.constant 0 : i32
      %dma_start3A_61 = tpu.memref_slice %arg10[%add3A_19, %dma_start3A_60] : memref<10112x64xf32, #tpu.memory_space<vmem_shared>> -> memref<128x64xf32, #tpu.memory_space<vmem_shared>>
      %dma_start3A_62 = arith.constant 0 : i32
      %dma_start3A_63 = tpu.memref_slice %arg10[%add3A_19, %dma_start3A_62] : memref<10112x64xf32, #tpu.memory_space<vmem_shared>> -> memref<128x64xf32, #tpu.memory_space<vmem_shared>>
      tpu.enqueue_dma source(%arg7 : memref<128x64xf32, #tpu.memory_space<vmem>>) target(%dma_start3A_63 : memref<128x64xf32, #tpu.memory_space<vmem_shared>>) target_semaphore(%run_scoped3A_59 : memref<!tpu.dma_semaphore, #tpu.memory_space<semaphore_mem>>)
      %dma_wait3A = arith.constant 0 : i32
      %dma_wait3A_64 = tpu.memref_slice %arg10[%add3A_19, %dma_wait3A] : memref<10112x64xf32, #tpu.memory_space<vmem_shared>> -> memref<128x64xf32, #tpu.memory_space<vmem_shared>>
      %dma_wait3A_65 = arith.constant 0 : i32
      %dma_wait3A_66 = tpu.memref_slice %arg10[%add3A_19, %dma_wait3A_65] : memref<10112x64xf32, #tpu.memory_space<vmem_shared>> -> memref<128x64xf32, #tpu.memory_space<vmem_shared>>
      tpu.wait_dma2 semaphore(%run_scoped3A_59 : memref<!tpu.dma_semaphore, #tpu.memory_space<semaphore_mem>>) src(%arg7 : memref<128x64xf32, #tpu.memory_space<vmem>>) dst(%dma_wait3A_66 : memref<128x64xf32, #tpu.memory_space<vmem_shared>>)
      tpu.yield
    }) : () -> ()
    %mul3A_20 = arith.constant 632 : i32
    %mul3A_21 = arith.muli %arg1, %mul3A_20 : i32
    %add3A_22 = arith.constant 256 : i32
    %add3A_23 = arith.addi %mul3A_21, %add3A_22 : i32
    "tpu.region"() ({
      %run_scoped3A_59 = tpu.sem_alloc : memref<!tpu.dma_semaphore, #tpu.memory_space<semaphore_mem>>
      %dma_start3A_60 = arith.constant 0 : i32
      %dma_start3A_61 = tpu.memref_slice %arg10[%add3A_23, %dma_start3A_60] : memref<10112x64xf32, #tpu.memory_space<vmem_shared>> -> memref<128x64xf32, #tpu.memory_space<vmem_shared>>
      %dma_start3A_62 = arith.constant 0 : i32
      %dma_start3A_63 = tpu.memref_slice %arg10[%add3A_23, %dma_start3A_62] : memref<10112x64xf32, #tpu.memory_space<vmem_shared>> -> memref<128x64xf32, #tpu.memory_space<vmem_shared>>
      tpu.enqueue_dma source(%arg7 : memref<128x64xf32, #tpu.memory_space<vmem>>) target(%dma_start3A_63 : memref<128x64xf32, #tpu.memory_space<vmem_shared>>) target_semaphore(%run_scoped3A_59 : memref<!tpu.dma_semaphore, #tpu.memory_space<semaphore_mem>>)
      %dma_wait3A = arith.constant 0 : i32
      %dma_wait3A_64 = tpu.memref_slice %arg10[%add3A_23, %dma_wait3A] : memref<10112x64xf32, #tpu.memory_space<vmem_shared>> -> memref<128x64xf32, #tpu.memory_space<vmem_shared>>
      %dma_wait3A_65 = arith.constant 0 : i32
      %dma_wait3A_66 = tpu.memref_slice %arg10[%add3A_23, %dma_wait3A_65] : memref<10112x64xf32, #tpu.memory_space<vmem_shared>> -> memref<128x64xf32, #tpu.memory_space<vmem_shared>>
      tpu.wait_dma2 semaphore(%run_scoped3A_59 : memref<!tpu.dma_semaphore, #tpu.memory_space<semaphore_mem>>) src(%arg7 : memref<128x64xf32, #tpu.memory_space<vmem>>) dst(%dma_wait3A_66 : memref<128x64xf32, #tpu.memory_space<vmem_shared>>)
      tpu.yield
    }) : () -> ()
    %mul3A_24 = arith.constant 632 : i32
    %mul3A_25 = arith.muli %arg1, %mul3A_24 : i32
    %add3A_26 = arith.constant 384 : i32
    %add3A_27 = arith.addi %mul3A_25, %add3A_26 : i32
    "tpu.region"() ({
      %run_scoped3A_59 = tpu.sem_alloc : memref<!tpu.dma_semaphore, #tpu.memory_space<semaphore_mem>>
      %dma_start3A_60 = arith.constant 0 : i32
      %dma_start3A_61 = tpu.memref_slice %arg10[%add3A_27, %dma_start3A_60] : memref<10112x64xf32, #tpu.memory_space<vmem_shared>> -> memref<128x64xf32, #tpu.memory_space<vmem_shared>>
      %dma_start3A_62 = arith.constant 0 : i32
      %dma_start3A_63 = tpu.memref_slice %arg10[%add3A_27, %dma_start3A_62] : memref<10112x64xf32, #tpu.memory_space<vmem_shared>> -> memref<128x64xf32, #tpu.memory_space<vmem_shared>>
      tpu.enqueue_dma source(%arg7 : memref<128x64xf32, #tpu.memory_space<vmem>>) target(%dma_start3A_63 : memref<128x64xf32, #tpu.memory_space<vmem_shared>>) target_semaphore(%run_scoped3A_59 : memref<!tpu.dma_semaphore, #tpu.memory_space<semaphore_mem>>)
      %dma_wait3A = arith.constant 0 : i32
      %dma_wait3A_64 = tpu.memref_slice %arg10[%add3A_27, %dma_wait3A] : memref<10112x64xf32, #tpu.memory_space<vmem_shared>> -> memref<128x64xf32, #tpu.memory_space<vmem_shared>>
      %dma_wait3A_65 = arith.constant 0 : i32
      %dma_wait3A_66 = tpu.memref_slice %arg10[%add3A_27, %dma_wait3A_65] : memref<10112x64xf32, #tpu.memory_space<vmem_shared>> -> memref<128x64xf32, #tpu.memory_space<vmem_shared>>
      tpu.wait_dma2 semaphore(%run_scoped3A_59 : memref<!tpu.dma_semaphore, #tpu.memory_space<semaphore_mem>>) src(%arg7 : memref<128x64xf32, #tpu.memory_space<vmem>>) dst(%dma_wait3A_66 : memref<128x64xf32, #tpu.memory_space<vmem_shared>>)
      tpu.yield
    }) : () -> ()
    %mul3A_28 = arith.constant 632 : i32
    %mul3A_29 = arith.muli %arg1, %mul3A_28 : i32
    %add3A_30 = arith.constant 512 : i32
    %add3A_31 = arith.addi %mul3A_29, %add3A_30 : i32
    "tpu.region"() ({
      %run_scoped3A_59 = tpu.sem_alloc : memref<!tpu.dma_semaphore, #tpu.memory_space<semaphore_mem>>
      %dma_start3A_60 = arith.constant 0 : i32
      %dma_start3A_61 = arith.constant 0 : i32
      %dma_start3A_62 = tpu.memref_slice %arg7[%dma_start3A_60, %dma_start3A_61] : memref<128x64xf32, #tpu.memory_space<vmem>> -> memref<120x64xf32, #tpu.memory_space<vmem>>
      %dma_start3A_63 = arith.constant 0 : i32
      %dma_start3A_64 = tpu.memref_slice %arg10[%add3A_31, %dma_start3A_63] : memref<10112x64xf32, #tpu.memory_space<vmem_shared>> -> memref<120x64xf32, #tpu.memory_space<vmem_shared>>
      %dma_start3A_65 = arith.constant 0 : i32
      %dma_start3A_66 = tpu.memref_slice %arg10[%add3A_31, %dma_start3A_65] : memref<10112x64xf32, #tpu.memory_space<vmem_shared>> -> memref<120x64xf32, #tpu.memory_space<vmem_shared>>
      %dma_start3A_67 = arith.constant 0 : i32
      %dma_start3A_68 = arith.constant 0 : i32
      %dma_start3A_69 = tpu.memref_slice %arg7[%dma_start3A_67, %dma_start3A_68] : memref<128x64xf32, #tpu.memory_space<vmem>> -> memref<120x64xf32, #tpu.memory_space<vmem>>
      tpu.enqueue_dma source(%dma_start3A_69 : memref<120x64xf32, #tpu.memory_space<vmem>>) target(%dma_start3A_66 : memref<120x64xf32, #tpu.memory_space<vmem_shared>>) target_semaphore(%run_scoped3A_59 : memref<!tpu.dma_semaphore, #tpu.memory_space<semaphore_mem>>)
      %dma_wait3A = arith.constant 0 : i32
      %dma_wait3A_70 = arith.constant 0 : i32
      %dma_wait3A_71 = tpu.memref_slice %arg7[%dma_wait3A, %dma_wait3A_70] : memref<128x64xf32, #tpu.memory_space<vmem>> -> memref<120x64xf32, #tpu.memory_space<vmem>>
      %dma_wait3A_72 = arith.constant 0 : i32
      %dma_wait3A_73 = tpu.memref_slice %arg10[%add3A_31, %dma_wait3A_72] : memref<10112x64xf32, #tpu.memory_space<vmem_shared>> -> memref<120x64xf32, #tpu.memory_space<vmem_shared>>
      %dma_wait3A_74 = arith.constant 0 : i32
      %dma_wait3A_75 = tpu.memref_slice %arg10[%add3A_31, %dma_wait3A_74] : memref<10112x64xf32, #tpu.memory_space<vmem_shared>> -> memref<120x64xf32, #tpu.memory_space<vmem_shared>>
      %dma_wait3A_76 = arith.constant 0 : i32
      %dma_wait3A_77 = arith.constant 0 : i32
      %dma_wait3A_78 = tpu.memref_slice %arg7[%dma_wait3A_76, %dma_wait3A_77] : memref<128x64xf32, #tpu.memory_space<vmem>> -> memref<120x64xf32, #tpu.memory_space<vmem>>
      tpu.wait_dma2 semaphore(%run_scoped3A_59 : memref<!tpu.dma_semaphore, #tpu.memory_space<semaphore_mem>>) src(%dma_wait3A_78 : memref<120x64xf32, #tpu.memory_space<vmem>>) dst(%dma_wait3A_75 : memref<120x64xf32, #tpu.memory_space<vmem_shared>>)
      tpu.yield
    }) : () -> ()
    %mul3A_32 = arith.constant 625 : i32
    %mul3A_33 = arith.muli %arg1, %mul3A_32 : i32
    %mul3A_34 = arith.constant 625 : i32
    %mul3A_35 = arith.muli %arg1, %mul3A_34 : i32
    "tpu.region"() ({
      %run_scoped3A_59 = tpu.sem_alloc : memref<!tpu.dma_semaphore, #tpu.memory_space<semaphore_mem>>
      %dma_start3A_60 = arith.constant 0 : i32
      %dma_start3A_61 = tpu.memref_slice %arg9[%mul3A_35, %dma_start3A_60] : memref<10000x64xf32, #tpu.memory_space<vmem_shared>> -> memref<625x64xf32, #tpu.memory_space<vmem_shared>>
      %dma_start3A_62 = arith.constant 0 : i32
      %dma_start3A_63 = tpu.memref_slice %arg3[%mul3A_33, %dma_start3A_62] : memref<10000x64xf32, #tpu.memory_space<hbm>> -> memref<625x64xf32, #tpu.memory_space<hbm>>
      tpu.enqueue_dma source(%dma_start3A_63 : memref<625x64xf32, #tpu.memory_space<hbm>>) target(%dma_start3A_61 : memref<625x64xf32, #tpu.memory_space<vmem_shared>>) target_semaphore(%run_scoped3A_59 : memref<!tpu.dma_semaphore, #tpu.memory_space<semaphore_mem>>)
      %dma_wait3A = arith.constant 0 : i32
      %dma_wait3A_64 = tpu.memref_slice %arg9[%mul3A_35, %dma_wait3A] : memref<10000x64xf32, #tpu.memory_space<vmem_shared>> -> memref<625x64xf32, #tpu.memory_space<vmem_shared>>
      %dma_wait3A_65 = arith.constant 0 : i32
      %dma_wait3A_66 = tpu.memref_slice %arg3[%mul3A_33, %dma_wait3A_65] : memref<10000x64xf32, #tpu.memory_space<hbm>> -> memref<625x64xf32, #tpu.memory_space<hbm>>
      tpu.wait_dma2 semaphore(%run_scoped3A_59 : memref<!tpu.dma_semaphore, #tpu.memory_space<semaphore_mem>>) src(%dma_wait3A_66 : memref<625x64xf32, #tpu.memory_space<hbm>>) dst(%dma_wait3A_64 : memref<625x64xf32, #tpu.memory_space<vmem_shared>>)
      tpu.yield
    }) : () -> ()
    %run_scoped3A = arith.constant 0 : i32
    "tpu.region"() ({
      %run_scoped3A_59 = tpu.sem_alloc : memref<!tpu.dma_semaphore, #tpu.memory_space<semaphore_mem>>
      %dma_start3A_60 = arith.constant 0 : i32
      %dma_start3A_61 = arith.constant 0 : i32
      %dma_start3A_62 = tpu.memref_slice %arg5[%dma_start3A_60, %dma_start3A_61] : memref<79x128xi32, #tpu.memory_space<vmem>> -> memref<78x128xi32, #tpu.memory_space<vmem>>
      %dma_start3A_63 = arith.constant 0 : i32
      %dma_start3A_64 = tpu.memref_slice %arg2[%run_scoped3A, %add3A_4, %dma_start3A_63] : memref<2x2500x128xi32, #tpu.memory_space<hbm>> -> memref<1x78x128xi32, #tpu.memory_space<hbm>>
      %dma_start3A_65 = tpu.memref_squeeze %dma_start3A_64 : memref<1x78x128xi32, #tpu.memory_space<hbm>> -> memref<78x128xi32, #tpu.memory_space<hbm>>
      %dma_start3A_66 = arith.constant 0 : i32
      %dma_start3A_67 = arith.constant 0 : i32
      %dma_start3A_68 = tpu.memref_slice %arg5[%dma_start3A_66, %dma_start3A_67] : memref<79x128xi32, #tpu.memory_space<vmem>> -> memref<78x128xi32, #tpu.memory_space<vmem>>
      %dma_start3A_69 = arith.constant 0 : i32
      %dma_start3A_70 = tpu.memref_slice %arg2[%run_scoped3A, %add3A_4, %dma_start3A_69] : memref<2x2500x128xi32, #tpu.memory_space<hbm>> -> memref<1x78x128xi32, #tpu.memory_space<hbm>>
      %dma_start3A_71 = tpu.memref_squeeze %dma_start3A_70 : memref<1x78x128xi32, #tpu.memory_space<hbm>> -> memref<78x128xi32, #tpu.memory_space<hbm>>
      tpu.enqueue_dma source(%dma_start3A_71 : memref<78x128xi32, #tpu.memory_space<hbm>>) target(%dma_start3A_68 : memref<78x128xi32, #tpu.memory_space<vmem>>) target_semaphore(%run_scoped3A_59 : memref<!tpu.dma_semaphore, #tpu.memory_space<semaphore_mem>>)
      %dma_wait3A = arith.constant 0 : i32
      %dma_wait3A_72 = arith.constant 0 : i32
      %dma_wait3A_73 = tpu.memref_slice %arg5[%dma_wait3A, %dma_wait3A_72] : memref<79x128xi32, #tpu.memory_space<vmem>> -> memref<78x128xi32, #tpu.memory_space<vmem>>
      %dma_wait3A_74 = arith.constant 0 : i32
      %dma_wait3A_75 = tpu.memref_slice %arg2[%run_scoped3A, %add3A_4, %dma_wait3A_74] : memref<2x2500x128xi32, #tpu.memory_space<hbm>> -> memref<1x78x128xi32, #tpu.memory_space<hbm>>
      %dma_wait3A_76 = tpu.memref_squeeze %dma_wait3A_75 : memref<1x78x128xi32, #tpu.memory_space<hbm>> -> memref<78x128xi32, #tpu.memory_space<hbm>>
      %dma_wait3A_77 = arith.constant 0 : i32
      %dma_wait3A_78 = arith.constant 0 : i32
      %dma_wait3A_79 = tpu.memref_slice %arg5[%dma_wait3A_77, %dma_wait3A_78] : memref<79x128xi32, #tpu.memory_space<vmem>> -> memref<78x128xi32, #tpu.memory_space<vmem>>
      %dma_wait3A_80 = arith.constant 0 : i32
      %dma_wait3A_81 = tpu.memref_slice %arg2[%run_scoped3A, %add3A_4, %dma_wait3A_80] : memref<2x2500x128xi32, #tpu.memory_space<hbm>> -> memref<1x78x128xi32, #tpu.memory_space<hbm>>
      %dma_wait3A_82 = tpu.memref_squeeze %dma_wait3A_81 : memref<1x78x128xi32, #tpu.memory_space<hbm>> -> memref<78x128xi32, #tpu.memory_space<hbm>>
      tpu.wait_dma2 semaphore(%run_scoped3A_59 : memref<!tpu.dma_semaphore, #tpu.memory_space<semaphore_mem>>) src(%dma_wait3A_82 : memref<78x128xi32, #tpu.memory_space<hbm>>) dst(%dma_wait3A_79 : memref<78x128xi32, #tpu.memory_space<vmem>>)
      tpu.yield
    }) : () -> ()
    %run_scoped3A_36 = arith.constant 1 : i32
    "tpu.region"() ({
      %run_scoped3A_59 = tpu.sem_alloc : memref<!tpu.dma_semaphore, #tpu.memory_space<semaphore_mem>>
      %dma_start3A_60 = arith.constant 0 : i32
      %dma_start3A_61 = arith.constant 0 : i32
      %dma_start3A_62 = tpu.memref_slice %arg6[%dma_start3A_60, %dma_start3A_61] : memref<79x128xi32, #tpu.memory_space<vmem>> -> memref<78x128xi32, #tpu.memory_space<vmem>>
      %dma_start3A_63 = arith.constant 0 : i32
      %dma_start3A_64 = tpu.memref_slice %arg2[%run_scoped3A_36, %add3A_4, %dma_start3A_63] : memref<2x2500x128xi32, #tpu.memory_space<hbm>> -> memref<1x78x128xi32, #tpu.memory_space<hbm>>
      %dma_start3A_65 = tpu.memref_squeeze %dma_start3A_64 : memref<1x78x128xi32, #tpu.memory_space<hbm>> -> memref<78x128xi32, #tpu.memory_space<hbm>>
      %dma_start3A_66 = arith.constant 0 : i32
      %dma_start3A_67 = arith.constant 0 : i32
      %dma_start3A_68 = tpu.memref_slice %arg6[%dma_start3A_66, %dma_start3A_67] : memref<79x128xi32, #tpu.memory_space<vmem>> -> memref<78x128xi32, #tpu.memory_space<vmem>>
      %dma_start3A_69 = arith.constant 0 : i32
      %dma_start3A_70 = tpu.memref_slice %arg2[%run_scoped3A_36, %add3A_4, %dma_start3A_69] : memref<2x2500x128xi32, #tpu.memory_space<hbm>> -> memref<1x78x128xi32, #tpu.memory_space<hbm>>
      %dma_start3A_71 = tpu.memref_squeeze %dma_start3A_70 : memref<1x78x128xi32, #tpu.memory_space<hbm>> -> memref<78x128xi32, #tpu.memory_space<hbm>>
      tpu.enqueue_dma source(%dma_start3A_71 : memref<78x128xi32, #tpu.memory_space<hbm>>) target(%dma_start3A_68 : memref<78x128xi32, #tpu.memory_space<vmem>>) target_semaphore(%run_scoped3A_59 : memref<!tpu.dma_semaphore, #tpu.memory_space<semaphore_mem>>)
      %dma_wait3A = arith.constant 0 : i32
      %dma_wait3A_72 = arith.constant 0 : i32
      %dma_wait3A_73 = tpu.memref_slice %arg6[%dma_wait3A, %dma_wait3A_72] : memref<79x128xi32, #tpu.memory_space<vmem>> -> memref<78x128xi32, #tpu.memory_space<vmem>>
      %dma_wait3A_74 = arith.constant 0 : i32
      %dma_wait3A_75 = tpu.memref_slice %arg2[%run_scoped3A_36, %add3A_4, %dma_wait3A_74] : memref<2x2500x128xi32, #tpu.memory_space<hbm>> -> memref<1x78x128xi32, #tpu.memory_space<hbm>>
      %dma_wait3A_76 = tpu.memref_squeeze %dma_wait3A_75 : memref<1x78x128xi32, #tpu.memory_space<hbm>> -> memref<78x128xi32, #tpu.memory_space<hbm>>
      %dma_wait3A_77 = arith.constant 0 : i32
      %dma_wait3A_78 = arith.constant 0 : i32
      %dma_wait3A_79 = tpu.memref_slice %arg6[%dma_wait3A_77, %dma_wait3A_78] : memref<79x128xi32, #tpu.memory_space<vmem>> -> memref<78x128xi32, #tpu.memory_space<vmem>>
      %dma_wait3A_80 = arith.constant 0 : i32
      %dma_wait3A_81 = tpu.memref_slice %arg2[%run_scoped3A_36, %add3A_4, %dma_wait3A_80] : memref<2x2500x128xi32, #tpu.memory_space<hbm>> -> memref<1x78x128xi32, #tpu.memory_space<hbm>>
      %dma_wait3A_82 = tpu.memref_squeeze %dma_wait3A_81 : memref<1x78x128xi32, #tpu.memory_space<hbm>> -> memref<78x128xi32, #tpu.memory_space<hbm>>
      tpu.wait_dma2 semaphore(%run_scoped3A_59 : memref<!tpu.dma_semaphore, #tpu.memory_space<semaphore_mem>>) src(%dma_wait3A_82 : memref<78x128xi32, #tpu.memory_space<hbm>>) dst(%dma_wait3A_79 : memref<78x128xi32, #tpu.memory_space<vmem>>)
      tpu.yield
    }) : () -> ()
    %convert_element_type3A = arith.extui %lt3A_5 : i1 to i32
    %cond3A = arith.constant 0 : i32
    %cond3A_37 = arith.cmpi ne, %convert_element_type3A, %cond3A : i32
    scf.if %cond3A_37 {
      %add3A_59 = arith.constant 78 : i32
      %add3A_60 = arith.addi %add3A_4, %add3A_59 : i32
      %run_scoped3A_61 = arith.constant 0 : i32
      "tpu.region"() ({
        %run_scoped3A_65 = tpu.sem_alloc : memref<!tpu.dma_semaphore, #tpu.memory_space<semaphore_mem>>
        %dma_start3A_66 = arith.constant 78 : i32
        %dma_start3A_67 = arith.constant 0 : i32
        %dma_start3A_68 = tpu.memref_slice %arg5[%dma_start3A_66, %dma_start3A_67] : memref<79x128xi32, #tpu.memory_space<vmem>> -> memref<1x128xi32, #tpu.memory_space<vmem>>
        %dma_start3A_69 = arith.constant 0 : i32
        %dma_start3A_70 = tpu.memref_slice %arg2[%run_scoped3A_61, %add3A_60, %dma_start3A_69] : memref<2x2500x128xi32, #tpu.memory_space<hbm>> -> memref<1x1x128xi32, #tpu.memory_space<hbm>>
        %dma_start3A_71 = tpu.memref_squeeze %dma_start3A_70 : memref<1x1x128xi32, #tpu.memory_space<hbm>> -> memref<1x128xi32, #tpu.memory_space<hbm>>
        %dma_start3A_72 = arith.constant 78 : i32
        %dma_start3A_73 = arith.constant 0 : i32
        %dma_start3A_74 = tpu.memref_slice %arg5[%dma_start3A_72, %dma_start3A_73] : memref<79x128xi32, #tpu.memory_space<vmem>> -> memref<1x128xi32, #tpu.memory_space<vmem>>
        %dma_start3A_75 = arith.constant 0 : i32
        %dma_start3A_76 = tpu.memref_slice %arg2[%run_scoped3A_61, %add3A_60, %dma_start3A_75] : memref<2x2500x128xi32, #tpu.memory_space<hbm>> -> memref<1x1x128xi32, #tpu.memory_space<hbm>>
        %dma_start3A_77 = tpu.memref_squeeze %dma_start3A_76 : memref<1x1x128xi32, #tpu.memory_space<hbm>> -> memref<1x128xi32, #tpu.memory_space<hbm>>
        tpu.enqueue_dma source(%dma_start3A_77 : memref<1x128xi32, #tpu.memory_space<hbm>>) target(%dma_start3A_74 : memref<1x128xi32, #tpu.memory_space<vmem>>) target_semaphore(%run_scoped3A_65 : memref<!tpu.dma_semaphore, #tpu.memory_space<semaphore_mem>>)
        %dma_wait3A = arith.constant 78 : i32
        %dma_wait3A_78 = arith.constant 0 : i32
        %dma_wait3A_79 = tpu.memref_slice %arg5[%dma_wait3A, %dma_wait3A_78] : memref<79x128xi32, #tpu.memory_space<vmem>> -> memref<1x128xi32, #tpu.memory_space<vmem>>
        %dma_wait3A_80 = arith.constant 0 : i32
        %dma_wait3A_81 = tpu.memref_slice %arg2[%run_scoped3A_61, %add3A_60, %dma_wait3A_80] : memref<2x2500x128xi32, #tpu.memory_space<hbm>> -> memref<1x1x128xi32, #tpu.memory_space<hbm>>
        %dma_wait3A_82 = tpu.memref_squeeze %dma_wait3A_81 : memref<1x1x128xi32, #tpu.memory_space<hbm>> -> memref<1x128xi32, #tpu.memory_space<hbm>>
        %dma_wait3A_83 = arith.constant 78 : i32
        %dma_wait3A_84 = arith.constant 0 : i32
        %dma_wait3A_85 = tpu.memref_slice %arg5[%dma_wait3A_83, %dma_wait3A_84] : memref<79x128xi32, #tpu.memory_space<vmem>> -> memref<1x128xi32, #tpu.memory_space<vmem>>
        %dma_wait3A_86 = arith.constant 0 : i32
        %dma_wait3A_87 = tpu.memref_slice %arg2[%run_scoped3A_61, %add3A_60, %dma_wait3A_86] : memref<2x2500x128xi32, #tpu.memory_space<hbm>> -> memref<1x1x128xi32, #tpu.memory_space<hbm>>
        %dma_wait3A_88 = tpu.memref_squeeze %dma_wait3A_87 : memref<1x1x128xi32, #tpu.memory_space<hbm>> -> memref<1x128xi32, #tpu.memory_space<hbm>>
        tpu.wait_dma2 semaphore(%run_scoped3A_65 : memref<!tpu.dma_semaphore, #tpu.memory_space<semaphore_mem>>) src(%dma_wait3A_88 : memref<1x128xi32, #tpu.memory_space<hbm>>) dst(%dma_wait3A_85 : memref<1x128xi32, #tpu.memory_space<vmem>>)
        tpu.yield
      }) : () -> ()
      %add3A_62 = arith.constant 78 : i32
      %add3A_63 = arith.addi %add3A_4, %add3A_62 : i32
      %run_scoped3A_64 = arith.constant 1 : i32
      "tpu.region"() ({
        %run_scoped3A_65 = tpu.sem_alloc : memref<!tpu.dma_semaphore, #tpu.memory_space<semaphore_mem>>
        %dma_start3A_66 = arith.constant 78 : i32
        %dma_start3A_67 = arith.constant 0 : i32
        %dma_start3A_68 = tpu.memref_slice %arg6[%dma_start3A_66, %dma_start3A_67] : memref<79x128xi32, #tpu.memory_space<vmem>> -> memref<1x128xi32, #tpu.memory_space<vmem>>
        %dma_start3A_69 = arith.constant 0 : i32
        %dma_start3A_70 = tpu.memref_slice %arg2[%run_scoped3A_64, %add3A_63, %dma_start3A_69] : memref<2x2500x128xi32, #tpu.memory_space<hbm>> -> memref<1x1x128xi32, #tpu.memory_space<hbm>>
        %dma_start3A_71 = tpu.memref_squeeze %dma_start3A_70 : memref<1x1x128xi32, #tpu.memory_space<hbm>> -> memref<1x128xi32, #tpu.memory_space<hbm>>
        %dma_start3A_72 = arith.constant 78 : i32
        %dma_start3A_73 = arith.constant 0 : i32
        %dma_start3A_74 = tpu.memref_slice %arg6[%dma_start3A_72, %dma_start3A_73] : memref<79x128xi32, #tpu.memory_space<vmem>> -> memref<1x128xi32, #tpu.memory_space<vmem>>
        %dma_start3A_75 = arith.constant 0 : i32
        %dma_start3A_76 = tpu.memref_slice %arg2[%run_scoped3A_64, %add3A_63, %dma_start3A_75] : memref<2x2500x128xi32, #tpu.memory_space<hbm>> -> memref<1x1x128xi32, #tpu.memory_space<hbm>>
        %dma_start3A_77 = tpu.memref_squeeze %dma_start3A_76 : memref<1x1x128xi32, #tpu.memory_space<hbm>> -> memref<1x128xi32, #tpu.memory_space<hbm>>
        tpu.enqueue_dma source(%dma_start3A_77 : memref<1x128xi32, #tpu.memory_space<hbm>>) target(%dma_start3A_74 : memref<1x128xi32, #tpu.memory_space<vmem>>) target_semaphore(%run_scoped3A_65 : memref<!tpu.dma_semaphore, #tpu.memory_space<semaphore_mem>>)
        %dma_wait3A = arith.constant 78 : i32
        %dma_wait3A_78 = arith.constant 0 : i32
        %dma_wait3A_79 = tpu.memref_slice %arg6[%dma_wait3A, %dma_wait3A_78] : memref<79x128xi32, #tpu.memory_space<vmem>> -> memref<1x128xi32, #tpu.memory_space<vmem>>
        %dma_wait3A_80 = arith.constant 0 : i32
        %dma_wait3A_81 = tpu.memref_slice %arg2[%run_scoped3A_64, %add3A_63, %dma_wait3A_80] : memref<2x2500x128xi32, #tpu.memory_space<hbm>> -> memref<1x1x128xi32, #tpu.memory_space<hbm>>
        %dma_wait3A_82 = tpu.memref_squeeze %dma_wait3A_81 : memref<1x1x128xi32, #tpu.memory_space<hbm>> -> memref<1x128xi32, #tpu.memory_space<hbm>>
        %dma_wait3A_83 = arith.constant 78 : i32
        %dma_wait3A_84 = arith.constant 0 : i32
        %dma_wait3A_85 = tpu.memref_slice %arg6[%dma_wait3A_83, %dma_wait3A_84] : memref<79x128xi32, #tpu.memory_space<vmem>> -> memref<1x128xi32, #tpu.memory_space<vmem>>
        %dma_wait3A_86 = arith.constant 0 : i32
        %dma_wait3A_87 = tpu.memref_slice %arg2[%run_scoped3A_64, %add3A_63, %dma_wait3A_86] : memref<2x2500x128xi32, #tpu.memory_space<hbm>> -> memref<1x1x128xi32, #tpu.memory_space<hbm>>
        %dma_wait3A_88 = tpu.memref_squeeze %dma_wait3A_87 : memref<1x1x128xi32, #tpu.memory_space<hbm>> -> memref<1x128xi32, #tpu.memory_space<hbm>>
        tpu.wait_dma2 semaphore(%run_scoped3A_65 : memref<!tpu.dma_semaphore, #tpu.memory_space<semaphore_mem>>) src(%dma_wait3A_88 : memref<1x128xi32, #tpu.memory_space<hbm>>) dst(%dma_wait3A_85 : memref<1x128xi32, #tpu.memory_space<vmem>>)
        tpu.yield
      }) : () -> ()
    } else {
    }
    %barrier3A = arith.constant 0 : index
    tpu.barrier barrier_id(%barrier3A)
    %dma_start3A = arith.constant 0 : i32
    %dma_start3A_38 = arith.constant 0 : i32
    %dma_start3A_39 = tpu.memref_slice %arg5[%dma_start3A, %dma_start3A_38] : memref<79x128xi32, #tpu.memory_space<vmem>> -> memref<1x128xi32, #tpu.memory_space<vmem>>
    %dma_start3A_40 = tpu.memref_squeeze %dma_start3A_39 : memref<1x128xi32, #tpu.memory_space<vmem>> -> memref<128xi32, #tpu.memory_space<vmem>>
    %dma_start3A_41 = arith.constant 0 : i32
    %dma_start3A_42 = arith.constant 0 : i32
    %dma_start3A_43 = tpu.memref_slice %arg9[%dma_start3A_41, %dma_start3A_42] : memref<10000x64xf32, #tpu.memory_space<vmem_shared>> -> memref<10000x64xf32, #tpu.memory_space<vmem_shared>>
    tpu.enqueue_indirect_dma source(%dma_start3A_43 : memref<10000x64xf32, #tpu.memory_space<vmem_shared>>) target(%arg7 : memref<128x64xf32, #tpu.memory_space<vmem>>) offsets(%dma_start3A_40 : memref<128xi32, #tpu.memory_space<vmem>>) semaphore(%arg11 : memref<!tpu.dma_semaphore, #tpu.memory_space<semaphore_mem>>)
    %scan3A_44 = arith.constant 0 : i32
    %scan3A_45 = arith.constant 0 : i32
    %scan3A_46 = arith.constant 39 : i32
    %scan3A_47 = arith.addi %scan3A_45, %scan3A_46 : i32
    %scan3A_48 = arith.constant 1 : i32
    %scan3A_49 = scf.for %scan3A_59 = %scan3A_45 to %scan3A_47 step %scan3A_48 iter_args(%scan3A_60 = %scan3A_44) -> (i32)  : i32 {
      %mul3A_61 = arith.constant 2 : i32
      %mul3A_62 = arith.muli %mul3A_61, %scan3A_59 : i32
      %add3A_63 = arith.constant 1 : i32
      %add3A_64 = arith.addi %mul3A_62, %add3A_63 : i32
      %dma_start3A_65 = arith.constant 0 : i32
      %dma_start3A_66 = tpu.memref_slice %arg5[%add3A_64, %dma_start3A_65] : memref<79x128xi32, #tpu.memory_space<vmem>> -> memref<1x128xi32, #tpu.memory_space<vmem>>
      %dma_start3A_67 = tpu.memref_squeeze %dma_start3A_66 : memref<1x128xi32, #tpu.memory_space<vmem>> -> memref<128xi32, #tpu.memory_space<vmem>>
      %dma_start3A_68 = arith.constant 0 : i32
      %dma_start3A_69 = arith.constant 0 : i32
      %dma_start3A_70 = tpu.memref_slice %arg9[%dma_start3A_68, %dma_start3A_69] : memref<10000x64xf32, #tpu.memory_space<vmem_shared>> -> memref<10000x64xf32, #tpu.memory_space<vmem_shared>>
      tpu.enqueue_indirect_dma source(%dma_start3A_70 : memref<10000x64xf32, #tpu.memory_space<vmem_shared>>) target(%arg8 : memref<128x64xf32, #tpu.memory_space<vmem>>) offsets(%dma_start3A_67 : memref<128xi32, #tpu.memory_space<vmem>>) semaphore(%arg12 : memref<!tpu.dma_semaphore, #tpu.memory_space<semaphore_mem>>)
      %dma_wait3A = arith.constant 0 : i32
      %dma_wait3A_71 = tpu.memref_slice %arg5[%mul3A_62, %dma_wait3A] : memref<79x128xi32, #tpu.memory_space<vmem>> -> memref<1x128xi32, #tpu.memory_space<vmem>>
      %dma_wait3A_72 = tpu.memref_squeeze %dma_wait3A_71 : memref<1x128xi32, #tpu.memory_space<vmem>> -> memref<128xi32, #tpu.memory_space<vmem>>
      %dma_wait3A_73 = arith.constant 0 : i32
      %dma_wait3A_74 = arith.constant 0 : i32
      %dma_wait3A_75 = tpu.memref_slice %arg9[%dma_wait3A_73, %dma_wait3A_74] : memref<10000x64xf32, #tpu.memory_space<vmem_shared>> -> memref<10000x64xf32, #tpu.memory_space<vmem_shared>>
      tpu.wait_indirect_dma semaphore(%arg11 : memref<!tpu.dma_semaphore, #tpu.memory_space<semaphore_mem>>) src(%dma_wait3A_75 : memref<10000x64xf32, #tpu.memory_space<vmem_shared>>) dst(%arg7 : memref<128x64xf32, #tpu.memory_space<vmem>>)
      "tpu.region"() ({
        %run_scoped3A_92 = tpu.sem_alloc : memref<!tpu.dma_semaphore, #tpu.memory_space<semaphore_mem>>
        %dma_start3A_93 = arith.constant 0 : i32
        %dma_start3A_94 = tpu.memref_slice %arg6[%mul3A_62, %dma_start3A_93] : memref<79x128xi32, #tpu.memory_space<vmem>> -> memref<1x128xi32, #tpu.memory_space<vmem>>
        %dma_start3A_95 = tpu.memref_squeeze %dma_start3A_94 : memref<1x128xi32, #tpu.memory_space<vmem>> -> memref<128xi32, #tpu.memory_space<vmem>>
        %dma_start3A_96 = arith.constant 0 : i32
        %dma_start3A_97 = arith.constant 0 : i32
        %dma_start3A_98 = tpu.memref_slice %arg10[%dma_start3A_96, %dma_start3A_97] : memref<10112x64xf32, #tpu.memory_space<vmem_shared>> -> memref<10112x64xf32, #tpu.memory_space<vmem_shared>>
        tpu.enqueue_indirect_dma source(%arg7 : memref<128x64xf32, #tpu.memory_space<vmem>>) target(%dma_start3A_98 : memref<10112x64xf32, #tpu.memory_space<vmem_shared>>) offsets(%dma_start3A_95 : memref<128xi32, #tpu.memory_space<vmem>>) semaphore(%run_scoped3A_92 : memref<!tpu.dma_semaphore, #tpu.memory_space<semaphore_mem>>) {add = true}
        %dma_wait3A_99 = arith.constant 0 : i32
        %dma_wait3A_100 = tpu.memref_slice %arg6[%mul3A_62, %dma_wait3A_99] : memref<79x128xi32, #tpu.memory_space<vmem>> -> memref<1x128xi32, #tpu.memory_space<vmem>>
        %dma_wait3A_101 = tpu.memref_squeeze %dma_wait3A_100 : memref<1x128xi32, #tpu.memory_space<vmem>> -> memref<128xi32, #tpu.memory_space<vmem>>
        %dma_wait3A_102 = arith.constant 0 : i32
        %dma_wait3A_103 = arith.constant 0 : i32
        %dma_wait3A_104 = tpu.memref_slice %arg10[%dma_wait3A_102, %dma_wait3A_103] : memref<10112x64xf32, #tpu.memory_space<vmem_shared>> -> memref<10112x64xf32, #tpu.memory_space<vmem_shared>>
        tpu.wait_indirect_dma semaphore(%run_scoped3A_92 : memref<!tpu.dma_semaphore, #tpu.memory_space<semaphore_mem>>) src(%arg7 : memref<128x64xf32, #tpu.memory_space<vmem>>) dst(%dma_wait3A_104 : memref<10112x64xf32, #tpu.memory_space<vmem_shared>>)
        tpu.yield
      }) : () -> ()
      %lt3A_76 = arith.constant 38 : i32
      %lt3A_77 = arith.cmpi slt, %scan3A_59, %lt3A_76 : i32
      %convert_element_type3A_78 = arith.extui %lt3A_77 : i1 to i32
      %cond3A_79 = arith.constant 0 : i32
      %cond3A_80 = arith.cmpi ne, %convert_element_type3A_78, %cond3A_79 : i32
      scf.if %cond3A_80 {
        %add3A_92 = arith.constant 2 : i32
        %add3A_93 = arith.addi %mul3A_62, %add3A_92 : i32
        %dma_start3A_94 = arith.constant 0 : i32
        %dma_start3A_95 = tpu.memref_slice %arg5[%add3A_93, %dma_start3A_94] : memref<79x128xi32, #tpu.memory_space<vmem>> -> memref<1x128xi32, #tpu.memory_space<vmem>>
        %dma_start3A_96 = tpu.memref_squeeze %dma_start3A_95 : memref<1x128xi32, #tpu.memory_space<vmem>> -> memref<128xi32, #tpu.memory_space<vmem>>
        %dma_start3A_97 = arith.constant 0 : i32
        %dma_start3A_98 = arith.constant 0 : i32
        %dma_start3A_99 = tpu.memref_slice %arg9[%dma_start3A_97, %dma_start3A_98] : memref<10000x64xf32, #tpu.memory_space<vmem_shared>> -> memref<10000x64xf32, #tpu.memory_space<vmem_shared>>
        tpu.enqueue_indirect_dma source(%dma_start3A_99 : memref<10000x64xf32, #tpu.memory_space<vmem_shared>>) target(%arg7 : memref<128x64xf32, #tpu.memory_space<vmem>>) offsets(%dma_start3A_96 : memref<128xi32, #tpu.memory_space<vmem>>) semaphore(%arg11 : memref<!tpu.dma_semaphore, #tpu.memory_space<semaphore_mem>>)
      } else {
      }
      %add3A_81 = arith.constant 1 : i32
      %add3A_82 = arith.addi %mul3A_62, %add3A_81 : i32
      %dma_wait3A_83 = arith.constant 0 : i32
      %dma_wait3A_84 = tpu.memref_slice %arg5[%add3A_82, %dma_wait3A_83] : memref<79x128xi32, #tpu.memory_space<vmem>> -> memref<1x128xi32, #tpu.memory_space<vmem>>
      %dma_wait3A_85 = tpu.memref_squeeze %dma_wait3A_84 : memref<1x128xi32, #tpu.memory_space<vmem>> -> memref<128xi32, #tpu.memory_space<vmem>>
      %dma_wait3A_86 = arith.constant 0 : i32
      %dma_wait3A_87 = arith.constant 0 : i32
      %dma_wait3A_88 = tpu.memref_slice %arg9[%dma_wait3A_86, %dma_wait3A_87] : memref<10000x64xf32, #tpu.memory_space<vmem_shared>> -> memref<10000x64xf32, #tpu.memory_space<vmem_shared>>
      tpu.wait_indirect_dma semaphore(%arg12 : memref<!tpu.dma_semaphore, #tpu.memory_space<semaphore_mem>>) src(%dma_wait3A_88 : memref<10000x64xf32, #tpu.memory_space<vmem_shared>>) dst(%arg8 : memref<128x64xf32, #tpu.memory_space<vmem>>)
      %add3A_89 = arith.constant 1 : i32
      %add3A_90 = arith.addi %mul3A_62, %add3A_89 : i32
      "tpu.region"() ({
        %run_scoped3A_92 = tpu.sem_alloc : memref<!tpu.dma_semaphore, #tpu.memory_space<semaphore_mem>>
        %dma_start3A_93 = arith.constant 0 : i32
        %dma_start3A_94 = tpu.memref_slice %arg6[%add3A_90, %dma_start3A_93] : memref<79x128xi32, #tpu.memory_space<vmem>> -> memref<1x128xi32, #tpu.memory_space<vmem>>
        %dma_start3A_95 = tpu.memref_squeeze %dma_start3A_94 : memref<1x128xi32, #tpu.memory_space<vmem>> -> memref<128xi32, #tpu.memory_space<vmem>>
        %dma_start3A_96 = arith.constant 0 : i32
        %dma_start3A_97 = arith.constant 0 : i32
        %dma_start3A_98 = tpu.memref_slice %arg10[%dma_start3A_96, %dma_start3A_97] : memref<10112x64xf32, #tpu.memory_space<vmem_shared>> -> memref<10112x64xf32, #tpu.memory_space<vmem_shared>>
        tpu.enqueue_indirect_dma source(%arg8 : memref<128x64xf32, #tpu.memory_space<vmem>>) target(%dma_start3A_98 : memref<10112x64xf32, #tpu.memory_space<vmem_shared>>) offsets(%dma_start3A_95 : memref<128xi32, #tpu.memory_space<vmem>>) semaphore(%run_scoped3A_92 : memref<!tpu.dma_semaphore, #tpu.memory_space<semaphore_mem>>) {add = true}
        %dma_wait3A_99 = arith.constant 0 : i32
        %dma_wait3A_100 = tpu.memref_slice %arg6[%add3A_90, %dma_wait3A_99] : memref<79x128xi32, #tpu.memory_space<vmem>> -> memref<1x128xi32, #tpu.memory_space<vmem>>
        %dma_wait3A_101 = tpu.memref_squeeze %dma_wait3A_100 : memref<1x128xi32, #tpu.memory_space<vmem>> -> memref<128xi32, #tpu.memory_space<vmem>>
        %dma_wait3A_102 = arith.constant 0 : i32
        %dma_wait3A_103 = arith.constant 0 : i32
        %dma_wait3A_104 = tpu.memref_slice %arg10[%dma_wait3A_102, %dma_wait3A_103] : memref<10112x64xf32, #tpu.memory_space<vmem_shared>> -> memref<10112x64xf32, #tpu.memory_space<vmem_shared>>
        tpu.wait_indirect_dma semaphore(%run_scoped3A_92 : memref<!tpu.dma_semaphore, #tpu.memory_space<semaphore_mem>>) src(%arg8 : memref<128x64xf32, #tpu.memory_space<vmem>>) dst(%dma_wait3A_104 : memref<10112x64xf32, #tpu.memory_space<vmem_shared>>)
        tpu.yield
      }) : () -> ()
      %scan3A_91 = arith.constant 0 : i32
      scf.yield %scan3A_91 : i32
    }
    %scan3A_50 = arith.constant 39 : i32
    %convert_element_type3A_51 = arith.extui %lt3A_5 : i1 to i32
    %cond3A_52 = arith.constant 0 : i32
    %cond3A_53 = arith.cmpi ne, %convert_element_type3A_51, %cond3A_52 : i32
    scf.if %cond3A_53 {
      %dma_start3A_59 = arith.constant 78 : i32
      %dma_start3A_60 = arith.constant 0 : i32
      %dma_start3A_61 = tpu.memref_slice %arg5[%dma_start3A_59, %dma_start3A_60] : memref<79x128xi32, #tpu.memory_space<vmem>> -> memref<1x128xi32, #tpu.memory_space<vmem>>
      %dma_start3A_62 = tpu.memref_squeeze %dma_start3A_61 : memref<1x128xi32, #tpu.memory_space<vmem>> -> memref<128xi32, #tpu.memory_space<vmem>>
      %dma_start3A_63 = arith.constant 0 : i32
      %dma_start3A_64 = arith.constant 0 : i32
      %dma_start3A_65 = tpu.memref_slice %arg9[%dma_start3A_63, %dma_start3A_64] : memref<10000x64xf32, #tpu.memory_space<vmem_shared>> -> memref<10000x64xf32, #tpu.memory_space<vmem_shared>>
      tpu.enqueue_indirect_dma source(%dma_start3A_65 : memref<10000x64xf32, #tpu.memory_space<vmem_shared>>) target(%arg7 : memref<128x64xf32, #tpu.memory_space<vmem>>) offsets(%dma_start3A_62 : memref<128xi32, #tpu.memory_space<vmem>>) semaphore(%arg11 : memref<!tpu.dma_semaphore, #tpu.memory_space<semaphore_mem>>)
      %dma_wait3A = arith.constant 78 : i32
      %dma_wait3A_66 = arith.constant 0 : i32
      %dma_wait3A_67 = tpu.memref_slice %arg5[%dma_wait3A, %dma_wait3A_66] : memref<79x128xi32, #tpu.memory_space<vmem>> -> memref<1x128xi32, #tpu.memory_space<vmem>>
      %dma_wait3A_68 = tpu.memref_squeeze %dma_wait3A_67 : memref<1x128xi32, #tpu.memory_space<vmem>> -> memref<128xi32, #tpu.memory_space<vmem>>
      %dma_wait3A_69 = arith.constant 0 : i32
      %dma_wait3A_70 = arith.constant 0 : i32
      %dma_wait3A_71 = tpu.memref_slice %arg9[%dma_wait3A_69, %dma_wait3A_70] : memref<10000x64xf32, #tpu.memory_space<vmem_shared>> -> memref<10000x64xf32, #tpu.memory_space<vmem_shared>>
      tpu.wait_indirect_dma semaphore(%arg11 : memref<!tpu.dma_semaphore, #tpu.memory_space<semaphore_mem>>) src(%dma_wait3A_71 : memref<10000x64xf32, #tpu.memory_space<vmem_shared>>) dst(%arg7 : memref<128x64xf32, #tpu.memory_space<vmem>>)
      %run_scoped3A_72 = arith.constant 78 : i32
      "tpu.region"() ({
        %run_scoped3A_73 = tpu.sem_alloc : memref<!tpu.dma_semaphore, #tpu.memory_space<semaphore_mem>>
        %dma_start3A_74 = arith.constant 0 : i32
        %dma_start3A_75 = tpu.memref_slice %arg6[%run_scoped3A_72, %dma_start3A_74] : memref<79x128xi32, #tpu.memory_space<vmem>> -> memref<1x128xi32, #tpu.memory_space<vmem>>
        %dma_start3A_76 = tpu.memref_squeeze %dma_start3A_75 : memref<1x128xi32, #tpu.memory_space<vmem>> -> memref<128xi32, #tpu.memory_space<vmem>>
        %dma_start3A_77 = arith.constant 0 : i32
        %dma_start3A_78 = arith.constant 0 : i32
        %dma_start3A_79 = tpu.memref_slice %arg10[%dma_start3A_77, %dma_start3A_78] : memref<10112x64xf32, #tpu.memory_space<vmem_shared>> -> memref<10112x64xf32, #tpu.memory_space<vmem_shared>>
        tpu.enqueue_indirect_dma source(%arg7 : memref<128x64xf32, #tpu.memory_space<vmem>>) target(%dma_start3A_79 : memref<10112x64xf32, #tpu.memory_space<vmem_shared>>) offsets(%dma_start3A_76 : memref<128xi32, #tpu.memory_space<vmem>>) semaphore(%run_scoped3A_73 : memref<!tpu.dma_semaphore, #tpu.memory_space<semaphore_mem>>) {add = true}
        %dma_wait3A_80 = arith.constant 0 : i32
        %dma_wait3A_81 = tpu.memref_slice %arg6[%run_scoped3A_72, %dma_wait3A_80] : memref<79x128xi32, #tpu.memory_space<vmem>> -> memref<1x128xi32, #tpu.memory_space<vmem>>
        %dma_wait3A_82 = tpu.memref_squeeze %dma_wait3A_81 : memref<1x128xi32, #tpu.memory_space<vmem>> -> memref<128xi32, #tpu.memory_space<vmem>>
        %dma_wait3A_83 = arith.constant 0 : i32
        %dma_wait3A_84 = arith.constant 0 : i32
        %dma_wait3A_85 = tpu.memref_slice %arg10[%dma_wait3A_83, %dma_wait3A_84] : memref<10112x64xf32, #tpu.memory_space<vmem_shared>> -> memref<10112x64xf32, #tpu.memory_space<vmem_shared>>
        tpu.wait_indirect_dma semaphore(%run_scoped3A_73 : memref<!tpu.dma_semaphore, #tpu.memory_space<semaphore_mem>>) src(%arg7 : memref<128x64xf32, #tpu.memory_space<vmem>>) dst(%dma_wait3A_85 : memref<10112x64xf32, #tpu.memory_space<vmem_shared>>)
        tpu.yield
      }) : () -> ()
    } else {
    }
    %barrier3A_54 = arith.constant 0 : index
    tpu.barrier barrier_id(%barrier3A_54)
    %mul3A_55 = arith.constant 632 : i32
    %mul3A_56 = arith.muli %arg1, %mul3A_55 : i32
    %mul3A_57 = arith.constant 632 : i32
    %mul3A_58 = arith.muli %arg1, %mul3A_57 : i32
    "tpu.region"() ({
      %run_scoped3A_59 = tpu.sem_alloc : memref<!tpu.dma_semaphore, #tpu.memory_space<semaphore_mem>>
      %dma_start3A_60 = arith.constant 0 : i32
      %dma_start3A_61 = tpu.memref_slice %arg4[%arg0, %mul3A_58, %dma_start3A_60] : memref<2x10112x64xf32, #tpu.memory_space<hbm>> -> memref<1x632x64xf32, #tpu.memory_space<hbm>>
      %dma_start3A_62 = tpu.memref_squeeze %dma_start3A_61 : memref<1x632x64xf32, #tpu.memory_space<hbm>> -> memref<632x64xf32, #tpu.memory_space<hbm>>
      %dma_start3A_63 = arith.constant 0 : i32
      %dma_start3A_64 = tpu.memref_slice %arg10[%mul3A_56, %dma_start3A_63] : memref<10112x64xf32, #tpu.memory_space<vmem_shared>> -> memref<632x64xf32, #tpu.memory_space<vmem_shared>>
      tpu.enqueue_dma source(%dma_start3A_64 : memref<632x64xf32, #tpu.memory_space<vmem_shared>>) target(%dma_start3A_62 : memref<632x64xf32, #tpu.memory_space<hbm>>) target_semaphore(%run_scoped3A_59 : memref<!tpu.dma_semaphore, #tpu.memory_space<semaphore_mem>>)
      %dma_wait3A = arith.constant 0 : i32
      %dma_wait3A_65 = tpu.memref_slice %arg4[%arg0, %mul3A_58, %dma_wait3A] : memref<2x10112x64xf32, #tpu.memory_space<hbm>> -> memref<1x632x64xf32, #tpu.memory_space<hbm>>
      %dma_wait3A_66 = tpu.memref_squeeze %dma_wait3A_65 : memref<1x632x64xf32, #tpu.memory_space<hbm>> -> memref<632x64xf32, #tpu.memory_space<hbm>>
      %dma_wait3A_67 = arith.constant 0 : i32
      %dma_wait3A_68 = tpu.memref_slice %arg10[%mul3A_56, %dma_wait3A_67] : memref<10112x64xf32, #tpu.memory_space<vmem_shared>> -> memref<632x64xf32, #tpu.memory_space<vmem_shared>>
      tpu.wait_dma2 semaphore(%run_scoped3A_59 : memref<!tpu.dma_semaphore, #tpu.memory_space<semaphore_mem>>) src(%dma_wait3A_68 : memref<632x64xf32, #tpu.memory_space<vmem_shared>>) dst(%dma_wait3A_66 : memref<632x64xf32, #tpu.memory_space<hbm>>)
      tpu.yield
    }) : () -> ()
    return
  }
}

#map = affine_map<(d0, d1) -> (0, 0, 0)>
#map1 = affine_map<(d0, d1) -> (0, 0)>
module attributes {stable_mosaic.version = 14 : i64} {
  func.func @_prop(%arg0: i32, %arg1: i32, %arg2: memref<2x2500x128xi32, #tpu.memory_space<hbm>>, %arg3: memref<10000x64xf32, #tpu.memory_space<hbm>>, %arg4: memref<2x10112x64xf32, #tpu.memory_space<hbm>>, %arg5: memref<79x128xi32, #tpu.memory_space<vmem>>, %arg6: memref<79x128xi32, #tpu.memory_space<vmem>>, %arg7: memref<128x64xf32, #tpu.memory_space<vmem>>, %arg8: memref<128x64xf32, #tpu.memory_space<vmem>>, %arg9: memref<10000x64xf32, #tpu.memory_space<vmem_shared>>, %arg10: memref<10112x64xf32, #tpu.memory_space<vmem_shared>>, %arg11: memref<!tpu.dma_semaphore, #tpu.memory_space<semaphore_mem>>, %arg12: memref<!tpu.dma_semaphore, #tpu.memory_space<semaphore_mem>>) attributes {dimension_semantics = [#tpu.dimension_semantics<core_parallel>, #tpu.dimension_semantics<subcore_parallel>], iteration_bounds = array<i64: 2, 16>, scalar_prefetch = 0 : i64, scratch_operands = 8 : i64, tpu.core_type = #tpu.core_type<sc_vector_subcore>, window_params = [{transform_indices = #map}, {transform_indices = #map1}, {transform_indices = #map}]} {
    %mul3A = arith.constant 2 : i32
    %mul3A_0 = arith.muli %arg1, %mul3A : i32
    %add3A = arith.addi %mul3A_0, %arg0 : i32
    %mul3A_1 = arith.constant 78 : i32
    %mul3A_2 = arith.muli %add3A, %mul3A_1 : i32
    %min3A = arith.constant 4 : i32
    %min3A_3 = arith.minsi %add3A, %min3A : i32
    %add3A_4 = arith.addi %mul3A_2, %min3A_3 : i32
    %lt3A = arith.constant 4 : i32
    %lt3A_5 = arith.cmpi slt, %add3A, %lt3A : i32
    %scan3A = arith.constant 0 : i32
    %scan3A_6 = arith.constant 0 : i32
    %scan3A_7 = arith.constant 128 : i32
    %scan3A_8 = arith.addi %scan3A_6, %scan3A_7 : i32
    %scan3A_9 = arith.constant 1 : i32
    %scan3A_10 = scf.for %scan3A_59 = %scan3A_6 to %scan3A_8 step %scan3A_9 iter_args(%scan3A_60 = %scan3A) -> (i32)  : i32 {
      %broadcast_in_dim3A = arith.constant 0.000000e+00 : f32
      %broadcast_in_dim3A_61 = vector.broadcast %broadcast_in_dim3A : f32 to vector<16xf32>
      %swap3A = arith.index_cast %scan3A_59 : i32 to index
      %swap3A_62 = arith.constant 0 : index
      %swap3A_63 = tpu.vector_load %arg7[%swap3A, %swap3A_62] {strides = array<i32>} : memref<128x64xf32, #tpu.memory_space<vmem>>, vector<1x16xf32>,
      %swap3A_64 = vector.shape_cast %swap3A_63 : vector<1x16xf32> to vector<16xf32>
      %swap3A_65 = vector.shape_cast %broadcast_in_dim3A_61 : vector<16xf32> to vector<1x16xf32>
      tpu.vector_store %arg7[%swap3A, %swap3A_62], %swap3A_65 {strides = array<i32>} : memref<128x64xf32, #tpu.memory_space<vmem>>, vector<1x16xf32>,
      %broadcast_in_dim3A_66 = arith.constant 0.000000e+00 : f32
      %broadcast_in_dim3A_67 = vector.broadcast %broadcast_in_dim3A_66 : f32 to vector<16xf32>
      %swap3A_68 = arith.index_cast %scan3A_59 : i32 to index
      %swap3A_69 = arith.constant 16 : index
      %swap3A_70 = tpu.vector_load %arg7[%swap3A_68, %swap3A_69] {strides = array<i32>} : memref<128x64xf32, #tpu.memory_space<vmem>>, vector<1x16xf32>,
      %swap3A_71 = vector.shape_cast %swap3A_70 : vector<1x16xf32> to vector<16xf32>
      %swap3A_72 = vector.shape_cast %broadcast_in_dim3A_67 : vector<16xf32> to vector<1x16xf32>
      tpu.vector_store %arg7[%swap3A_68, %swap3A_69], %swap3A_72 {strides = array<i32>} : memref<128x64xf32, #tpu.memory_space<vmem>>, vector<1x16xf32>,
      %broadcast_in_dim3A_73 = arith.constant 0.000000e+00 : f32
      %broadcast_in_dim3A_74 = vector.broadcast %broadcast_in_dim3A_73 : f32 to vector<16xf32>
      %swap3A_75 = arith.index_cast %scan3A_59 : i32 to index
      %swap3A_76 = arith.constant 32 : index
      %swap3A_77 = tpu.vector_load %arg7[%swap3A_75, %swap3A_76] {strides = array<i32>} : memref<128x64xf32, #tpu.memory_space<vmem>>, vector<1x16xf32>,
      %swap3A_78 = vector.shape_cast %swap3A_77 : vector<1x16xf32> to vector<16xf32>
      %swap3A_79 = vector.shape_cast %broadcast_in_dim3A_74 : vector<16xf32> to vector<1x16xf32>
      tpu.vector_store %arg7[%swap3A_75, %swap3A_76], %swap3A_79 {strides = array<i32>} : memref<128x64xf32, #tpu.memory_space<vmem>>, vector<1x16xf32>,
      %broadcast_in_dim3A_80 = arith.constant 0.000000e+00 : f32
      %broadcast_in_dim3A_81 = vector.broadcast %broadcast_in_dim3A_80 : f32 to vector<16xf32>
      %swap3A_82 = arith.index_cast %scan3A_59 : i32 to index
      %swap3A_83 = arith.constant 48 : index
      %swap3A_84 = tpu.vector_load %arg7[%swap3A_82, %swap3A_83] {strides = array<i32>} : memref<128x64xf32, #tpu.memory_space<vmem>>, vector<1x16xf32>,
      %swap3A_85 = vector.shape_cast %swap3A_84 : vector<1x16xf32> to vector<16xf32>
      %swap3A_86 = vector.shape_cast %broadcast_in_dim3A_81 : vector<16xf32> to vector<1x16xf32>
      tpu.vector_store %arg7[%swap3A_82, %swap3A_83], %swap3A_86 {strides = array<i32>} : memref<128x64xf32, #tpu.memory_space<vmem>>, vector<1x16xf32>,
      %scan3A_87 = arith.constant 0 : i32
      scf.yield %scan3A_87 : i32
    }
    %scan3A_11 = arith.constant 128 : i32
    %mul3A_12 = arith.constant 632 : i32
    %mul3A_13 = arith.muli %arg1, %mul3A_12 : i32
    %add3A_14 = arith.constant 0 : i32
    %add3A_15 = arith.addi %mul3A_13, %add3A_14 : i32
    "tpu.region"() ({
      %run_scoped3A_59 = tpu.sem_alloc : memref<!tpu.dma_semaphore, #tpu.memory_space<semaphore_mem>>
      %dma_start3A_60 = arith.constant 0 : i32
      %dma_start3A_61 = tpu.memref_slice %arg10[%add3A_15, %dma_start3A_60] : memref<10112x64xf32, #tpu.memory_space<vmem_shared>> -> memref<128x64xf32, #tpu.memory_space<vmem_shared>>
      %dma_start3A_62 = arith.constant 0 : i32
      %dma_start3A_63 = tpu.memref_slice %arg10[%add3A_15, %dma_start3A_62] : memref<10112x64xf32, #tpu.memory_space<vmem_shared>> -> memref<128x64xf32, #tpu.memory_space<vmem_shared>>
      tpu.enqueue_dma source(%arg7 : memref<128x64xf32, #tpu.memory_space<vmem>>) target(%dma_start3A_63 : memref<128x64xf32, #tpu.memory_space<vmem_shared>>) target_semaphore(%run_scoped3A_59 : memref<!tpu.dma_semaphore, #tpu.memory_space<semaphore_mem>>)
      %dma_wait3A = arith.constant 0 : i32
      %dma_wait3A_64 = tpu.memref_slice %arg10[%add3A_15, %dma_wait3A] : memref<10112x64xf32, #tpu.memory_space<vmem_shared>> -> memref<128x64xf32, #tpu.memory_space<vmem_shared>>
      %dma_wait3A_65 = arith.constant 0 : i32
      %dma_wait3A_66 = tpu.memref_slice %arg10[%add3A_15, %dma_wait3A_65] : memref<10112x64xf32, #tpu.memory_space<vmem_shared>> -> memref<128x64xf32, #tpu.memory_space<vmem_shared>>
      tpu.wait_dma2 semaphore(%run_scoped3A_59 : memref<!tpu.dma_semaphore, #tpu.memory_space<semaphore_mem>>) src(%arg7 : memref<128x64xf32, #tpu.memory_space<vmem>>) dst(%dma_wait3A_66 : memref<128x64xf32, #tpu.memory_space<vmem_shared>>)
      tpu.yield
    }) : () -> ()
    %mul3A_16 = arith.constant 632 : i32
    %mul3A_17 = arith.muli %arg1, %mul3A_16 : i32
    %add3A_18 = arith.constant 128 : i32
    %add3A_19 = arith.addi %mul3A_17, %add3A_18 : i32
    "tpu.region"() ({
      %run_scoped3A_59 = tpu.sem_alloc : memref<!tpu.dma_semaphore, #tpu.memory_space<semaphore_mem>>
      %dma_start3A_60 = arith.constant 0 : i32
      %dma_start3A_61 = tpu.memref_slice %arg10[%add3A_19, %dma_start3A_60] : memref<10112x64xf32, #tpu.memory_space<vmem_shared>> -> memref<128x64xf32, #tpu.memory_space<vmem_shared>>
      %dma_start3A_62 = arith.constant 0 : i32
      %dma_start3A_63 = tpu.memref_slice %arg10[%add3A_19, %dma_start3A_62] : memref<10112x64xf32, #tpu.memory_space<vmem_shared>> -> memref<128x64xf32, #tpu.memory_space<vmem_shared>>
      tpu.enqueue_dma source(%arg7 : memref<128x64xf32, #tpu.memory_space<vmem>>) target(%dma_start3A_63 : memref<128x64xf32, #tpu.memory_space<vmem_shared>>) target_semaphore(%run_scoped3A_59 : memref<!tpu.dma_semaphore, #tpu.memory_space<semaphore_mem>>)
      %dma_wait3A = arith.constant 0 : i32
      %dma_wait3A_64 = tpu.memref_slice %arg10[%add3A_19, %dma_wait3A] : memref<10112x64xf32, #tpu.memory_space<vmem_shared>> -> memref<128x64xf32, #tpu.memory_space<vmem_shared>>
      %dma_wait3A_65 = arith.constant 0 : i32
      %dma_wait3A_66 = tpu.memref_slice %arg10[%add3A_19, %dma_wait3A_65] : memref<10112x64xf32, #tpu.memory_space<vmem_shared>> -> memref<128x64xf32, #tpu.memory_space<vmem_shared>>
      tpu.wait_dma2 semaphore(%run_scoped3A_59 : memref<!tpu.dma_semaphore, #tpu.memory_space<semaphore_mem>>) src(%arg7 : memref<128x64xf32, #tpu.memory_space<vmem>>) dst(%dma_wait3A_66 : memref<128x64xf32, #tpu.memory_space<vmem_shared>>)
      tpu.yield
    }) : () -> ()
    %mul3A_20 = arith.constant 632 : i32
    %mul3A_21 = arith.muli %arg1, %mul3A_20 : i32
    %add3A_22 = arith.constant 256 : i32
    %add3A_23 = arith.addi %mul3A_21, %add3A_22 : i32
    "tpu.region"() ({
      %run_scoped3A_59 = tpu.sem_alloc : memref<!tpu.dma_semaphore, #tpu.memory_space<semaphore_mem>>
      %dma_start3A_60 = arith.constant 0 : i32
      %dma_start3A_61 = tpu.memref_slice %arg10[%add3A_23, %dma_start3A_60] : memref<10112x64xf32, #tpu.memory_space<vmem_shared>> -> memref<128x64xf32, #tpu.memory_space<vmem_shared>>
      %dma_start3A_62 = arith.constant 0 : i32
      %dma_start3A_63 = tpu.memref_slice %arg10[%add3A_23, %dma_start3A_62] : memref<10112x64xf32, #tpu.memory_space<vmem_shared>> -> memref<128x64xf32, #tpu.memory_space<vmem_shared>>
      tpu.enqueue_dma source(%arg7 : memref<128x64xf32, #tpu.memory_space<vmem>>) target(%dma_start3A_63 : memref<128x64xf32, #tpu.memory_space<vmem_shared>>) target_semaphore(%run_scoped3A_59 : memref<!tpu.dma_semaphore, #tpu.memory_space<semaphore_mem>>)
      %dma_wait3A = arith.constant 0 : i32
      %dma_wait3A_64 = tpu.memref_slice %arg10[%add3A_23, %dma_wait3A] : memref<10112x64xf32, #tpu.memory_space<vmem_shared>> -> memref<128x64xf32, #tpu.memory_space<vmem_shared>>
      %dma_wait3A_65 = arith.constant 0 : i32
      %dma_wait3A_66 = tpu.memref_slice %arg10[%add3A_23, %dma_wait3A_65] : memref<10112x64xf32, #tpu.memory_space<vmem_shared>> -> memref<128x64xf32, #tpu.memory_space<vmem_shared>>
      tpu.wait_dma2 semaphore(%run_scoped3A_59 : memref<!tpu.dma_semaphore, #tpu.memory_space<semaphore_mem>>) src(%arg7 : memref<128x64xf32, #tpu.memory_space<vmem>>) dst(%dma_wait3A_66 : memref<128x64xf32, #tpu.memory_space<vmem_shared>>)
      tpu.yield
    }) : () -> ()
    %mul3A_24 = arith.constant 632 : i32
    %mul3A_25 = arith.muli %arg1, %mul3A_24 : i32
    %add3A_26 = arith.constant 384 : i32
    %add3A_27 = arith.addi %mul3A_25, %add3A_26 : i32
    "tpu.region"() ({
      %run_scoped3A_59 = tpu.sem_alloc : memref<!tpu.dma_semaphore, #tpu.memory_space<semaphore_mem>>
      %dma_start3A_60 = arith.constant 0 : i32
      %dma_start3A_61 = tpu.memref_slice %arg10[%add3A_27, %dma_start3A_60] : memref<10112x64xf32, #tpu.memory_space<vmem_shared>> -> memref<128x64xf32, #tpu.memory_space<vmem_shared>>
      %dma_start3A_62 = arith.constant 0 : i32
      %dma_start3A_63 = tpu.memref_slice %arg10[%add3A_27, %dma_start3A_62] : memref<10112x64xf32, #tpu.memory_space<vmem_shared>> -> memref<128x64xf32, #tpu.memory_space<vmem_shared>>
      tpu.enqueue_dma source(%arg7 : memref<128x64xf32, #tpu.memory_space<vmem>>) target(%dma_start3A_63 : memref<128x64xf32, #tpu.memory_space<vmem_shared>>) target_semaphore(%run_scoped3A_59 : memref<!tpu.dma_semaphore, #tpu.memory_space<semaphore_mem>>)
      %dma_wait3A = arith.constant 0 : i32
      %dma_wait3A_64 = tpu.memref_slice %arg10[%add3A_27, %dma_wait3A] : memref<10112x64xf32, #tpu.memory_space<vmem_shared>> -> memref<128x64xf32, #tpu.memory_space<vmem_shared>>
      %dma_wait3A_65 = arith.constant 0 : i32
      %dma_wait3A_66 = tpu.memref_slice %arg10[%add3A_27, %dma_wait3A_65] : memref<10112x64xf32, #tpu.memory_space<vmem_shared>> -> memref<128x64xf32, #tpu.memory_space<vmem_shared>>
      tpu.wait_dma2 semaphore(%run_scoped3A_59 : memref<!tpu.dma_semaphore, #tpu.memory_space<semaphore_mem>>) src(%arg7 : memref<128x64xf32, #tpu.memory_space<vmem>>) dst(%dma_wait3A_66 : memref<128x64xf32, #tpu.memory_space<vmem_shared>>)
      tpu.yield
    }) : () -> ()
    %mul3A_28 = arith.constant 632 : i32
    %mul3A_29 = arith.muli %arg1, %mul3A_28 : i32
    %add3A_30 = arith.constant 512 : i32
    %add3A_31 = arith.addi %mul3A_29, %add3A_30 : i32
    "tpu.region"() ({
      %run_scoped3A_59 = tpu.sem_alloc : memref<!tpu.dma_semaphore, #tpu.memory_space<semaphore_mem>>
      %dma_start3A_60 = arith.constant 0 : i32
      %dma_start3A_61 = arith.constant 0 : i32
      %dma_start3A_62 = tpu.memref_slice %arg7[%dma_start3A_60, %dma_start3A_61] : memref<128x64xf32, #tpu.memory_space<vmem>> -> memref<120x64xf32, #tpu.memory_space<vmem>>
      %dma_start3A_63 = arith.constant 0 : i32
      %dma_start3A_64 = tpu.memref_slice %arg10[%add3A_31, %dma_start3A_63] : memref<10112x64xf32, #tpu.memory_space<vmem_shared>> -> memref<120x64xf32, #tpu.memory_space<vmem_shared>>
      %dma_start3A_65 = arith.constant 0 : i32
      %dma_start3A_66 = tpu.memref_slice %arg10[%add3A_31, %dma_start3A_65] : memref<10112x64xf32, #tpu.memory_space<vmem_shared>> -> memref<120x64xf32, #tpu.memory_space<vmem_shared>>
      %dma_start3A_67 = arith.constant 0 : i32
      %dma_start3A_68 = arith.constant 0 : i32
      %dma_start3A_69 = tpu.memref_slice %arg7[%dma_start3A_67, %dma_start3A_68] : memref<128x64xf32, #tpu.memory_space<vmem>> -> memref<120x64xf32, #tpu.memory_space<vmem>>
      tpu.enqueue_dma source(%dma_start3A_69 : memref<120x64xf32, #tpu.memory_space<vmem>>) target(%dma_start3A_66 : memref<120x64xf32, #tpu.memory_space<vmem_shared>>) target_semaphore(%run_scoped3A_59 : memref<!tpu.dma_semaphore, #tpu.memory_space<semaphore_mem>>)
      %dma_wait3A = arith.constant 0 : i32
      %dma_wait3A_70 = arith.constant 0 : i32
      %dma_wait3A_71 = tpu.memref_slice %arg7[%dma_wait3A, %dma_wait3A_70] : memref<128x64xf32, #tpu.memory_space<vmem>> -> memref<120x64xf32, #tpu.memory_space<vmem>>
      %dma_wait3A_72 = arith.constant 0 : i32
      %dma_wait3A_73 = tpu.memref_slice %arg10[%add3A_31, %dma_wait3A_72] : memref<10112x64xf32, #tpu.memory_space<vmem_shared>> -> memref<120x64xf32, #tpu.memory_space<vmem_shared>>
      %dma_wait3A_74 = arith.constant 0 : i32
      %dma_wait3A_75 = tpu.memref_slice %arg10[%add3A_31, %dma_wait3A_74] : memref<10112x64xf32, #tpu.memory_space<vmem_shared>> -> memref<120x64xf32, #tpu.memory_space<vmem_shared>>
      %dma_wait3A_76 = arith.constant 0 : i32
      %dma_wait3A_77 = arith.constant 0 : i32
      %dma_wait3A_78 = tpu.memref_slice %arg7[%dma_wait3A_76, %dma_wait3A_77] : memref<128x64xf32, #tpu.memory_space<vmem>> -> memref<120x64xf32, #tpu.memory_space<vmem>>
      tpu.wait_dma2 semaphore(%run_scoped3A_59 : memref<!tpu.dma_semaphore, #tpu.memory_space<semaphore_mem>>) src(%dma_wait3A_78 : memref<120x64xf32, #tpu.memory_space<vmem>>) dst(%dma_wait3A_75 : memref<120x64xf32, #tpu.memory_space<vmem_shared>>)
      tpu.yield
    }) : () -> ()
    %mul3A_32 = arith.constant 625 : i32
    %mul3A_33 = arith.muli %arg1, %mul3A_32 : i32
    %mul3A_34 = arith.constant 625 : i32
    %mul3A_35 = arith.muli %arg1, %mul3A_34 : i32
    "tpu.region"() ({
      %run_scoped3A_59 = tpu.sem_alloc : memref<!tpu.dma_semaphore, #tpu.memory_space<semaphore_mem>>
      %dma_start3A_60 = arith.constant 0 : i32
      %dma_start3A_61 = tpu.memref_slice %arg9[%mul3A_35, %dma_start3A_60] : memref<10000x64xf32, #tpu.memory_space<vmem_shared>> -> memref<625x64xf32, #tpu.memory_space<vmem_shared>>
      %dma_start3A_62 = arith.constant 0 : i32
      %dma_start3A_63 = tpu.memref_slice %arg3[%mul3A_33, %dma_start3A_62] : memref<10000x64xf32, #tpu.memory_space<hbm>> -> memref<625x64xf32, #tpu.memory_space<hbm>>
      tpu.enqueue_dma source(%dma_start3A_63 : memref<625x64xf32, #tpu.memory_space<hbm>>) target(%dma_start3A_61 : memref<625x64xf32, #tpu.memory_space<vmem_shared>>) target_semaphore(%run_scoped3A_59 : memref<!tpu.dma_semaphore, #tpu.memory_space<semaphore_mem>>)
      %dma_wait3A = arith.constant 0 : i32
      %dma_wait3A_64 = tpu.memref_slice %arg9[%mul3A_35, %dma_wait3A] : memref<10000x64xf32, #tpu.memory_space<vmem_shared>> -> memref<625x64xf32, #tpu.memory_space<vmem_shared>>
      %dma_wait3A_65 = arith.constant 0 : i32
      %dma_wait3A_66 = tpu.memref_slice %arg3[%mul3A_33, %dma_wait3A_65] : memref<10000x64xf32, #tpu.memory_space<hbm>> -> memref<625x64xf32, #tpu.memory_space<hbm>>
      tpu.wait_dma2 semaphore(%run_scoped3A_59 : memref<!tpu.dma_semaphore, #tpu.memory_space<semaphore_mem>>) src(%dma_wait3A_66 : memref<625x64xf32, #tpu.memory_space<hbm>>) dst(%dma_wait3A_64 : memref<625x64xf32, #tpu.memory_space<vmem_shared>>)
      tpu.yield
    }) : () -> ()
    %run_scoped3A = arith.constant 0 : i32
    "tpu.region"() ({
      %run_scoped3A_59 = tpu.sem_alloc : memref<!tpu.dma_semaphore, #tpu.memory_space<semaphore_mem>>
      %dma_start3A_60 = arith.constant 0 : i32
      %dma_start3A_61 = arith.constant 0 : i32
      %dma_start3A_62 = tpu.memref_slice %arg5[%dma_start3A_60, %dma_start3A_61] : memref<79x128xi32, #tpu.memory_space<vmem>> -> memref<78x128xi32, #tpu.memory_space<vmem>>
      %dma_start3A_63 = arith.constant 0 : i32
      %dma_start3A_64 = tpu.memref_slice %arg2[%run_scoped3A, %add3A_4, %dma_start3A_63] : memref<2x2500x128xi32, #tpu.memory_space<hbm>> -> memref<1x78x128xi32, #tpu.memory_space<hbm>>
      %dma_start3A_65 = tpu.memref_squeeze %dma_start3A_64 : memref<1x78x128xi32, #tpu.memory_space<hbm>> -> memref<78x128xi32, #tpu.memory_space<hbm>>
      %dma_start3A_66 = arith.constant 0 : i32
      %dma_start3A_67 = arith.constant 0 : i32
      %dma_start3A_68 = tpu.memref_slice %arg5[%dma_start3A_66, %dma_start3A_67] : memref<79x128xi32, #tpu.memory_space<vmem>> -> memref<78x128xi32, #tpu.memory_space<vmem>>
      %dma_start3A_69 = arith.constant 0 : i32
      %dma_start3A_70 = tpu.memref_slice %arg2[%run_scoped3A, %add3A_4, %dma_start3A_69] : memref<2x2500x128xi32, #tpu.memory_space<hbm>> -> memref<1x78x128xi32, #tpu.memory_space<hbm>>
      %dma_start3A_71 = tpu.memref_squeeze %dma_start3A_70 : memref<1x78x128xi32, #tpu.memory_space<hbm>> -> memref<78x128xi32, #tpu.memory_space<hbm>>
      tpu.enqueue_dma source(%dma_start3A_71 : memref<78x128xi32, #tpu.memory_space<hbm>>) target(%dma_start3A_68 : memref<78x128xi32, #tpu.memory_space<vmem>>) target_semaphore(%run_scoped3A_59 : memref<!tpu.dma_semaphore, #tpu.memory_space<semaphore_mem>>)
      %dma_wait3A = arith.constant 0 : i32
      %dma_wait3A_72 = arith.constant 0 : i32
      %dma_wait3A_73 = tpu.memref_slice %arg5[%dma_wait3A, %dma_wait3A_72] : memref<79x128xi32, #tpu.memory_space<vmem>> -> memref<78x128xi32, #tpu.memory_space<vmem>>
      %dma_wait3A_74 = arith.constant 0 : i32
      %dma_wait3A_75 = tpu.memref_slice %arg2[%run_scoped3A, %add3A_4, %dma_wait3A_74] : memref<2x2500x128xi32, #tpu.memory_space<hbm>> -> memref<1x78x128xi32, #tpu.memory_space<hbm>>
      %dma_wait3A_76 = tpu.memref_squeeze %dma_wait3A_75 : memref<1x78x128xi32, #tpu.memory_space<hbm>> -> memref<78x128xi32, #tpu.memory_space<hbm>>
      %dma_wait3A_77 = arith.constant 0 : i32
      %dma_wait3A_78 = arith.constant 0 : i32
      %dma_wait3A_79 = tpu.memref_slice %arg5[%dma_wait3A_77, %dma_wait3A_78] : memref<79x128xi32, #tpu.memory_space<vmem>> -> memref<78x128xi32, #tpu.memory_space<vmem>>
      %dma_wait3A_80 = arith.constant 0 : i32
      %dma_wait3A_81 = tpu.memref_slice %arg2[%run_scoped3A, %add3A_4, %dma_wait3A_80] : memref<2x2500x128xi32, #tpu.memory_space<hbm>> -> memref<1x78x128xi32, #tpu.memory_space<hbm>>
      %dma_wait3A_82 = tpu.memref_squeeze %dma_wait3A_81 : memref<1x78x128xi32, #tpu.memory_space<hbm>> -> memref<78x128xi32, #tpu.memory_space<hbm>>
      tpu.wait_dma2 semaphore(%run_scoped3A_59 : memref<!tpu.dma_semaphore, #tpu.memory_space<semaphore_mem>>) src(%dma_wait3A_82 : memref<78x128xi32, #tpu.memory_space<hbm>>) dst(%dma_wait3A_79 : memref<78x128xi32, #tpu.memory_space<vmem>>)
      tpu.yield
    }) : () -> ()
    %run_scoped3A_36 = arith.constant 1 : i32
    "tpu.region"() ({
      %run_scoped3A_59 = tpu.sem_alloc : memref<!tpu.dma_semaphore, #tpu.memory_space<semaphore_mem>>
      %dma_start3A_60 = arith.constant 0 : i32
      %dma_start3A_61 = arith.constant 0 : i32
      %dma_start3A_62 = tpu.memref_slice %arg6[%dma_start3A_60, %dma_start3A_61] : memref<79x128xi32, #tpu.memory_space<vmem>> -> memref<78x128xi32, #tpu.memory_space<vmem>>
      %dma_start3A_63 = arith.constant 0 : i32
      %dma_start3A_64 = tpu.memref_slice %arg2[%run_scoped3A_36, %add3A_4, %dma_start3A_63] : memref<2x2500x128xi32, #tpu.memory_space<hbm>> -> memref<1x78x128xi32, #tpu.memory_space<hbm>>
      %dma_start3A_65 = tpu.memref_squeeze %dma_start3A_64 : memref<1x78x128xi32, #tpu.memory_space<hbm>> -> memref<78x128xi32, #tpu.memory_space<hbm>>
      %dma_start3A_66 = arith.constant 0 : i32
      %dma_start3A_67 = arith.constant 0 : i32
      %dma_start3A_68 = tpu.memref_slice %arg6[%dma_start3A_66, %dma_start3A_67] : memref<79x128xi32, #tpu.memory_space<vmem>> -> memref<78x128xi32, #tpu.memory_space<vmem>>
      %dma_start3A_69 = arith.constant 0 : i32
      %dma_start3A_70 = tpu.memref_slice %arg2[%run_scoped3A_36, %add3A_4, %dma_start3A_69] : memref<2x2500x128xi32, #tpu.memory_space<hbm>> -> memref<1x78x128xi32, #tpu.memory_space<hbm>>
      %dma_start3A_71 = tpu.memref_squeeze %dma_start3A_70 : memref<1x78x128xi32, #tpu.memory_space<hbm>> -> memref<78x128xi32, #tpu.memory_space<hbm>>
      tpu.enqueue_dma source(%dma_start3A_71 : memref<78x128xi32, #tpu.memory_space<hbm>>) target(%dma_start3A_68 : memref<78x128xi32, #tpu.memory_space<vmem>>) target_semaphore(%run_scoped3A_59 : memref<!tpu.dma_semaphore, #tpu.memory_space<semaphore_mem>>)
      %dma_wait3A = arith.constant 0 : i32
      %dma_wait3A_72 = arith.constant 0 : i32
      %dma_wait3A_73 = tpu.memref_slice %arg6[%dma_wait3A, %dma_wait3A_72] : memref<79x128xi32, #tpu.memory_space<vmem>> -> memref<78x128xi32, #tpu.memory_space<vmem>>
      %dma_wait3A_74 = arith.constant 0 : i32
      %dma_wait3A_75 = tpu.memref_slice %arg2[%run_scoped3A_36, %add3A_4, %dma_wait3A_74] : memref<2x2500x128xi32, #tpu.memory_space<hbm>> -> memref<1x78x128xi32, #tpu.memory_space<hbm>>
      %dma_wait3A_76 = tpu.memref_squeeze %dma_wait3A_75 : memref<1x78x128xi32, #tpu.memory_space<hbm>> -> memref<78x128xi32, #tpu.memory_space<hbm>>
      %dma_wait3A_77 = arith.constant 0 : i32
      %dma_wait3A_78 = arith.constant 0 : i32
      %dma_wait3A_79 = tpu.memref_slice %arg6[%dma_wait3A_77, %dma_wait3A_78] : memref<79x128xi32, #tpu.memory_space<vmem>> -> memref<78x128xi32, #tpu.memory_space<vmem>>
      %dma_wait3A_80 = arith.constant 0 : i32
      %dma_wait3A_81 = tpu.memref_slice %arg2[%run_scoped3A_36, %add3A_4, %dma_wait3A_80] : memref<2x2500x128xi32, #tpu.memory_space<hbm>> -> memref<1x78x128xi32, #tpu.memory_space<hbm>>
      %dma_wait3A_82 = tpu.memref_squeeze %dma_wait3A_81 : memref<1x78x128xi32, #tpu.memory_space<hbm>> -> memref<78x128xi32, #tpu.memory_space<hbm>>
      tpu.wait_dma2 semaphore(%run_scoped3A_59 : memref<!tpu.dma_semaphore, #tpu.memory_space<semaphore_mem>>) src(%dma_wait3A_82 : memref<78x128xi32, #tpu.memory_space<hbm>>) dst(%dma_wait3A_79 : memref<78x128xi32, #tpu.memory_space<vmem>>)
      tpu.yield
    }) : () -> ()
    %convert_element_type3A = arith.extui %lt3A_5 : i1 to i32
    %cond3A = arith.constant 0 : i32
    %cond3A_37 = arith.cmpi ne, %convert_element_type3A, %cond3A : i32
    scf.if %cond3A_37 {
      %add3A_59 = arith.constant 78 : i32
      %add3A_60 = arith.addi %add3A_4, %add3A_59 : i32
      %run_scoped3A_61 = arith.constant 0 : i32
      "tpu.region"() ({
        %run_scoped3A_65 = tpu.sem_alloc : memref<!tpu.dma_semaphore, #tpu.memory_space<semaphore_mem>>
        %dma_start3A_66 = arith.constant 78 : i32
        %dma_start3A_67 = arith.constant 0 : i32
        %dma_start3A_68 = tpu.memref_slice %arg5[%dma_start3A_66, %dma_start3A_67] : memref<79x128xi32, #tpu.memory_space<vmem>> -> memref<1x128xi32, #tpu.memory_space<vmem>>
        %dma_start3A_69 = arith.constant 0 : i32
        %dma_start3A_70 = tpu.memref_slice %arg2[%run_scoped3A_61, %add3A_60, %dma_start3A_69] : memref<2x2500x128xi32, #tpu.memory_space<hbm>> -> memref<1x1x128xi32, #tpu.memory_space<hbm>>
        %dma_start3A_71 = tpu.memref_squeeze %dma_start3A_70 : memref<1x1x128xi32, #tpu.memory_space<hbm>> -> memref<1x128xi32, #tpu.memory_space<hbm>>
        %dma_start3A_72 = arith.constant 78 : i32
        %dma_start3A_73 = arith.constant 0 : i32
        %dma_start3A_74 = tpu.memref_slice %arg5[%dma_start3A_72, %dma_start3A_73] : memref<79x128xi32, #tpu.memory_space<vmem>> -> memref<1x128xi32, #tpu.memory_space<vmem>>
        %dma_start3A_75 = arith.constant 0 : i32
        %dma_start3A_76 = tpu.memref_slice %arg2[%run_scoped3A_61, %add3A_60, %dma_start3A_75] : memref<2x2500x128xi32, #tpu.memory_space<hbm>> -> memref<1x1x128xi32, #tpu.memory_space<hbm>>
        %dma_start3A_77 = tpu.memref_squeeze %dma_start3A_76 : memref<1x1x128xi32, #tpu.memory_space<hbm>> -> memref<1x128xi32, #tpu.memory_space<hbm>>
        tpu.enqueue_dma source(%dma_start3A_77 : memref<1x128xi32, #tpu.memory_space<hbm>>) target(%dma_start3A_74 : memref<1x128xi32, #tpu.memory_space<vmem>>) target_semaphore(%run_scoped3A_65 : memref<!tpu.dma_semaphore, #tpu.memory_space<semaphore_mem>>)
        %dma_wait3A = arith.constant 78 : i32
        %dma_wait3A_78 = arith.constant 0 : i32
        %dma_wait3A_79 = tpu.memref_slice %arg5[%dma_wait3A, %dma_wait3A_78] : memref<79x128xi32, #tpu.memory_space<vmem>> -> memref<1x128xi32, #tpu.memory_space<vmem>>
        %dma_wait3A_80 = arith.constant 0 : i32
        %dma_wait3A_81 = tpu.memref_slice %arg2[%run_scoped3A_61, %add3A_60, %dma_wait3A_80] : memref<2x2500x128xi32, #tpu.memory_space<hbm>> -> memref<1x1x128xi32, #tpu.memory_space<hbm>>
        %dma_wait3A_82 = tpu.memref_squeeze %dma_wait3A_81 : memref<1x1x128xi32, #tpu.memory_space<hbm>> -> memref<1x128xi32, #tpu.memory_space<hbm>>
        %dma_wait3A_83 = arith.constant 78 : i32
        %dma_wait3A_84 = arith.constant 0 : i32
        %dma_wait3A_85 = tpu.memref_slice %arg5[%dma_wait3A_83, %dma_wait3A_84] : memref<79x128xi32, #tpu.memory_space<vmem>> -> memref<1x128xi32, #tpu.memory_space<vmem>>
        %dma_wait3A_86 = arith.constant 0 : i32
        %dma_wait3A_87 = tpu.memref_slice %arg2[%run_scoped3A_61, %add3A_60, %dma_wait3A_86] : memref<2x2500x128xi32, #tpu.memory_space<hbm>> -> memref<1x1x128xi32, #tpu.memory_space<hbm>>
        %dma_wait3A_88 = tpu.memref_squeeze %dma_wait3A_87 : memref<1x1x128xi32, #tpu.memory_space<hbm>> -> memref<1x128xi32, #tpu.memory_space<hbm>>
        tpu.wait_dma2 semaphore(%run_scoped3A_65 : memref<!tpu.dma_semaphore, #tpu.memory_space<semaphore_mem>>) src(%dma_wait3A_88 : memref<1x128xi32, #tpu.memory_space<hbm>>) dst(%dma_wait3A_85 : memref<1x128xi32, #tpu.memory_space<vmem>>)
        tpu.yield
      }) : () -> ()
      %add3A_62 = arith.constant 78 : i32
      %add3A_63 = arith.addi %add3A_4, %add3A_62 : i32
      %run_scoped3A_64 = arith.constant 1 : i32
      "tpu.region"() ({
        %run_scoped3A_65 = tpu.sem_alloc : memref<!tpu.dma_semaphore, #tpu.memory_space<semaphore_mem>>
        %dma_start3A_66 = arith.constant 78 : i32
        %dma_start3A_67 = arith.constant 0 : i32
        %dma_start3A_68 = tpu.memref_slice %arg6[%dma_start3A_66, %dma_start3A_67] : memref<79x128xi32, #tpu.memory_space<vmem>> -> memref<1x128xi32, #tpu.memory_space<vmem>>
        %dma_start3A_69 = arith.constant 0 : i32
        %dma_start3A_70 = tpu.memref_slice %arg2[%run_scoped3A_64, %add3A_63, %dma_start3A_69] : memref<2x2500x128xi32, #tpu.memory_space<hbm>> -> memref<1x1x128xi32, #tpu.memory_space<hbm>>
        %dma_start3A_71 = tpu.memref_squeeze %dma_start3A_70 : memref<1x1x128xi32, #tpu.memory_space<hbm>> -> memref<1x128xi32, #tpu.memory_space<hbm>>
        %dma_start3A_72 = arith.constant 78 : i32
        %dma_start3A_73 = arith.constant 0 : i32
        %dma_start3A_74 = tpu.memref_slice %arg6[%dma_start3A_72, %dma_start3A_73] : memref<79x128xi32, #tpu.memory_space<vmem>> -> memref<1x128xi32, #tpu.memory_space<vmem>>
        %dma_start3A_75 = arith.constant 0 : i32
        %dma_start3A_76 = tpu.memref_slice %arg2[%run_scoped3A_64, %add3A_63, %dma_start3A_75] : memref<2x2500x128xi32, #tpu.memory_space<hbm>> -> memref<1x1x128xi32, #tpu.memory_space<hbm>>
        %dma_start3A_77 = tpu.memref_squeeze %dma_start3A_76 : memref<1x1x128xi32, #tpu.memory_space<hbm>> -> memref<1x128xi32, #tpu.memory_space<hbm>>
        tpu.enqueue_dma source(%dma_start3A_77 : memref<1x128xi32, #tpu.memory_space<hbm>>) target(%dma_start3A_74 : memref<1x128xi32, #tpu.memory_space<vmem>>) target_semaphore(%run_scoped3A_65 : memref<!tpu.dma_semaphore, #tpu.memory_space<semaphore_mem>>)
        %dma_wait3A = arith.constant 78 : i32
        %dma_wait3A_78 = arith.constant 0 : i32
        %dma_wait3A_79 = tpu.memref_slice %arg6[%dma_wait3A, %dma_wait3A_78] : memref<79x128xi32, #tpu.memory_space<vmem>> -> memref<1x128xi32, #tpu.memory_space<vmem>>
        %dma_wait3A_80 = arith.constant 0 : i32
        %dma_wait3A_81 = tpu.memref_slice %arg2[%run_scoped3A_64, %add3A_63, %dma_wait3A_80] : memref<2x2500x128xi32, #tpu.memory_space<hbm>> -> memref<1x1x128xi32, #tpu.memory_space<hbm>>
        %dma_wait3A_82 = tpu.memref_squeeze %dma_wait3A_81 : memref<1x1x128xi32, #tpu.memory_space<hbm>> -> memref<1x128xi32, #tpu.memory_space<hbm>>
        %dma_wait3A_83 = arith.constant 78 : i32
        %dma_wait3A_84 = arith.constant 0 : i32
        %dma_wait3A_85 = tpu.memref_slice %arg6[%dma_wait3A_83, %dma_wait3A_84] : memref<79x128xi32, #tpu.memory_space<vmem>> -> memref<1x128xi32, #tpu.memory_space<vmem>>
        %dma_wait3A_86 = arith.constant 0 : i32
        %dma_wait3A_87 = tpu.memref_slice %arg2[%run_scoped3A_64, %add3A_63, %dma_wait3A_86] : memref<2x2500x128xi32, #tpu.memory_space<hbm>> -> memref<1x1x128xi32, #tpu.memory_space<hbm>>
        %dma_wait3A_88 = tpu.memref_squeeze %dma_wait3A_87 : memref<1x1x128xi32, #tpu.memory_space<hbm>> -> memref<1x128xi32, #tpu.memory_space<hbm>>
        tpu.wait_dma2 semaphore(%run_scoped3A_65 : memref<!tpu.dma_semaphore, #tpu.memory_space<semaphore_mem>>) src(%dma_wait3A_88 : memref<1x128xi32, #tpu.memory_space<hbm>>) dst(%dma_wait3A_85 : memref<1x128xi32, #tpu.memory_space<vmem>>)
        tpu.yield
      }) : () -> ()
    } else {
    }
    %barrier3A = arith.constant 0 : index
    tpu.barrier barrier_id(%barrier3A)
    %dma_start3A = arith.constant 0 : i32
    %dma_start3A_38 = arith.constant 0 : i32
    %dma_start3A_39 = tpu.memref_slice %arg5[%dma_start3A, %dma_start3A_38] : memref<79x128xi32, #tpu.memory_space<vmem>> -> memref<1x128xi32, #tpu.memory_space<vmem>>
    %dma_start3A_40 = tpu.memref_squeeze %dma_start3A_39 : memref<1x128xi32, #tpu.memory_space<vmem>> -> memref<128xi32, #tpu.memory_space<vmem>>
    %dma_start3A_41 = arith.constant 0 : i32
    %dma_start3A_42 = arith.constant 0 : i32
    %dma_start3A_43 = tpu.memref_slice %arg9[%dma_start3A_41, %dma_start3A_42] : memref<10000x64xf32, #tpu.memory_space<vmem_shared>> -> memref<10000x64xf32, #tpu.memory_space<vmem_shared>>
    tpu.enqueue_indirect_dma source(%dma_start3A_43 : memref<10000x64xf32, #tpu.memory_space<vmem_shared>>) target(%arg7 : memref<128x64xf32, #tpu.memory_space<vmem>>) offsets(%dma_start3A_40 : memref<128xi32, #tpu.memory_space<vmem>>) semaphore(%arg11 : memref<!tpu.dma_semaphore, #tpu.memory_space<semaphore_mem>>)
    %scan3A_44 = arith.constant 0 : i32
    %scan3A_45 = arith.constant 0 : i32
    %scan3A_46 = arith.constant 39 : i32
    %scan3A_47 = arith.addi %scan3A_45, %scan3A_46 : i32
    %scan3A_48 = arith.constant 1 : i32
    %scan3A_49 = scf.for %scan3A_59 = %scan3A_45 to %scan3A_47 step %scan3A_48 iter_args(%scan3A_60 = %scan3A_44) -> (i32)  : i32 {
      %mul3A_61 = arith.constant 2 : i32
      %mul3A_62 = arith.muli %mul3A_61, %scan3A_59 : i32
      %add3A_63 = arith.constant 1 : i32
      %add3A_64 = arith.addi %mul3A_62, %add3A_63 : i32
      %dma_start3A_65 = arith.constant 0 : i32
      %dma_start3A_66 = tpu.memref_slice %arg5[%add3A_64, %dma_start3A_65] : memref<79x128xi32, #tpu.memory_space<vmem>> -> memref<1x128xi32, #tpu.memory_space<vmem>>
      %dma_start3A_67 = tpu.memref_squeeze %dma_start3A_66 : memref<1x128xi32, #tpu.memory_space<vmem>> -> memref<128xi32, #tpu.memory_space<vmem>>
      %dma_start3A_68 = arith.constant 0 : i32
      %dma_start3A_69 = arith.constant 0 : i32
      %dma_start3A_70 = tpu.memref_slice %arg9[%dma_start3A_68, %dma_start3A_69] : memref<10000x64xf32, #tpu.memory_space<vmem_shared>> -> memref<10000x64xf32, #tpu.memory_space<vmem_shared>>
      tpu.enqueue_indirect_dma source(%dma_start3A_70 : memref<10000x64xf32, #tpu.memory_space<vmem_shared>>) target(%arg8 : memref<128x64xf32, #tpu.memory_space<vmem>>) offsets(%dma_start3A_67 : memref<128xi32, #tpu.memory_space<vmem>>) semaphore(%arg12 : memref<!tpu.dma_semaphore, #tpu.memory_space<semaphore_mem>>)
      %dma_wait3A = arith.constant 0 : i32
      %dma_wait3A_71 = tpu.memref_slice %arg5[%mul3A_62, %dma_wait3A] : memref<79x128xi32, #tpu.memory_space<vmem>> -> memref<1x128xi32, #tpu.memory_space<vmem>>
      %dma_wait3A_72 = tpu.memref_squeeze %dma_wait3A_71 : memref<1x128xi32, #tpu.memory_space<vmem>> -> memref<128xi32, #tpu.memory_space<vmem>>
      %dma_wait3A_73 = arith.constant 0 : i32
      %dma_wait3A_74 = arith.constant 0 : i32
      %dma_wait3A_75 = tpu.memref_slice %arg9[%dma_wait3A_73, %dma_wait3A_74] : memref<10000x64xf32, #tpu.memory_space<vmem_shared>> -> memref<10000x64xf32, #tpu.memory_space<vmem_shared>>
      tpu.wait_indirect_dma semaphore(%arg11 : memref<!tpu.dma_semaphore, #tpu.memory_space<semaphore_mem>>) src(%dma_wait3A_75 : memref<10000x64xf32, #tpu.memory_space<vmem_shared>>) dst(%arg7 : memref<128x64xf32, #tpu.memory_space<vmem>>)
      "tpu.region"() ({
        %run_scoped3A_92 = tpu.sem_alloc : memref<!tpu.dma_semaphore, #tpu.memory_space<semaphore_mem>>
        %dma_start3A_93 = arith.constant 0 : i32
        %dma_start3A_94 = tpu.memref_slice %arg6[%mul3A_62, %dma_start3A_93] : memref<79x128xi32, #tpu.memory_space<vmem>> -> memref<1x128xi32, #tpu.memory_space<vmem>>
        %dma_start3A_95 = tpu.memref_squeeze %dma_start3A_94 : memref<1x128xi32, #tpu.memory_space<vmem>> -> memref<128xi32, #tpu.memory_space<vmem>>
        %dma_start3A_96 = arith.constant 0 : i32
        %dma_start3A_97 = arith.constant 0 : i32
        %dma_start3A_98 = tpu.memref_slice %arg10[%dma_start3A_96, %dma_start3A_97] : memref<10112x64xf32, #tpu.memory_space<vmem_shared>> -> memref<10112x64xf32, #tpu.memory_space<vmem_shared>>
        tpu.enqueue_indirect_dma source(%arg7 : memref<128x64xf32, #tpu.memory_space<vmem>>) target(%dma_start3A_98 : memref<10112x64xf32, #tpu.memory_space<vmem_shared>>) offsets(%dma_start3A_95 : memref<128xi32, #tpu.memory_space<vmem>>) semaphore(%run_scoped3A_92 : memref<!tpu.dma_semaphore, #tpu.memory_space<semaphore_mem>>) {add = true}
        %dma_wait3A_99 = arith.constant 0 : i32
        %dma_wait3A_100 = tpu.memref_slice %arg6[%mul3A_62, %dma_wait3A_99] : memref<79x128xi32, #tpu.memory_space<vmem>> -> memref<1x128xi32, #tpu.memory_space<vmem>>
        %dma_wait3A_101 = tpu.memref_squeeze %dma_wait3A_100 : memref<1x128xi32, #tpu.memory_space<vmem>> -> memref<128xi32, #tpu.memory_space<vmem>>
        %dma_wait3A_102 = arith.constant 0 : i32
        %dma_wait3A_103 = arith.constant 0 : i32
        %dma_wait3A_104 = tpu.memref_slice %arg10[%dma_wait3A_102, %dma_wait3A_103] : memref<10112x64xf32, #tpu.memory_space<vmem_shared>> -> memref<10112x64xf32, #tpu.memory_space<vmem_shared>>
        tpu.wait_indirect_dma semaphore(%run_scoped3A_92 : memref<!tpu.dma_semaphore, #tpu.memory_space<semaphore_mem>>) src(%arg7 : memref<128x64xf32, #tpu.memory_space<vmem>>) dst(%dma_wait3A_104 : memref<10112x64xf32, #tpu.memory_space<vmem_shared>>)
        tpu.yield
      }) : () -> ()
      %lt3A_76 = arith.constant 38 : i32
      %lt3A_77 = arith.cmpi slt, %scan3A_59, %lt3A_76 : i32
      %convert_element_type3A_78 = arith.extui %lt3A_77 : i1 to i32
      %cond3A_79 = arith.constant 0 : i32
      %cond3A_80 = arith.cmpi ne, %convert_element_type3A_78, %cond3A_79 : i32
      scf.if %cond3A_80 {
        %add3A_92 = arith.constant 2 : i32
        %add3A_93 = arith.addi %mul3A_62, %add3A_92 : i32
        %dma_start3A_94 = arith.constant 0 : i32
        %dma_start3A_95 = tpu.memref_slice %arg5[%add3A_93, %dma_start3A_94] : memref<79x128xi32, #tpu.memory_space<vmem>> -> memref<1x128xi32, #tpu.memory_space<vmem>>
        %dma_start3A_96 = tpu.memref_squeeze %dma_start3A_95 : memref<1x128xi32, #tpu.memory_space<vmem>> -> memref<128xi32, #tpu.memory_space<vmem>>
        %dma_start3A_97 = arith.constant 0 : i32
        %dma_start3A_98 = arith.constant 0 : i32
        %dma_start3A_99 = tpu.memref_slice %arg9[%dma_start3A_97, %dma_start3A_98] : memref<10000x64xf32, #tpu.memory_space<vmem_shared>> -> memref<10000x64xf32, #tpu.memory_space<vmem_shared>>
        tpu.enqueue_indirect_dma source(%dma_start3A_99 : memref<10000x64xf32, #tpu.memory_space<vmem_shared>>) target(%arg7 : memref<128x64xf32, #tpu.memory_space<vmem>>) offsets(%dma_start3A_96 : memref<128xi32, #tpu.memory_space<vmem>>) semaphore(%arg11 : memref<!tpu.dma_semaphore, #tpu.memory_space<semaphore_mem>>)
      } else {
      }
      %add3A_81 = arith.constant 1 : i32
      %add3A_82 = arith.addi %mul3A_62, %add3A_81 : i32
      %dma_wait3A_83 = arith.constant 0 : i32
      %dma_wait3A_84 = tpu.memref_slice %arg5[%add3A_82, %dma_wait3A_83] : memref<79x128xi32, #tpu.memory_space<vmem>> -> memref<1x128xi32, #tpu.memory_space<vmem>>
      %dma_wait3A_85 = tpu.memref_squeeze %dma_wait3A_84 : memref<1x128xi32, #tpu.memory_space<vmem>> -> memref<128xi32, #tpu.memory_space<vmem>>
      %dma_wait3A_86 = arith.constant 0 : i32
      %dma_wait3A_87 = arith.constant 0 : i32
      %dma_wait3A_88 = tpu.memref_slice %arg9[%dma_wait3A_86, %dma_wait3A_87] : memref<10000x64xf32, #tpu.memory_space<vmem_shared>> -> memref<10000x64xf32, #tpu.memory_space<vmem_shared>>
      tpu.wait_indirect_dma semaphore(%arg12 : memref<!tpu.dma_semaphore, #tpu.memory_space<semaphore_mem>>) src(%dma_wait3A_88 : memref<10000x64xf32, #tpu.memory_space<vmem_shared>>) dst(%arg8 : memref<128x64xf32, #tpu.memory_space<vmem>>)
      %add3A_89 = arith.constant 1 : i32
      %add3A_90 = arith.addi %mul3A_62, %add3A_89 : i32
      "tpu.region"() ({
        %run_scoped3A_92 = tpu.sem_alloc : memref<!tpu.dma_semaphore, #tpu.memory_space<semaphore_mem>>
        %dma_start3A_93 = arith.constant 0 : i32
        %dma_start3A_94 = tpu.memref_slice %arg6[%add3A_90, %dma_start3A_93] : memref<79x128xi32, #tpu.memory_space<vmem>> -> memref<1x128xi32, #tpu.memory_space<vmem>>
        %dma_start3A_95 = tpu.memref_squeeze %dma_start3A_94 : memref<1x128xi32, #tpu.memory_space<vmem>> -> memref<128xi32, #tpu.memory_space<vmem>>
        %dma_start3A_96 = arith.constant 0 : i32
        %dma_start3A_97 = arith.constant 0 : i32
        %dma_start3A_98 = tpu.memref_slice %arg10[%dma_start3A_96, %dma_start3A_97] : memref<10112x64xf32, #tpu.memory_space<vmem_shared>> -> memref<10112x64xf32, #tpu.memory_space<vmem_shared>>
        tpu.enqueue_indirect_dma source(%arg8 : memref<128x64xf32, #tpu.memory_space<vmem>>) target(%dma_start3A_98 : memref<10112x64xf32, #tpu.memory_space<vmem_shared>>) offsets(%dma_start3A_95 : memref<128xi32, #tpu.memory_space<vmem>>) semaphore(%run_scoped3A_92 : memref<!tpu.dma_semaphore, #tpu.memory_space<semaphore_mem>>) {add = true}
        %dma_wait3A_99 = arith.constant 0 : i32
        %dma_wait3A_100 = tpu.memref_slice %arg6[%add3A_90, %dma_wait3A_99] : memref<79x128xi32, #tpu.memory_space<vmem>> -> memref<1x128xi32, #tpu.memory_space<vmem>>
        %dma_wait3A_101 = tpu.memref_squeeze %dma_wait3A_100 : memref<1x128xi32, #tpu.memory_space<vmem>> -> memref<128xi32, #tpu.memory_space<vmem>>
        %dma_wait3A_102 = arith.constant 0 : i32
        %dma_wait3A_103 = arith.constant 0 : i32
        %dma_wait3A_104 = tpu.memref_slice %arg10[%dma_wait3A_102, %dma_wait3A_103] : memref<10112x64xf32, #tpu.memory_space<vmem_shared>> -> memref<10112x64xf32, #tpu.memory_space<vmem_shared>>
        tpu.wait_indirect_dma semaphore(%run_scoped3A_92 : memref<!tpu.dma_semaphore, #tpu.memory_space<semaphore_mem>>) src(%arg8 : memref<128x64xf32, #tpu.memory_space<vmem>>) dst(%dma_wait3A_104 : memref<10112x64xf32, #tpu.memory_space<vmem_shared>>)
        tpu.yield
      }) : () -> ()
      %scan3A_91 = arith.constant 0 : i32
      scf.yield %scan3A_91 : i32
    }
    %scan3A_50 = arith.constant 39 : i32
    %convert_element_type3A_51 = arith.extui %lt3A_5 : i1 to i32
    %cond3A_52 = arith.constant 0 : i32
    %cond3A_53 = arith.cmpi ne, %convert_element_type3A_51, %cond3A_52 : i32
    scf.if %cond3A_53 {
      %dma_start3A_59 = arith.constant 78 : i32
      %dma_start3A_60 = arith.constant 0 : i32
      %dma_start3A_61 = tpu.memref_slice %arg5[%dma_start3A_59, %dma_start3A_60] : memref<79x128xi32, #tpu.memory_space<vmem>> -> memref<1x128xi32, #tpu.memory_space<vmem>>
      %dma_start3A_62 = tpu.memref_squeeze %dma_start3A_61 : memref<1x128xi32, #tpu.memory_space<vmem>> -> memref<128xi32, #tpu.memory_space<vmem>>
      %dma_start3A_63 = arith.constant 0 : i32
      %dma_start3A_64 = arith.constant 0 : i32
      %dma_start3A_65 = tpu.memref_slice %arg9[%dma_start3A_63, %dma_start3A_64] : memref<10000x64xf32, #tpu.memory_space<vmem_shared>> -> memref<10000x64xf32, #tpu.memory_space<vmem_shared>>
      tpu.enqueue_indirect_dma source(%dma_start3A_65 : memref<10000x64xf32, #tpu.memory_space<vmem_shared>>) target(%arg7 : memref<128x64xf32, #tpu.memory_space<vmem>>) offsets(%dma_start3A_62 : memref<128xi32, #tpu.memory_space<vmem>>) semaphore(%arg11 : memref<!tpu.dma_semaphore, #tpu.memory_space<semaphore_mem>>)
      %dma_wait3A = arith.constant 78 : i32
      %dma_wait3A_66 = arith.constant 0 : i32
      %dma_wait3A_67 = tpu.memref_slice %arg5[%dma_wait3A, %dma_wait3A_66] : memref<79x128xi32, #tpu.memory_space<vmem>> -> memref<1x128xi32, #tpu.memory_space<vmem>>
      %dma_wait3A_68 = tpu.memref_squeeze %dma_wait3A_67 : memref<1x128xi32, #tpu.memory_space<vmem>> -> memref<128xi32, #tpu.memory_space<vmem>>
      %dma_wait3A_69 = arith.constant 0 : i32
      %dma_wait3A_70 = arith.constant 0 : i32
      %dma_wait3A_71 = tpu.memref_slice %arg9[%dma_wait3A_69, %dma_wait3A_70] : memref<10000x64xf32, #tpu.memory_space<vmem_shared>> -> memref<10000x64xf32, #tpu.memory_space<vmem_shared>>
      tpu.wait_indirect_dma semaphore(%arg11 : memref<!tpu.dma_semaphore, #tpu.memory_space<semaphore_mem>>) src(%dma_wait3A_71 : memref<10000x64xf32, #tpu.memory_space<vmem_shared>>) dst(%arg7 : memref<128x64xf32, #tpu.memory_space<vmem>>)
      %run_scoped3A_72 = arith.constant 78 : i32
      "tpu.region"() ({
        %run_scoped3A_73 = tpu.sem_alloc : memref<!tpu.dma_semaphore, #tpu.memory_space<semaphore_mem>>
        %dma_start3A_74 = arith.constant 0 : i32
        %dma_start3A_75 = tpu.memref_slice %arg6[%run_scoped3A_72, %dma_start3A_74] : memref<79x128xi32, #tpu.memory_space<vmem>> -> memref<1x128xi32, #tpu.memory_space<vmem>>
        %dma_start3A_76 = tpu.memref_squeeze %dma_start3A_75 : memref<1x128xi32, #tpu.memory_space<vmem>> -> memref<128xi32, #tpu.memory_space<vmem>>
        %dma_start3A_77 = arith.constant 0 : i32
        %dma_start3A_78 = arith.constant 0 : i32
        %dma_start3A_79 = tpu.memref_slice %arg10[%dma_start3A_77, %dma_start3A_78] : memref<10112x64xf32, #tpu.memory_space<vmem_shared>> -> memref<10112x64xf32, #tpu.memory_space<vmem_shared>>
        tpu.enqueue_indirect_dma source(%arg7 : memref<128x64xf32, #tpu.memory_space<vmem>>) target(%dma_start3A_79 : memref<10112x64xf32, #tpu.memory_space<vmem_shared>>) offsets(%dma_start3A_76 : memref<128xi32, #tpu.memory_space<vmem>>) semaphore(%run_scoped3A_73 : memref<!tpu.dma_semaphore, #tpu.memory_space<semaphore_mem>>) {add = true}
        %dma_wait3A_80 = arith.constant 0 : i32
        %dma_wait3A_81 = tpu.memref_slice %arg6[%run_scoped3A_72, %dma_wait3A_80] : memref<79x128xi32, #tpu.memory_space<vmem>> -> memref<1x128xi32, #tpu.memory_space<vmem>>
        %dma_wait3A_82 = tpu.memref_squeeze %dma_wait3A_81 : memref<1x128xi32, #tpu.memory_space<vmem>> -> memref<128xi32, #tpu.memory_space<vmem>>
        %dma_wait3A_83 = arith.constant 0 : i32
        %dma_wait3A_84 = arith.constant 0 : i32
        %dma_wait3A_85 = tpu.memref_slice %arg10[%dma_wait3A_83, %dma_wait3A_84] : memref<10112x64xf32, #tpu.memory_space<vmem_shared>> -> memref<10112x64xf32, #tpu.memory_space<vmem_shared>>
        tpu.wait_indirect_dma semaphore(%run_scoped3A_73 : memref<!tpu.dma_semaphore, #tpu.memory_space<semaphore_mem>>) src(%arg7 : memref<128x64xf32, #tpu.memory_space<vmem>>) dst(%dma_wait3A_85 : memref<10112x64xf32, #tpu.memory_space<vmem_shared>>)
        tpu.yield
      }) : () -> ()
    } else {
    }
    %barrier3A_54 = arith.constant 0 : index
    tpu.barrier barrier_id(%barrier3A_54)
    %mul3A_55 = arith.constant 632 : i32
    %mul3A_56 = arith.muli %arg1, %mul3A_55 : i32
    %mul3A_57 = arith.constant 632 : i32
    %mul3A_58 = arith.muli %arg1, %mul3A_57 : i32
    "tpu.region"() ({
      %run_scoped3A_59 = tpu.sem_alloc : memref<!tpu.dma_semaphore, #tpu.memory_space<semaphore_mem>>
      %dma_start3A_60 = arith.constant 0 : i32
      %dma_start3A_61 = tpu.memref_slice %arg4[%arg0, %mul3A_58, %dma_start3A_60] : memref<2x10112x64xf32, #tpu.memory_space<hbm>> -> memref<1x632x64xf32, #tpu.memory_space<hbm>>
      %dma_start3A_62 = tpu.memref_squeeze %dma_start3A_61 : memref<1x632x64xf32, #tpu.memory_space<hbm>> -> memref<632x64xf32, #tpu.memory_space<hbm>>
      %dma_start3A_63 = arith.constant 0 : i32
      %dma_start3A_64 = tpu.memref_slice %arg10[%mul3A_56, %dma_start3A_63] : memref<10112x64xf32, #tpu.memory_space<vmem_shared>> -> memref<632x64xf32, #tpu.memory_space<vmem_shared>>
      tpu.enqueue_dma source(%dma_start3A_64 : memref<632x64xf32, #tpu.memory_space<vmem_shared>>) target(%dma_start3A_62 : memref<632x64xf32, #tpu.memory_space<hbm>>) target_semaphore(%run_scoped3A_59 : memref<!tpu.dma_semaphore, #tpu.memory_space<semaphore_mem>>)
      %dma_wait3A = arith.constant 0 : i32
      %dma_wait3A_65 = tpu.memref_slice %arg4[%arg0, %mul3A_58, %dma_wait3A] : memref<2x10112x64xf32, #tpu.memory_space<hbm>> -> memref<1x632x64xf32, #tpu.memory_space<hbm>>
      %dma_wait3A_66 = tpu.memref_squeeze %dma_wait3A_65 : memref<1x632x64xf32, #tpu.memory_space<hbm>> -> memref<632x64xf32, #tpu.memory_space<hbm>>
      %dma_wait3A_67 = arith.constant 0 : i32
      %dma_wait3A_68 = tpu.memref_slice %arg10[%mul3A_56, %dma_wait3A_67] : memref<10112x64xf32, #tpu.memory_space<vmem_shared>> -> memref<632x64xf32, #tpu.memory_space<vmem_shared>>
      tpu.wait_dma2 semaphore(%run_scoped3A_59 : memref<!tpu.dma_semaphore, #tpu.memory_space<semaphore_mem>>) src(%dma_wait3A_68 : memref<632x64xf32, #tpu.memory_space<vmem_shared>>) dst(%dma_wait3A_66 : memref<632x64xf32, #tpu.memory_space<hbm>>)
      tpu.yield
    }) : () -> ()
    return
  }
}

module attributes {stable_mosaic.version = 14 : i64} {
  func.func @_tc1_body(%arg0: i32, %arg1: memref<2000x128xf32, #tpu.memory_space<vmem>>, %arg2: memref<1x2000x16xf32, #tpu.memory_space<vmem>>, %arg3: memref<1x2000x16xf32, #tpu.memory_space<vmem>>, %arg4: memref<128x128xf32, #tpu.memory_space<vmem>>, %arg5: memref<2000x64xf32, #tpu.memory_space<vmem>>, %arg6: memref<2000x64xf32, #tpu.memory_space<vmem>>) attributes {dimension_semantics = [#tpu.dimension_semantics<arbitrary>], iteration_bounds = array<i64: 5>, scalar_prefetch = 0 : i64, scratch_operands = 0 : i64, tpu.core_type = #tpu.core_type<tc>, window_params = [{transform_indices = @transform_0, window_bounds = array<i64: 2000, 128>}, {transform_indices = @transform_1, window_bounds = array<i64: 1, 2000, 16>}, {transform_indices = @transform_2, window_bounds = array<i64: 1, 2000, 16>}, {pipeline_mode = #tpu.pipeline_mode<synchronous>, transform_indices = @transform_3, window_bounds = array<i64: 128, 128>}, {transform_indices = @transform_4, window_bounds = array<i64: 2000, 64>}, {transform_indices = @transform_5, window_bounds = array<i64: 2000, 64>}]} {
    %get3A = arith.constant 0 : index
    %get3A_0 = arith.constant 0 : index
    %get3A_1 = arith.constant 0 : index
    %get3A_2 = vector.load %arg2[%get3A, %get3A_0, %get3A_1] : memref<1x2000x16xf32, #tpu.memory_space<vmem>>, vector<1x2000x1xf32>
    %get3A_3 = vector.shape_cast %get3A_2 : vector<1x2000x1xf32> to vector<2000x1xf32>
    %get3A_4 = arith.constant 0 : index
    %get3A_5 = arith.constant 0 : index
    %get3A_6 = arith.constant 0 : index
    %get3A_7 = vector.load %arg3[%get3A_4, %get3A_5, %get3A_6] : memref<1x2000x16xf32, #tpu.memory_space<vmem>>, vector<1x2000x1xf32>
    %get3A_8 = vector.shape_cast %get3A_7 : vector<1x2000x1xf32> to vector<2000x1xf32>
    %add3A = arith.addf %get3A_3, %get3A_8 : vector<2000x1xf32>
    %add3A_9 = arith.constant 1.000000e+00 : f32
    %add3A_10 = vector.broadcast %add3A_9 : f32 to vector<2000x1xf32>
    %add3A_11 = arith.addf %add3A, %add3A_10 : vector<2000x1xf32>
    %rsqrt3A = math.rsqrt %add3A_11 : vector<2000x1xf32>
    %get3A_12 = arith.constant 0 : index
    %get3A_13 = arith.constant 0 : index
    %get3A_14 = vector.load %arg1[%get3A_12, %get3A_13] : memref<2000x128xf32, #tpu.memory_space<vmem>>, vector<2000x128xf32>
    %get3A_15 = arith.constant 0 : index
    %get3A_16 = arith.constant 0 : index
    %get3A_17 = vector.load %arg4[%get3A_15, %get3A_16] : memref<128x128xf32, #tpu.memory_space<vmem>>, vector<128x128xf32>
    %dot_general3A = arith.constant dense<0.000000e+00> : vector<2000x128xf32>
    %dot_general3A_18 = tpu.matmul %get3A_14, %get3A_17, %dot_general3A {dimension_numbers = #tpu.dot_dimension_numbers<[1], [0], [0], [1], [0, 0, 1, 1], [], []>, transpose_lhs_hint = false} : vector<2000x128xf32>, vector<128x128xf32>, vector<2000x128xf32> -> vector<2000x128xf32>
    %mul3A = vector.broadcast %rsqrt3A : vector<2000x1xf32> to vector<2000x128xf32>
    %mul3A_19 = arith.mulf %mul3A, %dot_general3A_18 : vector<2000x128xf32>
    %slice3A = vector.extract_strided_slice %mul3A_19 {offsets = [0, 0], sizes = [2000, 64], strides = [1, 1]} : vector<2000x128xf32> to vector<2000x64xf32>
    %swap3A = arith.constant 0 : index
    %swap3A_20 = arith.constant 0 : index
    %swap3A_21 = vector.load %arg5[%swap3A, %swap3A_20] : memref<2000x64xf32, #tpu.memory_space<vmem>>, vector<2000x64xf32>
    tpu.vector_store %arg5[%swap3A, %swap3A_20], %slice3A {strides = array<i32>} : memref<2000x64xf32, #tpu.memory_space<vmem>>, vector<2000x64xf32>,
    %slice3A_22 = vector.extract_strided_slice %mul3A_19 {offsets = [0, 64], sizes = [2000, 64], strides = [1, 1]} : vector<2000x128xf32> to vector<2000x64xf32>
    %swap3A_23 = arith.constant 0 : index
    %swap3A_24 = arith.constant 0 : index
    %swap3A_25 = vector.load %arg6[%swap3A_23, %swap3A_24] : memref<2000x64xf32, #tpu.memory_space<vmem>>, vector<2000x64xf32>
    tpu.vector_store %arg6[%swap3A_23, %swap3A_24], %slice3A_22 {strides = array<i32>} : memref<2000x64xf32, #tpu.memory_space<vmem>>, vector<2000x64xf32>,
    return
  }
  func.func @transform_0(%arg0: i32) -> (i32, i32) {
    %c0_i32 = arith.constant 0 : i32
    %c0_i32_0 = arith.constant 0 : i32
    return %arg0, %c0_i32 : i32, i32
  }
  func.func @transform_1(%arg0: i32) -> (i32, i32, i32) {
    %c0_i32 = arith.constant 0 : i32
    %c0_i32_0 = arith.constant 0 : i32
    %c0_i32_1 = arith.constant 0 : i32
    return %c0_i32, %arg0, %c0_i32_0 : i32, i32, i32
  }
  func.func @transform_2(%arg0: i32) -> (i32, i32, i32) {
    %c1_i32 = arith.constant 1 : i32
    %c0_i32 = arith.constant 0 : i32
    %c0_i32_0 = arith.constant 0 : i32
    return %c1_i32, %arg0, %c0_i32 : i32, i32, i32
  }
  func.func @transform_3(%arg0: i32) -> (i32, i32) {
    %c0_i32 = arith.constant 0 : i32
    %c0_i32_0 = arith.constant 0 : i32
    %c0_i32_1 = arith.constant 0 : i32
    return %c0_i32, %c0_i32_0 : i32, i32
  }
  func.func @transform_4(%arg0: i32) -> (i32, i32) {
    %c0_i32 = arith.constant 0 : i32
    %c0_i32_0 = arith.constant 0 : i32
    return %arg0, %c0_i32 : i32, i32
  }
  func.func @transform_5(%arg0: i32) -> (i32, i32) {
    %c0_i32 = arith.constant 0 : i32
    %c0_i32_0 = arith.constant 0 : i32
    return %arg0, %c0_i32 : i32, i32
  }
}

module attributes {stable_mosaic.version = 14 : i64} {
  func.func @_tc2_body(%arg0: i32, %arg1: memref<1x2000x64xf32, #tpu.memory_space<vmem>>, %arg2: memref<1x2000x64xf32, #tpu.memory_space<vmem>>, %arg3: memref<1x2000x64xf32, #tpu.memory_space<vmem>>, %arg4: memref<1x2000x64xf32, #tpu.memory_space<vmem>>, %arg5: memref<2000x64xf32, #tpu.memory_space<vmem>>, %arg6: memref<2000x64xf32, #tpu.memory_space<vmem>>, %arg7: memref<1x2000x16xf32, #tpu.memory_space<vmem>>, %arg8: memref<1x2000x16xf32, #tpu.memory_space<vmem>>, %arg9: memref<1x128xf32, #tpu.memory_space<vmem>>, %arg10: memref<128x64xf32, #tpu.memory_space<vmem>>, %arg11: memref<2000x64xf32, #tpu.memory_space<vmem>>) attributes {dimension_semantics = [#tpu.dimension_semantics<arbitrary>], iteration_bounds = array<i64: 5>, scalar_prefetch = 0 : i64, scratch_operands = 0 : i64, tpu.core_type = #tpu.core_type<tc>, window_params = [{transform_indices = @transform_0, window_bounds = array<i64: 1, 2000, 64>}, {transform_indices = @transform_1, window_bounds = array<i64: 1, 2000, 64>}, {transform_indices = @transform_2, window_bounds = array<i64: 1, 2000, 64>}, {transform_indices = @transform_3, window_bounds = array<i64: 1, 2000, 64>}, {transform_indices = @transform_4, window_bounds = array<i64: 2000, 64>}, {transform_indices = @transform_5, window_bounds = array<i64: 2000, 64>}, {transform_indices = @transform_6, window_bounds = array<i64: 1, 2000, 16>}, {transform_indices = @transform_7, window_bounds = array<i64: 1, 2000, 16>}, {pipeline_mode = #tpu.pipeline_mode<synchronous>, transform_indices = @transform_8, window_bounds = array<i64: 1, 128>}, {pipeline_mode = #tpu.pipeline_mode<synchronous>, transform_indices = @transform_9, window_bounds = array<i64: 128, 64>}, {transform_indices = @transform_10, window_bounds = array<i64: 2000, 64>}]} {
    %get3A = arith.constant 0 : index
    %get3A_0 = arith.constant 0 : index
    %get3A_1 = arith.constant 0 : index
    %get3A_2 = vector.load %arg7[%get3A, %get3A_0, %get3A_1] : memref<1x2000x16xf32, #tpu.memory_space<vmem>>, vector<1x2000x1xf32>
    %get3A_3 = vector.shape_cast %get3A_2 : vector<1x2000x1xf32> to vector<2000x1xf32>
    %get3A_4 = arith.constant 0 : index
    %get3A_5 = arith.constant 0 : index
    %get3A_6 = arith.constant 0 : index
    %get3A_7 = vector.load %arg8[%get3A_4, %get3A_5, %get3A_6] : memref<1x2000x16xf32, #tpu.memory_space<vmem>>, vector<1x2000x1xf32>
    %get3A_8 = vector.shape_cast %get3A_7 : vector<1x2000x1xf32> to vector<2000x1xf32>
    %add3A = arith.addf %get3A_3, %get3A_8 : vector<2000x1xf32>
    %add3A_9 = arith.constant 1.000000e+00 : f32
    %add3A_10 = vector.broadcast %add3A_9 : f32 to vector<2000x1xf32>
    %add3A_11 = arith.addf %add3A, %add3A_10 : vector<2000x1xf32>
    %rsqrt3A = math.rsqrt %add3A_11 : vector<2000x1xf32>
    %get3A_12 = arith.constant 0 : index
    %get3A_13 = arith.constant 0 : index
    %get3A_14 = arith.constant 0 : index
    %get3A_15 = vector.load %arg1[%get3A_12, %get3A_13, %get3A_14] : memref<1x2000x64xf32, #tpu.memory_space<vmem>>, vector<1x2000x64xf32>
    %get3A_16 = vector.shape_cast %get3A_15 : vector<1x2000x64xf32> to vector<2000x64xf32>
    %get3A_17 = arith.constant 0 : index
    %get3A_18 = arith.constant 0 : index
    %get3A_19 = arith.constant 0 : index
    %get3A_20 = vector.load %arg2[%get3A_17, %get3A_18, %get3A_19] : memref<1x2000x64xf32, #tpu.memory_space<vmem>>, vector<1x2000x64xf32>
    %get3A_21 = vector.shape_cast %get3A_20 : vector<1x2000x64xf32> to vector<2000x64xf32>
    %add3A_22 = arith.addf %get3A_16, %get3A_21 : vector<2000x64xf32>
    %get3A_23 = arith.constant 0 : index
    %get3A_24 = arith.constant 0 : index
    %get3A_25 = vector.load %arg5[%get3A_23, %get3A_24] : memref<2000x64xf32, #tpu.memory_space<vmem>>, vector<2000x64xf32>
    %add3A_26 = arith.addf %add3A_22, %get3A_25 : vector<2000x64xf32>
    %mul3A = vector.broadcast %rsqrt3A : vector<2000x1xf32> to vector<2000x64xf32>
    %mul3A_27 = arith.mulf %mul3A, %add3A_26 : vector<2000x64xf32>
    %get3A_28 = arith.constant 0 : index
    %get3A_29 = arith.constant 0 : index
    %get3A_30 = arith.constant 0 : index
    %get3A_31 = vector.load %arg3[%get3A_28, %get3A_29, %get3A_30] : memref<1x2000x64xf32, #tpu.memory_space<vmem>>, vector<1x2000x64xf32>
    %get3A_32 = vector.shape_cast %get3A_31 : vector<1x2000x64xf32> to vector<2000x64xf32>
    %get3A_33 = arith.constant 0 : index
    %get3A_34 = arith.constant 0 : index
    %get3A_35 = arith.constant 0 : index
    %get3A_36 = vector.load %arg4[%get3A_33, %get3A_34, %get3A_35] : memref<1x2000x64xf32, #tpu.memory_space<vmem>>, vector<1x2000x64xf32>
    %get3A_37 = vector.shape_cast %get3A_36 : vector<1x2000x64xf32> to vector<2000x64xf32>
    %add3A_38 = arith.addf %get3A_32, %get3A_37 : vector<2000x64xf32>
    %get3A_39 = arith.constant 0 : index
    %get3A_40 = arith.constant 0 : index
    %get3A_41 = vector.load %arg6[%get3A_39, %get3A_40] : memref<2000x64xf32, #tpu.memory_space<vmem>>, vector<2000x64xf32>
    %add3A_42 = arith.addf %add3A_38, %get3A_41 : vector<2000x64xf32>
    %mul3A_43 = vector.broadcast %rsqrt3A : vector<2000x1xf32> to vector<2000x64xf32>
    %mul3A_44 = arith.mulf %mul3A_43, %add3A_42 : vector<2000x64xf32>
    %concatenate3A = tpu.concatenate %mul3A_27, %mul3A_44 in 1 : vector<2000x64xf32>, vector<2000x64xf32> -> vector<2000x128xf32>
    %get3A_45 = arith.constant 0 : index
    %get3A_46 = arith.constant 0 : index
    %get3A_47 = vector.load %arg9[%get3A_45, %get3A_46] : memref<1x128xf32, #tpu.memory_space<vmem>>, vector<1x128xf32>
    %add3A_48 = vector.broadcast %get3A_47 : vector<1x128xf32> to vector<2000x128xf32>
    %add3A_49 = arith.addf %concatenate3A, %add3A_48 : vector<2000x128xf32>
    %max3A = arith.constant 0.000000e+00 : f32
    %max3A_50 = vector.broadcast %max3A : f32 to vector<2000x128xf32>
    %max3A_51 = arith.maximumf %add3A_49, %max3A_50 : vector<2000x128xf32>
    %get3A_52 = arith.constant 0 : index
    %get3A_53 = arith.constant 0 : index
    %get3A_54 = vector.load %arg10[%get3A_52, %get3A_53] : memref<128x64xf32, #tpu.memory_space<vmem>>, vector<128x64xf32>
    %dot_general3A = arith.constant dense<0.000000e+00> : vector<2000x64xf32>
    %dot_general3A_55 = tpu.matmul %max3A_51, %get3A_54, %dot_general3A {dimension_numbers = #tpu.dot_dimension_numbers<[1], [0], [0], [1], [0, 0, 1, 1], [], []>, transpose_lhs_hint = false} : vector<2000x128xf32>, vector<128x64xf32>, vector<2000x64xf32> -> vector<2000x64xf32>
    %mul3A_56 = vector.broadcast %rsqrt3A : vector<2000x1xf32> to vector<2000x64xf32>
    %mul3A_57 = arith.mulf %mul3A_56, %dot_general3A_55 : vector<2000x64xf32>
    %swap3A = arith.constant 0 : index
    %swap3A_58 = arith.constant 0 : index
    %swap3A_59 = vector.load %arg11[%swap3A, %swap3A_58] : memref<2000x64xf32, #tpu.memory_space<vmem>>, vector<2000x64xf32>
    tpu.vector_store %arg11[%swap3A, %swap3A_58], %mul3A_57 {strides = array<i32>} : memref<2000x64xf32, #tpu.memory_space<vmem>>, vector<2000x64xf32>,
    return
  }
  func.func @transform_0(%arg0: i32) -> (i32, i32, i32) {
    %c0_i32 = arith.constant 0 : i32
    %c0_i32_0 = arith.constant 0 : i32
    %c0_i32_1 = arith.constant 0 : i32
    return %c0_i32, %arg0, %c0_i32_0 : i32, i32, i32
  }
  func.func @transform_1(%arg0: i32) -> (i32, i32, i32) {
    %c1_i32 = arith.constant 1 : i32
    %c0_i32 = arith.constant 0 : i32
    %c0_i32_0 = arith.constant 0 : i32
    return %c1_i32, %arg0, %c0_i32 : i32, i32, i32
  }
  func.func @transform_2(%arg0: i32) -> (i32, i32, i32) {
    %c0_i32 = arith.constant 0 : i32
    %c0_i32_0 = arith.constant 0 : i32
    %c0_i32_1 = arith.constant 0 : i32
    return %c0_i32, %arg0, %c0_i32_0 : i32, i32, i32
  }
  func.func @transform_3(%arg0: i32) -> (i32, i32, i32) {
    %c1_i32 = arith.constant 1 : i32
    %c0_i32 = arith.constant 0 : i32
    %c0_i32_0 = arith.constant 0 : i32
    return %c1_i32, %arg0, %c0_i32 : i32, i32, i32
  }
  func.func @transform_4(%arg0: i32) -> (i32, i32) {
    %c0_i32 = arith.constant 0 : i32
    %c0_i32_0 = arith.constant 0 : i32
    return %arg0, %c0_i32 : i32, i32
  }
  func.func @transform_5(%arg0: i32) -> (i32, i32) {
    %c0_i32 = arith.constant 0 : i32
    %c0_i32_0 = arith.constant 0 : i32
    return %arg0, %c0_i32 : i32, i32
  }
  func.func @transform_6(%arg0: i32) -> (i32, i32, i32) {
    %c0_i32 = arith.constant 0 : i32
    %c0_i32_0 = arith.constant 0 : i32
    %c0_i32_1 = arith.constant 0 : i32
    return %c0_i32, %arg0, %c0_i32_0 : i32, i32, i32
  }
  func.func @transform_7(%arg0: i32) -> (i32, i32, i32) {
    %c1_i32 = arith.constant 1 : i32
    %c0_i32 = arith.constant 0 : i32
    %c0_i32_0 = arith.constant 0 : i32
    return %c1_i32, %arg0, %c0_i32 : i32, i32, i32
  }
  func.func @transform_8(%arg0: i32) -> (i32, i32) {
    %c0_i32 = arith.constant 0 : i32
    %c0_i32_0 = arith.constant 0 : i32
    %c0_i32_1 = arith.constant 0 : i32
    return %c0_i32, %c0_i32_0 : i32, i32
  }
  func.func @transform_9(%arg0: i32) -> (i32, i32) {
    %c0_i32 = arith.constant 0 : i32
    %c0_i32_0 = arith.constant 0 : i32
    %c0_i32_1 = arith.constant 0 : i32
    return %c0_i32, %c0_i32_0 : i32, i32
  }
  func.func @transform_10(%arg0: i32) -> (i32, i32) {
    %c0_i32 = arith.constant 0 : i32
    %c0_i32_0 = arith.constant 0 : i32
    return %arg0, %c0_i32 : i32, i32
  }
}

module attributes {stable_mosaic.version = 14 : i64} {
  func.func @_tc3_body(%arg0: i32, %arg1: memref<1x2000x64xf32, #tpu.memory_space<vmem>>, %arg2: memref<1x2000x64xf32, #tpu.memory_space<vmem>>, %arg3: memref<2000x64xf32, #tpu.memory_space<vmem>>, %arg4: memref<1x2000x16xf32, #tpu.memory_space<vmem>>, %arg5: memref<1x2000x16xf32, #tpu.memory_space<vmem>>, %arg6: memref<1x64xf32, #tpu.memory_space<vmem>>, %arg7: memref<2000x64xf32, #tpu.memory_space<vmem>>) attributes {dimension_semantics = [#tpu.dimension_semantics<arbitrary>], iteration_bounds = array<i64: 5>, scalar_prefetch = 0 : i64, scratch_operands = 0 : i64, tpu.core_type = #tpu.core_type<tc>, window_params = [{transform_indices = @transform_0, window_bounds = array<i64: 1, 2000, 64>}, {transform_indices = @transform_1, window_bounds = array<i64: 1, 2000, 64>}, {transform_indices = @transform_2, window_bounds = array<i64: 2000, 64>}, {transform_indices = @transform_3, window_bounds = array<i64: 1, 2000, 16>}, {transform_indices = @transform_4, window_bounds = array<i64: 1, 2000, 16>}, {pipeline_mode = #tpu.pipeline_mode<synchronous>, transform_indices = @transform_5, window_bounds = array<i64: 1, 64>}, {transform_indices = @transform_6, window_bounds = array<i64: 2000, 64>}]} {
    %get3A = arith.constant 0 : index
    %get3A_0 = arith.constant 0 : index
    %get3A_1 = arith.constant 0 : index
    %get3A_2 = vector.load %arg4[%get3A, %get3A_0, %get3A_1] : memref<1x2000x16xf32, #tpu.memory_space<vmem>>, vector<1x2000x1xf32>
    %get3A_3 = vector.shape_cast %get3A_2 : vector<1x2000x1xf32> to vector<2000x1xf32>
    %get3A_4 = arith.constant 0 : index
    %get3A_5 = arith.constant 0 : index
    %get3A_6 = arith.constant 0 : index
    %get3A_7 = vector.load %arg5[%get3A_4, %get3A_5, %get3A_6] : memref<1x2000x16xf32, #tpu.memory_space<vmem>>, vector<1x2000x1xf32>
    %get3A_8 = vector.shape_cast %get3A_7 : vector<1x2000x1xf32> to vector<2000x1xf32>
    %add3A = arith.addf %get3A_3, %get3A_8 : vector<2000x1xf32>
    %add3A_9 = arith.constant 1.000000e+00 : f32
    %add3A_10 = vector.broadcast %add3A_9 : f32 to vector<2000x1xf32>
    %add3A_11 = arith.addf %add3A, %add3A_10 : vector<2000x1xf32>
    %rsqrt3A = math.rsqrt %add3A_11 : vector<2000x1xf32>
    %get3A_12 = arith.constant 0 : index
    %get3A_13 = arith.constant 0 : index
    %get3A_14 = arith.constant 0 : index
    %get3A_15 = vector.load %arg1[%get3A_12, %get3A_13, %get3A_14] : memref<1x2000x64xf32, #tpu.memory_space<vmem>>, vector<1x2000x64xf32>
    %get3A_16 = vector.shape_cast %get3A_15 : vector<1x2000x64xf32> to vector<2000x64xf32>
    %get3A_17 = arith.constant 0 : index
    %get3A_18 = arith.constant 0 : index
    %get3A_19 = arith.constant 0 : index
    %get3A_20 = vector.load %arg2[%get3A_17, %get3A_18, %get3A_19] : memref<1x2000x64xf32, #tpu.memory_space<vmem>>, vector<1x2000x64xf32>
    %get3A_21 = vector.shape_cast %get3A_20 : vector<1x2000x64xf32> to vector<2000x64xf32>
    %add3A_22 = arith.addf %get3A_16, %get3A_21 : vector<2000x64xf32>
    %get3A_23 = arith.constant 0 : index
    %get3A_24 = arith.constant 0 : index
    %get3A_25 = vector.load %arg3[%get3A_23, %get3A_24] : memref<2000x64xf32, #tpu.memory_space<vmem>>, vector<2000x64xf32>
    %add3A_26 = arith.addf %add3A_22, %get3A_25 : vector<2000x64xf32>
    %mul3A = vector.broadcast %rsqrt3A : vector<2000x1xf32> to vector<2000x64xf32>
    %mul3A_27 = arith.mulf %mul3A, %add3A_26 : vector<2000x64xf32>
    %get3A_28 = arith.constant 0 : index
    %get3A_29 = arith.constant 0 : index
    %get3A_30 = vector.load %arg6[%get3A_28, %get3A_29] : memref<1x64xf32, #tpu.memory_space<vmem>>, vector<1x64xf32>
    %add3A_31 = vector.broadcast %get3A_30 : vector<1x64xf32> to vector<2000x64xf32>
    %add3A_32 = arith.addf %mul3A_27, %add3A_31 : vector<2000x64xf32>
    %mul3A_33 = vector.broadcast %rsqrt3A : vector<2000x1xf32> to vector<2000x64xf32>
    %mul3A_34 = arith.mulf %mul3A_33, %add3A_32 : vector<2000x64xf32>
    %swap3A = arith.constant 0 : index
    %swap3A_35 = arith.constant 0 : index
    %swap3A_36 = vector.load %arg7[%swap3A, %swap3A_35] : memref<2000x64xf32, #tpu.memory_space<vmem>>, vector<2000x64xf32>
    tpu.vector_store %arg7[%swap3A, %swap3A_35], %mul3A_34 {strides = array<i32>} : memref<2000x64xf32, #tpu.memory_space<vmem>>, vector<2000x64xf32>,
    return
  }
  func.func @transform_0(%arg0: i32) -> (i32, i32, i32) {
    %c0_i32 = arith.constant 0 : i32
    %c0_i32_0 = arith.constant 0 : i32
    %c0_i32_1 = arith.constant 0 : i32
    return %c0_i32, %arg0, %c0_i32_0 : i32, i32, i32
  }
  func.func @transform_1(%arg0: i32) -> (i32, i32, i32) {
    %c1_i32 = arith.constant 1 : i32
    %c0_i32 = arith.constant 0 : i32
    %c0_i32_0 = arith.constant 0 : i32
    return %c1_i32, %arg0, %c0_i32 : i32, i32, i32
  }
  func.func @transform_2(%arg0: i32) -> (i32, i32) {
    %c0_i32 = arith.constant 0 : i32
    %c0_i32_0 = arith.constant 0 : i32
    return %arg0, %c0_i32 : i32, i32
  }
  func.func @transform_3(%arg0: i32) -> (i32, i32, i32) {
    %c0_i32 = arith.constant 0 : i32
    %c0_i32_0 = arith.constant 0 : i32
    %c0_i32_1 = arith.constant 0 : i32
    return %c0_i32, %arg0, %c0_i32_0 : i32, i32, i32
  }
  func.func @transform_4(%arg0: i32) -> (i32, i32, i32) {
    %c1_i32 = arith.constant 1 : i32
    %c0_i32 = arith.constant 0 : i32
    %c0_i32_0 = arith.constant 0 : i32
    return %c1_i32, %arg0, %c0_i32 : i32, i32, i32
  }
  func.func @transform_5(%arg0: i32) -> (i32, i32) {
    %c0_i32 = arith.constant 0 : i32
    %c0_i32_0 = arith.constant 0 : i32
    %c0_i32_1 = arith.constant 0 : i32
    return %c0_i32, %c0_i32_0 : i32, i32
  }
  func.func @transform_6(%arg0: i32) -> (i32, i32) {
    %c0_i32 = arith.constant 0 : i32
    %c0_i32_0 = arith.constant 0 : i32
    return %arg0, %c0_i32 : i32, i32
  }
}

module attributes {stable_mosaic.version = 14 : i64} {
  func.func @_tc4_body(%arg0: i32, %arg1: memref<1x2000x64xf32, #tpu.memory_space<vmem>>, %arg2: memref<1x2000x64xf32, #tpu.memory_space<vmem>>, %arg3: memref<2000x64xf32, #tpu.memory_space<vmem>>, %arg4: memref<1x2000x16xf32, #tpu.memory_space<vmem>>, %arg5: memref<1x2000x16xf32, #tpu.memory_space<vmem>>, %arg6: memref<64x32xf32, #tpu.memory_space<vmem>>, %arg7: memref<1x32xf32, #tpu.memory_space<vmem>>, %arg8: memref<64x32xf32, #tpu.memory_space<vmem>>, %arg9: memref<1x32xf32, #tpu.memory_space<vmem>>, %arg10: memref<2000x32xf32, #tpu.memory_space<vmem>>, %arg11: memref<2000x32xf32, #tpu.memory_space<vmem>>, %arg12: memref<2000x32xf32, #tpu.memory_space<vmem>>, %arg13: memref<2000x32xf32, #tpu.memory_space<vmem>>) attributes {dimension_semantics = [#tpu.dimension_semantics<arbitrary>], iteration_bounds = array<i64: 5>, scalar_prefetch = 0 : i64, scratch_operands = 0 : i64, tpu.core_type = #tpu.core_type<tc>, window_params = [{transform_indices = @transform_0, window_bounds = array<i64: 1, 2000, 64>}, {transform_indices = @transform_1, window_bounds = array<i64: 1, 2000, 64>}, {transform_indices = @transform_2, window_bounds = array<i64: 2000, 64>}, {transform_indices = @transform_3, window_bounds = array<i64: 1, 2000, 16>}, {transform_indices = @transform_4, window_bounds = array<i64: 1, 2000, 16>}, {pipeline_mode = #tpu.pipeline_mode<synchronous>, transform_indices = @transform_5, window_bounds = array<i64: 64, 32>}, {pipeline_mode = #tpu.pipeline_mode<synchronous>, transform_indices = @transform_6, window_bounds = array<i64: 1, 32>}, {pipeline_mode = #tpu.pipeline_mode<synchronous>, transform_indices = @transform_7, window_bounds = array<i64: 64, 32>}, {pipeline_mode = #tpu.pipeline_mode<synchronous>, transform_indices = @transform_8, window_bounds = array<i64: 1, 32>}, {transform_indices = @transform_9, window_bounds = array<i64: 2000, 32>}, {transform_indices = @transform_10, window_bounds = array<i64: 2000, 32>}, {transform_indices = @transform_11, window_bounds = array<i64: 2000, 32>}, {transform_indices = @transform_12, window_bounds = array<i64: 2000, 32>}]} {
    %get3A = arith.constant 0 : index
    %get3A_0 = arith.constant 0 : index
    %get3A_1 = arith.constant 0 : index
    %get3A_2 = vector.load %arg4[%get3A, %get3A_0, %get3A_1] : memref<1x2000x16xf32, #tpu.memory_space<vmem>>, vector<1x2000x1xf32>
    %get3A_3 = vector.shape_cast %get3A_2 : vector<1x2000x1xf32> to vector<2000x1xf32>
    %get3A_4 = arith.constant 0 : index
    %get3A_5 = arith.constant 0 : index
    %get3A_6 = arith.constant 0 : index
    %get3A_7 = vector.load %arg5[%get3A_4, %get3A_5, %get3A_6] : memref<1x2000x16xf32, #tpu.memory_space<vmem>>, vector<1x2000x1xf32>
    %get3A_8 = vector.shape_cast %get3A_7 : vector<1x2000x1xf32> to vector<2000x1xf32>
    %add3A = arith.addf %get3A_3, %get3A_8 : vector<2000x1xf32>
    %add3A_9 = arith.constant 1.000000e+00 : f32
    %add3A_10 = vector.broadcast %add3A_9 : f32 to vector<2000x1xf32>
    %add3A_11 = arith.addf %add3A, %add3A_10 : vector<2000x1xf32>
    %rsqrt3A = math.rsqrt %add3A_11 : vector<2000x1xf32>
    %get3A_12 = arith.constant 0 : index
    %get3A_13 = arith.constant 0 : index
    %get3A_14 = arith.constant 0 : index
    %get3A_15 = vector.load %arg1[%get3A_12, %get3A_13, %get3A_14] : memref<1x2000x64xf32, #tpu.memory_space<vmem>>, vector<1x2000x64xf32>
    %get3A_16 = vector.shape_cast %get3A_15 : vector<1x2000x64xf32> to vector<2000x64xf32>
    %get3A_17 = arith.constant 0 : index
    %get3A_18 = arith.constant 0 : index
    %get3A_19 = arith.constant 0 : index
    %get3A_20 = vector.load %arg2[%get3A_17, %get3A_18, %get3A_19] : memref<1x2000x64xf32, #tpu.memory_space<vmem>>, vector<1x2000x64xf32>
    %get3A_21 = vector.shape_cast %get3A_20 : vector<1x2000x64xf32> to vector<2000x64xf32>
    %add3A_22 = arith.addf %get3A_16, %get3A_21 : vector<2000x64xf32>
    %get3A_23 = arith.constant 0 : index
    %get3A_24 = arith.constant 0 : index
    %get3A_25 = vector.load %arg3[%get3A_23, %get3A_24] : memref<2000x64xf32, #tpu.memory_space<vmem>>, vector<2000x64xf32>
    %add3A_26 = arith.addf %add3A_22, %get3A_25 : vector<2000x64xf32>
    %mul3A = vector.broadcast %rsqrt3A : vector<2000x1xf32> to vector<2000x64xf32>
    %mul3A_27 = arith.mulf %mul3A, %add3A_26 : vector<2000x64xf32>
    %get3A_28 = arith.constant 0 : index
    %get3A_29 = arith.constant 0 : index
    %get3A_30 = vector.load %arg6[%get3A_28, %get3A_29] : memref<64x32xf32, #tpu.memory_space<vmem>>, vector<64x32xf32>
    %dot_general3A = arith.constant dense<0.000000e+00> : vector<2000x32xf32>
    %dot_general3A_31 = tpu.matmul %mul3A_27, %get3A_30, %dot_general3A {dimension_numbers = #tpu.dot_dimension_numbers<[1], [0], [0], [1], [0, 0, 1, 1], [], []>, transpose_lhs_hint = false} : vector<2000x64xf32>, vector<64x32xf32>, vector<2000x32xf32> -> vector<2000x32xf32>
    %get3A_32 = arith.constant 0 : index
    %get3A_33 = arith.constant 0 : index
    %get3A_34 = vector.load %arg7[%get3A_32, %get3A_33] : memref<1x32xf32, #tpu.memory_space<vmem>>, vector<1x32xf32>
    %add3A_35 = vector.broadcast %get3A_34 : vector<1x32xf32> to vector<2000x32xf32>
    %add3A_36 = arith.addf %dot_general3A_31, %add3A_35 : vector<2000x32xf32>
    %get3A_37 = arith.constant 0 : index
    %get3A_38 = arith.constant 0 : index
    %get3A_39 = vector.load %arg8[%get3A_37, %get3A_38] : memref<64x32xf32, #tpu.memory_space<vmem>>, vector<64x32xf32>
    %dot_general3A_40 = arith.constant dense<0.000000e+00> : vector<2000x32xf32>
    %dot_general3A_41 = tpu.matmul %mul3A_27, %get3A_39, %dot_general3A_40 {dimension_numbers = #tpu.dot_dimension_numbers<[1], [0], [0], [1], [0, 0, 1, 1], [], []>, transpose_lhs_hint = false} : vector<2000x64xf32>, vector<64x32xf32>, vector<2000x32xf32> -> vector<2000x32xf32>
    %get3A_42 = arith.constant 0 : index
    %get3A_43 = arith.constant 0 : index
    %get3A_44 = vector.load %arg9[%get3A_42, %get3A_43] : memref<1x32xf32, #tpu.memory_space<vmem>>, vector<1x32xf32>
    %add3A_45 = vector.broadcast %get3A_44 : vector<1x32xf32> to vector<2000x32xf32>
    %add3A_46 = arith.addf %dot_general3A_41, %add3A_45 : vector<2000x32xf32>
    %swap3A = arith.constant 0 : index
    %swap3A_47 = arith.constant 0 : index
    %swap3A_48 = vector.load %arg12[%swap3A, %swap3A_47] : memref<2000x32xf32, #tpu.memory_space<vmem>>, vector<2000x32xf32>
    tpu.vector_store %arg12[%swap3A, %swap3A_47], %add3A_36 {strides = array<i32>} : memref<2000x32xf32, #tpu.memory_space<vmem>>, vector<2000x32xf32>,
    %swap3A_49 = arith.constant 0 : index
    %swap3A_50 = arith.constant 0 : index
    %swap3A_51 = vector.load %arg13[%swap3A_49, %swap3A_50] : memref<2000x32xf32, #tpu.memory_space<vmem>>, vector<2000x32xf32>
    tpu.vector_store %arg13[%swap3A_49, %swap3A_50], %add3A_46 {strides = array<i32>} : memref<2000x32xf32, #tpu.memory_space<vmem>>, vector<2000x32xf32>,
    %exp3A = math.exp %add3A_46 : vector<2000x32xf32>
    %get3A_52 = arith.constant 0 : index
    %get3A_53 = arith.constant 0 : index
    %get3A_54 = vector.load %arg10[%get3A_52, %get3A_53] : memref<2000x32xf32, #tpu.memory_space<vmem>>, vector<2000x32xf32>
    %mul3A_55 = arith.mulf %exp3A, %get3A_54 : vector<2000x32xf32>
    %add3A_56 = arith.addf %add3A_36, %mul3A_55 : vector<2000x32xf32>
    %swap3A_57 = arith.constant 0 : index
    %swap3A_58 = arith.constant 0 : index
    %swap3A_59 = vector.load %arg11[%swap3A_57, %swap3A_58] : memref<2000x32xf32, #tpu.memory_space<vmem>>, vector<2000x32xf32>
    tpu.vector_store %arg11[%swap3A_57, %swap3A_58], %add3A_56 {strides = array<i32>} : memref<2000x32xf32, #tpu.memory_space<vmem>>, vector<2000x32xf32>,
    return
  }
  func.func @transform_0(%arg0: i32) -> (i32, i32, i32) {
    %c0_i32 = arith.constant 0 : i32
    %c0_i32_0 = arith.constant 0 : i32
    %c0_i32_1 = arith.constant 0 : i32
    return %c0_i32, %arg0, %c0_i32_0 : i32, i32, i32
  }
  func.func @transform_1(%arg0: i32) -> (i32, i32, i32) {
    %c1_i32 = arith.constant 1 : i32
    %c0_i32 = arith.constant 0 : i32
    %c0_i32_0 = arith.constant 0 : i32
    return %c1_i32, %arg0, %c0_i32 : i32, i32, i32
  }
  func.func @transform_2(%arg0: i32) -> (i32, i32) {
    %c0_i32 = arith.constant 0 : i32
    %c0_i32_0 = arith.constant 0 : i32
    return %arg0, %c0_i32 : i32, i32
  }
  func.func @transform_3(%arg0: i32) -> (i32, i32, i32) {
    %c0_i32 = arith.constant 0 : i32
    %c0_i32_0 = arith.constant 0 : i32
    %c0_i32_1 = arith.constant 0 : i32
    return %c0_i32, %arg0, %c0_i32_0 : i32, i32, i32
  }
  func.func @transform_4(%arg0: i32) -> (i32, i32, i32) {
    %c1_i32 = arith.constant 1 : i32
    %c0_i32 = arith.constant 0 : i32
    %c0_i32_0 = arith.constant 0 : i32
    return %c1_i32, %arg0, %c0_i32 : i32, i32, i32
  }
  func.func @transform_5(%arg0: i32) -> (i32, i32) {
    %c0_i32 = arith.constant 0 : i32
    %c0_i32_0 = arith.constant 0 : i32
    %c0_i32_1 = arith.constant 0 : i32
    return %c0_i32, %c0_i32_0 : i32, i32
  }
  func.func @transform_6(%arg0: i32) -> (i32, i32) {
    %c0_i32 = arith.constant 0 : i32
    %c0_i32_0 = arith.constant 0 : i32
    %c0_i32_1 = arith.constant 0 : i32
    return %c0_i32, %c0_i32_0 : i32, i32
  }
  func.func @transform_7(%arg0: i32) -> (i32, i32) {
    %c0_i32 = arith.constant 0 : i32
    %c0_i32_0 = arith.constant 0 : i32
    %c0_i32_1 = arith.constant 0 : i32
    return %c0_i32, %c0_i32_0 : i32, i32
  }
  func.func @transform_8(%arg0: i32) -> (i32, i32) {
    %c0_i32 = arith.constant 0 : i32
    %c0_i32_0 = arith.constant 0 : i32
    %c0_i32_1 = arith.constant 0 : i32
    return %c0_i32, %c0_i32_0 : i32, i32
  }
  func.func @transform_9(%arg0: i32) -> (i32, i32) {
    %c0_i32 = arith.constant 0 : i32
    %c0_i32_0 = arith.constant 0 : i32
    return %arg0, %c0_i32 : i32, i32
  }
  func.func @transform_10(%arg0: i32) -> (i32, i32) {
    %c0_i32 = arith.constant 0 : i32
    %c0_i32_0 = arith.constant 0 : i32
    return %arg0, %c0_i32 : i32, i32
  }
  func.func @transform_11(%arg0: i32) -> (i32, i32) {
    %c0_i32 = arith.constant 0 : i32
    %c0_i32_0 = arith.constant 0 : i32
    return %arg0, %c0_i32 : i32, i32
  }
  func.func @transform_12(%arg0: i32) -> (i32, i32) {
    %c0_i32 = arith.constant 0 : i32
    %c0_i32_0 = arith.constant 0 : i32
    return %arg0, %c0_i32 : i32, i32
  }
}

</mosaic_0001>

<sc_bundles>
// kernel: kernel.11.cloned.1.call-start
scs
__scs_entry_jumppad:
0x0: {  	(pc) =	sbr.rel $0x88, $3  }
0x1: {  	(tag) =	ssettag $0x0;
	lr =	simm.s32 $0x1  }
0x2: {  	[smem:$0x3F97] =	sst lr;
	_ =	strace $0xD0000000  }
0x3: {  	_ = 	snop  }
0x4: {  	_ = 	snop  }
0x5: {  	_ = 	snop  }
0x6: {  	_ = 	snop  }
0x7: {  	_ = 	snop  }
__scs_overlays_trampoline_lowered:
0x8: {  	[smem:$0x3FA6] =	sst s0  }
0x9: {  	[smem:$0x3FA7] =	sst s1  }
0xa: {  	[smem:$0x3FA8] =	sst s2  }
0xb: {  	[smem:$0x3FA9] =	sst s3  }
0xc: {  	[smem:$0x3FAA] =	sst s4  }
0xd: {  	[smem:$0x3FAB] =	sst s5  }
0xe: {  	[smem:$0x3FAC] =	sst s6  }
0xf: {  	[smem:$0x3FAD] =	sst s7  }
0x10: {  	[smem:$0x3FAE] =	sst s8  }
0x11: {  	[smem:$0x3FAF] =	sst s9;
	s0 =	simm.s32 @!p0 $0x0  }
0x12: {  	s1 =	sld [smem:$0x3F95];
	s0 =	simm.s32 @p0 $0x1  }
0x13: {  	[smem:$0x3FB0] =	sst s0;
	s0 =	simm.s32 @!p1 $0x0  }
0x14: {  	s2 =	sld [smem:$0x3F94];
	s0 =	simm.s32 @p1 $0x1  }
0x15: {  	[smem:$0x3FB1] =	sst s0;
	s0 =	simm.s32 @!p2 $0x0  }
0x16: {  	s3 =	sld [smem:$0x3FDB];
	s0 =	simm.s32 @p2 $0x1  }
0x17: {  	s4 =	simm.s32 $0x1BF5;
	[smem:$0x3FB3] =	sst s0  }
0x18: {  	s0 =	sld [smem:$0x3F96];
	_ =	swait.ge [sflag:s4], $0x0  }
0x19: {  	s7 =	sld [smem:$0x3F97]  }
0x1a: {  	s8 =	sadd.s32 $0xFFFFE003, lr  }
0x1b: {  	s9 =	sadd.s32 $0xFFFFFEF7, lr;
	s5 =	simm.s32 $0xFFFFFFFF;
	p2 =	slt.u32 s8, $0xFFFFF086  }
0x1c: {  	p1 =	slt.u32 s9, $0xF7A;
	s5 =	simm.s32 @!p2 $0x0  }
0x1d: {  	s5 =	simm.s32 @p1 $0x1;
	p0 =	seq.s32 s7, s2  }
0x1e: {  	s7 =	smul.u32 @!p0 $0xF7A, s2;
	p2 =	seq.s32 @!p0 s5, $0x0  }
0x1f: {  	s9 =	smul.u32 $0xF7A, s1;
	s8 =	simm.s32 @!p0 $0x1BF5;
	p2 =	por !p2, p0  }
0x20: {  	[sflag:s8] =	ssyncset.s32 @!p0 $0xFFFFF086;
	s6 =	sadd.s32 @!p0 s3, s7;
	s7 =	simm.s32 @!p0 $0x108  }
0x21: {  	s3 =	sadd.s32 s3, s9;
	s6 =	sadd.s32 @!p0 $0x88, s6;
	s7 =	simm.s32 @p2 $0x1082  }
0x22: {  	[simem:s7], [sflag:s8] =	dma.local @!p0 [hbm:s6], $0xF7A  }
0x23: {  	s9 =	sor.u32 $0xD0000000, s2;
	s6 =	simm.s32 $0x108;
	_ =	swait.ge @!p0 [sflag:s8], $0x0  }
0x24: {  	s3 =	sadd.s32 $0x88, s3;
	s6 =	simm.s32 @!p1 $0x1082;
	[sflag:s4] =	ssyncset.s32 $0xFFFFF086  }
0x25: {  	[simem:s6], [sflag:s4] =	dma.local [hbm:s3], $0xF7A  }
0x26: {  	[smem:$0x3F97] =	sst s1;
	(tag) =	ssettag s2;
	_ =	strace s9  }
0x27: {  	s1 =	sld [smem:$0x3FA7]  }
0x28: {  	s2 =	sld [smem:$0x3FA8]  }
0x29: {  	s4 =	sld [smem:$0x3FAA]  }
0x2a: {  	p0 =	seq.s32 s5, $0x0;
	s5 =	sld [smem:$0x3FAB]  }
0x2b: {  	s6 =	sld [smem:$0x3FAC]  }
0x2c: {  	s7 =	sld [smem:$0x3FAD]  }
0x2d: {  	s3 =	simm.s32 $0x108;
	s8 =	sld [smem:$0x3FAE]  }
0x2e: {  	s3 =	simm.s32 @!p0 $0x1082;
	s9 =	sld [smem:$0x3FAF]  }
0x2f: {  	lr =	sadd.s32 s0, s3;
	s0 =	sld [smem:$0x3FA6]  }
0x30: {  	s3 =	sld [smem:$0x3FA9]  }
0x31: {  	[smem:$0x3FB2] =	sst s10  }
0x32: {  	s10 =	sld [smem:$0x3FB0];
	_ =	sdelay $0x3  }
0x33: {  	p0 =	seq.s32 s10, $0x1;
	s10 =	sld [smem:$0x3FB2];
	_ =	sdelay $0x3  }
0x34: {  	[smem:$0x3FB2] =	sst s10  }
0x35: {  	s10 =	sld [smem:$0x3FB1];
	_ =	sdelay $0x3  }
0x36: {  	p1 =	seq.s32 s10, $0x1;
	s10 =	sld [smem:$0x3FB2];
	_ =	sdelay $0x3  }
0x37: {  	[smem:$0x3FB2] =	sst s10  }
0x38: {  	s10 =	sld [smem:$0x3FB3]  }
0x39: {  	_ = 	snop;
	(pc) =	sbr.ind lr, $3  }
0x3a: {  	_ = 	snop  }
0x3b: {  	_ = 	snop  }
0x3c: {  	p2 =	seq.s32 s10, $0x1;
	s10 =	sld [smem:$0x3FB2]  }
0x3d: {  	_ =	shalt  }
0x3e: {  	_ =	shalt  }
0x3f: {  	_ =	shalt  }
0x40: {  	_ =	shalt  }
0x41: {  	_ =	shalt  }
0x42: {  	_ =	shalt  }
0x43: {  	_ =	shalt  }
0x44: {  	_ =	shalt  }
0x45: {  	_ =	shalt  }
0x46: {  	_ =	shalt  }
0x47: {  	_ =	shalt  }
0x48: {  	_ =	shalt  }
0x49: {  	_ =	shalt  }
0x4a: {  	_ =	shalt  }
0x4b: {  	_ =	shalt  }
0x4c: {  	_ =	shalt  }
0x4d: {  	_ =	shalt  }
0x4e: {  	_ =	shalt  }
0x4f: {  	_ =	shalt  }
0x50: {  	_ =	shalt  }
0x51: {  	_ =	shalt  }
0x52: {  	_ =	shalt  }
0x53: {  	_ =	shalt  }
0x54: {  	_ =	shalt  }
0x55: {  	_ =	shalt  }
0x56: {  	_ =	shalt  }
0x57: {  	_ =	shalt  }
0x58: {  	_ =	shalt  }
0x59: {  	_ =	shalt  }
0x5a: {  	_ =	shalt  }
0x5b: {  	_ =	shalt  }
0x5c: {  	_ =	shalt  }
0x5d: {  	_ =	shalt  }
0x5e: {  	_ =	shalt  }
0x5f: {  	_ =	shalt  }
0x60: {  	_ =	shalt  }
0x61: {  	_ =	shalt  }
0x62: {  	_ =	shalt  }
0x63: {  	_ =	shalt  }
0x64: {  	_ =	shalt  }
0x65: {  	_ =	shalt  }
0x66: {  	_ =	shalt  }
0x67: {  	_ =	shalt  }
0x68: {  	_ =	shalt  }
0x69: {  	_ =	shalt  }
0x6a: {  	_ =	shalt  }
0x6b: {  	_ =	shalt  }
0x6c: {  	_ =	shalt  }
0x6d: {  	_ =	shalt  }
0x6e: {  	_ =	shalt  }
0x6f: {  	_ =	shalt  }
0x70: {  	_ =	shalt  }
0x71: {  	_ =	shalt  }
0x72: {  	_ =	shalt  }
0x73: {  	_ =	shalt  }
0x74: {  	_ =	shalt  }
0x75: {  	_ =	shalt  }
0x76: {  	_ =	shalt  }
0x77: {  	_ =	shalt  }
0x78: {  	_ =	shalt  }
0x79: {  	_ =	shalt  }
0x7a: {  	_ =	shalt  }
0x7b: {  	_ =	shalt  }
0x7c: {  	_ =	shalt  }
0x7d: {  	_ =	shalt  }
0x7e: {  	_ =	shalt  }
0x7f: {  	_ =	shalt  }
0x80: {  	_ =	shalt  }
0x81: {  	_ =	shalt  }
0x82: {  	_ =	shalt  }
0x83: {  	_ =	shalt  }
0x84: {  	_ =	shalt  }
0x85: {  	_ =	shalt  }
0x86: {  	_ =	shalt  }
0x87: {  	_ =	shalt  }
.Lfunc_end0:
.L_simem_size_0:
called_computation_lowered:
.L_overlay_start_0:
0x88: {  	s2 =	sld [smem:$0x3FD9]  }
0x89: {  	s3 =	sld [smem:$0x3FFE];
	_ =	sdelay $0x1  }
0x8a: {  	s1 =	srdreg.scid  }
0x8b: {  	s0 =	sand.u32 $0x1, s1  }
0x8c: {  	s14 =	sshll.u32 s0, $0xA;
	s2 =	sadd.s32 s3, s2  }
0x8d: {  	s2 =	sadd.s32 s2, s14  }
0x8e: {  	[smem:$0x3FBE] =	sst s2  }
0x8f: {  	_ = 	snop  }
0x90: {  	s2 =	sld [smem:$0x3FD0];
	_ =	sdelay $0x2  }
0x91: {  	s15 =	simm.s32 $0xB;
	s4 =	simm.s32 $0x10  }
0x92: {  	[smem:s4], [sflag:s15] =	dma.local [hbm:s2], $0x1  }
0x93: {  	_ =	swait.eq [sflag:s15], $0x1  }
0x94: {  	[sflag:s15] =	ssyncset.done $0x0  }
0x95: {  	[sflag:s15] =	ssyncadd.s32 $0xFFFFFFFF  }
0x96: {  	s16 =	sld [smem:$0x12];
	(tm) =	ssettm $0x1  }
0x97: {  	s17 =	sld [smem:$0x3FFB];
	_ =	sdelay $0x3  }
0x98: {  	_ =	strace s17  }
0x99: {  	s3 =	sld [smem:$0x3FFC];
	_ =	sdelay $0x3  }
0x9a: {  	_ =	strace s3  }
0x9b: {  	s3 =	sld [smem:$0x3FFD];
	_ =	sdelay $0x3  }
0x9c: {  	_ =	strace s3  }
0x9d: {  	_ =	strace $0x8FFFFFFF  }
0x9e: {  	s18 =	sld [smem:$0x3FDB];
	_ =	sdelay $0x1  }
0x9f: {  	s19 =	simm.s32 $_scs_section_size  }
0xa0: {  	s5 =	simm.s32 $_size__tile_overlayer_lowered;
	s6 =	simm.s32 $_tile_overlayer_lowered  }
0xa1: {  	s22 =	simm.s32 $0x1BFF;
	s21 =	sshll.u32 s6, $0x1;
	s3 =	sadd.s32 s19, s18  }
0xa2: {  	s7 =	simm.s32 $0x0;
	s20 =	sshll.u32 s5, $0x1;
	s5 =	sadd.s32 s21, s3  }
0xa3: {  	[timem:s7], [sflag:s22] =	dma.local [hbm:s5], s20  }
0xa4: {  	_ =	swait.ge [sflag:s22], s20  }
0xa5: {  	s4 =	ssub.s32 $0x0, s20;
	[sflag:s22] =	ssyncset.done $0x0  }
0xa6: {  	[sflag:s22] =	ssyncadd.s32 s4;
	_ =	sdelay $0x1  }
0xa7: {  	s23 =	simm.s32 $0x1B8B  }
0xa8: {  	_ =	swait.ge [sflag:s23], $0x1  }
0xa9: {  	[sflag:s23] =	ssyncset.done $0x0  }
0xaa: {  	s25 =	simm.s32 $0x1B8E;
	s24 =	sld [smem:$0x3FFE];
	[sflag:s23] =	ssyncadd.s32 $0xFFFFFFFF  }
0xab: {  	s26 =	simm.s32 $execute0_lowered;
	[smem:$0x3FD2] =	sst s25  }
0xac: {  	s5 =	sshll.u32 s26, $0x1;
	_ =	strace $0x80000046;
	[dreg:$0x1] =	wrdreg $0xFFFFFFFF  }
0xad: {  	s28 =	simm.s32 $_size_execute0_lowered;
	s3 =	sadd.s32 s3, s5;
	[dreg:$0x0] =	wrdreg $0x0  }
0xae: {  	s5 =	sshll.u32 s28, $0x1;
	[dreg:$0x2] =	wrdreg s3  }
0xaf: {  	[dreg:$0x3] =	wrdreg s5  }
0xb0: {  	[dreg:$0x4] =	wrdreg $0xC0  }
0xb1: {  	_ =	task [dreg:s7], $0x5FFFF  }
0xb2: {  	[dreg:$0x1] =	wrdreg $0xFFFFFFFF  }
0xb3: {  	[dreg:$0x0] =	wrdreg $0x60  }
0xb4: {  	[dreg:$0x2] =	wrdreg s24  }
0xb5: {  	[dreg:$0x3] =	wrdreg s16  }
0xb6: {  	[dreg:$0x4] =	wrdreg $0x2F800  }
0xb7: {  	[dreg:$0x5] =	wrdreg $0x9  }
0xb8: {  	_ =	task.clear_ibuf [dreg:s7], $0x6FFFF;
	_ =	strace $0x90000046  }
0xb9: {  	s29 =	simm.s32 $0x9;
	_ =	strace $0x80000048  }
0xba: {  	_ =	swait.ge [sflag:s29], $0x1  }
0xbb: {  	[sflag:s29] =	ssyncadd.s32 $0xFFFFFFFF  }
0xbc: {  	_ =	strace $0x90000048  }
0xbd: {  	_ =	sfence  }
0xbe: {  	s30 =	sld [smem:$0x0];
	_ =	sdelay $0x2  }
0xbf: {  	s31 =	sshll.u32 s1, $0xD;
	s1 =	sshrl.u32 s1, $0x2  }
0xc0: {  	s3 =	sand.u32 $0x4000, s31;
	s1 =	sadd.s32 s1, s30  }
0xc1: {  	s0 =	sor.u32 s3, s0;
	s1 =	sshll.u32 s1, $0x11  }
0xc2: {  	s0 =	sor.u32 s1, s0  }
0xc3: {  	s0 =	sadd.s32 $0x8F2B, s0  }
0xc4: {  	[sflag:s0] =	ssyncadd.remote.s32 $0x1  }
0xc5: {  	_ =	sfence.sel $0xFFFF  }
0xc6: {  	[dreg:$0x0] =	wrdreg $0xFFFFFFFF;
	(pc) =	sbr.abs _section_cstart, $3  }
0xc7: {  	[dreg:$0x1] =	wrdreg $0xFFFFFFFF  }
0xc8: {  	_ =	task.clear_ibuf [dreg:s7], $0x2FFFF;
	_ =	strace $0x9FFFFFFF  }
0xc9: {  	(tm) =	ssettm $0x7FFFFFFF  }
tec
execute0_lowered:
.L_overlay_start_1:
0x0: {  	(tag) =	ssettag $0x1  }
0x1: {  	s4 =	rddreg [dreg:$0x0]  }
0x2: {  	s1 =	srdreg.scid;
	s12 =	rddreg [dreg:$0x1]  }
0x3: {  	s0 =	stileid.u32;
	s2 =	rddreg [dreg:$0x2];
	s3 =	simm.s32 $0x0  }
0x4: {  	s15 =	simm.s32 $0x2;
	s16 =	simm.s32 $0x80;
	s17 =	simm.s32 $0x100  }
0x5: {  	s18 =	simm.s32 $0x180;
	s19 =	simm.s32 $0x200;
	s20 =	simm.s32 $0x280  }
0x6: {  	s21 =	simm.s32 $0x300;
	s22 =	simm.s32 $0x380;
	s23 =	simm.s32 $0x1  }
0x7: {  	s24 =	simm.s32 $0x0;
	s5 =	sand.u32 $0x1, s1;
	s1 =	rddreg [dreg:$0x3]  }
0x8: {  	s29 =	sshll.u32 s0, $0x1;
	[smem:$0x7FF] =	sst s3;
	s9 =	smul.u32 $0x9E00, s0  }
0x9: {  	p0 =	slt.u32 s0, $0x2;
	s10 =	smul.u32 $0x2780, s0;
	s6 =	sor.u32 s5, s29  }
0xa: {  	s30 =	ssub.s32 $0x2, s5;
	_ =	strace $0x80000047;
	s14 =	smul.u32 $0x27800, s5  }
0xb: {  	s7 =	smul.u32 $0x4E, s6;
	s6 =	smin.u32 s6, $0x4;
	s8 =	sshrl.u32 s30, $0x1  }
0xc: {  	s31 =	sshrl.u32 s9, $0x2;
	s5 =	sadd.s32 s10, s2;
	s13 =	ssub.s32 s30, s8  }
0xd: {  	s9 =	sadd.s32 s31, s2;
	s14 =	sadd.s32 s10, s14;
	s6 =	sadd.s32 s6, s7  }
0xe: {  	s7 =	sadd.s32 $0x1000, s9;
	s8 =	sadd.s32 $0x1800, s9;
	s14 =	sshrl.u32 s14, $0x3  }
0xf: {  	s13 =	smax.u32 s13, $0x1;
	s6 =	sshll.u32 s6, $0x4;
	s12 =	sadd.s32 s12, s14  }
0x10: {  	s14 =	simm.s32 $0x2780;
	s11 =	sadd.s32 s6, s4;
	s4 =	simm.s32 $0x4F  }
0x11: {  	s6 =	sadd.s32 $0x800, s9;
	s9 =	sadd.s32 $0x2000, s9;
	s4 =	simm.s32 @!p0 $0x4E  }
0x12: {  	v0 =	vimm.f32 $0.0e+00;
	v1 =	vimm.f32 $1.000000000e+00;
	s10 =	sadd.s32 $0xD040, s11;
	s11 =	sadd.s32 $0xD520, s11;
	p0 =	sgt.u32 s0, $0x1  }
.LBB2_1:
0x13: {  	s25 =	simm.s32 $0x40;
	s26 =	simm.s32 $0x0  }
.LBB2_2:
0x14: {  	p1 =	sne.s32 s25, $0x1FC0;
	[tilespmem:s26+$0x2780] =	vst v0;
	s26 =	smov.u32 s25;
	s25 =	sadd.s32 $0x40, s25  }
.Ltmp0:
0x15: {  	(pc) =	sbr.rel @p1 .LBB2_2-.Ltmp0, $2  }
0x16: {  	_ =	sdelay $0x2  }
0x17: {  	s26 =	sshra.s32 s26, $0x2  }
0x18: {  	[tilespmem:s26+$0x2780] =	vst v0  }
0x19: {  	[spmem:s5] =	stream.linear.scatter [tilespmem:s14], [sflag:$0x2], $0x800, $0x38;
	[tilespmem:$0x5700] =	vst v63  }
0x1a: {  	_ =	swait.ge [sflag:s15], $0x800  }
0x1b: {  	[sflag:s15] =	ssyncset.done $0x0  }
0x1c: {  	[sflag:s15] =	ssyncadd.s32 $0xFFFFF800  }
0x1d: {  	[spmem:s6] =	stream.linear.scatter [tilespmem:s14], [sflag:$0x2], $0x800, $0x38;
	[tilespmem:$0x5700] =	vst v63  }
0x1e: {  	_ =	swait.ge [sflag:s15], $0x800  }
0x1f: {  	[sflag:s15] =	ssyncset.done $0x0  }
0x20: {  	[sflag:s15] =	ssyncadd.s32 $0xFFFFF800  }
0x21: {  	[spmem:s7] =	stream.linear.scatter [tilespmem:s14], [sflag:$0x2], $0x800, $0x38;
	[tilespmem:$0x5700] =	vst v63  }
0x22: {  	_ =	swait.ge [sflag:s15], $0x800  }
0x23: {  	[sflag:s15] =	ssyncset.done $0x0  }
0x24: {  	[sflag:s15] =	ssyncadd.s32 $0xFFFFF800  }
0x25: {  	[spmem:s8] =	stream.linear.scatter [tilespmem:s14], [sflag:$0x2], $0x800, $0x38;
	[tilespmem:$0x5700] =	vst v63  }
0x26: {  	_ =	swait.ge [sflag:s15], $0x800  }
0x27: {  	[sflag:s15] =	ssyncset.done $0x0  }
0x28: {  	[sflag:s15] =	ssyncadd.s32 $0xFFFFF800  }
0x29: {  	[spmem:s9] =	stream.linear.scatter [tilespmem:s14], [sflag:$0x2], $0x780, $0x38;
	[tilespmem:$0x5700] =	vst v63  }
0x2a: {  	_ =	swait.ge [sflag:s15], $0x780  }
0x2b: {  	[sflag:s15] =	ssyncset.done $0x0  }
0x2c: {  	s25 =	simm.s32 $0x40;
	s26 =	simm.s32 $0x0;
	[sflag:s15] =	ssyncadd.s32 $0xFFFFF880  }
.LBB2_4:
0x2d: {  	p1 =	sne.s32 s25, $0x1FC0;
	[tilespmem:s26+$0x2780] =	vst v1;
	s26 =	smov.u32 s25;
	s25 =	sadd.s32 $0x40, s25  }
.Ltmp1:
0x2e: {  	(pc) =	sbr.rel @p1 .LBB2_4-.Ltmp1, $2  }
0x2f: {  	_ =	sdelay $0x2  }
0x30: {  	s26 =	sshra.s32 s26, $0x2  }
0x31: {  	[tilespmem:s26+$0x2780] =	vst v1  }
0x32: {  	[tilespmem:s3], [sflag:$0x2] =	stream.linear.gather [hbm4b:s10+s3], $0x2700, $0x38;
	[tilespmem:$0x5700] =	vst v63  }
0x33: {  	_ =	swait.ge [sflag:s15], $0x2700  }
0x34: {  	[sflag:s15] =	ssyncset.done $0x0  }
0x35: {  	s25 =	simm.s32 @!p0 $0x0;
	s26 =	simm.s32 @!p0 $0x2700;
	[sflag:s15] =	ssyncadd.s32 $0xFFFFD900  }
0x36: {  	[tilespmem:s26], [sflag:$0x2] =	stream.linear.gather @!p0 [hbm4b:s11+s25], $0x80, $0x38;
	[tilespmem:$0x5700] =	vst v63  }
0x37: {  	s25 =	simm.s32 @!p0 $0x2  }
0x38: {  	_ =	swait.ge @!p0 [sflag:s25], $0x80  }
0x39: {  	[sflag:s25] =	ssyncset.done @!p0 $0x0  }
0x3a: {  	[sflag:s25] =	ssyncadd.s32 @!p0 $0xFFFFFF80  }
0x3b: {  	s31 =	simm.s32 $0x0;
	[bflag:$0x0] =	sbarrier.arrive $0xFFFF  }
0x3c: {  	[spmem:s2] =	stream.indirect.scatter.add.f32 [tilespmem:s14], [sflag:$0x1], $0x10, s31, s16, $0xb8;
	[tilespmem:$0x5700] =	vst v63  }
0x3d: {  	_ = 	snop  }
0x3e: {  	[spmem:s2] =	stream.indirect.scatter.add.f32 [tilespmem:s14], [sflag:$0x1], $0x10, s16, s16, $0xb8;
	[tilespmem:$0x5700] =	vst v63  }
0x3f: {  	_ = 	snop  }
0x40: {  	[spmem:s2] =	stream.indirect.scatter.add.f32 [tilespmem:s14], [sflag:$0x1], $0x10, s17, s16, $0xb8;
	[tilespmem:$0x5700] =	vst v63  }
0x41: {  	_ = 	snop  }
0x42: {  	[spmem:s2] =	stream.indirect.scatter.add.f32 [tilespmem:s14], [sflag:$0x1], $0x10, s18, s16, $0xb8;
	[tilespmem:$0x5700] =	vst v63  }
0x43: {  	_ = 	snop  }
0x44: {  	[spmem:s2] =	stream.indirect.scatter.add.f32 [tilespmem:s14], [sflag:$0x1], $0x10, s19, s16, $0xb8;
	[tilespmem:$0x5700] =	vst v63  }
0x45: {  	_ = 	snop  }
0x46: {  	[spmem:s2] =	stream.indirect.scatter.add.f32 [tilespmem:s14], [sflag:$0x1], $0x10, s20, s16, $0xb8;
	[tilespmem:$0x5700] =	vst v63  }
0x47: {  	p2 =	sne.s32 s4, $0x1  }
0x48: {  	[spmem:s2] =	stream.indirect.scatter.add.f32 [tilespmem:s14], [sflag:$0x1], $0x10, s21, s16, $0xb8;
	[tilespmem:$0x5700] =	vst v63  }
.Ltmp2:
0x49: {  	_ = 	snop;
	(pc) =	sbr.rel @!p2 .LBB2_7-.Ltmp2, $4  }
0x4a: {  	[spmem:s2] =	stream.indirect.scatter.add.f32 [tilespmem:s14], [sflag:$0x1], $0x10, s22, s16, $0xb8;
	[tilespmem:$0x5700] =	vst v63  }
0x4b: {  	p1 =	sle.u32 s4, $0x8;
	s28 =	simm.s32 $0x480;
	_ =	swait.ge [sflag:s23], $0x800  }
0x4c: {  	s29 =	simm.s32 @!p1 $0x80;
	s30 =	simm.s32 @!p1 $0x2780;
	[sflag:s23] =	ssyncset.done $0x0  }
0x4d: {  	s26 =	simm.s32 $0x1;
	s25 =	simm.s32 $0x400;
	[sflag:s23] =	ssyncadd.s32 $0xFFFFF800  }
.LBB2_6:
0x4e: {  	[spmem:s2] =	stream.indirect.scatter.add.f32 @!p1 [tilespmem:s30], [sflag:$0x1], $0x10, s25, s29, $0xb8;
	[tilespmem:$0x5700] =	vst v63  }
0x4f: {  	s29 =	smov.u32 s26;
	s26 =	sadd.s32 $0x1, s26  }
0x50: {  	s25 =	smov.u32 s28;
	p2 =	sne.s32 s4, s26  }
.Ltmp3:
0x51: {  	_ =	swait.ge [sflag:s23], $0x800;
	(pc) =	sbr.rel @p2 .LBB2_6-.Ltmp3, $4  }
0x52: {  	[sflag:s23] =	ssyncset.done $0x0  }
0x53: {  	s29 =	sadd.s32 $0x8, s29;
	[sflag:s23] =	ssyncadd.s32 $0xFFFFF800  }
0x54: {  	p1 =	sge.u32 s29, s4  }
0x55: {  	s28 =	sadd.s32 $0x80, s28;
	s29 =	simm.s32 @!p1 $0x80;
	s30 =	simm.s32 @!p1 $0x2780  }
.LBB2_7:
0x56: {  	[spmem:s2] =	stream.indirect.scatter.add.f32 @!p1 [tilespmem:s30], [sflag:$0x1], $0x10, s25, s29, $0xb8;
	[tilespmem:$0x5700] =	vst v63  }
0x57: {  	s24 =	sadd.s32 $0x1, s24  }
0x58: {  	s31 =	sshll.u32 s0, $0x6;
	s26 =	sshrl.u32 s5, $0x3;
	p1 =	sne.s32 s24, s13  }
.Ltmp4:
0x59: {  	[bflag:$0x0] =	sbarrier.arrive $0xFFFF;
	s25 =	sor.u32 $0x1C02, s31;
	(pc) =	sbr.rel @p1 .LBB2_1-.Ltmp4, $4  }
0x5a: {  	[hbm:s12], [sflag:s25] =	dma.local [spmem:s26], $0x4F0  }
0x5b: {  	_ =	swait.ge [sflag:s15], $0x4F0  }
0x5c: {  	[sflag:s15] =	ssyncset.done $0x0  }
0x5d: {  	[sflag:s15] =	ssyncadd.s32 $0xFFFFFB10  }
0x5e: {  	_ =	sfence.sel $0x180000  }
0x5f: {  	[bflag:$0x0] =	sbarrier.arrive $0xFFFF  }
0x60: {  	p0 =	sne.s32 s0, $0x0;
	_ =	strace $0x90000047  }
0x61: {  	s0 =	sadd.s32 @!p0 $0x100000, s1;
	[bflag:$0x2] =	sbarrier.arrive $0xFFFF  }
0x62: {  	[sflag:s0] =	ssyncadd.tile.s32 @!p0 $0x1;
	_ =	shalt  }
.Lfunc_end2:
_tile_overlayer_lowered:
.L_overlay_start_2:
0x63: {  	(tag) =	ssettag $0x2  }
0x64: {  	s0 =	rddreg [dreg:$0x0];
	s2 =	stileid.u32  }
0x65: {  	s1 =	rddreg [dreg:$0x1];
	p0 =	sne.s32 s2, $0x0  }
0x66: {  	s3 =	rddreg [dreg:$0x2];
	[bflag:$0x3] =	sbarrier.arrive $0xFFFF;
	s2 =	simm.s32 @!p0 $0x1C02  }
0x67: {  	[timem:s3], [sflag:s2] =	dma.local @!p0 [hbm:s0], s1  }
0x68: {  	s0 =	simm.s32 @!p0 $0x2  }
0x69: {  	_ =	swait.ge @!p0 [sflag:s0], s1  }
0x6a: {  	s1 =	ssub.s32 @!p0 $0x0, s1;
	[sflag:s0] =	ssyncset.done @!p0 $0x0  }
0x6b: {  	[sflag:s0] =	ssyncadd.s32 @!p0 s1  }
0x6c: {  	[bflag:$0x3] =	sbarrier.arrive $0xFFFF  }
0x6d: {  	_ =	shalt  }

// kernel: kernel.14.cloned.1.call-start
scs
__scs_entry_jumppad:
0x0: {  	(pc) =	sbr.rel $0x88, $3  }
0x1: {  	(tag) =	ssettag $0x0;
	lr =	simm.s32 $0x1  }
0x2: {  	[smem:$0x3F97] =	sst lr;
	_ =	strace $0xD0000000  }
0x3: {  	_ = 	snop  }
0x4: {  	_ = 	snop  }
0x5: {  	_ = 	snop  }
0x6: {  	_ = 	snop  }
0x7: {  	_ = 	snop  }
__scs_overlays_trampoline_lowered:
0x8: {  	[smem:$0x3FA6] =	sst s0  }
0x9: {  	[smem:$0x3FA7] =	sst s1  }
0xa: {  	[smem:$0x3FA8] =	sst s2  }
0xb: {  	[smem:$0x3FA9] =	sst s3  }
0xc: {  	[smem:$0x3FAA] =	sst s4  }
0xd: {  	[smem:$0x3FAB] =	sst s5  }
0xe: {  	[smem:$0x3FAC] =	sst s6  }
0xf: {  	[smem:$0x3FAD] =	sst s7  }
0x10: {  	[smem:$0x3FAE] =	sst s8  }
0x11: {  	[smem:$0x3FAF] =	sst s9;
	s0 =	simm.s32 @!p0 $0x0  }
0x12: {  	s1 =	sld [smem:$0x3F95];
	s0 =	simm.s32 @p0 $0x1  }
0x13: {  	[smem:$0x3FB0] =	sst s0;
	s0 =	simm.s32 @!p1 $0x0  }
0x14: {  	s2 =	sld [smem:$0x3F94];
	s0 =	simm.s32 @p1 $0x1  }
0x15: {  	[smem:$0x3FB1] =	sst s0;
	s0 =	simm.s32 @!p2 $0x0  }
0x16: {  	s3 =	sld [smem:$0x3FDB];
	s0 =	simm.s32 @p2 $0x1  }
0x17: {  	s4 =	simm.s32 $0x1BF5;
	[smem:$0x3FB3] =	sst s0  }
0x18: {  	s0 =	sld [smem:$0x3F96];
	_ =	swait.ge [sflag:s4], $0x0  }
0x19: {  	s7 =	sld [smem:$0x3F97]  }
0x1a: {  	s8 =	sadd.s32 $0xFFFFE003, lr  }
0x1b: {  	s9 =	sadd.s32 $0xFFFFFEF7, lr;
	s5 =	simm.s32 $0xFFFFFFFF;
	p2 =	slt.u32 s8, $0xFFFFF086  }
0x1c: {  	p1 =	slt.u32 s9, $0xF7A;
	s5 =	simm.s32 @!p2 $0x0  }
0x1d: {  	s5 =	simm.s32 @p1 $0x1;
	p0 =	seq.s32 s7, s2  }
0x1e: {  	s7 =	smul.u32 @!p0 $0xF7A, s2;
	p2 =	seq.s32 @!p0 s5, $0x0  }
0x1f: {  	s9 =	smul.u32 $0xF7A, s1;
	s8 =	simm.s32 @!p0 $0x1BF5;
	p2 =	por !p2, p0  }
0x20: {  	[sflag:s8] =	ssyncset.s32 @!p0 $0xFFFFF086;
	s6 =	sadd.s32 @!p0 s3, s7;
	s7 =	simm.s32 @!p0 $0x108  }
0x21: {  	s3 =	sadd.s32 s3, s9;
	s6 =	sadd.s32 @!p0 $0x88, s6;
	s7 =	simm.s32 @p2 $0x1082  }
0x22: {  	[simem:s7], [sflag:s8] =	dma.local @!p0 [hbm:s6], $0xF7A  }
0x23: {  	s9 =	sor.u32 $0xD0000000, s2;
	s6 =	simm.s32 $0x108;
	_ =	swait.ge @!p0 [sflag:s8], $0x0  }
0x24: {  	s3 =	sadd.s32 $0x88, s3;
	s6 =	simm.s32 @!p1 $0x1082;
	[sflag:s4] =	ssyncset.s32 $0xFFFFF086  }
0x25: {  	[simem:s6], [sflag:s4] =	dma.local [hbm:s3], $0xF7A  }
0x26: {  	[smem:$0x3F97] =	sst s1;
	(tag) =	ssettag s2;
	_ =	strace s9  }
0x27: {  	s1 =	sld [smem:$0x3FA7]  }
0x28: {  	s2 =	sld [smem:$0x3FA8]  }
0x29: {  	s4 =	sld [smem:$0x3FAA]  }
0x2a: {  	p0 =	seq.s32 s5, $0x0;
	s5 =	sld [smem:$0x3FAB]  }
0x2b: {  	s6 =	sld [smem:$0x3FAC]  }
0x2c: {  	s7 =	sld [smem:$0x3FAD]  }
0x2d: {  	s3 =	simm.s32 $0x108;
	s8 =	sld [smem:$0x3FAE]  }
0x2e: {  	s3 =	simm.s32 @!p0 $0x1082;
	s9 =	sld [smem:$0x3FAF]  }
0x2f: {  	lr =	sadd.s32 s0, s3;
	s0 =	sld [smem:$0x3FA6]  }
0x30: {  	s3 =	sld [smem:$0x3FA9]  }
0x31: {  	[smem:$0x3FB2] =	sst s10  }
0x32: {  	s10 =	sld [smem:$0x3FB0];
	_ =	sdelay $0x3  }
0x33: {  	p0 =	seq.s32 s10, $0x1;
	s10 =	sld [smem:$0x3FB2];
	_ =	sdelay $0x3  }
0x34: {  	[smem:$0x3FB2] =	sst s10  }
0x35: {  	s10 =	sld [smem:$0x3FB1];
	_ =	sdelay $0x3  }
0x36: {  	p1 =	seq.s32 s10, $0x1;
	s10 =	sld [smem:$0x3FB2];
	_ =	sdelay $0x3  }
0x37: {  	[smem:$0x3FB2] =	sst s10  }
0x38: {  	s10 =	sld [smem:$0x3FB3]  }
0x39: {  	_ = 	snop;
	(pc) =	sbr.ind lr, $3  }
0x3a: {  	_ = 	snop  }
0x3b: {  	_ = 	snop  }
0x3c: {  	p2 =	seq.s32 s10, $0x1;
	s10 =	sld [smem:$0x3FB2]  }
0x3d: {  	_ =	shalt  }
0x3e: {  	_ =	shalt  }
0x3f: {  	_ =	shalt  }
0x40: {  	_ =	shalt  }
0x41: {  	_ =	shalt  }
0x42: {  	_ =	shalt  }
0x43: {  	_ =	shalt  }
0x44: {  	_ =	shalt  }
0x45: {  	_ =	shalt  }
0x46: {  	_ =	shalt  }
0x47: {  	_ =	shalt  }
0x48: {  	_ =	shalt  }
0x49: {  	_ =	shalt  }
0x4a: {  	_ =	shalt  }
0x4b: {  	_ =	shalt  }
0x4c: {  	_ =	shalt  }
0x4d: {  	_ =	shalt  }
0x4e: {  	_ =	shalt  }
0x4f: {  	_ =	shalt  }
0x50: {  	_ =	shalt  }
0x51: {  	_ =	shalt  }
0x52: {  	_ =	shalt  }
0x53: {  	_ =	shalt  }
0x54: {  	_ =	shalt  }
0x55: {  	_ =	shalt  }
0x56: {  	_ =	shalt  }
0x57: {  	_ =	shalt  }
0x58: {  	_ =	shalt  }
0x59: {  	_ =	shalt  }
0x5a: {  	_ =	shalt  }
0x5b: {  	_ =	shalt  }
0x5c: {  	_ =	shalt  }
0x5d: {  	_ =	shalt  }
0x5e: {  	_ =	shalt  }
0x5f: {  	_ =	shalt  }
0x60: {  	_ =	shalt  }
0x61: {  	_ =	shalt  }
0x62: {  	_ =	shalt  }
0x63: {  	_ =	shalt  }
0x64: {  	_ =	shalt  }
0x65: {  	_ =	shalt  }
0x66: {  	_ =	shalt  }
0x67: {  	_ =	shalt  }
0x68: {  	_ =	shalt  }
0x69: {  	_ =	shalt  }
0x6a: {  	_ =	shalt  }
0x6b: {  	_ =	shalt  }
0x6c: {  	_ =	shalt  }
0x6d: {  	_ =	shalt  }
0x6e: {  	_ =	shalt  }
0x6f: {  	_ =	shalt  }
0x70: {  	_ =	shalt  }
0x71: {  	_ =	shalt  }
0x72: {  	_ =	shalt  }
0x73: {  	_ =	shalt  }
0x74: {  	_ =	shalt  }
0x75: {  	_ =	shalt  }
0x76: {  	_ =	shalt  }
0x77: {  	_ =	shalt  }
0x78: {  	_ =	shalt  }
0x79: {  	_ =	shalt  }
0x7a: {  	_ =	shalt  }
0x7b: {  	_ =	shalt  }
0x7c: {  	_ =	shalt  }
0x7d: {  	_ =	shalt  }
0x7e: {  	_ =	shalt  }
0x7f: {  	_ =	shalt  }
0x80: {  	_ =	shalt  }
0x81: {  	_ =	shalt  }
0x82: {  	_ =	shalt  }
0x83: {  	_ =	shalt  }
0x84: {  	_ =	shalt  }
0x85: {  	_ =	shalt  }
0x86: {  	_ =	shalt  }
0x87: {  	_ =	shalt  }
.Lfunc_end0:
.L_simem_size_0:
called_computation.1_lowered:
.L_overlay_start_0:
0x88: {  	s2 =	sld [smem:$0x3FD9]  }
0x89: {  	s3 =	sld [smem:$0x3FFE];
	_ =	sdelay $0x1  }
0x8a: {  	s1 =	srdreg.scid  }
0x8b: {  	s0 =	sand.u32 $0x1, s1  }
0x8c: {  	s16 =	sshll.u32 s0, $0xA;
	s2 =	sadd.s32 s3, s2  }
0x8d: {  	s2 =	sadd.s32 s2, s16  }
0x8e: {  	[smem:$0x3FBE] =	sst s2  }
0x8f: {  	_ = 	snop  }
0x90: {  	(tm) =	ssettm $0x1  }
0x91: {  	s17 =	sld [smem:$0x3FFB];
	_ =	sdelay $0x3  }
0x92: {  	_ =	strace s17  }
0x93: {  	s2 =	sld [smem:$0x3FFC];
	_ =	sdelay $0x3  }
0x94: {  	_ =	strace s2  }
0x95: {  	s2 =	sld [smem:$0x3FFD];
	_ =	sdelay $0x3  }
0x96: {  	_ =	strace s2  }
0x97: {  	_ =	strace $0x8FFFFFFF  }
0x98: {  	s18 =	sld [smem:$0x3FDB];
	_ =	sdelay $0x1  }
0x99: {  	s19 =	simm.s32 $_scs_section_size  }
0x9a: {  	s4 =	simm.s32 $_size__tile_overlayer_lowered;
	s5 =	simm.s32 $_tile_overlayer_lowered  }
0x9b: {  	s22 =	simm.s32 $0x1BFF;
	s21 =	sshll.u32 s5, $0x1;
	s2 =	sadd.s32 s19, s18  }
0x9c: {  	s6 =	simm.s32 $0x0;
	s20 =	sshll.u32 s4, $0x1;
	s4 =	sadd.s32 s21, s2  }
0x9d: {  	[timem:s6], [sflag:s22] =	dma.local [hbm:s4], s20  }
0x9e: {  	_ =	swait.ge [sflag:s22], s20  }
0x9f: {  	s3 =	ssub.s32 $0x0, s20;
	[sflag:s22] =	ssyncset.done $0x0  }
0xa0: {  	[sflag:s22] =	ssyncadd.s32 s3;
	_ =	sdelay $0x1  }
0xa1: {  	s23 =	simm.s32 $0x1B8B  }
0xa2: {  	_ =	swait.ge [sflag:s23], $0x1  }
0xa3: {  	[sflag:s23] =	ssyncset.done $0x0  }
0xa4: {  	s25 =	simm.s32 $0x1B8E;
	s24 =	sld [smem:$0x3FFE];
	[sflag:s23] =	ssyncadd.s32 $0xFFFFFFFF  }
0xa5: {  	s26 =	simm.s32 $execute0_lowered;
	[smem:$0x3FD2] =	sst s25  }
0xa6: {  	s4 =	sshll.u32 s26, $0x1;
	_ =	strace $0x80000049;
	[dreg:$0x1] =	wrdreg $0xFFFFFFFF  }
0xa7: {  	s28 =	simm.s32 $_size_execute0_lowered;
	s2 =	sadd.s32 s2, s4;
	[dreg:$0x0] =	wrdreg $0x0  }
0xa8: {  	s4 =	sshll.u32 s28, $0x1;
	[dreg:$0x2] =	wrdreg s2  }
0xa9: {  	[dreg:$0x3] =	wrdreg s4  }
0xaa: {  	[dreg:$0x4] =	wrdreg $0xC0  }
0xab: {  	_ =	task [dreg:s6], $0x5FFFF  }
0xac: {  	[dreg:$0x1] =	wrdreg $0xFFFFFFFF  }
0xad: {  	[dreg:$0x0] =	wrdreg $0x60  }
0xae: {  	[dreg:$0x2] =	wrdreg s24  }
0xaf: {  	[dreg:$0x3] =	wrdreg $0x12B400  }
0xb0: {  	[dreg:$0x4] =	wrdreg $0x8F000  }
0xb1: {  	[dreg:$0x5] =	wrdreg $0x9  }
0xb2: {  	_ =	task.clear_ibuf [dreg:s6], $0x6FFFF;
	_ =	strace $0x90000049  }
0xb3: {  	s29 =	simm.s32 $0x9;
	_ =	strace $0x8000004B  }
0xb4: {  	_ =	swait.ge [sflag:s29], $0x1  }
0xb5: {  	[sflag:s29] =	ssyncadd.s32 $0xFFFFFFFF  }
0xb6: {  	_ =	strace $0x9000004B  }
0xb7: {  	_ =	sfence  }
0xb8: {  	s30 =	sld [smem:$0x0];
	_ =	sdelay $0x2  }
0xb9: {  	s31 =	sshll.u32 s1, $0xD;
	s1 =	sshrl.u32 s1, $0x2  }
0xba: {  	s3 =	sand.u32 $0x4000, s31;
	s1 =	sadd.s32 s1, s30  }
0xbb: {  	s0 =	sor.u32 s3, s0;
	s1 =	sshll.u32 s1, $0x11  }
0xbc: {  	s0 =	sor.u32 s1, s0  }
0xbd: {  	s0 =	sadd.s32 $0x8F2B, s0  }
0xbe: {  	[sflag:s0] =	ssyncadd.remote.s32 $0x1  }
0xbf: {  	_ =	sfence.sel $0xFFFF  }
0xc0: {  	[dreg:$0x0] =	wrdreg $0xFFFFFFFF;
	(pc) =	sbr.abs _section_cstart, $3  }
0xc1: {  	[dreg:$0x1] =	wrdreg $0xFFFFFFFF  }
0xc2: {  	_ =	task.clear_ibuf [dreg:s6], $0x2FFFF;
	_ =	strace $0x9FFFFFFF  }
0xc3: {  	(tm) =	ssettm $0x7FFFFFFF  }
tec
execute0_lowered:
.L_overlay_start_1:
0x0: {  	(tag) =	ssettag $0x1  }
0x1: {  	s1 =	srdreg.scid  }
0x2: {  	s0 =	stileid.u32;
	s5 =	rddreg [dreg:$0x0]  }
0x3: {  	s2 =	rddreg [dreg:$0x1];
	s4 =	simm.s32 $0x0;
	s17 =	simm.s32 $0x4F00  }
0x4: {  	s18 =	simm.s32 $0x3;
	s21 =	simm.s32 $0x80;
	s22 =	simm.s32 $0x6F00  }
0x5: {  	s23 =	simm.s32 $0x1;
	s28 =	simm.s32 $0x4E00;
	s10 =	smul.u32 $0x9C40, s0  }
0x6: {  	s29 =	simm.s32 $0x0;
	s1 =	sand.u32 $0x1, s1;
	s8 =	smul.u32 $0x9E00, s0  }
0x7: {  	s3 =	sshll.u32 s0, $0x1;
	[smem:$0x7FF] =	sst s4;
	s11 =	smul.u32 $0x27800, s0  }
0x8: {  	p0 =	sgt.u32 s0, $0x1;
	s6 =	sor.u32 s1, s3;
	s3 =	rddreg [dreg:$0x2]  }
0x9: {  	_ =	strace $0x8000004A;
	s24 =	smul.u32 $0x9E000, s1;
	s1 =	ssub.s32 $0x2, s1  }
0xa: {  	s7 =	smul.u32 $0x4E, s6;
	s6 =	smin.u32 s6, $0x4;
	s9 =	sshrl.u32 s10, $0x3  }
0xb: {  	s26 =	sshrl.u32 s11, $0x2;
	s30 =	sshrl.u32 s1, $0x1;
	s19 =	sadd.s32 s10, s3  }
0xc: {  	s12 =	sadd.s32 s9, s5;
	s25 =	sadd.s32 s8, s24;
	s31 =	sadd.s32 s26, s2  }
0xd: {  	s1 =	ssub.s32 s1, s30;
	s19 =	sshrl.u32 s19, $0x3;
	s24 =	simm.s32 $0x2  }
0xe: {  	s26 =	simm.s32 $0x4D80;
	s6 =	sadd.s32 s6, s7;
	s7 =	sadd.s32 $0x4000, s31  }
0xf: {  	s9 =	sadd.s32 $0x8000, s31;
	s10 =	sadd.s32 $0x65E00, s12;
	s6 =	sshll.u32 s6, $0x4  }
0x10: {  	s16 =	smax.u32 s1, $0x1;
	s14 =	sadd.s32 s6, s5;
	s6 =	sshrl.u32 s25, $0x3  }
0x11: {  	s15 =	sadd.s32 s6, s5;
	s5 =	sadd.s32 s8, s2;
	s6 =	sadd.s32 $0x2000, s31  }
0x12: {  	s8 =	sadd.s32 $0x6000, s31;
	s11 =	sadd.s32 $0x3400, s14;
	s12 =	sadd.s32 $0xD040, s14  }
0x13: {  	v0 =	vimm.f32 $0.0e+00;
	s13 =	sadd.s32 $0x38E0, s14;
	s14 =	sadd.s32 $0xD520, s14;
	s15 =	sadd.s32 $0x79800, s15  }
.LBB2_1:
0x14: {  	s31 =	simm.s32 $0x100;
	s30 =	simm.s32 $0x0  }
.LBB2_2:
0x15: {  	p1 =	sne.s32 s31, $0x7F00;
	[tilespmem:s30+$0x4F30] =	vst v0;
	s1 =	smov.u32 s31;
	s31 =	sadd.s32 $0x100, s31  }
.Ltmp0:
0x16: {  	[tilespmem:s30+$0x4F20] =	vst v0;
	(pc) =	sbr.rel @p1 .LBB2_2-.Ltmp0, $3  }
0x17: {  	[tilespmem:s30+$0x4F00] =	vst v0  }
0x18: {  	[tilespmem:s30+$0x4F10] =	vst v0;
	_ =	sdelay $0x1  }
0x19: {  	s30 =	sshra.s32 s1, $0x2  }
0x1a: {  	[tilespmem:s30+$0x4F30] =	vst v0  }
0x1b: {  	[tilespmem:s30+$0x4F20] =	vst v0  }
0x1c: {  	[tilespmem:s30+$0x4F00] =	vst v0  }
0x1d: {  	[tilespmem:s30+$0x4F10] =	vst v0  }
0x1e: {  	[spmem:s5] =	stream.linear.scatter [tilespmem:s17], [sflag:$0x3], $0x2000, $0x38;
	[tilespmem:$0x1C940] =	vst v63  }
0x1f: {  	_ =	swait.ge [sflag:s18], $0x2000  }
0x20: {  	[sflag:s18] =	ssyncset.done $0x0  }
0x21: {  	[sflag:s18] =	ssyncadd.s32 $0xFFFFE000  }
0x22: {  	[spmem:s6] =	stream.linear.scatter [tilespmem:s17], [sflag:$0x3], $0x2000, $0x38;
	[tilespmem:$0x1C940] =	vst v63  }
0x23: {  	_ =	swait.ge [sflag:s18], $0x2000  }
0x24: {  	[sflag:s18] =	ssyncset.done $0x0  }
0x25: {  	[sflag:s18] =	ssyncadd.s32 $0xFFFFE000  }
0x26: {  	[spmem:s7] =	stream.linear.scatter [tilespmem:s17], [sflag:$0x3], $0x2000, $0x38;
	[tilespmem:$0x1C940] =	vst v63  }
0x27: {  	_ =	swait.ge [sflag:s18], $0x2000  }
0x28: {  	[sflag:s18] =	ssyncset.done $0x0  }
0x29: {  	[sflag:s18] =	ssyncadd.s32 $0xFFFFE000  }
0x2a: {  	[spmem:s8] =	stream.linear.scatter [tilespmem:s17], [sflag:$0x3], $0x2000, $0x38;
	[tilespmem:$0x1C940] =	vst v63  }
0x2b: {  	_ =	swait.ge [sflag:s18], $0x2000  }
0x2c: {  	[sflag:s18] =	ssyncset.done $0x0  }
0x2d: {  	[sflag:s18] =	ssyncadd.s32 $0xFFFFE000  }
0x2e: {  	[spmem:s9] =	stream.linear.scatter [tilespmem:s17], [sflag:$0x3], $0x1E00, $0x38;
	[tilespmem:$0x1C940] =	vst v63  }
0x2f: {  	s0 =	stileid.u32;
	_ =	swait.ge [sflag:s18], $0x1E00  }
0x30: {  	s1 =	sshll.u32 s0, $0x6;
	[sflag:s18] =	ssyncset.done $0x0  }
0x31: {  	s30 =	sor.u32 $0x1C03, s1;
	[sflag:s18] =	ssyncadd.s32 $0xFFFFE200  }
0x32: {  	[spmem:s19], [sflag:s30] =	dma.local [hbm:s10], $0x1388  }
0x33: {  	_ =	swait.ge [sflag:s18], $0x1388  }
0x34: {  	[sflag:s18] =	ssyncset.done $0x0  }
0x35: {  	[sflag:s18] =	ssyncadd.s32 $0xFFFFEC78  }
0x36: {  	[tilespmem:s4], [sflag:$0x3] =	stream.linear.gather [hbm4b:s11+s4], $0x2700, $0x38;
	[tilespmem:$0x1C940] =	vst v63  }
0x37: {  	_ =	swait.ge [sflag:s18], $0x2700  }
0x38: {  	[sflag:s18] =	ssyncset.done $0x0  }
0x39: {  	s1 =	simm.s32 $0x2780;
	[sflag:s18] =	ssyncadd.s32 $0xFFFFD900  }
0x3a: {  	[tilespmem:s1], [sflag:$0x3] =	stream.linear.gather [hbm4b:s12+s4], $0x2700, $0x38;
	[tilespmem:$0x1C940] =	vst v63  }
0x3b: {  	_ =	swait.ge [sflag:s18], $0x2700  }
0x3c: {  	[sflag:s18] =	ssyncset.done $0x0  }
0x3d: {  	s31 =	simm.s32 @!p0 $0x2700;
	s1 =	simm.s32 @!p0 $0x0;
	[sflag:s18] =	ssyncadd.s32 $0xFFFFD900  }
0x3e: {  	[tilespmem:s31], [sflag:$0x3] =	stream.linear.gather @!p0 [hbm4b:s13+s1], $0x80, $0x38;
	[tilespmem:$0x1C940] =	vst v63  }
0x3f: {  	s31 =	simm.s32 @!p0 $0x3  }
0x40: {  	_ =	swait.ge @!p0 [sflag:s31], $0x80  }
0x41: {  	[sflag:s31] =	ssyncset.done @!p0 $0x0  }
0x42: {  	s0 =	simm.s32 @!p0 $0x4E80;
	[sflag:s31] =	ssyncadd.s32 @!p0 $0xFFFFFF80  }
0x43: {  	[tilespmem:s0], [sflag:$0x3] =	stream.linear.gather @!p0 [hbm4b:s14+s1], $0x80, $0x38;
	[tilespmem:$0x1C940] =	vst v63  }
0x44: {  	_ =	swait.ge @!p0 [sflag:s31], $0x80  }
0x45: {  	[sflag:s31] =	ssyncset.done @!p0 $0x0  }
0x46: {  	[sflag:s31] =	ssyncadd.s32 @!p0 $0xFFFFFF80  }
0x47: {  	s20 =	simm.s32 $0x0;
	[bflag:$0x0] =	sbarrier.arrive $0xFFFF  }
0x48: {  	[tilespmem:s17], [sflag:$0x1] =	stream.indirect.gather [spmem:s3], $0x40, s20, s21, $0xb8;
	[tilespmem:$0x1C940] =	vst v63  }
0x49: {  	s25 =	simm.s32 $0x80  }
0x4a: {  	[tilespmem:s22], [sflag:$0x2] =	stream.indirect.gather [spmem:s3], $0x40, s25, s21, $0xb8;
	[tilespmem:$0x1C940] =	vst v63  }
0x4b: {  	_ =	swait.ge [sflag:s23], $0x2000  }
0x4c: {  	[sflag:s23] =	ssyncset.done $0x0  }
0x4d: {  	s1 =	simm.s32 $0x2780;
	[sflag:s23] =	ssyncadd.s32 $0xFFFFE000  }
0x4e: {  	[spmem:s2] =	stream.indirect.scatter.add.f32 [tilespmem:s17], [sflag:$0x3], $0x40, s1, s21, $0xb8;
	[tilespmem:$0x1C940] =	vst v63  }
0x4f: {  	_ =	swait.ge [sflag:s18], $0x2000  }
0x50: {  	[sflag:s18] =	ssyncset.done $0x0  }
0x51: {  	s20 =	simm.s32 $0x100;
	[sflag:s18] =	ssyncadd.s32 $0xFFFFE000  }
0x52: {  	[tilespmem:s17], [sflag:$0x1] =	stream.indirect.gather [spmem:s3], $0x40, s20, s21, $0xb8;
	[tilespmem:$0x1C940] =	vst v63  }
0x53: {  	_ =	swait.ge [sflag:s24], $0x2000  }
0x54: {  	[sflag:s24] =	ssyncset.done $0x0  }
0x55: {  	s25 =	simm.s32 $0x2800;
	[sflag:s24] =	ssyncadd.s32 $0xFFFFE000  }
0x56: {  	[spmem:s2] =	stream.indirect.scatter.add.f32 [tilespmem:s22], [sflag:$0x3], $0x40, s25, s21, $0xb8;
	[tilespmem:$0x1C940] =	vst v63  }
0x57: {  	_ =	swait.ge [sflag:s18], $0x2000  }
0x58: {  	s31 =	simm.s32 $0x100;
	s1 =	simm.s32 $0x800;
	[sflag:s18] =	ssyncset.done $0x0  }
.LBB2_4:
0x59: {  	s0 =	sadd.s32 $0x80, s31  }
0x5a: {  	[sflag:s18] =	ssyncadd.s32 $0xFFFFE000;
	s20 =	smov.u32 s1;
	s25 =	sadd.s32 $0x400, s1  }
0x5b: {  	[tilespmem:s22], [sflag:$0x2] =	stream.indirect.gather [spmem:s3], $0x40, s0, s21, $0xb8;
	[tilespmem:$0x1C940] =	vst v63  }
0x5c: {  	p1 =	sne.s32 s1, $0x9400;
	_ =	swait.ge [sflag:s23], $0x2000  }
0x5d: {  	[sflag:s23] =	ssyncset.done $0x0  }
0x5e: {  	s0 =	sadd.s32 $0x2780, s31;
	[sflag:s23] =	ssyncadd.s32 $0xFFFFE000  }
0x5f: {  	[spmem:s2] =	stream.indirect.scatter.add.f32 [tilespmem:s17], [sflag:$0x3], $0x40, s0, s21, $0xb8;
	[tilespmem:$0x1C940] =	vst v63  }
0x60: {  	_ =	swait.ge [sflag:s18], $0x2000  }
0x61: {  	[sflag:s18] =	ssyncset.done $0x0  }
0x62: {  	s0 =	sadd.s32 $0x100, s31;
	[sflag:s18] =	ssyncadd.s32 $0xFFFFE000  }
0x63: {  	[tilespmem:s17], [sflag:$0x1] =	stream.indirect.gather [spmem:s3], $0x40, s0, s21, $0xb8;
	[tilespmem:$0x1C940] =	vst v63  }
0x64: {  	_ =	swait.ge [sflag:s24], $0x2000  }
.Ltmp1:
0x65: {  	[sflag:s24] =	ssyncset.done $0x0;
	(pc) =	sbr.rel @p1 .LBB2_4-.Ltmp1, $4  }
0x66: {  	s0 =	sadd.s32 $0x2800, s31;
	[sflag:s24] =	ssyncadd.s32 $0xFFFFE000  }
0x67: {  	[spmem:s2] =	stream.indirect.scatter.add.f32 [tilespmem:s22], [sflag:$0x3], $0x40, s0, s21, $0xb8;
	[tilespmem:$0x1C940] =	vst v63  }
0x68: {  	_ =	swait.ge [sflag:s18], $0x2000  }
0x69: {  	s1 =	smov.u32 s25;
	s31 =	sshra.s32 s20, $0x2;
	[sflag:s18] =	ssyncset.done $0x0  }
0x6a: {  	s0 =	sadd.s32 $0x80, s31;
	[sflag:s18] =	ssyncadd.s32 $0xFFFFE000  }
0x6b: {  	[tilespmem:s22], [sflag:$0x2] =	stream.indirect.gather [spmem:s3], $0x40, s0, s21, $0xb8;
	[tilespmem:$0x1C940] =	vst v63  }
0x6c: {  	_ =	swait.ge [sflag:s23], $0x2000  }
0x6d: {  	[sflag:s23] =	ssyncset.done $0x0  }
0x6e: {  	s25 =	sadd.s32 $0x2780, s31;
	[sflag:s23] =	ssyncadd.s32 $0xFFFFE000  }
0x6f: {  	[spmem:s2] =	stream.indirect.scatter.add.f32 [tilespmem:s17], [sflag:$0x3], $0x40, s25, s21, $0xb8;
	[tilespmem:$0x1C940] =	vst v63  }
0x70: {  	_ =	swait.ge [sflag:s18], $0x2000  }
0x71: {  	[sflag:s18] =	ssyncset.done $0x0  }
0x72: {  	s1 =	sadd.s32 $0x100, s31;
	[sflag:s18] =	ssyncadd.s32 $0xFFFFE000  }
0x73: {  	[tilespmem:s17], [sflag:$0x1] =	stream.indirect.gather [spmem:s3], $0x40, s1, s21, $0xb8;
	[tilespmem:$0x1C940] =	vst v63  }
0x74: {  	_ =	swait.ge [sflag:s24], $0x2000  }
0x75: {  	[sflag:s24] =	ssyncset.done $0x0  }
0x76: {  	s20 =	sadd.s32 $0x2800, s31;
	[sflag:s24] =	ssyncadd.s32 $0xFFFFE000  }
0x77: {  	[spmem:s2] =	stream.indirect.scatter.add.f32 [tilespmem:s22], [sflag:$0x3], $0x40, s20, s21, $0xb8;
	[tilespmem:$0x1C940] =	vst v63  }
0x78: {  	_ =	swait.ge [sflag:s18], $0x2000  }
0x79: {  	[sflag:s18] =	ssyncset.done $0x0  }
0x7a: {  	s25 =	simm.s32 $0x2680;
	[sflag:s18] =	ssyncadd.s32 $0xFFFFE000  }
0x7b: {  	[tilespmem:s22], [sflag:$0x2] =	stream.indirect.gather [spmem:s3], $0x40, s25, s21, $0xb8;
	[tilespmem:$0x1C940] =	vst v63  }
0x7c: {  	_ =	swait.ge [sflag:s23], $0x2000  }
0x7d: {  	[sflag:s23] =	ssyncset.done $0x0  }
0x7e: {  	[sflag:s23] =	ssyncadd.s32 $0xFFFFE000  }
0x7f: {  	[spmem:s2] =	stream.indirect.scatter.add.f32 [tilespmem:s17], [sflag:$0x3], $0x40, s26, s21, $0xb8;
	[tilespmem:$0x1C940] =	vst v63  }
0x80: {  	_ =	swait.ge [sflag:s18], $0x2000  }
0x81: {  	[sflag:s18] =	ssyncset.done $0x0  }
0x82: {  	[sflag:s18] =	ssyncadd.s32 $0xFFFFE000  }
0x83: {  	_ =	swait.ge [sflag:s24], $0x2000  }
0x84: {  	[sflag:s24] =	ssyncset.done $0x0  }
0x85: {  	[sflag:s24] =	ssyncadd.s32 $0xFFFFE000  }
0x86: {  	[spmem:s2] =	stream.indirect.scatter.add.f32 [tilespmem:s22], [sflag:$0x3], $0x40, s28, s21, $0xb8;
	[tilespmem:$0x1C940] =	vst v63  }
0x87: {  	_ =	swait.ge [sflag:s18], $0x2000  }
0x88: {  	s0 =	simm.s32 @!p0 $0x80;
	[sflag:s18] =	ssyncset.done $0x0  }
0x89: {  	s1 =	simm.s32 @!p0 $0x2700;
	s20 =	simm.s32 @!p0 $0x4F00;
	[sflag:s18] =	ssyncadd.s32 $0xFFFFE000  }
0x8a: {  	[tilespmem:s20], [sflag:$0x1] =	stream.indirect.gather @!p0 [spmem:s3], $0x40, s1, s0, $0xb8;
	[tilespmem:$0x1C940] =	vst v63  }
0x8b: {  	s1 =	simm.s32 @!p0 $0x1  }
0x8c: {  	_ =	swait.ge @!p0 [sflag:s1], $0x2000  }
0x8d: {  	[sflag:s1] =	ssyncset.done @!p0 $0x0  }
0x8e: {  	[sflag:s1] =	ssyncadd.s32 @!p0 $0xFFFFE000;
	s1 =	simm.s32 @!p0 $0x4E80  }
0x8f: {  	[spmem:s2] =	stream.indirect.scatter.add.f32 @!p0 [tilespmem:s20], [sflag:$0x3], $0x40, s1, s0, $0xb8;
	[tilespmem:$0x1C940] =	vst v63  }
0x90: {  	s0 =	simm.s32 @!p0 $0x3  }
0x91: {  	_ =	swait.ge @!p0 [sflag:s0], $0x2000  }
0x92: {  	s29 =	sadd.s32 $0x1, s29;
	[sflag:s0] =	ssyncset.done @!p0 $0x0  }
0x93: {  	p1 =	sne.s32 s29, s16;
	[sflag:s0] =	ssyncadd.s32 @!p0 $0xFFFFE000  }
.Ltmp2:
0x94: {  	s31 =	sshrl.u32 s5, $0x3;
	[bflag:$0x0] =	sbarrier.arrive $0xFFFF;
	(pc) =	sbr.rel @p1 .LBB2_1-.Ltmp2, $4  }
0x95: {  	[hbm:s15], [sflag:s30] =	dma.local [spmem:s31], $0x13C0  }
0x96: {  	_ =	swait.ge [sflag:s18], $0x13C0  }
0x97: {  	[sflag:s18] =	ssyncset.done $0x0  }
0x98: {  	[sflag:s18] =	ssyncadd.s32 $0xFFFFEC40  }
0x99: {  	_ =	sfence.sel $0x180000  }
0x9a: {  	[bflag:$0x0] =	sbarrier.arrive $0xFFFF  }
0x9b: {  	_ =	strace $0x9000004A  }
0x9c: {  	s0 =	stileid.u32;
	[bflag:$0x2] =	sbarrier.arrive $0xFFFF  }
0x9d: {  	p0 =	sne.s32 s0, $0x0;
	s0 =	rddreg [dreg:$0x3]  }
0x9e: {  	s0 =	sadd.s32 @!p0 $0x100000, s0  }
0x9f: {  	[sflag:s0] =	ssyncadd.tile.s32 @!p0 $0x1;
	_ =	shalt  }
.Lfunc_end2:
_tile_overlayer_lowered:
.L_overlay_start_2:
0xa0: {  	(tag) =	ssettag $0x2  }
0xa1: {  	s0 =	rddreg [dreg:$0x0];
	s2 =	stileid.u32  }
0xa2: {  	s1 =	rddreg [dreg:$0x1];
	p0 =	sne.s32 s2, $0x0  }
0xa3: {  	s3 =	rddreg [dreg:$0x2];
	[bflag:$0x3] =	sbarrier.arrive $0xFFFF;
	s2 =	simm.s32 @!p0 $0x1C03  }
0xa4: {  	[timem:s3], [sflag:s2] =	dma.local @!p0 [hbm:s0], s1  }
0xa5: {  	s0 =	simm.s32 @!p0 $0x3  }
0xa6: {  	_ =	swait.ge @!p0 [sflag:s0], s1  }
0xa7: {  	s1 =	ssub.s32 @!p0 $0x0, s1;
	[sflag:s0] =	ssyncset.done @!p0 $0x0  }
0xa8: {  	[sflag:s0] =	ssyncadd.s32 @!p0 s1  }
0xa9: {  	[bflag:$0x3] =	sbarrier.arrive $0xFFFF  }
0xaa: {  	_ =	shalt  }

// kernel: kernel.17.cloned.1.call-start
scs
__scs_entry_jumppad:
0x0: {  	(pc) =	sbr.rel $0x88, $3  }
0x1: {  	(tag) =	ssettag $0x0;
	lr =	simm.s32 $0x1  }
0x2: {  	[smem:$0x3F97] =	sst lr;
	_ =	strace $0xD0000000  }
0x3: {  	_ = 	snop  }
0x4: {  	_ = 	snop  }
0x5: {  	_ = 	snop  }
0x6: {  	_ = 	snop  }
0x7: {  	_ = 	snop  }
__scs_overlays_trampoline_lowered:
0x8: {  	[smem:$0x3FA6] =	sst s0  }
0x9: {  	[smem:$0x3FA7] =	sst s1  }
0xa: {  	[smem:$0x3FA8] =	sst s2  }
0xb: {  	[smem:$0x3FA9] =	sst s3  }
0xc: {  	[smem:$0x3FAA] =	sst s4  }
0xd: {  	[smem:$0x3FAB] =	sst s5  }
0xe: {  	[smem:$0x3FAC] =	sst s6  }
0xf: {  	[smem:$0x3FAD] =	sst s7  }
0x10: {  	[smem:$0x3FAE] =	sst s8  }
0x11: {  	[smem:$0x3FAF] =	sst s9;
	s0 =	simm.s32 @!p0 $0x0  }
0x12: {  	s1 =	sld [smem:$0x3F95];
	s0 =	simm.s32 @p0 $0x1  }
0x13: {  	[smem:$0x3FB0] =	sst s0;
	s0 =	simm.s32 @!p1 $0x0  }
0x14: {  	s2 =	sld [smem:$0x3F94];
	s0 =	simm.s32 @p1 $0x1  }
0x15: {  	[smem:$0x3FB1] =	sst s0;
	s0 =	simm.s32 @!p2 $0x0  }
0x16: {  	s3 =	sld [smem:$0x3FDB];
	s0 =	simm.s32 @p2 $0x1  }
0x17: {  	s4 =	simm.s32 $0x1BF5;
	[smem:$0x3FB3] =	sst s0  }
0x18: {  	s0 =	sld [smem:$0x3F96];
	_ =	swait.ge [sflag:s4], $0x0  }
0x19: {  	s7 =	sld [smem:$0x3F97]  }
0x1a: {  	s8 =	sadd.s32 $0xFFFFE003, lr  }
0x1b: {  	s9 =	sadd.s32 $0xFFFFFEF7, lr;
	s5 =	simm.s32 $0xFFFFFFFF;
	p2 =	slt.u32 s8, $0xFFFFF086  }
0x1c: {  	p1 =	slt.u32 s9, $0xF7A;
	s5 =	simm.s32 @!p2 $0x0  }
0x1d: {  	s5 =	simm.s32 @p1 $0x1;
	p0 =	seq.s32 s7, s2  }
0x1e: {  	s7 =	smul.u32 @!p0 $0xF7A, s2;
	p2 =	seq.s32 @!p0 s5, $0x0  }
0x1f: {  	s9 =	smul.u32 $0xF7A, s1;
	s8 =	simm.s32 @!p0 $0x1BF5;
	p2 =	por !p2, p0  }
0x20: {  	[sflag:s8] =	ssyncset.s32 @!p0 $0xFFFFF086;
	s6 =	sadd.s32 @!p0 s3, s7;
	s7 =	simm.s32 @!p0 $0x108  }
0x21: {  	s3 =	sadd.s32 s3, s9;
	s6 =	sadd.s32 @!p0 $0x88, s6;
	s7 =	simm.s32 @p2 $0x1082  }
0x22: {  	[simem:s7], [sflag:s8] =	dma.local @!p0 [hbm:s6], $0xF7A  }
0x23: {  	s9 =	sor.u32 $0xD0000000, s2;
	s6 =	simm.s32 $0x108;
	_ =	swait.ge @!p0 [sflag:s8], $0x0  }
0x24: {  	s3 =	sadd.s32 $0x88, s3;
	s6 =	simm.s32 @!p1 $0x1082;
	[sflag:s4] =	ssyncset.s32 $0xFFFFF086  }
0x25: {  	[simem:s6], [sflag:s4] =	dma.local [hbm:s3], $0xF7A  }
0x26: {  	[smem:$0x3F97] =	sst s1;
	(tag) =	ssettag s2;
	_ =	strace s9  }
0x27: {  	s1 =	sld [smem:$0x3FA7]  }
0x28: {  	s2 =	sld [smem:$0x3FA8]  }
0x29: {  	s4 =	sld [smem:$0x3FAA]  }
0x2a: {  	p0 =	seq.s32 s5, $0x0;
	s5 =	sld [smem:$0x3FAB]  }
0x2b: {  	s6 =	sld [smem:$0x3FAC]  }
0x2c: {  	s7 =	sld [smem:$0x3FAD]  }
0x2d: {  	s3 =	simm.s32 $0x108;
	s8 =	sld [smem:$0x3FAE]  }
0x2e: {  	s3 =	simm.s32 @!p0 $0x1082;
	s9 =	sld [smem:$0x3FAF]  }
0x2f: {  	lr =	sadd.s32 s0, s3;
	s0 =	sld [smem:$0x3FA6]  }
0x30: {  	s3 =	sld [smem:$0x3FA9]  }
0x31: {  	[smem:$0x3FB2] =	sst s10  }
0x32: {  	s10 =	sld [smem:$0x3FB0];
	_ =	sdelay $0x3  }
0x33: {  	p0 =	seq.s32 s10, $0x1;
	s10 =	sld [smem:$0x3FB2];
	_ =	sdelay $0x3  }
0x34: {  	[smem:$0x3FB2] =	sst s10  }
0x35: {  	s10 =	sld [smem:$0x3FB1];
	_ =	sdelay $0x3  }
0x36: {  	p1 =	seq.s32 s10, $0x1;
	s10 =	sld [smem:$0x3FB2];
	_ =	sdelay $0x3  }
0x37: {  	[smem:$0x3FB2] =	sst s10  }
0x38: {  	s10 =	sld [smem:$0x3FB3]  }
0x39: {  	_ = 	snop;
	(pc) =	sbr.ind lr, $3  }
0x3a: {  	_ = 	snop  }
0x3b: {  	_ = 	snop  }
0x3c: {  	p2 =	seq.s32 s10, $0x1;
	s10 =	sld [smem:$0x3FB2]  }
0x3d: {  	_ =	shalt  }
0x3e: {  	_ =	shalt  }
0x3f: {  	_ =	shalt  }
0x40: {  	_ =	shalt  }
0x41: {  	_ =	shalt  }
0x42: {  	_ =	shalt  }
0x43: {  	_ =	shalt  }
0x44: {  	_ =	shalt  }
0x45: {  	_ =	shalt  }
0x46: {  	_ =	shalt  }
0x47: {  	_ =	shalt  }
0x48: {  	_ =	shalt  }
0x49: {  	_ =	shalt  }
0x4a: {  	_ =	shalt  }
0x4b: {  	_ =	shalt  }
0x4c: {  	_ =	shalt  }
0x4d: {  	_ =	shalt  }
0x4e: {  	_ =	shalt  }
0x4f: {  	_ =	shalt  }
0x50: {  	_ =	shalt  }
0x51: {  	_ =	shalt  }
0x52: {  	_ =	shalt  }
0x53: {  	_ =	shalt  }
0x54: {  	_ =	shalt  }
0x55: {  	_ =	shalt  }
0x56: {  	_ =	shalt  }
0x57: {  	_ =	shalt  }
0x58: {  	_ =	shalt  }
0x59: {  	_ =	shalt  }
0x5a: {  	_ =	shalt  }
0x5b: {  	_ =	shalt  }
0x5c: {  	_ =	shalt  }
0x5d: {  	_ =	shalt  }
0x5e: {  	_ =	shalt  }
0x5f: {  	_ =	shalt  }
0x60: {  	_ =	shalt  }
0x61: {  	_ =	shalt  }
0x62: {  	_ =	shalt  }
0x63: {  	_ =	shalt  }
0x64: {  	_ =	shalt  }
0x65: {  	_ =	shalt  }
0x66: {  	_ =	shalt  }
0x67: {  	_ =	shalt  }
0x68: {  	_ =	shalt  }
0x69: {  	_ =	shalt  }
0x6a: {  	_ =	shalt  }
0x6b: {  	_ =	shalt  }
0x6c: {  	_ =	shalt  }
0x6d: {  	_ =	shalt  }
0x6e: {  	_ =	shalt  }
0x6f: {  	_ =	shalt  }
0x70: {  	_ =	shalt  }
0x71: {  	_ =	shalt  }
0x72: {  	_ =	shalt  }
0x73: {  	_ =	shalt  }
0x74: {  	_ =	shalt  }
0x75: {  	_ =	shalt  }
0x76: {  	_ =	shalt  }
0x77: {  	_ =	shalt  }
0x78: {  	_ =	shalt  }
0x79: {  	_ =	shalt  }
0x7a: {  	_ =	shalt  }
0x7b: {  	_ =	shalt  }
0x7c: {  	_ =	shalt  }
0x7d: {  	_ =	shalt  }
0x7e: {  	_ =	shalt  }
0x7f: {  	_ =	shalt  }
0x80: {  	_ =	shalt  }
0x81: {  	_ =	shalt  }
0x82: {  	_ =	shalt  }
0x83: {  	_ =	shalt  }
0x84: {  	_ =	shalt  }
0x85: {  	_ =	shalt  }
0x86: {  	_ =	shalt  }
0x87: {  	_ =	shalt  }
.Lfunc_end0:
.L_simem_size_0:
called_computation.2_lowered:
.L_overlay_start_0:
0x88: {  	s2 =	sld [smem:$0x3FD9]  }
0x89: {  	s3 =	sld [smem:$0x3FFE];
	_ =	sdelay $0x1  }
0x8a: {  	s1 =	srdreg.scid  }
0x8b: {  	s0 =	sand.u32 $0x1, s1  }
0x8c: {  	s17 =	sshll.u32 s0, $0xA;
	s2 =	sadd.s32 s3, s2  }
0x8d: {  	s2 =	sadd.s32 s2, s17  }
0x8e: {  	[smem:$0x3FBE] =	sst s2  }
0x8f: {  	_ = 	snop  }
0x90: {  	(tm) =	ssettm $0x1  }
0x91: {  	s18 =	sld [smem:$0x3FFB];
	_ =	sdelay $0x3  }
0x92: {  	_ =	strace s18  }
0x93: {  	s2 =	sld [smem:$0x3FFC];
	_ =	sdelay $0x3  }
0x94: {  	_ =	strace s2  }
0x95: {  	s2 =	sld [smem:$0x3FFD];
	_ =	sdelay $0x3  }
0x96: {  	_ =	strace s2  }
0x97: {  	_ =	strace $0x8FFFFFFF  }
0x98: {  	s19 =	sld [smem:$0x3FDB];
	_ =	sdelay $0x1  }
0x99: {  	s20 =	simm.s32 $_scs_section_size  }
0x9a: {  	s4 =	simm.s32 $_size__tile_overlayer_lowered;
	s5 =	simm.s32 $_tile_overlayer_lowered  }
0x9b: {  	s6 =	simm.s32 $0x1BFF;
	s21 =	sshll.u32 s5, $0x1;
	s3 =	sadd.s32 s20, s19  }
0x9c: {  	s22 =	simm.s32 $0x0;
	s4 =	sshll.u32 s4, $0x1;
	s5 =	sadd.s32 s21, s3  }
0x9d: {  	[timem:s22], [sflag:s6] =	dma.local [hbm:s5], s4  }
0x9e: {  	_ =	swait.ge [sflag:s6], s4  }
0x9f: {  	s4 =	ssub.s32 $0x0, s4;
	[sflag:s6] =	ssyncset.done $0x0  }
0xa0: {  	[sflag:s6] =	ssyncadd.s32 s4;
	_ =	sdelay $0x1  }
0xa1: {  	s23 =	simm.s32 $0x1B8B  }
0xa2: {  	_ =	swait.ge [sflag:s23], $0x1  }
0xa3: {  	[sflag:s23] =	ssyncset.done $0x0  }
0xa4: {  	[sflag:s23] =	ssyncadd.s32 $0xFFFFFFFF  }
0xa5: {  	s4 =	sld [smem:$0x0]  }
0xa6: {  	s5 =	sand.u32 $0xFFFFFFFE, s1  }
0xa7: {  	p0 =	sne.s32 s1, s5  }
0xa8: {  	s5 =	sshll.u32 @p0 s5, $0xE  }
0xa9: {  	s5 =	sadd.s32 @p0 $0x11B8D, s5;
	s6 =	sshll.u32 @p0 s4, $0x11  }
0xaa: {  	s5 =	sor.u32 @p0 s6, s5  }
0xab: {  	[sflag:s5] =	ssyncadd.remote.s32 @p0 $0x1;
	_ =	sdelay $0x1  }
0xac: {  	s5 =	simm.s32 @p0 $0x1B8D  }
0xad: {  	_ =	swait.eq @p0 [sflag:s5], $0x1  }
0xae: {  	[sflag:s5] =	ssyncadd.s32 @p0 $0xFFFFFFFF  }
0xaf: {  	s6 =	sshll.u32 @!p0 s1, $0xE  }
0xb0: {  	s6 =	sor.u32 @!p0 $0x4000, s6;
	s5 =	simm.s32 @!p0 $0x1B8D  }
0xb1: {  	s4 =	sshll.u32 @!p0 s4, $0x11;
	s6 =	sadd.s32 @!p0 $0x11B8D, s6;
	_ =	swait.eq @!p0 [sflag:s5], $0x1  }
0xb2: {  	s4 =	sor.u32 @!p0 s4, s6;
	[sflag:s5] =	ssyncadd.s32 @!p0 $0xFFFFFFFF  }
0xb3: {  	s25 =	simm.s32 $0x1B8E;
	s24 =	sld [smem:$0x3FFE];
	[sflag:s4] =	ssyncadd.remote.s32 @!p0 $0x1  }
0xb4: {  	s26 =	simm.s32 $execute0_lowered;
	[smem:$0x3FD2] =	sst s25  }
0xb5: {  	s5 =	sshll.u32 s26, $0x1;
	_ =	strace $0x8000004C;
	[dreg:$0x1] =	wrdreg $0xFFFFFFFF  }
0xb6: {  	s28 =	simm.s32 $_size_execute0_lowered;
	s3 =	sadd.s32 s3, s5;
	[dreg:$0x0] =	wrdreg $0x0  }
0xb7: {  	s5 =	sshll.u32 s28, $0x1;
	[dreg:$0x2] =	wrdreg s3  }
0xb8: {  	[dreg:$0x3] =	wrdreg s5  }
0xb9: {  	[dreg:$0x4] =	wrdreg $0xC0  }
0xba: {  	_ =	task [dreg:s22], $0x5FFFF  }
0xbb: {  	[dreg:$0x1] =	wrdreg $0xFFFFFFFF  }
0xbc: {  	[dreg:$0x0] =	wrdreg $0x60  }
0xbd: {  	[dreg:$0x2] =	wrdreg s24  }
0xbe: {  	[dreg:$0x3] =	wrdreg $0x12B400  }
0xbf: {  	[dreg:$0x4] =	wrdreg $0x8F000  }
0xc0: {  	[dreg:$0x5] =	wrdreg $0xA  }
0xc1: {  	_ =	task.clear_ibuf [dreg:s22], $0x6FFFF;
	_ =	strace $0x9000004C  }
0xc2: {  	s29 =	simm.s32 $0xA;
	_ =	strace $0x8000004E  }
0xc3: {  	_ =	swait.ge [sflag:s29], $0x1  }
0xc4: {  	[sflag:s29] =	ssyncadd.s32 $0xFFFFFFFF  }
0xc5: {  	_ =	strace $0x9000004E  }
0xc6: {  	_ =	sfence  }
0xc7: {  	s30 =	sld [smem:$0x0];
	_ =	sdelay $0x2  }
0xc8: {  	s31 =	sshll.u32 s1, $0xD;
	s1 =	sshrl.u32 s1, $0x2  }
0xc9: {  	s4 =	sand.u32 $0x4000, s31;
	s1 =	sadd.s32 s1, s30  }
0xca: {  	s0 =	sor.u32 s4, s0;
	s1 =	sshll.u32 s1, $0x11  }
0xcb: {  	s0 =	sor.u32 s1, s0  }
0xcc: {  	s0 =	sadd.s32 $0x8F2B, s0  }
0xcd: {  	[sflag:s0] =	ssyncadd.remote.s32 $0x1  }
0xce: {  	_ =	sfence.sel $0xFFFF  }
0xcf: {  	[dreg:$0x0] =	wrdreg $0xFFFFFFFF;
	(pc) =	sbr.abs _section_cstart, $3  }
0xd0: {  	[dreg:$0x1] =	wrdreg $0xFFFFFFFF  }
0xd1: {  	_ =	task.clear_ibuf [dreg:s22], $0x2FFFF;
	_ =	strace $0x9FFFFFFF  }
0xd2: {  	(tm) =	ssettm $0x7FFFFFFF  }
0xd3: {  	_ =	shalt  }
tec
execute0_lowered:
.L_overlay_start_1:
0x0: {  	(tag) =	ssettag $0x1  }
0x1: {  	s1 =	srdreg.scid  }
0x2: {  	s0 =	stileid.u32;
	s5 =	rddreg [dreg:$0x0]  }
0x3: {  	s2 =	rddreg [dreg:$0x1];
	s4 =	simm.s32 $0x0;
	s17 =	simm.s32 $0x4F00  }
0x4: {  	s18 =	simm.s32 $0x3;
	s21 =	simm.s32 $0x80;
	s22 =	simm.s32 $0x6F00  }
0x5: {  	s23 =	simm.s32 $0x1;
	s28 =	simm.s32 $0x4E00;
	s10 =	smul.u32 $0x9C40, s0  }
0x6: {  	s29 =	simm.s32 $0x0;
	s1 =	sand.u32 $0x1, s1;
	s8 =	smul.u32 $0x9E00, s0  }
0x7: {  	s3 =	sshll.u32 s0, $0x1;
	[smem:$0x7FF] =	sst s4;
	s11 =	smul.u32 $0x27800, s0  }
0x8: {  	p0 =	sgt.u32 s0, $0x1;
	s6 =	sor.u32 s1, s3;
	s3 =	rddreg [dreg:$0x2]  }
0x9: {  	_ =	strace $0x8000004D;
	s24 =	smul.u32 $0x9E000, s1;
	s1 =	ssub.s32 $0x2, s1  }
0xa: {  	s7 =	smul.u32 $0x4E, s6;
	s6 =	smin.u32 s6, $0x4;
	s9 =	sshrl.u32 s10, $0x3  }
0xb: {  	s26 =	sshrl.u32 s11, $0x2;
	s30 =	sshrl.u32 s1, $0x1;
	s19 =	sadd.s32 s10, s3  }
0xc: {  	s12 =	sadd.s32 s9, s5;
	s25 =	sadd.s32 s8, s24;
	s31 =	sadd.s32 s26, s2  }
0xd: {  	s1 =	ssub.s32 s1, s30;
	s19 =	sshrl.u32 s19, $0x3;
	s24 =	simm.s32 $0x2  }
0xe: {  	s26 =	simm.s32 $0x4D80;
	s6 =	sadd.s32 s6, s7;
	s7 =	sadd.s32 $0x4000, s31  }
0xf: {  	s9 =	sadd.s32 $0x8000, s31;
	s10 =	sadd.s32 $0xA1000, s12;
	s6 =	sshll.u32 s6, $0x4  }
0x10: {  	s16 =	smax.u32 s1, $0x1;
	s14 =	sadd.s32 s6, s5;
	s6 =	sshrl.u32 s25, $0x3  }
0x11: {  	s15 =	sadd.s32 s6, s5;
	s5 =	sadd.s32 s8, s2;
	s6 =	sadd.s32 $0x2000, s31  }
0x12: {  	s8 =	sadd.s32 $0x6000, s31;
	s11 =	sadd.s32 $0x3400, s14;
	s12 =	sadd.s32 $0xD040, s14  }
0x13: {  	v0 =	vimm.f32 $0.0e+00;
	s13 =	sadd.s32 $0x38E0, s14;
	s14 =	sadd.s32 $0xD520, s14;
	s15 =	sadd.s32 $0xB4A00, s15  }
.LBB2_1:
0x14: {  	s31 =	simm.s32 $0x100;
	s30 =	simm.s32 $0x0  }
.LBB2_2:
0x15: {  	p1 =	sne.s32 s31, $0x7F00;
	[tilespmem:s30+$0x4F30] =	vst v0;
	s1 =	smov.u32 s31;
	s31 =	sadd.s32 $0x100, s31  }
.Ltmp0:
0x16: {  	[tilespmem:s30+$0x4F20] =	vst v0;
	(pc) =	sbr.rel @p1 .LBB2_2-.Ltmp0, $3  }
0x17: {  	[tilespmem:s30+$0x4F00] =	vst v0  }
0x18: {  	[tilespmem:s30+$0x4F10] =	vst v0;
	_ =	sdelay $0x1  }
0x19: {  	s30 =	sshra.s32 s1, $0x2  }
0x1a: {  	[tilespmem:s30+$0x4F30] =	vst v0  }
0x1b: {  	[tilespmem:s30+$0x4F20] =	vst v0  }
0x1c: {  	[tilespmem:s30+$0x4F00] =	vst v0  }
0x1d: {  	[tilespmem:s30+$0x4F10] =	vst v0  }
0x1e: {  	[spmem:s5] =	stream.linear.scatter [tilespmem:s17], [sflag:$0x3], $0x2000, $0x38;
	[tilespmem:$0x1C940] =	vst v63  }
0x1f: {  	_ =	swait.ge [sflag:s18], $0x2000  }
0x20: {  	[sflag:s18] =	ssyncset.done $0x0  }
0x21: {  	[sflag:s18] =	ssyncadd.s32 $0xFFFFE000  }
0x22: {  	[spmem:s6] =	stream.linear.scatter [tilespmem:s17], [sflag:$0x3], $0x2000, $0x38;
	[tilespmem:$0x1C940] =	vst v63  }
0x23: {  	_ =	swait.ge [sflag:s18], $0x2000  }
0x24: {  	[sflag:s18] =	ssyncset.done $0x0  }
0x25: {  	[sflag:s18] =	ssyncadd.s32 $0xFFFFE000  }
0x26: {  	[spmem:s7] =	stream.linear.scatter [tilespmem:s17], [sflag:$0x3], $0x2000, $0x38;
	[tilespmem:$0x1C940] =	vst v63  }
0x27: {  	_ =	swait.ge [sflag:s18], $0x2000  }
0x28: {  	[sflag:s18] =	ssyncset.done $0x0  }
0x29: {  	[sflag:s18] =	ssyncadd.s32 $0xFFFFE000  }
0x2a: {  	[spmem:s8] =	stream.linear.scatter [tilespmem:s17], [sflag:$0x3], $0x2000, $0x38;
	[tilespmem:$0x1C940] =	vst v63  }
0x2b: {  	_ =	swait.ge [sflag:s18], $0x2000  }
0x2c: {  	[sflag:s18] =	ssyncset.done $0x0  }
0x2d: {  	[sflag:s18] =	ssyncadd.s32 $0xFFFFE000  }
0x2e: {  	[spmem:s9] =	stream.linear.scatter [tilespmem:s17], [sflag:$0x3], $0x1E00, $0x38;
	[tilespmem:$0x1C940] =	vst v63  }
0x2f: {  	s0 =	stileid.u32;
	_ =	swait.ge [sflag:s18], $0x1E00  }
0x30: {  	s1 =	sshll.u32 s0, $0x6;
	[sflag:s18] =	ssyncset.done $0x0  }
0x31: {  	s30 =	sor.u32 $0x1C03, s1;
	[sflag:s18] =	ssyncadd.s32 $0xFFFFE200  }
0x32: {  	[spmem:s19], [sflag:s30] =	dma.local [hbm:s10], $0x1388  }
0x33: {  	_ =	swait.ge [sflag:s18], $0x1388  }
0x34: {  	[sflag:s18] =	ssyncset.done $0x0  }
0x35: {  	[sflag:s18] =	ssyncadd.s32 $0xFFFFEC78  }
0x36: {  	[tilespmem:s4], [sflag:$0x3] =	stream.linear.gather [hbm4b:s11+s4], $0x2700, $0x38;
	[tilespmem:$0x1C940] =	vst v63  }
0x37: {  	_ =	swait.ge [sflag:s18], $0x2700  }
0x38: {  	[sflag:s18] =	ssyncset.done $0x0  }
0x39: {  	s1 =	simm.s32 $0x2780;
	[sflag:s18] =	ssyncadd.s32 $0xFFFFD900  }
0x3a: {  	[tilespmem:s1], [sflag:$0x3] =	stream.linear.gather [hbm4b:s12+s4], $0x2700, $0x38;
	[tilespmem:$0x1C940] =	vst v63  }
0x3b: {  	_ =	swait.ge [sflag:s18], $0x2700  }
0x3c: {  	[sflag:s18] =	ssyncset.done $0x0  }
0x3d: {  	s31 =	simm.s32 @!p0 $0x2700;
	s1 =	simm.s32 @!p0 $0x0;
	[sflag:s18] =	ssyncadd.s32 $0xFFFFD900  }
0x3e: {  	[tilespmem:s31], [sflag:$0x3] =	stream.linear.gather @!p0 [hbm4b:s13+s1], $0x80, $0x38;
	[tilespmem:$0x1C940] =	vst v63  }
0x3f: {  	s31 =	simm.s32 @!p0 $0x3  }
0x40: {  	_ =	swait.ge @!p0 [sflag:s31], $0x80  }
0x41: {  	[sflag:s31] =	ssyncset.done @!p0 $0x0  }
0x42: {  	s0 =	simm.s32 @!p0 $0x4E80;
	[sflag:s31] =	ssyncadd.s32 @!p0 $0xFFFFFF80  }
0x43: {  	[tilespmem:s0], [sflag:$0x3] =	stream.linear.gather @!p0 [hbm4b:s14+s1], $0x80, $0x38;
	[tilespmem:$0x1C940] =	vst v63  }
0x44: {  	_ =	swait.ge @!p0 [sflag:s31], $0x80  }
0x45: {  	[sflag:s31] =	ssyncset.done @!p0 $0x0  }
0x46: {  	[sflag:s31] =	ssyncadd.s32 @!p0 $0xFFFFFF80  }
0x47: {  	s20 =	simm.s32 $0x0;
	[bflag:$0x0] =	sbarrier.arrive $0xFFFF  }
0x48: {  	[tilespmem:s17], [sflag:$0x1] =	stream.indirect.gather [spmem:s3], $0x40, s20, s21, $0xb8;
	[tilespmem:$0x1C940] =	vst v63  }
0x49: {  	s25 =	simm.s32 $0x80  }
0x4a: {  	[tilespmem:s22], [sflag:$0x2] =	stream.indirect.gather [spmem:s3], $0x40, s25, s21, $0xb8;
	[tilespmem:$0x1C940] =	vst v63  }
0x4b: {  	_ =	swait.ge [sflag:s23], $0x2000  }
0x4c: {  	[sflag:s23] =	ssyncset.done $0x0  }
0x4d: {  	s1 =	simm.s32 $0x2780;
	[sflag:s23] =	ssyncadd.s32 $0xFFFFE000  }
0x4e: {  	[spmem:s2] =	stream.indirect.scatter.add.f32 [tilespmem:s17], [sflag:$0x3], $0x40, s1, s21, $0xb8;
	[tilespmem:$0x1C940] =	vst v63  }
0x4f: {  	_ =	swait.ge [sflag:s18], $0x2000  }
0x50: {  	[sflag:s18] =	ssyncset.done $0x0  }
0x51: {  	s20 =	simm.s32 $0x100;
	[sflag:s18] =	ssyncadd.s32 $0xFFFFE000  }
0x52: {  	[tilespmem:s17], [sflag:$0x1] =	stream.indirect.gather [spmem:s3], $0x40, s20, s21, $0xb8;
	[tilespmem:$0x1C940] =	vst v63  }
0x53: {  	_ =	swait.ge [sflag:s24], $0x2000  }
0x54: {  	[sflag:s24] =	ssyncset.done $0x0  }
0x55: {  	s25 =	simm.s32 $0x2800;
	[sflag:s24] =	ssyncadd.s32 $0xFFFFE000  }
0x56: {  	[spmem:s2] =	stream.indirect.scatter.add.f32 [tilespmem:s22], [sflag:$0x3], $0x40, s25, s21, $0xb8;
	[tilespmem:$0x1C940] =	vst v63  }
0x57: {  	_ =	swait.ge [sflag:s18], $0x2000  }
0x58: {  	s31 =	simm.s32 $0x100;
	s1 =	simm.s32 $0x800;
	[sflag:s18] =	ssyncset.done $0x0  }
.LBB2_4:
0x59: {  	s0 =	sadd.s32 $0x80, s31  }
0x5a: {  	[sflag:s18] =	ssyncadd.s32 $0xFFFFE000;
	s20 =	smov.u32 s1;
	s25 =	sadd.s32 $0x400, s1  }
0x5b: {  	[tilespmem:s22], [sflag:$0x2] =	stream.indirect.gather [spmem:s3], $0x40, s0, s21, $0xb8;
	[tilespmem:$0x1C940] =	vst v63  }
0x5c: {  	p1 =	sne.s32 s1, $0x9400;
	_ =	swait.ge [sflag:s23], $0x2000  }
0x5d: {  	[sflag:s23] =	ssyncset.done $0x0  }
0x5e: {  	s0 =	sadd.s32 $0x2780, s31;
	[sflag:s23] =	ssyncadd.s32 $0xFFFFE000  }
0x5f: {  	[spmem:s2] =	stream.indirect.scatter.add.f32 [tilespmem:s17], [sflag:$0x3], $0x40, s0, s21, $0xb8;
	[tilespmem:$0x1C940] =	vst v63  }
0x60: {  	_ =	swait.ge [sflag:s18], $0x2000  }
0x61: {  	[sflag:s18] =	ssyncset.done $0x0  }
0x62: {  	s0 =	sadd.s32 $0x100, s31;
	[sflag:s18] =	ssyncadd.s32 $0xFFFFE000  }
0x63: {  	[tilespmem:s17], [sflag:$0x1] =	stream.indirect.gather [spmem:s3], $0x40, s0, s21, $0xb8;
	[tilespmem:$0x1C940] =	vst v63  }
0x64: {  	_ =	swait.ge [sflag:s24], $0x2000  }
.Ltmp1:
0x65: {  	[sflag:s24] =	ssyncset.done $0x0;
	(pc) =	sbr.rel @p1 .LBB2_4-.Ltmp1, $4  }
0x66: {  	s0 =	sadd.s32 $0x2800, s31;
	[sflag:s24] =	ssyncadd.s32 $0xFFFFE000  }
0x67: {  	[spmem:s2] =	stream.indirect.scatter.add.f32 [tilespmem:s22], [sflag:$0x3], $0x40, s0, s21, $0xb8;
	[tilespmem:$0x1C940] =	vst v63  }
0x68: {  	_ =	swait.ge [sflag:s18], $0x2000  }
0x69: {  	s1 =	smov.u32 s25;
	s31 =	sshra.s32 s20, $0x2;
	[sflag:s18] =	ssyncset.done $0x0  }
0x6a: {  	s0 =	sadd.s32 $0x80, s31;
	[sflag:s18] =	ssyncadd.s32 $0xFFFFE000  }
0x6b: {  	[tilespmem:s22], [sflag:$0x2] =	stream.indirect.gather [spmem:s3], $0x40, s0, s21, $0xb8;
	[tilespmem:$0x1C940] =	vst v63  }
0x6c: {  	_ =	swait.ge [sflag:s23], $0x2000  }
0x6d: {  	[sflag:s23] =	ssyncset.done $0x0  }
0x6e: {  	s25 =	sadd.s32 $0x2780, s31;
	[sflag:s23] =	ssyncadd.s32 $0xFFFFE000  }
0x6f: {  	[spmem:s2] =	stream.indirect.scatter.add.f32 [tilespmem:s17], [sflag:$0x3], $0x40, s25, s21, $0xb8;
	[tilespmem:$0x1C940] =	vst v63  }
0x70: {  	_ =	swait.ge [sflag:s18], $0x2000  }
0x71: {  	[sflag:s18] =	ssyncset.done $0x0  }
0x72: {  	s1 =	sadd.s32 $0x100, s31;
	[sflag:s18] =	ssyncadd.s32 $0xFFFFE000  }
0x73: {  	[tilespmem:s17], [sflag:$0x1] =	stream.indirect.gather [spmem:s3], $0x40, s1, s21, $0xb8;
	[tilespmem:$0x1C940] =	vst v63  }
0x74: {  	_ =	swait.ge [sflag:s24], $0x2000  }
0x75: {  	[sflag:s24] =	ssyncset.done $0x0  }
0x76: {  	s20 =	sadd.s32 $0x2800, s31;
	[sflag:s24] =	ssyncadd.s32 $0xFFFFE000  }
0x77: {  	[spmem:s2] =	stream.indirect.scatter.add.f32 [tilespmem:s22], [sflag:$0x3], $0x40, s20, s21, $0xb8;
	[tilespmem:$0x1C940] =	vst v63  }
0x78: {  	_ =	swait.ge [sflag:s18], $0x2000  }
0x79: {  	[sflag:s18] =	ssyncset.done $0x0  }
0x7a: {  	s25 =	simm.s32 $0x2680;
	[sflag:s18] =	ssyncadd.s32 $0xFFFFE000  }
0x7b: {  	[tilespmem:s22], [sflag:$0x2] =	stream.indirect.gather [spmem:s3], $0x40, s25, s21, $0xb8;
	[tilespmem:$0x1C940] =	vst v63  }
0x7c: {  	_ =	swait.ge [sflag:s23], $0x2000  }
0x7d: {  	[sflag:s23] =	ssyncset.done $0x0  }
0x7e: {  	[sflag:s23] =	ssyncadd.s32 $0xFFFFE000  }
0x7f: {  	[spmem:s2] =	stream.indirect.scatter.add.f32 [tilespmem:s17], [sflag:$0x3], $0x40, s26, s21, $0xb8;
	[tilespmem:$0x1C940] =	vst v63  }
0x80: {  	_ =	swait.ge [sflag:s18], $0x2000  }
0x81: {  	[sflag:s18] =	ssyncset.done $0x0  }
0x82: {  	[sflag:s18] =	ssyncadd.s32 $0xFFFFE000  }
0x83: {  	_ =	swait.ge [sflag:s24], $0x2000  }
0x84: {  	[sflag:s24] =	ssyncset.done $0x0  }
0x85: {  	[sflag:s24] =	ssyncadd.s32 $0xFFFFE000  }
0x86: {  	[spmem:s2] =	stream.indirect.scatter.add.f32 [tilespmem:s22], [sflag:$0x3], $0x40, s28, s21, $0xb8;
	[tilespmem:$0x1C940] =	vst v63  }
0x87: {  	_ =	swait.ge [sflag:s18], $0x2000  }
0x88: {  	s0 =	simm.s32 @!p0 $0x80;
	[sflag:s18] =	ssyncset.done $0x0  }
0x89: {  	s1 =	simm.s32 @!p0 $0x2700;
	s20 =	simm.s32 @!p0 $0x4F00;
	[sflag:s18] =	ssyncadd.s32 $0xFFFFE000  }
0x8a: {  	[tilespmem:s20], [sflag:$0x1] =	stream.indirect.gather @!p0 [spmem:s3], $0x40, s1, s0, $0xb8;
	[tilespmem:$0x1C940] =	vst v63  }
0x8b: {  	s1 =	simm.s32 @!p0 $0x1  }
0x8c: {  	_ =	swait.ge @!p0 [sflag:s1], $0x2000  }
0x8d: {  	[sflag:s1] =	ssyncset.done @!p0 $0x0  }
0x8e: {  	[sflag:s1] =	ssyncadd.s32 @!p0 $0xFFFFE000;
	s1 =	simm.s32 @!p0 $0x4E80  }
0x8f: {  	[spmem:s2] =	stream.indirect.scatter.add.f32 @!p0 [tilespmem:s20], [sflag:$0x3], $0x40, s1, s0, $0xb8;
	[tilespmem:$0x1C940] =	vst v63  }
0x90: {  	s0 =	simm.s32 @!p0 $0x3  }
0x91: {  	_ =	swait.ge @!p0 [sflag:s0], $0x2000  }
0x92: {  	s29 =	sadd.s32 $0x1, s29;
	[sflag:s0] =	ssyncset.done @!p0 $0x0  }
0x93: {  	p1 =	sne.s32 s29, s16;
	[sflag:s0] =	ssyncadd.s32 @!p0 $0xFFFFE000  }
.Ltmp2:
0x94: {  	s31 =	sshrl.u32 s5, $0x3;
	[bflag:$0x0] =	sbarrier.arrive $0xFFFF;
	(pc) =	sbr.rel @p1 .LBB2_1-.Ltmp2, $4  }
0x95: {  	[hbm:s15], [sflag:s30] =	dma.local [spmem:s31], $0x13C0  }
0x96: {  	_ =	swait.ge [sflag:s18], $0x13C0  }
0x97: {  	[sflag:s18] =	ssyncset.done $0x0  }
0x98: {  	[sflag:s18] =	ssyncadd.s32 $0xFFFFEC40  }
0x99: {  	_ =	sfence.sel $0x180000  }
0x9a: {  	[bflag:$0x0] =	sbarrier.arrive $0xFFFF  }
0x9b: {  	_ =	strace $0x9000004D  }
0x9c: {  	s0 =	stileid.u32;
	[bflag:$0x2] =	sbarrier.arrive $0xFFFF  }
0x9d: {  	p0 =	sne.s32 s0, $0x0;
	s0 =	rddreg [dreg:$0x3]  }
0x9e: {  	s0 =	sadd.s32 @!p0 $0x100000, s0  }
0x9f: {  	[sflag:s0] =	ssyncadd.tile.s32 @!p0 $0x1;
	_ =	shalt  }
.Lfunc_end2:
_tile_overlayer_lowered:
.L_overlay_start_2:
0xa0: {  	(tag) =	ssettag $0x2  }
0xa1: {  	s0 =	rddreg [dreg:$0x0];
	s2 =	stileid.u32  }
0xa2: {  	s1 =	rddreg [dreg:$0x1];
	p0 =	sne.s32 s2, $0x0  }
0xa3: {  	s3 =	rddreg [dreg:$0x2];
	[bflag:$0x3] =	sbarrier.arrive $0xFFFF;
	s2 =	simm.s32 @!p0 $0x1C03  }
0xa4: {  	[timem:s3], [sflag:s2] =	dma.local @!p0 [hbm:s0], s1  }
0xa5: {  	s0 =	simm.s32 @!p0 $0x3  }
0xa6: {  	_ =	swait.ge @!p0 [sflag:s0], s1  }
0xa7: {  	s1 =	ssub.s32 @!p0 $0x0, s1;
	[sflag:s0] =	ssyncset.done @!p0 $0x0  }
0xa8: {  	[sflag:s0] =	ssyncadd.s32 @!p0 s1  }
0xa9: {  	[bflag:$0x3] =	sbarrier.arrive $0xFFFF  }
0xaa: {  	_ =	shalt  }

// kernel: kernel.20.cloned.1.call-start
scs
__scs_entry_jumppad:
0x0: {  	(pc) =	sbr.rel $0x88, $3  }
0x1: {  	(tag) =	ssettag $0x0;
	lr =	simm.s32 $0x1  }
0x2: {  	[smem:$0x3F97] =	sst lr;
	_ =	strace $0xD0000000  }
0x3: {  	_ = 	snop  }
0x4: {  	_ = 	snop  }
0x5: {  	_ = 	snop  }
0x6: {  	_ = 	snop  }
0x7: {  	_ = 	snop  }
__scs_overlays_trampoline_lowered:
0x8: {  	[smem:$0x3FA6] =	sst s0  }
0x9: {  	[smem:$0x3FA7] =	sst s1  }
0xa: {  	[smem:$0x3FA8] =	sst s2  }
0xb: {  	[smem:$0x3FA9] =	sst s3  }
0xc: {  	[smem:$0x3FAA] =	sst s4  }
0xd: {  	[smem:$0x3FAB] =	sst s5  }
0xe: {  	[smem:$0x3FAC] =	sst s6  }
0xf: {  	[smem:$0x3FAD] =	sst s7  }
0x10: {  	[smem:$0x3FAE] =	sst s8  }
0x11: {  	[smem:$0x3FAF] =	sst s9;
	s0 =	simm.s32 @!p0 $0x0  }
0x12: {  	s1 =	sld [smem:$0x3F95];
	s0 =	simm.s32 @p0 $0x1  }
0x13: {  	[smem:$0x3FB0] =	sst s0;
	s0 =	simm.s32 @!p1 $0x0  }
0x14: {  	s2 =	sld [smem:$0x3F94];
	s0 =	simm.s32 @p1 $0x1  }
0x15: {  	[smem:$0x3FB1] =	sst s0;
	s0 =	simm.s32 @!p2 $0x0  }
0x16: {  	s3 =	sld [smem:$0x3FDB];
	s0 =	simm.s32 @p2 $0x1  }
0x17: {  	s4 =	simm.s32 $0x1BF5;
	[smem:$0x3FB3] =	sst s0  }
0x18: {  	s0 =	sld [smem:$0x3F96];
	_ =	swait.ge [sflag:s4], $0x0  }
0x19: {  	s7 =	sld [smem:$0x3F97]  }
0x1a: {  	s8 =	sadd.s32 $0xFFFFE003, lr  }
0x1b: {  	s9 =	sadd.s32 $0xFFFFFEF7, lr;
	s5 =	simm.s32 $0xFFFFFFFF;
	p2 =	slt.u32 s8, $0xFFFFF086  }
0x1c: {  	p1 =	slt.u32 s9, $0xF7A;
	s5 =	simm.s32 @!p2 $0x0  }
0x1d: {  	s5 =	simm.s32 @p1 $0x1;
	p0 =	seq.s32 s7, s2  }
0x1e: {  	s7 =	smul.u32 @!p0 $0xF7A, s2;
	p2 =	seq.s32 @!p0 s5, $0x0  }
0x1f: {  	s9 =	smul.u32 $0xF7A, s1;
	s8 =	simm.s32 @!p0 $0x1BF5;
	p2 =	por !p2, p0  }
0x20: {  	[sflag:s8] =	ssyncset.s32 @!p0 $0xFFFFF086;
	s6 =	sadd.s32 @!p0 s3, s7;
	s7 =	simm.s32 @!p0 $0x108  }
0x21: {  	s3 =	sadd.s32 s3, s9;
	s6 =	sadd.s32 @!p0 $0x88, s6;
	s7 =	simm.s32 @p2 $0x1082  }
0x22: {  	[simem:s7], [sflag:s8] =	dma.local @!p0 [hbm:s6], $0xF7A  }
0x23: {  	s9 =	sor.u32 $0xD0000000, s2;
	s6 =	simm.s32 $0x108;
	_ =	swait.ge @!p0 [sflag:s8], $0x0  }
0x24: {  	s3 =	sadd.s32 $0x88, s3;
	s6 =	simm.s32 @!p1 $0x1082;
	[sflag:s4] =	ssyncset.s32 $0xFFFFF086  }
0x25: {  	[simem:s6], [sflag:s4] =	dma.local [hbm:s3], $0xF7A  }
0x26: {  	[smem:$0x3F97] =	sst s1;
	(tag) =	ssettag s2;
	_ =	strace s9  }
0x27: {  	s1 =	sld [smem:$0x3FA7]  }
0x28: {  	s2 =	sld [smem:$0x3FA8]  }
0x29: {  	s4 =	sld [smem:$0x3FAA]  }
0x2a: {  	p0 =	seq.s32 s5, $0x0;
	s5 =	sld [smem:$0x3FAB]  }
0x2b: {  	s6 =	sld [smem:$0x3FAC]  }
0x2c: {  	s7 =	sld [smem:$0x3FAD]  }
0x2d: {  	s3 =	simm.s32 $0x108;
	s8 =	sld [smem:$0x3FAE]  }
0x2e: {  	s3 =	simm.s32 @!p0 $0x1082;
	s9 =	sld [smem:$0x3FAF]  }
0x2f: {  	lr =	sadd.s32 s0, s3;
	s0 =	sld [smem:$0x3FA6]  }
0x30: {  	s3 =	sld [smem:$0x3FA9]  }
0x31: {  	[smem:$0x3FB2] =	sst s10  }
0x32: {  	s10 =	sld [smem:$0x3FB0];
	_ =	sdelay $0x3  }
0x33: {  	p0 =	seq.s32 s10, $0x1;
	s10 =	sld [smem:$0x3FB2];
	_ =	sdelay $0x3  }
0x34: {  	[smem:$0x3FB2] =	sst s10  }
0x35: {  	s10 =	sld [smem:$0x3FB1];
	_ =	sdelay $0x3  }
0x36: {  	p1 =	seq.s32 s10, $0x1;
	s10 =	sld [smem:$0x3FB2];
	_ =	sdelay $0x3  }
0x37: {  	[smem:$0x3FB2] =	sst s10  }
0x38: {  	s10 =	sld [smem:$0x3FB3]  }
0x39: {  	_ = 	snop;
	(pc) =	sbr.ind lr, $3  }
0x3a: {  	_ = 	snop  }
0x3b: {  	_ = 	snop  }
0x3c: {  	p2 =	seq.s32 s10, $0x1;
	s10 =	sld [smem:$0x3FB2]  }
0x3d: {  	_ =	shalt  }
0x3e: {  	_ =	shalt  }
0x3f: {  	_ =	shalt  }
0x40: {  	_ =	shalt  }
0x41: {  	_ =	shalt  }
0x42: {  	_ =	shalt  }
0x43: {  	_ =	shalt  }
0x44: {  	_ =	shalt  }
0x45: {  	_ =	shalt  }
0x46: {  	_ =	shalt  }
0x47: {  	_ =	shalt  }
0x48: {  	_ =	shalt  }
0x49: {  	_ =	shalt  }
0x4a: {  	_ =	shalt  }
0x4b: {  	_ =	shalt  }
0x4c: {  	_ =	shalt  }
0x4d: {  	_ =	shalt  }
0x4e: {  	_ =	shalt  }
0x4f: {  	_ =	shalt  }
0x50: {  	_ =	shalt  }
0x51: {  	_ =	shalt  }
0x52: {  	_ =	shalt  }
0x53: {  	_ =	shalt  }
0x54: {  	_ =	shalt  }
0x55: {  	_ =	shalt  }
0x56: {  	_ =	shalt  }
0x57: {  	_ =	shalt  }
0x58: {  	_ =	shalt  }
0x59: {  	_ =	shalt  }
0x5a: {  	_ =	shalt  }
0x5b: {  	_ =	shalt  }
0x5c: {  	_ =	shalt  }
0x5d: {  	_ =	shalt  }
0x5e: {  	_ =	shalt  }
0x5f: {  	_ =	shalt  }
0x60: {  	_ =	shalt  }
0x61: {  	_ =	shalt  }
0x62: {  	_ =	shalt  }
0x63: {  	_ =	shalt  }
0x64: {  	_ =	shalt  }
0x65: {  	_ =	shalt  }
0x66: {  	_ =	shalt  }
0x67: {  	_ =	shalt  }
0x68: {  	_ =	shalt  }
0x69: {  	_ =	shalt  }
0x6a: {  	_ =	shalt  }
0x6b: {  	_ =	shalt  }
0x6c: {  	_ =	shalt  }
0x6d: {  	_ =	shalt  }
0x6e: {  	_ =	shalt  }
0x6f: {  	_ =	shalt  }
0x70: {  	_ =	shalt  }
0x71: {  	_ =	shalt  }
0x72: {  	_ =	shalt  }
0x73: {  	_ =	shalt  }
0x74: {  	_ =	shalt  }
0x75: {  	_ =	shalt  }
0x76: {  	_ =	shalt  }
0x77: {  	_ =	shalt  }
0x78: {  	_ =	shalt  }
0x79: {  	_ =	shalt  }
0x7a: {  	_ =	shalt  }
0x7b: {  	_ =	shalt  }
0x7c: {  	_ =	shalt  }
0x7d: {  	_ =	shalt  }
0x7e: {  	_ =	shalt  }
0x7f: {  	_ =	shalt  }
0x80: {  	_ =	shalt  }
0x81: {  	_ =	shalt  }
0x82: {  	_ =	shalt  }
0x83: {  	_ =	shalt  }
0x84: {  	_ =	shalt  }
0x85: {  	_ =	shalt  }
0x86: {  	_ =	shalt  }
0x87: {  	_ =	shalt  }
.Lfunc_end0:
.L_simem_size_0:
called_computation.3_lowered:
.L_overlay_start_0:
0x88: {  	s2 =	sld [smem:$0x3FD9]  }
0x89: {  	s3 =	sld [smem:$0x3FFE];
	_ =	sdelay $0x1  }
0x8a: {  	s1 =	srdreg.scid  }
0x8b: {  	s0 =	sand.u32 $0x1, s1  }
0x8c: {  	s16 =	sshll.u32 s0, $0xA;
	s2 =	sadd.s32 s3, s2  }
0x8d: {  	s2 =	sadd.s32 s2, s16  }
0x8e: {  	[smem:$0x3FBE] =	sst s2  }
0x8f: {  	_ = 	snop  }
0x90: {  	(tm) =	ssettm $0x1  }
0x91: {  	s17 =	sld [smem:$0x3FFB];
	_ =	sdelay $0x3  }
0x92: {  	_ =	strace s17  }
0x93: {  	s2 =	sld [smem:$0x3FFC];
	_ =	sdelay $0x3  }
0x94: {  	_ =	strace s2  }
0x95: {  	s2 =	sld [smem:$0x3FFD];
	_ =	sdelay $0x3  }
0x96: {  	_ =	strace s2  }
0x97: {  	_ =	strace $0x8FFFFFFF  }
0x98: {  	s18 =	sld [smem:$0x3FDB];
	_ =	sdelay $0x1  }
0x99: {  	s19 =	simm.s32 $_scs_section_size  }
0x9a: {  	s4 =	simm.s32 $_size__tile_overlayer_lowered;
	s5 =	simm.s32 $_tile_overlayer_lowered  }
0x9b: {  	s22 =	simm.s32 $0x1BFF;
	s21 =	sshll.u32 s5, $0x1;
	s2 =	sadd.s32 s19, s18  }
0x9c: {  	s6 =	simm.s32 $0x0;
	s20 =	sshll.u32 s4, $0x1;
	s4 =	sadd.s32 s21, s2  }
0x9d: {  	[timem:s6], [sflag:s22] =	dma.local [hbm:s4], s20  }
0x9e: {  	_ =	swait.ge [sflag:s22], s20  }
0x9f: {  	s3 =	ssub.s32 $0x0, s20;
	[sflag:s22] =	ssyncset.done $0x0  }
0xa0: {  	[sflag:s22] =	ssyncadd.s32 s3;
	_ =	sdelay $0x1  }
0xa1: {  	s23 =	simm.s32 $0x1B8B  }
0xa2: {  	_ =	swait.ge [sflag:s23], $0x1  }
0xa3: {  	[sflag:s23] =	ssyncset.done $0x0  }
0xa4: {  	s25 =	simm.s32 $0x1B8E;
	s24 =	sld [smem:$0x3FFE];
	[sflag:s23] =	ssyncadd.s32 $0xFFFFFFFF  }
0xa5: {  	s26 =	simm.s32 $execute0_lowered;
	[smem:$0x3FD2] =	sst s25  }
0xa6: {  	s4 =	sshll.u32 s26, $0x1;
	_ =	strace $0x8000004F;
	[dreg:$0x1] =	wrdreg $0xFFFFFFFF  }
0xa7: {  	s28 =	simm.s32 $_size_execute0_lowered;
	s2 =	sadd.s32 s2, s4;
	[dreg:$0x0] =	wrdreg $0x0  }
0xa8: {  	s4 =	sshll.u32 s28, $0x1;
	[dreg:$0x2] =	wrdreg s2  }
0xa9: {  	[dreg:$0x3] =	wrdreg s4  }
0xaa: {  	[dreg:$0x4] =	wrdreg $0xC0  }
0xab: {  	_ =	task [dreg:s6], $0x5FFFF  }
0xac: {  	[dreg:$0x1] =	wrdreg $0xFFFFFFFF  }
0xad: {  	[dreg:$0x0] =	wrdreg $0x60  }
0xae: {  	[dreg:$0x2] =	wrdreg s24  }
0xaf: {  	[dreg:$0x3] =	wrdreg $0x12B400  }
0xb0: {  	[dreg:$0x4] =	wrdreg $0x8F000  }
0xb1: {  	[dreg:$0x5] =	wrdreg $0x9  }
0xb2: {  	_ =	task.clear_ibuf [dreg:s6], $0x6FFFF;
	_ =	strace $0x9000004F  }
0xb3: {  	s29 =	simm.s32 $0x9;
	_ =	strace $0x80000051  }
0xb4: {  	_ =	swait.ge [sflag:s29], $0x1  }
0xb5: {  	[sflag:s29] =	ssyncadd.s32 $0xFFFFFFFF  }
0xb6: {  	_ =	strace $0x90000051  }
0xb7: {  	_ =	sfence  }
0xb8: {  	s30 =	sld [smem:$0x0];
	_ =	sdelay $0x2  }
0xb9: {  	s31 =	sshll.u32 s1, $0xD;
	s1 =	sshrl.u32 s1, $0x2  }
0xba: {  	s3 =	sand.u32 $0x4000, s31;
	s1 =	sadd.s32 s1, s30  }
0xbb: {  	s0 =	sor.u32 s3, s0;
	s1 =	sshll.u32 s1, $0x11  }
0xbc: {  	s0 =	sor.u32 s1, s0  }
0xbd: {  	s0 =	sadd.s32 $0x8F2B, s0  }
0xbe: {  	[sflag:s0] =	ssyncadd.remote.s32 $0x1  }
0xbf: {  	_ =	sfence.sel $0xFFFF  }
0xc0: {  	[dreg:$0x0] =	wrdreg $0xFFFFFFFF;
	(pc) =	sbr.abs _section_cstart, $3  }
0xc1: {  	[dreg:$0x1] =	wrdreg $0xFFFFFFFF  }
0xc2: {  	_ =	task.clear_ibuf [dreg:s6], $0x2FFFF;
	_ =	strace $0x9FFFFFFF  }
0xc3: {  	(tm) =	ssettm $0x7FFFFFFF  }
tec
execute0_lowered:
.L_overlay_start_1:
0x0: {  	(tag) =	ssettag $0x1  }
0x1: {  	s1 =	srdreg.scid  }
0x2: {  	s0 =	stileid.u32;
	s5 =	rddreg [dreg:$0x0]  }
0x3: {  	s2 =	rddreg [dreg:$0x1];
	s4 =	simm.s32 $0x0;
	s17 =	simm.s32 $0x4F00  }
0x4: {  	s18 =	simm.s32 $0x3;
	s21 =	simm.s32 $0x80;
	s22 =	simm.s32 $0x6F00  }
0x5: {  	s23 =	simm.s32 $0x1;
	s28 =	simm.s32 $0x4E00;
	s10 =	smul.u32 $0x9C40, s0  }
0x6: {  	s29 =	simm.s32 $0x0;
	s1 =	sand.u32 $0x1, s1;
	s8 =	smul.u32 $0x9E00, s0  }
0x7: {  	s3 =	sshll.u32 s0, $0x1;
	[smem:$0x7FF] =	sst s4;
	s11 =	smul.u32 $0x27800, s0  }
0x8: {  	p0 =	sgt.u32 s0, $0x1;
	s6 =	sor.u32 s1, s3;
	s3 =	rddreg [dreg:$0x2]  }
0x9: {  	_ =	strace $0x80000050;
	s24 =	smul.u32 $0x9E000, s1;
	s1 =	ssub.s32 $0x2, s1  }
0xa: {  	s7 =	smul.u32 $0x4E, s6;
	s6 =	smin.u32 s6, $0x4;
	s9 =	sshrl.u32 s10, $0x3  }
0xb: {  	s26 =	sshrl.u32 s11, $0x2;
	s30 =	sshrl.u32 s1, $0x1;
	s19 =	sadd.s32 s10, s3  }
0xc: {  	s12 =	sadd.s32 s9, s5;
	s25 =	sadd.s32 s8, s24;
	s31 =	sadd.s32 s26, s2  }
0xd: {  	s1 =	ssub.s32 s1, s30;
	s19 =	sshrl.u32 s19, $0x3;
	s24 =	simm.s32 $0x2  }
0xe: {  	s26 =	simm.s32 $0x4D80;
	s6 =	sadd.s32 s6, s7;
	s7 =	sadd.s32 $0x4000, s31  }
0xf: {  	s9 =	sadd.s32 $0x8000, s31;
	s10 =	sadd.s32 $0x65E00, s12;
	s6 =	sshll.u32 s6, $0x4  }
0x10: {  	s16 =	smax.u32 s1, $0x1;
	s14 =	sadd.s32 s6, s5;
	s6 =	sshrl.u32 s25, $0x3  }
0x11: {  	s15 =	sadd.s32 s6, s5;
	s5 =	sadd.s32 s8, s2;
	s6 =	sadd.s32 $0x2000, s31  }
0x12: {  	s8 =	sadd.s32 $0x6000, s31;
	s11 =	sadd.s32 $0x3400, s14;
	s12 =	sadd.s32 $0xD040, s14  }
0x13: {  	v0 =	vimm.f32 $0.0e+00;
	s13 =	sadd.s32 $0x38E0, s14;
	s14 =	sadd.s32 $0xD520, s14;
	s15 =	sadd.s32 $0x79800, s15  }
.LBB2_1:
0x14: {  	s31 =	simm.s32 $0x100;
	s30 =	simm.s32 $0x0  }
.LBB2_2:
0x15: {  	p1 =	sne.s32 s31, $0x7F00;
	[tilespmem:s30+$0x4F30] =	vst v0;
	s1 =	smov.u32 s31;
	s31 =	sadd.s32 $0x100, s31  }
.Ltmp0:
0x16: {  	[tilespmem:s30+$0x4F20] =	vst v0;
	(pc) =	sbr.rel @p1 .LBB2_2-.Ltmp0, $3  }
0x17: {  	[tilespmem:s30+$0x4F00] =	vst v0  }
0x18: {  	[tilespmem:s30+$0x4F10] =	vst v0;
	_ =	sdelay $0x1  }
0x19: {  	s30 =	sshra.s32 s1, $0x2  }
0x1a: {  	[tilespmem:s30+$0x4F30] =	vst v0  }
0x1b: {  	[tilespmem:s30+$0x4F20] =	vst v0  }
0x1c: {  	[tilespmem:s30+$0x4F00] =	vst v0  }
0x1d: {  	[tilespmem:s30+$0x4F10] =	vst v0  }
0x1e: {  	[spmem:s5] =	stream.linear.scatter [tilespmem:s17], [sflag:$0x3], $0x2000, $0x38;
	[tilespmem:$0x1C940] =	vst v63  }
0x1f: {  	_ =	swait.ge [sflag:s18], $0x2000  }
0x20: {  	[sflag:s18] =	ssyncset.done $0x0  }
0x21: {  	[sflag:s18] =	ssyncadd.s32 $0xFFFFE000  }
0x22: {  	[spmem:s6] =	stream.linear.scatter [tilespmem:s17], [sflag:$0x3], $0x2000, $0x38;
	[tilespmem:$0x1C940] =	vst v63  }
0x23: {  	_ =	swait.ge [sflag:s18], $0x2000  }
0x24: {  	[sflag:s18] =	ssyncset.done $0x0  }
0x25: {  	[sflag:s18] =	ssyncadd.s32 $0xFFFFE000  }
0x26: {  	[spmem:s7] =	stream.linear.scatter [tilespmem:s17], [sflag:$0x3], $0x2000, $0x38;
	[tilespmem:$0x1C940] =	vst v63  }
0x27: {  	_ =	swait.ge [sflag:s18], $0x2000  }
0x28: {  	[sflag:s18] =	ssyncset.done $0x0  }
0x29: {  	[sflag:s18] =	ssyncadd.s32 $0xFFFFE000  }
0x2a: {  	[spmem:s8] =	stream.linear.scatter [tilespmem:s17], [sflag:$0x3], $0x2000, $0x38;
	[tilespmem:$0x1C940] =	vst v63  }
0x2b: {  	_ =	swait.ge [sflag:s18], $0x2000  }
0x2c: {  	[sflag:s18] =	ssyncset.done $0x0  }
0x2d: {  	[sflag:s18] =	ssyncadd.s32 $0xFFFFE000  }
0x2e: {  	[spmem:s9] =	stream.linear.scatter [tilespmem:s17], [sflag:$0x3], $0x1E00, $0x38;
	[tilespmem:$0x1C940] =	vst v63  }
0x2f: {  	s0 =	stileid.u32;
	_ =	swait.ge [sflag:s18], $0x1E00  }
0x30: {  	s1 =	sshll.u32 s0, $0x6;
	[sflag:s18] =	ssyncset.done $0x0  }
0x31: {  	s30 =	sor.u32 $0x1C03, s1;
	[sflag:s18] =	ssyncadd.s32 $0xFFFFE200  }
0x32: {  	[spmem:s19], [sflag:s30] =	dma.local [hbm:s10], $0x1388  }
0x33: {  	_ =	swait.ge [sflag:s18], $0x1388  }
0x34: {  	[sflag:s18] =	ssyncset.done $0x0  }
0x35: {  	[sflag:s18] =	ssyncadd.s32 $0xFFFFEC78  }
0x36: {  	[tilespmem:s4], [sflag:$0x3] =	stream.linear.gather [hbm4b:s11+s4], $0x2700, $0x38;
	[tilespmem:$0x1C940] =	vst v63  }
0x37: {  	_ =	swait.ge [sflag:s18], $0x2700  }
0x38: {  	[sflag:s18] =	ssyncset.done $0x0  }
0x39: {  	s1 =	simm.s32 $0x2780;
	[sflag:s18] =	ssyncadd.s32 $0xFFFFD900  }
0x3a: {  	[tilespmem:s1], [sflag:$0x3] =	stream.linear.gather [hbm4b:s12+s4], $0x2700, $0x38;
	[tilespmem:$0x1C940] =	vst v63  }
0x3b: {  	_ =	swait.ge [sflag:s18], $0x2700  }
0x3c: {  	[sflag:s18] =	ssyncset.done $0x0  }
0x3d: {  	s31 =	simm.s32 @!p0 $0x2700;
	s1 =	simm.s32 @!p0 $0x0;
	[sflag:s18] =	ssyncadd.s32 $0xFFFFD900  }
0x3e: {  	[tilespmem:s31], [sflag:$0x3] =	stream.linear.gather @!p0 [hbm4b:s13+s1], $0x80, $0x38;
	[tilespmem:$0x1C940] =	vst v63  }
0x3f: {  	s31 =	simm.s32 @!p0 $0x3  }
0x40: {  	_ =	swait.ge @!p0 [sflag:s31], $0x80  }
0x41: {  	[sflag:s31] =	ssyncset.done @!p0 $0x0  }
0x42: {  	s0 =	simm.s32 @!p0 $0x4E80;
	[sflag:s31] =	ssyncadd.s32 @!p0 $0xFFFFFF80  }
0x43: {  	[tilespmem:s0], [sflag:$0x3] =	stream.linear.gather @!p0 [hbm4b:s14+s1], $0x80, $0x38;
	[tilespmem:$0x1C940] =	vst v63  }
0x44: {  	_ =	swait.ge @!p0 [sflag:s31], $0x80  }
0x45: {  	[sflag:s31] =	ssyncset.done @!p0 $0x0  }
0x46: {  	[sflag:s31] =	ssyncadd.s32 @!p0 $0xFFFFFF80  }
0x47: {  	s20 =	simm.s32 $0x0;
	[bflag:$0x0] =	sbarrier.arrive $0xFFFF  }
0x48: {  	[tilespmem:s17], [sflag:$0x1] =	stream.indirect.gather [spmem:s3], $0x40, s20, s21, $0xb8;
	[tilespmem:$0x1C940] =	vst v63  }
0x49: {  	s25 =	simm.s32 $0x80  }
0x4a: {  	[tilespmem:s22], [sflag:$0x2] =	stream.indirect.gather [spmem:s3], $0x40, s25, s21, $0xb8;
	[tilespmem:$0x1C940] =	vst v63  }
0x4b: {  	_ =	swait.ge [sflag:s23], $0x2000  }
0x4c: {  	[sflag:s23] =	ssyncset.done $0x0  }
0x4d: {  	s1 =	simm.s32 $0x2780;
	[sflag:s23] =	ssyncadd.s32 $0xFFFFE000  }
0x4e: {  	[spmem:s2] =	stream.indirect.scatter.add.f32 [tilespmem:s17], [sflag:$0x3], $0x40, s1, s21, $0xb8;
	[tilespmem:$0x1C940] =	vst v63  }
0x4f: {  	_ =	swait.ge [sflag:s18], $0x2000  }
0x50: {  	[sflag:s18] =	ssyncset.done $0x0  }
0x51: {  	s20 =	simm.s32 $0x100;
	[sflag:s18] =	ssyncadd.s32 $0xFFFFE000  }
0x52: {  	[tilespmem:s17], [sflag:$0x1] =	stream.indirect.gather [spmem:s3], $0x40, s20, s21, $0xb8;
	[tilespmem:$0x1C940] =	vst v63  }
0x53: {  	_ =	swait.ge [sflag:s24], $0x2000  }
0x54: {  	[sflag:s24] =	ssyncset.done $0x0  }
0x55: {  	s25 =	simm.s32 $0x2800;
	[sflag:s24] =	ssyncadd.s32 $0xFFFFE000  }
0x56: {  	[spmem:s2] =	stream.indirect.scatter.add.f32 [tilespmem:s22], [sflag:$0x3], $0x40, s25, s21, $0xb8;
	[tilespmem:$0x1C940] =	vst v63  }
0x57: {  	_ =	swait.ge [sflag:s18], $0x2000  }
0x58: {  	s31 =	simm.s32 $0x100;
	s1 =	simm.s32 $0x800;
	[sflag:s18] =	ssyncset.done $0x0  }
.LBB2_4:
0x59: {  	s0 =	sadd.s32 $0x80, s31  }
0x5a: {  	[sflag:s18] =	ssyncadd.s32 $0xFFFFE000;
	s20 =	smov.u32 s1;
	s25 =	sadd.s32 $0x400, s1  }
0x5b: {  	[tilespmem:s22], [sflag:$0x2] =	stream.indirect.gather [spmem:s3], $0x40, s0, s21, $0xb8;
	[tilespmem:$0x1C940] =	vst v63  }
0x5c: {  	p1 =	sne.s32 s1, $0x9400;
	_ =	swait.ge [sflag:s23], $0x2000  }
0x5d: {  	[sflag:s23] =	ssyncset.done $0x0  }
0x5e: {  	s0 =	sadd.s32 $0x2780, s31;
	[sflag:s23] =	ssyncadd.s32 $0xFFFFE000  }
0x5f: {  	[spmem:s2] =	stream.indirect.scatter.add.f32 [tilespmem:s17], [sflag:$0x3], $0x40, s0, s21, $0xb8;
	[tilespmem:$0x1C940] =	vst v63  }
0x60: {  	_ =	swait.ge [sflag:s18], $0x2000  }
0x61: {  	[sflag:s18] =	ssyncset.done $0x0  }
0x62: {  	s0 =	sadd.s32 $0x100, s31;
	[sflag:s18] =	ssyncadd.s32 $0xFFFFE000  }
0x63: {  	[tilespmem:s17], [sflag:$0x1] =	stream.indirect.gather [spmem:s3], $0x40, s0, s21, $0xb8;
	[tilespmem:$0x1C940] =	vst v63  }
0x64: {  	_ =	swait.ge [sflag:s24], $0x2000  }
.Ltmp1:
0x65: {  	[sflag:s24] =	ssyncset.done $0x0;
	(pc) =	sbr.rel @p1 .LBB2_4-.Ltmp1, $4  }
0x66: {  	s0 =	sadd.s32 $0x2800, s31;
	[sflag:s24] =	ssyncadd.s32 $0xFFFFE000  }
0x67: {  	[spmem:s2] =	stream.indirect.scatter.add.f32 [tilespmem:s22], [sflag:$0x3], $0x40, s0, s21, $0xb8;
	[tilespmem:$0x1C940] =	vst v63  }
0x68: {  	_ =	swait.ge [sflag:s18], $0x2000  }
0x69: {  	s1 =	smov.u32 s25;
	s31 =	sshra.s32 s20, $0x2;
	[sflag:s18] =	ssyncset.done $0x0  }
0x6a: {  	s0 =	sadd.s32 $0x80, s31;
	[sflag:s18] =	ssyncadd.s32 $0xFFFFE000  }
0x6b: {  	[tilespmem:s22], [sflag:$0x2] =	stream.indirect.gather [spmem:s3], $0x40, s0, s21, $0xb8;
	[tilespmem:$0x1C940] =	vst v63  }
0x6c: {  	_ =	swait.ge [sflag:s23], $0x2000  }
0x6d: {  	[sflag:s23] =	ssyncset.done $0x0  }
0x6e: {  	s25 =	sadd.s32 $0x2780, s31;
	[sflag:s23] =	ssyncadd.s32 $0xFFFFE000  }
0x6f: {  	[spmem:s2] =	stream.indirect.scatter.add.f32 [tilespmem:s17], [sflag:$0x3], $0x40, s25, s21, $0xb8;
	[tilespmem:$0x1C940] =	vst v63  }
0x70: {  	_ =	swait.ge [sflag:s18], $0x2000  }
0x71: {  	[sflag:s18] =	ssyncset.done $0x0  }
0x72: {  	s1 =	sadd.s32 $0x100, s31;
	[sflag:s18] =	ssyncadd.s32 $0xFFFFE000  }
0x73: {  	[tilespmem:s17], [sflag:$0x1] =	stream.indirect.gather [spmem:s3], $0x40, s1, s21, $0xb8;
	[tilespmem:$0x1C940] =	vst v63  }
0x74: {  	_ =	swait.ge [sflag:s24], $0x2000  }
0x75: {  	[sflag:s24] =	ssyncset.done $0x0  }
0x76: {  	s20 =	sadd.s32 $0x2800, s31;
	[sflag:s24] =	ssyncadd.s32 $0xFFFFE000  }
0x77: {  	[spmem:s2] =	stream.indirect.scatter.add.f32 [tilespmem:s22], [sflag:$0x3], $0x40, s20, s21, $0xb8;
	[tilespmem:$0x1C940] =	vst v63  }
0x78: {  	_ =	swait.ge [sflag:s18], $0x2000  }
0x79: {  	[sflag:s18] =	ssyncset.done $0x0  }
0x7a: {  	s25 =	simm.s32 $0x2680;
	[sflag:s18] =	ssyncadd.s32 $0xFFFFE000  }
0x7b: {  	[tilespmem:s22], [sflag:$0x2] =	stream.indirect.gather [spmem:s3], $0x40, s25, s21, $0xb8;
	[tilespmem:$0x1C940] =	vst v63  }
0x7c: {  	_ =	swait.ge [sflag:s23], $0x2000  }
0x7d: {  	[sflag:s23] =	ssyncset.done $0x0  }
0x7e: {  	[sflag:s23] =	ssyncadd.s32 $0xFFFFE000  }
0x7f: {  	[spmem:s2] =	stream.indirect.scatter.add.f32 [tilespmem:s17], [sflag:$0x3], $0x40, s26, s21, $0xb8;
	[tilespmem:$0x1C940] =	vst v63  }
0x80: {  	_ =	swait.ge [sflag:s18], $0x2000  }
0x81: {  	[sflag:s18] =	ssyncset.done $0x0  }
0x82: {  	[sflag:s18] =	ssyncadd.s32 $0xFFFFE000  }
0x83: {  	_ =	swait.ge [sflag:s24], $0x2000  }
0x84: {  	[sflag:s24] =	ssyncset.done $0x0  }
0x85: {  	[sflag:s24] =	ssyncadd.s32 $0xFFFFE000  }
0x86: {  	[spmem:s2] =	stream.indirect.scatter.add.f32 [tilespmem:s22], [sflag:$0x3], $0x40, s28, s21, $0xb8;
	[tilespmem:$0x1C940] =	vst v63  }
0x87: {  	_ =	swait.ge [sflag:s18], $0x2000  }
0x88: {  	s0 =	simm.s32 @!p0 $0x80;
	[sflag:s18] =	ssyncset.done $0x0  }
0x89: {  	s1 =	simm.s32 @!p0 $0x2700;
	s20 =	simm.s32 @!p0 $0x4F00;
	[sflag:s18] =	ssyncadd.s32 $0xFFFFE000  }
0x8a: {  	[tilespmem:s20], [sflag:$0x1] =	stream.indirect.gather @!p0 [spmem:s3], $0x40, s1, s0, $0xb8;
	[tilespmem:$0x1C940] =	vst v63  }
0x8b: {  	s1 =	simm.s32 @!p0 $0x1  }
0x8c: {  	_ =	swait.ge @!p0 [sflag:s1], $0x2000  }
0x8d: {  	[sflag:s1] =	ssyncset.done @!p0 $0x0  }
0x8e: {  	[sflag:s1] =	ssyncadd.s32 @!p0 $0xFFFFE000;
	s1 =	simm.s32 @!p0 $0x4E80  }
0x8f: {  	[spmem:s2] =	stream.indirect.scatter.add.f32 @!p0 [tilespmem:s20], [sflag:$0x3], $0x40, s1, s0, $0xb8;
	[tilespmem:$0x1C940] =	vst v63  }
0x90: {  	s0 =	simm.s32 @!p0 $0x3  }
0x91: {  	_ =	swait.ge @!p0 [sflag:s0], $0x2000  }
0x92: {  	s29 =	sadd.s32 $0x1, s29;
	[sflag:s0] =	ssyncset.done @!p0 $0x0  }
0x93: {  	p1 =	sne.s32 s29, s16;
	[sflag:s0] =	ssyncadd.s32 @!p0 $0xFFFFE000  }
.Ltmp2:
0x94: {  	s31 =	sshrl.u32 s5, $0x3;
	[bflag:$0x0] =	sbarrier.arrive $0xFFFF;
	(pc) =	sbr.rel @p1 .LBB2_1-.Ltmp2, $4  }
0x95: {  	[hbm:s15], [sflag:s30] =	dma.local [spmem:s31], $0x13C0  }
0x96: {  	_ =	swait.ge [sflag:s18], $0x13C0  }
0x97: {  	[sflag:s18] =	ssyncset.done $0x0  }
0x98: {  	[sflag:s18] =	ssyncadd.s32 $0xFFFFEC40  }
0x99: {  	_ =	sfence.sel $0x180000  }
0x9a: {  	[bflag:$0x0] =	sbarrier.arrive $0xFFFF  }
0x9b: {  	_ =	strace $0x90000050  }
0x9c: {  	s0 =	stileid.u32;
	[bflag:$0x2] =	sbarrier.arrive $0xFFFF  }
0x9d: {  	p0 =	sne.s32 s0, $0x0;
	s0 =	rddreg [dreg:$0x3]  }
0x9e: {  	s0 =	sadd.s32 @!p0 $0x100000, s0  }
0x9f: {  	[sflag:s0] =	ssyncadd.tile.s32 @!p0 $0x1;
	_ =	shalt  }
.Lfunc_end2:
_tile_overlayer_lowered:
.L_overlay_start_2:
0xa0: {  	(tag) =	ssettag $0x2  }
0xa1: {  	s0 =	rddreg [dreg:$0x0];
	s2 =	stileid.u32  }
0xa2: {  	s1 =	rddreg [dreg:$0x1];
	p0 =	sne.s32 s2, $0x0  }
0xa3: {  	s3 =	rddreg [dreg:$0x2];
	[bflag:$0x3] =	sbarrier.arrive $0xFFFF;
	s2 =	simm.s32 @!p0 $0x1C03  }
0xa4: {  	[timem:s3], [sflag:s2] =	dma.local @!p0 [hbm:s0], s1  }
0xa5: {  	s0 =	simm.s32 @!p0 $0x3  }
0xa6: {  	_ =	swait.ge @!p0 [sflag:s0], s1  }
0xa7: {  	s1 =	ssub.s32 @!p0 $0x0, s1;
	[sflag:s0] =	ssyncset.done @!p0 $0x0  }
0xa8: {  	[sflag:s0] =	ssyncadd.s32 @!p0 s1  }
0xa9: {  	[bflag:$0x3] =	sbarrier.arrive $0xFFFF  }
0xaa: {  	_ =	shalt  }

// kernel: kernel.23.cloned.1.call-start
scs
__scs_entry_jumppad:
0x0: {  	(pc) =	sbr.rel $0x88, $3  }
0x1: {  	(tag) =	ssettag $0x0;
	lr =	simm.s32 $0x1  }
0x2: {  	[smem:$0x3F97] =	sst lr;
	_ =	strace $0xD0000000  }
0x3: {  	_ = 	snop  }
0x4: {  	_ = 	snop  }
0x5: {  	_ = 	snop  }
0x6: {  	_ = 	snop  }
0x7: {  	_ = 	snop  }
__scs_overlays_trampoline_lowered:
0x8: {  	[smem:$0x3FA6] =	sst s0  }
0x9: {  	[smem:$0x3FA7] =	sst s1  }
0xa: {  	[smem:$0x3FA8] =	sst s2  }
0xb: {  	[smem:$0x3FA9] =	sst s3  }
0xc: {  	[smem:$0x3FAA] =	sst s4  }
0xd: {  	[smem:$0x3FAB] =	sst s5  }
0xe: {  	[smem:$0x3FAC] =	sst s6  }
0xf: {  	[smem:$0x3FAD] =	sst s7  }
0x10: {  	[smem:$0x3FAE] =	sst s8  }
0x11: {  	[smem:$0x3FAF] =	sst s9;
	s0 =	simm.s32 @!p0 $0x0  }
0x12: {  	s1 =	sld [smem:$0x3F95];
	s0 =	simm.s32 @p0 $0x1  }
0x13: {  	[smem:$0x3FB0] =	sst s0;
	s0 =	simm.s32 @!p1 $0x0  }
0x14: {  	s2 =	sld [smem:$0x3F94];
	s0 =	simm.s32 @p1 $0x1  }
0x15: {  	[smem:$0x3FB1] =	sst s0;
	s0 =	simm.s32 @!p2 $0x0  }
0x16: {  	s3 =	sld [smem:$0x3FDB];
	s0 =	simm.s32 @p2 $0x1  }
0x17: {  	s4 =	simm.s32 $0x1BF5;
	[smem:$0x3FB3] =	sst s0  }
0x18: {  	s0 =	sld [smem:$0x3F96];
	_ =	swait.ge [sflag:s4], $0x0  }
0x19: {  	s7 =	sld [smem:$0x3F97]  }
0x1a: {  	s8 =	sadd.s32 $0xFFFFE003, lr  }
0x1b: {  	s9 =	sadd.s32 $0xFFFFFEF7, lr;
	s5 =	simm.s32 $0xFFFFFFFF;
	p2 =	slt.u32 s8, $0xFFFFF086  }
0x1c: {  	p1 =	slt.u32 s9, $0xF7A;
	s5 =	simm.s32 @!p2 $0x0  }
0x1d: {  	s5 =	simm.s32 @p1 $0x1;
	p0 =	seq.s32 s7, s2  }
0x1e: {  	s7 =	smul.u32 @!p0 $0xF7A, s2;
	p2 =	seq.s32 @!p0 s5, $0x0  }
0x1f: {  	s9 =	smul.u32 $0xF7A, s1;
	s8 =	simm.s32 @!p0 $0x1BF5;
	p2 =	por !p2, p0  }
0x20: {  	[sflag:s8] =	ssyncset.s32 @!p0 $0xFFFFF086;
	s6 =	sadd.s32 @!p0 s3, s7;
	s7 =	simm.s32 @!p0 $0x108  }
0x21: {  	s3 =	sadd.s32 s3, s9;
	s6 =	sadd.s32 @!p0 $0x88, s6;
	s7 =	simm.s32 @p2 $0x1082  }
0x22: {  	[simem:s7], [sflag:s8] =	dma.local @!p0 [hbm:s6], $0xF7A  }
0x23: {  	s9 =	sor.u32 $0xD0000000, s2;
	s6 =	simm.s32 $0x108;
	_ =	swait.ge @!p0 [sflag:s8], $0x0  }
0x24: {  	s3 =	sadd.s32 $0x88, s3;
	s6 =	simm.s32 @!p1 $0x1082;
	[sflag:s4] =	ssyncset.s32 $0xFFFFF086  }
0x25: {  	[simem:s6], [sflag:s4] =	dma.local [hbm:s3], $0xF7A  }
0x26: {  	[smem:$0x3F97] =	sst s1;
	(tag) =	ssettag s2;
	_ =	strace s9  }
0x27: {  	s1 =	sld [smem:$0x3FA7]  }
0x28: {  	s2 =	sld [smem:$0x3FA8]  }
0x29: {  	s4 =	sld [smem:$0x3FAA]  }
0x2a: {  	p0 =	seq.s32 s5, $0x0;
	s5 =	sld [smem:$0x3FAB]  }
0x2b: {  	s6 =	sld [smem:$0x3FAC]  }
0x2c: {  	s7 =	sld [smem:$0x3FAD]  }
0x2d: {  	s3 =	simm.s32 $0x108;
	s8 =	sld [smem:$0x3FAE]  }
0x2e: {  	s3 =	simm.s32 @!p0 $0x1082;
	s9 =	sld [smem:$0x3FAF]  }
0x2f: {  	lr =	sadd.s32 s0, s3;
	s0 =	sld [smem:$0x3FA6]  }
0x30: {  	s3 =	sld [smem:$0x3FA9]  }
0x31: {  	[smem:$0x3FB2] =	sst s10  }
0x32: {  	s10 =	sld [smem:$0x3FB0];
	_ =	sdelay $0x3  }
0x33: {  	p0 =	seq.s32 s10, $0x1;
	s10 =	sld [smem:$0x3FB2];
	_ =	sdelay $0x3  }
0x34: {  	[smem:$0x3FB2] =	sst s10  }
0x35: {  	s10 =	sld [smem:$0x3FB1];
	_ =	sdelay $0x3  }
0x36: {  	p1 =	seq.s32 s10, $0x1;
	s10 =	sld [smem:$0x3FB2];
	_ =	sdelay $0x3  }
0x37: {  	[smem:$0x3FB2] =	sst s10  }
0x38: {  	s10 =	sld [smem:$0x3FB3]  }
0x39: {  	_ = 	snop;
	(pc) =	sbr.ind lr, $3  }
0x3a: {  	_ = 	snop  }
0x3b: {  	_ = 	snop  }
0x3c: {  	p2 =	seq.s32 s10, $0x1;
	s10 =	sld [smem:$0x3FB2]  }
0x3d: {  	_ =	shalt  }
0x3e: {  	_ =	shalt  }
0x3f: {  	_ =	shalt  }
0x40: {  	_ =	shalt  }
0x41: {  	_ =	shalt  }
0x42: {  	_ =	shalt  }
0x43: {  	_ =	shalt  }
0x44: {  	_ =	shalt  }
0x45: {  	_ =	shalt  }
0x46: {  	_ =	shalt  }
0x47: {  	_ =	shalt  }
0x48: {  	_ =	shalt  }
0x49: {  	_ =	shalt  }
0x4a: {  	_ =	shalt  }
0x4b: {  	_ =	shalt  }
0x4c: {  	_ =	shalt  }
0x4d: {  	_ =	shalt  }
0x4e: {  	_ =	shalt  }
0x4f: {  	_ =	shalt  }
0x50: {  	_ =	shalt  }
0x51: {  	_ =	shalt  }
0x52: {  	_ =	shalt  }
0x53: {  	_ =	shalt  }
0x54: {  	_ =	shalt  }
0x55: {  	_ =	shalt  }
0x56: {  	_ =	shalt  }
0x57: {  	_ =	shalt  }
0x58: {  	_ =	shalt  }
0x59: {  	_ =	shalt  }
0x5a: {  	_ =	shalt  }
0x5b: {  	_ =	shalt  }
0x5c: {  	_ =	shalt  }
0x5d: {  	_ =	shalt  }
0x5e: {  	_ =	shalt  }
0x5f: {  	_ =	shalt  }
0x60: {  	_ =	shalt  }
0x61: {  	_ =	shalt  }
0x62: {  	_ =	shalt  }
0x63: {  	_ =	shalt  }
0x64: {  	_ =	shalt  }
0x65: {  	_ =	shalt  }
0x66: {  	_ =	shalt  }
0x67: {  	_ =	shalt  }
0x68: {  	_ =	shalt  }
0x69: {  	_ =	shalt  }
0x6a: {  	_ =	shalt  }
0x6b: {  	_ =	shalt  }
0x6c: {  	_ =	shalt  }
0x6d: {  	_ =	shalt  }
0x6e: {  	_ =	shalt  }
0x6f: {  	_ =	shalt  }
0x70: {  	_ =	shalt  }
0x71: {  	_ =	shalt  }
0x72: {  	_ =	shalt  }
0x73: {  	_ =	shalt  }
0x74: {  	_ =	shalt  }
0x75: {  	_ =	shalt  }
0x76: {  	_ =	shalt  }
0x77: {  	_ =	shalt  }
0x78: {  	_ =	shalt  }
0x79: {  	_ =	shalt  }
0x7a: {  	_ =	shalt  }
0x7b: {  	_ =	shalt  }
0x7c: {  	_ =	shalt  }
0x7d: {  	_ =	shalt  }
0x7e: {  	_ =	shalt  }
0x7f: {  	_ =	shalt  }
0x80: {  	_ =	shalt  }
0x81: {  	_ =	shalt  }
0x82: {  	_ =	shalt  }
0x83: {  	_ =	shalt  }
0x84: {  	_ =	shalt  }
0x85: {  	_ =	shalt  }
0x86: {  	_ =	shalt  }
0x87: {  	_ =	shalt  }
.Lfunc_end0:
.L_simem_size_0:
called_computation.4_lowered:
.L_overlay_start_0:
0x88: {  	s2 =	sld [smem:$0x3FD9]  }
0x89: {  	s3 =	sld [smem:$0x3FFE];
	_ =	sdelay $0x1  }
0x8a: {  	s1 =	srdreg.scid  }
0x8b: {  	s0 =	sand.u32 $0x1, s1  }
0x8c: {  	s16 =	sshll.u32 s0, $0xA;
	s2 =	sadd.s32 s3, s2  }
0x8d: {  	s2 =	sadd.s32 s2, s16  }
0x8e: {  	[smem:$0x3FBE] =	sst s2  }
0x8f: {  	_ = 	snop  }
0x90: {  	(tm) =	ssettm $0x1  }
0x91: {  	s17 =	sld [smem:$0x3FFB];
	_ =	sdelay $0x3  }
0x92: {  	_ =	strace s17  }
0x93: {  	s2 =	sld [smem:$0x3FFC];
	_ =	sdelay $0x3  }
0x94: {  	_ =	strace s2  }
0x95: {  	s2 =	sld [smem:$0x3FFD];
	_ =	sdelay $0x3  }
0x96: {  	_ =	strace s2  }
0x97: {  	_ =	strace $0x8FFFFFFF  }
0x98: {  	s18 =	sld [smem:$0x3FDB];
	_ =	sdelay $0x1  }
0x99: {  	s19 =	simm.s32 $_scs_section_size  }
0x9a: {  	s4 =	simm.s32 $_size__tile_overlayer_lowered;
	s5 =	simm.s32 $_tile_overlayer_lowered  }
0x9b: {  	s22 =	simm.s32 $0x1BFF;
	s21 =	sshll.u32 s5, $0x1;
	s2 =	sadd.s32 s19, s18  }
0x9c: {  	s6 =	simm.s32 $0x0;
	s20 =	sshll.u32 s4, $0x1;
	s4 =	sadd.s32 s21, s2  }
0x9d: {  	[timem:s6], [sflag:s22] =	dma.local [hbm:s4], s20  }
0x9e: {  	_ =	swait.ge [sflag:s22], s20  }
0x9f: {  	s3 =	ssub.s32 $0x0, s20;
	[sflag:s22] =	ssyncset.done $0x0  }
0xa0: {  	[sflag:s22] =	ssyncadd.s32 s3;
	_ =	sdelay $0x1  }
0xa1: {  	s23 =	simm.s32 $0x1B8B  }
0xa2: {  	_ =	swait.ge [sflag:s23], $0x1  }
0xa3: {  	[sflag:s23] =	ssyncset.done $0x0  }
0xa4: {  	s25 =	simm.s32 $0x1B8E;
	s24 =	sld [smem:$0x3FFE];
	[sflag:s23] =	ssyncadd.s32 $0xFFFFFFFF  }
0xa5: {  	s26 =	simm.s32 $execute0_lowered;
	[smem:$0x3FD2] =	sst s25  }
0xa6: {  	s4 =	sshll.u32 s26, $0x1;
	_ =	strace $0x80000052;
	[dreg:$0x1] =	wrdreg $0xFFFFFFFF  }
0xa7: {  	s28 =	simm.s32 $_size_execute0_lowered;
	s2 =	sadd.s32 s2, s4;
	[dreg:$0x0] =	wrdreg $0x0  }
0xa8: {  	s4 =	sshll.u32 s28, $0x1;
	[dreg:$0x2] =	wrdreg s2  }
0xa9: {  	[dreg:$0x3] =	wrdreg s4  }
0xaa: {  	[dreg:$0x4] =	wrdreg $0xC0  }
0xab: {  	_ =	task [dreg:s6], $0x5FFFF  }
0xac: {  	[dreg:$0x1] =	wrdreg $0xFFFFFFFF  }
0xad: {  	[dreg:$0x0] =	wrdreg $0x60  }
0xae: {  	[dreg:$0x2] =	wrdreg s24  }
0xaf: {  	[dreg:$0x3] =	wrdreg $0x12B400  }
0xb0: {  	[dreg:$0x4] =	wrdreg $0x8F000  }
0xb1: {  	[dreg:$0x5] =	wrdreg $0x9  }
0xb2: {  	_ =	task.clear_ibuf [dreg:s6], $0x6FFFF;
	_ =	strace $0x90000052  }
0xb3: {  	s29 =	simm.s32 $0x9;
	_ =	strace $0x80000054  }
0xb4: {  	_ =	swait.ge [sflag:s29], $0x1  }
0xb5: {  	[sflag:s29] =	ssyncadd.s32 $0xFFFFFFFF  }
0xb6: {  	_ =	strace $0x90000054  }
0xb7: {  	_ =	sfence  }
0xb8: {  	s30 =	sld [smem:$0x0];
	_ =	sdelay $0x2  }
0xb9: {  	s31 =	sshll.u32 s1, $0xD;
	s1 =	sshrl.u32 s1, $0x2  }
0xba: {  	s3 =	sand.u32 $0x4000, s31;
	s1 =	sadd.s32 s1, s30  }
0xbb: {  	s0 =	sor.u32 s3, s0;
	s1 =	sshll.u32 s1, $0x11  }
0xbc: {  	s0 =	sor.u32 s1, s0  }
0xbd: {  	s0 =	sadd.s32 $0x8F2B, s0  }
0xbe: {  	[sflag:s0] =	ssyncadd.remote.s32 $0x1  }
0xbf: {  	_ =	sfence.sel $0xFFFF  }
0xc0: {  	[dreg:$0x0] =	wrdreg $0xFFFFFFFF;
	(pc) =	sbr.abs _section_cstart, $3  }
0xc1: {  	[dreg:$0x1] =	wrdreg $0xFFFFFFFF  }
0xc2: {  	_ =	task.clear_ibuf [dreg:s6], $0x2FFFF;
	_ =	strace $0x9FFFFFFF  }
0xc3: {  	(tm) =	ssettm $0x7FFFFFFF  }
tec
execute0_lowered:
.L_overlay_start_1:
0x0: {  	(tag) =	ssettag $0x1  }
0x1: {  	s1 =	srdreg.scid  }
0x2: {  	s0 =	stileid.u32;
	s5 =	rddreg [dreg:$0x0]  }
0x3: {  	s2 =	rddreg [dreg:$0x1];
	s4 =	simm.s32 $0x0;
	s17 =	simm.s32 $0x4F00  }
0x4: {  	s18 =	simm.s32 $0x3;
	s21 =	simm.s32 $0x80;
	s22 =	simm.s32 $0x6F00  }
0x5: {  	s23 =	simm.s32 $0x1;
	s28 =	simm.s32 $0x4E00;
	s10 =	smul.u32 $0x9C40, s0  }
0x6: {  	s29 =	simm.s32 $0x0;
	s1 =	sand.u32 $0x1, s1;
	s8 =	smul.u32 $0x9E00, s0  }
0x7: {  	s3 =	sshll.u32 s0, $0x1;
	[smem:$0x7FF] =	sst s4;
	s11 =	smul.u32 $0x27800, s0  }
0x8: {  	p0 =	sgt.u32 s0, $0x1;
	s6 =	sor.u32 s1, s3;
	s3 =	rddreg [dreg:$0x2]  }
0x9: {  	_ =	strace $0x80000053;
	s24 =	smul.u32 $0x9E000, s1;
	s1 =	ssub.s32 $0x2, s1  }
0xa: {  	s7 =	smul.u32 $0x4E, s6;
	s6 =	smin.u32 s6, $0x4;
	s9 =	sshrl.u32 s10, $0x3  }
0xb: {  	s26 =	sshrl.u32 s11, $0x2;
	s30 =	sshrl.u32 s1, $0x1;
	s19 =	sadd.s32 s10, s3  }
0xc: {  	s12 =	sadd.s32 s9, s5;
	s25 =	sadd.s32 s8, s24;
	s31 =	sadd.s32 s26, s2  }
0xd: {  	s1 =	ssub.s32 s1, s30;
	s19 =	sshrl.u32 s19, $0x3;
	s24 =	simm.s32 $0x2  }
0xe: {  	s26 =	simm.s32 $0x4D80;
	s6 =	sadd.s32 s6, s7;
	s7 =	sadd.s32 $0x4000, s31  }
0xf: {  	s9 =	sadd.s32 $0x8000, s31;
	s10 =	sadd.s32 $0x65E00, s12;
	s6 =	sshll.u32 s6, $0x4  }
0x10: {  	s16 =	smax.u32 s1, $0x1;
	s14 =	sadd.s32 s6, s5;
	s6 =	sshrl.u32 s25, $0x3  }
0x11: {  	s15 =	sadd.s32 s6, s5;
	s5 =	sadd.s32 s8, s2;
	s6 =	sadd.s32 $0x2000, s31  }
0x12: {  	s8 =	sadd.s32 $0x6000, s31;
	s11 =	sadd.s32 $0x3400, s14;
	s12 =	sadd.s32 $0xD040, s14  }
0x13: {  	v0 =	vimm.f32 $0.0e+00;
	s13 =	sadd.s32 $0x38E0, s14;
	s14 =	sadd.s32 $0xD520, s14;
	s15 =	sadd.s32 $0x79800, s15  }
.LBB2_1:
0x14: {  	s31 =	simm.s32 $0x100;
	s30 =	simm.s32 $0x0  }
.LBB2_2:
0x15: {  	p1 =	sne.s32 s31, $0x7F00;
	[tilespmem:s30+$0x4F30] =	vst v0;
	s1 =	smov.u32 s31;
	s31 =	sadd.s32 $0x100, s31  }
.Ltmp0:
0x16: {  	[tilespmem:s30+$0x4F20] =	vst v0;
	(pc) =	sbr.rel @p1 .LBB2_2-.Ltmp0, $3  }
0x17: {  	[tilespmem:s30+$0x4F00] =	vst v0  }
0x18: {  	[tilespmem:s30+$0x4F10] =	vst v0;
	_ =	sdelay $0x1  }
0x19: {  	s30 =	sshra.s32 s1, $0x2  }
0x1a: {  	[tilespmem:s30+$0x4F30] =	vst v0  }
0x1b: {  	[tilespmem:s30+$0x4F20] =	vst v0  }
0x1c: {  	[tilespmem:s30+$0x4F00] =	vst v0  }
0x1d: {  	[tilespmem:s30+$0x4F10] =	vst v0  }
0x1e: {  	[spmem:s5] =	stream.linear.scatter [tilespmem:s17], [sflag:$0x3], $0x2000, $0x38;
	[tilespmem:$0x1C940] =	vst v63  }
0x1f: {  	_ =	swait.ge [sflag:s18], $0x2000  }
0x20: {  	[sflag:s18] =	ssyncset.done $0x0  }
0x21: {  	[sflag:s18] =	ssyncadd.s32 $0xFFFFE000  }
0x22: {  	[spmem:s6] =	stream.linear.scatter [tilespmem:s17], [sflag:$0x3], $0x2000, $0x38;
	[tilespmem:$0x1C940] =	vst v63  }
0x23: {  	_ =	swait.ge [sflag:s18], $0x2000  }
0x24: {  	[sflag:s18] =	ssyncset.done $0x0  }
0x25: {  	[sflag:s18] =	ssyncadd.s32 $0xFFFFE000  }
0x26: {  	[spmem:s7] =	stream.linear.scatter [tilespmem:s17], [sflag:$0x3], $0x2000, $0x38;
	[tilespmem:$0x1C940] =	vst v63  }
0x27: {  	_ =	swait.ge [sflag:s18], $0x2000  }
0x28: {  	[sflag:s18] =	ssyncset.done $0x0  }
0x29: {  	[sflag:s18] =	ssyncadd.s32 $0xFFFFE000  }
0x2a: {  	[spmem:s8] =	stream.linear.scatter [tilespmem:s17], [sflag:$0x3], $0x2000, $0x38;
	[tilespmem:$0x1C940] =	vst v63  }
0x2b: {  	_ =	swait.ge [sflag:s18], $0x2000  }
0x2c: {  	[sflag:s18] =	ssyncset.done $0x0  }
0x2d: {  	[sflag:s18] =	ssyncadd.s32 $0xFFFFE000  }
0x2e: {  	[spmem:s9] =	stream.linear.scatter [tilespmem:s17], [sflag:$0x3], $0x1E00, $0x38;
	[tilespmem:$0x1C940] =	vst v63  }
0x2f: {  	s0 =	stileid.u32;
	_ =	swait.ge [sflag:s18], $0x1E00  }
0x30: {  	s1 =	sshll.u32 s0, $0x6;
	[sflag:s18] =	ssyncset.done $0x0  }
0x31: {  	s30 =	sor.u32 $0x1C03, s1;
	[sflag:s18] =	ssyncadd.s32 $0xFFFFE200  }
0x32: {  	[spmem:s19], [sflag:s30] =	dma.local [hbm:s10], $0x1388  }
0x33: {  	_ =	swait.ge [sflag:s18], $0x1388  }
0x34: {  	[sflag:s18] =	ssyncset.done $0x0  }
0x35: {  	[sflag:s18] =	ssyncadd.s32 $0xFFFFEC78  }
0x36: {  	[tilespmem:s4], [sflag:$0x3] =	stream.linear.gather [hbm4b:s11+s4], $0x2700, $0x38;
	[tilespmem:$0x1C940] =	vst v63  }
0x37: {  	_ =	swait.ge [sflag:s18], $0x2700  }
0x38: {  	[sflag:s18] =	ssyncset.done $0x0  }
0x39: {  	s1 =	simm.s32 $0x2780;
	[sflag:s18] =	ssyncadd.s32 $0xFFFFD900  }
0x3a: {  	[tilespmem:s1], [sflag:$0x3] =	stream.linear.gather [hbm4b:s12+s4], $0x2700, $0x38;
	[tilespmem:$0x1C940] =	vst v63  }
0x3b: {  	_ =	swait.ge [sflag:s18], $0x2700  }
0x3c: {  	[sflag:s18] =	ssyncset.done $0x0  }
0x3d: {  	s31 =	simm.s32 @!p0 $0x2700;
	s1 =	simm.s32 @!p0 $0x0;
	[sflag:s18] =	ssyncadd.s32 $0xFFFFD900  }
0x3e: {  	[tilespmem:s31], [sflag:$0x3] =	stream.linear.gather @!p0 [hbm4b:s13+s1], $0x80, $0x38;
	[tilespmem:$0x1C940] =	vst v63  }
0x3f: {  	s31 =	simm.s32 @!p0 $0x3  }
0x40: {  	_ =	swait.ge @!p0 [sflag:s31], $0x80  }
0x41: {  	[sflag:s31] =	ssyncset.done @!p0 $0x0  }
0x42: {  	s0 =	simm.s32 @!p0 $0x4E80;
	[sflag:s31] =	ssyncadd.s32 @!p0 $0xFFFFFF80  }
0x43: {  	[tilespmem:s0], [sflag:$0x3] =	stream.linear.gather @!p0 [hbm4b:s14+s1], $0x80, $0x38;
	[tilespmem:$0x1C940] =	vst v63  }
0x44: {  	_ =	swait.ge @!p0 [sflag:s31], $0x80  }
0x45: {  	[sflag:s31] =	ssyncset.done @!p0 $0x0  }
0x46: {  	[sflag:s31] =	ssyncadd.s32 @!p0 $0xFFFFFF80  }
0x47: {  	s20 =	simm.s32 $0x0;
	[bflag:$0x0] =	sbarrier.arrive $0xFFFF  }
0x48: {  	[tilespmem:s17], [sflag:$0x1] =	stream.indirect.gather [spmem:s3], $0x40, s20, s21, $0xb8;
	[tilespmem:$0x1C940] =	vst v63  }
0x49: {  	s25 =	simm.s32 $0x80  }
0x4a: {  	[tilespmem:s22], [sflag:$0x2] =	stream.indirect.gather [spmem:s3], $0x40, s25, s21, $0xb8;
	[tilespmem:$0x1C940] =	vst v63  }
0x4b: {  	_ =	swait.ge [sflag:s23], $0x2000  }
0x4c: {  	[sflag:s23] =	ssyncset.done $0x0  }
0x4d: {  	s1 =	simm.s32 $0x2780;
	[sflag:s23] =	ssyncadd.s32 $0xFFFFE000  }
0x4e: {  	[spmem:s2] =	stream.indirect.scatter.add.f32 [tilespmem:s17], [sflag:$0x3], $0x40, s1, s21, $0xb8;
	[tilespmem:$0x1C940] =	vst v63  }
0x4f: {  	_ =	swait.ge [sflag:s18], $0x2000  }
0x50: {  	[sflag:s18] =	ssyncset.done $0x0  }
0x51: {  	s20 =	simm.s32 $0x100;
	[sflag:s18] =	ssyncadd.s32 $0xFFFFE000  }
0x52: {  	[tilespmem:s17], [sflag:$0x1] =	stream.indirect.gather [spmem:s3], $0x40, s20, s21, $0xb8;
	[tilespmem:$0x1C940] =	vst v63  }
0x53: {  	_ =	swait.ge [sflag:s24], $0x2000  }
0x54: {  	[sflag:s24] =	ssyncset.done $0x0  }
0x55: {  	s25 =	simm.s32 $0x2800;
	[sflag:s24] =	ssyncadd.s32 $0xFFFFE000  }
0x56: {  	[spmem:s2] =	stream.indirect.scatter.add.f32 [tilespmem:s22], [sflag:$0x3], $0x40, s25, s21, $0xb8;
	[tilespmem:$0x1C940] =	vst v63  }
0x57: {  	_ =	swait.ge [sflag:s18], $0x2000  }
0x58: {  	s31 =	simm.s32 $0x100;
	s1 =	simm.s32 $0x800;
	[sflag:s18] =	ssyncset.done $0x0  }
.LBB2_4:
0x59: {  	s0 =	sadd.s32 $0x80, s31  }
0x5a: {  	[sflag:s18] =	ssyncadd.s32 $0xFFFFE000;
	s20 =	smov.u32 s1;
	s25 =	sadd.s32 $0x400, s1  }
0x5b: {  	[tilespmem:s22], [sflag:$0x2] =	stream.indirect.gather [spmem:s3], $0x40, s0, s21, $0xb8;
	[tilespmem:$0x1C940] =	vst v63  }
0x5c: {  	p1 =	sne.s32 s1, $0x9400;
	_ =	swait.ge [sflag:s23], $0x2000  }
0x5d: {  	[sflag:s23] =	ssyncset.done $0x0  }
0x5e: {  	s0 =	sadd.s32 $0x2780, s31;
	[sflag:s23] =	ssyncadd.s32 $0xFFFFE000  }
0x5f: {  	[spmem:s2] =	stream.indirect.scatter.add.f32 [tilespmem:s17], [sflag:$0x3], $0x40, s0, s21, $0xb8;
	[tilespmem:$0x1C940] =	vst v63  }
0x60: {  	_ =	swait.ge [sflag:s18], $0x2000  }
0x61: {  	[sflag:s18] =	ssyncset.done $0x0  }
0x62: {  	s0 =	sadd.s32 $0x100, s31;
	[sflag:s18] =	ssyncadd.s32 $0xFFFFE000  }
0x63: {  	[tilespmem:s17], [sflag:$0x1] =	stream.indirect.gather [spmem:s3], $0x40, s0, s21, $0xb8;
	[tilespmem:$0x1C940] =	vst v63  }
0x64: {  	_ =	swait.ge [sflag:s24], $0x2000  }
.Ltmp1:
0x65: {  	[sflag:s24] =	ssyncset.done $0x0;
	(pc) =	sbr.rel @p1 .LBB2_4-.Ltmp1, $4  }
0x66: {  	s0 =	sadd.s32 $0x2800, s31;
	[sflag:s24] =	ssyncadd.s32 $0xFFFFE000  }
0x67: {  	[spmem:s2] =	stream.indirect.scatter.add.f32 [tilespmem:s22], [sflag:$0x3], $0x40, s0, s21, $0xb8;
	[tilespmem:$0x1C940] =	vst v63  }
0x68: {  	_ =	swait.ge [sflag:s18], $0x2000  }
0x69: {  	s1 =	smov.u32 s25;
	s31 =	sshra.s32 s20, $0x2;
	[sflag:s18] =	ssyncset.done $0x0  }
0x6a: {  	s0 =	sadd.s32 $0x80, s31;
	[sflag:s18] =	ssyncadd.s32 $0xFFFFE000  }
0x6b: {  	[tilespmem:s22], [sflag:$0x2] =	stream.indirect.gather [spmem:s3], $0x40, s0, s21, $0xb8;
	[tilespmem:$0x1C940] =	vst v63  }
0x6c: {  	_ =	swait.ge [sflag:s23], $0x2000  }
0x6d: {  	[sflag:s23] =	ssyncset.done $0x0  }
0x6e: {  	s25 =	sadd.s32 $0x2780, s31;
	[sflag:s23] =	ssyncadd.s32 $0xFFFFE000  }
0x6f: {  	[spmem:s2] =	stream.indirect.scatter.add.f32 [tilespmem:s17], [sflag:$0x3], $0x40, s25, s21, $0xb8;
	[tilespmem:$0x1C940] =	vst v63  }
0x70: {  	_ =	swait.ge [sflag:s18], $0x2000  }
0x71: {  	[sflag:s18] =	ssyncset.done $0x0  }
0x72: {  	s1 =	sadd.s32 $0x100, s31;
	[sflag:s18] =	ssyncadd.s32 $0xFFFFE000  }
0x73: {  	[tilespmem:s17], [sflag:$0x1] =	stream.indirect.gather [spmem:s3], $0x40, s1, s21, $0xb8;
	[tilespmem:$0x1C940] =	vst v63  }
0x74: {  	_ =	swait.ge [sflag:s24], $0x2000  }
0x75: {  	[sflag:s24] =	ssyncset.done $0x0  }
0x76: {  	s20 =	sadd.s32 $0x2800, s31;
	[sflag:s24] =	ssyncadd.s32 $0xFFFFE000  }
0x77: {  	[spmem:s2] =	stream.indirect.scatter.add.f32 [tilespmem:s22], [sflag:$0x3], $0x40, s20, s21, $0xb8;
	[tilespmem:$0x1C940] =	vst v63  }
0x78: {  	_ =	swait.ge [sflag:s18], $0x2000  }
0x79: {  	[sflag:s18] =	ssyncset.done $0x0  }
0x7a: {  	s25 =	simm.s32 $0x2680;
	[sflag:s18] =	ssyncadd.s32 $0xFFFFE000  }
0x7b: {  	[tilespmem:s22], [sflag:$0x2] =	stream.indirect.gather [spmem:s3], $0x40, s25, s21, $0xb8;
	[tilespmem:$0x1C940] =	vst v63  }
0x7c: {  	_ =	swait.ge [sflag:s23], $0x2000  }
0x7d: {  	[sflag:s23] =	ssyncset.done $0x0  }
0x7e: {  	[sflag:s23] =	ssyncadd.s32 $0xFFFFE000  }
0x7f: {  	[spmem:s2] =	stream.indirect.scatter.add.f32 [tilespmem:s17], [sflag:$0x3], $0x40, s26, s21, $0xb8;
	[tilespmem:$0x1C940] =	vst v63  }
0x80: {  	_ =	swait.ge [sflag:s18], $0x2000  }
0x81: {  	[sflag:s18] =	ssyncset.done $0x0  }
0x82: {  	[sflag:s18] =	ssyncadd.s32 $0xFFFFE000  }
0x83: {  	_ =	swait.ge [sflag:s24], $0x2000  }
0x84: {  	[sflag:s24] =	ssyncset.done $0x0  }
0x85: {  	[sflag:s24] =	ssyncadd.s32 $0xFFFFE000  }
0x86: {  	[spmem:s2] =	stream.indirect.scatter.add.f32 [tilespmem:s22], [sflag:$0x3], $0x40, s28, s21, $0xb8;
	[tilespmem:$0x1C940] =	vst v63  }
0x87: {  	_ =	swait.ge [sflag:s18], $0x2000  }
0x88: {  	s0 =	simm.s32 @!p0 $0x80;
	[sflag:s18] =	ssyncset.done $0x0  }
0x89: {  	s1 =	simm.s32 @!p0 $0x2700;
	s20 =	simm.s32 @!p0 $0x4F00;
	[sflag:s18] =	ssyncadd.s32 $0xFFFFE000  }
0x8a: {  	[tilespmem:s20], [sflag:$0x1] =	stream.indirect.gather @!p0 [spmem:s3], $0x40, s1, s0, $0xb8;
	[tilespmem:$0x1C940] =	vst v63  }
0x8b: {  	s1 =	simm.s32 @!p0 $0x1  }
0x8c: {  	_ =	swait.ge @!p0 [sflag:s1], $0x2000  }
0x8d: {  	[sflag:s1] =	ssyncset.done @!p0 $0x0  }
0x8e: {  	[sflag:s1] =	ssyncadd.s32 @!p0 $0xFFFFE000;
	s1 =	simm.s32 @!p0 $0x4E80  }
0x8f: {  	[spmem:s2] =	stream.indirect.scatter.add.f32 @!p0 [tilespmem:s20], [sflag:$0x3], $0x40, s1, s0, $0xb8;
	[tilespmem:$0x1C940] =	vst v63  }
0x90: {  	s0 =	simm.s32 @!p0 $0x3  }
0x91: {  	_ =	swait.ge @!p0 [sflag:s0], $0x2000  }
0x92: {  	s29 =	sadd.s32 $0x1, s29;
	[sflag:s0] =	ssyncset.done @!p0 $0x0  }
0x93: {  	p1 =	sne.s32 s29, s16;
	[sflag:s0] =	ssyncadd.s32 @!p0 $0xFFFFE000  }
.Ltmp2:
0x94: {  	s31 =	sshrl.u32 s5, $0x3;
	[bflag:$0x0] =	sbarrier.arrive $0xFFFF;
	(pc) =	sbr.rel @p1 .LBB2_1-.Ltmp2, $4  }
0x95: {  	[hbm:s15], [sflag:s30] =	dma.local [spmem:s31], $0x13C0  }
0x96: {  	_ =	swait.ge [sflag:s18], $0x13C0  }
0x97: {  	[sflag:s18] =	ssyncset.done $0x0  }
0x98: {  	[sflag:s18] =	ssyncadd.s32 $0xFFFFEC40  }
0x99: {  	_ =	sfence.sel $0x180000  }
0x9a: {  	[bflag:$0x0] =	sbarrier.arrive $0xFFFF  }
0x9b: {  	_ =	strace $0x90000053  }
0x9c: {  	s0 =	stileid.u32;
	[bflag:$0x2] =	sbarrier.arrive $0xFFFF  }
0x9d: {  	p0 =	sne.s32 s0, $0x0;
	s0 =	rddreg [dreg:$0x3]  }
0x9e: {  	s0 =	sadd.s32 @!p0 $0x100000, s0  }
0x9f: {  	[sflag:s0] =	ssyncadd.tile.s32 @!p0 $0x1;
	_ =	shalt  }
.Lfunc_end2:
_tile_overlayer_lowered:
.L_overlay_start_2:
0xa0: {  	(tag) =	ssettag $0x2  }
0xa1: {  	s0 =	rddreg [dreg:$0x0];
	s2 =	stileid.u32  }
0xa2: {  	s1 =	rddreg [dreg:$0x1];
	p0 =	sne.s32 s2, $0x0  }
0xa3: {  	s3 =	rddreg [dreg:$0x2];
	[bflag:$0x3] =	sbarrier.arrive $0xFFFF;
	s2 =	simm.s32 @!p0 $0x1C03  }
0xa4: {  	[timem:s3], [sflag:s2] =	dma.local @!p0 [hbm:s0], s1  }
0xa5: {  	s0 =	simm.s32 @!p0 $0x3  }
0xa6: {  	_ =	swait.ge @!p0 [sflag:s0], s1  }
0xa7: {  	s1 =	ssub.s32 @!p0 $0x0, s1;
	[sflag:s0] =	ssyncset.done @!p0 $0x0  }
0xa8: {  	[sflag:s0] =	ssyncadd.s32 @!p0 s1  }
0xa9: {  	[bflag:$0x3] =	sbarrier.arrive $0xFFFF  }
0xaa: {  	_ =	shalt  }

</sc_bundles>
